<compile_context>
chip_gen: v7x
topology: tpu7x:2x2x1
jax: 0.10.2.dev20260603
libtpu: 0.0.44.dev20260713+nightly
codegen_flags: <defaults>
</compile_context>

<pallas_src>
import functools

import jax
import jax.numpy as jnp
from jax import lax
from jax.experimental import pallas as pl
from jax.experimental.pallas import tpu as pltpu
from jax.experimental.pallas import tpu_sc as plsc

N_NODES = 10000
N_EDGES = 320000
NC = 2
NS = 16
N_TILES = NC * NS
CH = 128
ROWS_PER_TILE = N_NODES // NS
ACC_ROWS = N_NODES + 8
DEG_ROWS = 640

_BLK = 1000
_GRID = N_NODES // _BLK


def _pad_chunks(v, e_per_tile, n_tiles, fill):
    n_ch = -(-e_per_tile // CH)
    pad = n_ch * CH - e_per_tile
    v = jnp.pad(v.reshape(n_tiles, e_per_tile), ((0, 0), (0, pad)),
                constant_values=fill)
    return v.reshape(n_tiles, n_ch, CH), n_ch


def _make_sc_colsplit():
    d = 32
    e_per_tile = N_EDGES // NS
    n_ch = -(-e_per_tile // CH)
    n_ch = (e_per_tile + CH - 1) // CH
    if n_ch % 2:
        n_ch += 1
    mesh = plsc.VectorSubcoreMesh(
        core_axis_name="c", subcore_axis_name="s", num_cores=NC, num_subcores=NS)

    out_type = [
        jax.ShapeDtypeStruct((NC, NS, ROWS_PER_TILE, d), jnp.float32),
        jax.ShapeDtypeStruct((NC, DEG_ROWS, 16), jnp.float32),
    ]
    scratch = [
        pltpu.VMEM((n_ch, CH), jnp.int32),
        pltpu.VMEM((n_ch, CH), jnp.int32),
        pltpu.VMEM((n_ch, CH), jnp.int32),
        pltpu.VMEM((CH, d), jnp.float32),
        pltpu.VMEM((CH, d), jnp.float32),
        pltpu.VMEM_SHARED((ACC_ROWS, d), jnp.float32),
        pltpu.VMEM_SHARED((N_NODES, d), jnp.float32),
        pltpu.VMEM((DEG_ROWS, 16), jnp.float32),
        pltpu.VMEM((DEG_ROWS // CH, CH), jnp.int32),
        pltpu.VMEM_SHARED((DEG_ROWS, 16), jnp.float32),
        pltpu.SemaphoreType.DMA,
        pltpu.SemaphoreType.DMA,
    ]

    @functools.partial(
        pl.kernel,
        out_type=out_type,
        mesh=mesh,
        scratch_types=scratch,
        compiler_params=pltpu.CompilerParams(use_tc_tiling_on_sc=False,
                                            needs_layout_passes=False),
    )
    def sc_agg(feat2, edges, agg_out, deg_out, epk, srcv, dstv, rows0, rows1,
               agg_sh, feat_sh, deg2d, rowidx, deg_sh, sem0, sem1):
        c = lax.axis_index("c")
        s = lax.axis_index("s")
        r0 = s * ROWS_PER_TILE
        z16 = jnp.zeros((16,), jnp.float32)

        pltpu.sync_copy(feat2.at[c, pl.ds(r0, ROWS_PER_TILE)],
                        feat_sh.at[pl.ds(r0, ROWS_PER_TILE)])
        pltpu.sync_copy(edges.at[s], epk)

        n16 = d // 16

        def zrow(g, carry):
            rows0[lax.div(g, n16), pl.ds(lax.rem(g, n16) * 16, 16)] = z16
            return carry

        lax.fori_loop(0, CH * n16, zrow, 0)
        off = 0
        while off < ROWS_PER_TILE:
            sz = min(CH, ROWS_PER_TILE - off)
            pltpu.sync_copy(rows0.at[pl.ds(0, sz)],
                            agg_sh.at[pl.ds(r0 + off, sz)])
            off += sz

        def zdeg(i, carry):
            deg2d[i] = z16
            return carry

        lax.fori_loop(0, DEG_ROWS, zdeg, 0)

        @pl.when((s == 0) & (c == 0))
        def _():
            pltpu.sync_copy(deg2d, deg_sh)

        def irow(g, carry):
            rowidx[lax.div(g, 8), pl.ds(lax.rem(g, 8) * 16, 16)] = (
                lax.iota(jnp.int32, 16) + g * 16)
            return carry

        lax.fori_loop(0, DEG_ROWS // 16, irow, 0)

        def unpack_row(row):
            for g in range(8):
                e = epk[row, pl.ds(g * 16, 16)]
                srcv[row, pl.ds(g * 16, 16)] = e & 0xFFFF
                dstv[row, pl.ds(g * 16, 16)] = lax.shift_right_logical(e, 16)

        for row in range(4):
            unpack_row(row)
        plsc.subcore_barrier()

        pltpu.async_copy(feat_sh.at[srcv.at[0]], rows0, sem0)

        def drain(buf, sem):
            pltpu.make_async_copy(feat2.at[0, pl.ds(0, CH)], buf, sem).wait()

        def hist(k):
            @pl.when(c == 0)
            def _():
                for g in range(CH // 16):
                    di = dstv[k, pl.ds(g * 16, 16)]
                    q = lax.shift_right_logical(di, 4)
                    r = di & 15
                    plsc.addupdate_scatter(deg2d, [q, r],
                                           jnp.ones((16,), jnp.float32))

        def body(j, carry):
            k = 2 * j
            pltpu.async_copy(feat_sh.at[srcv.at[k + 1]], rows1, sem1)
            unpack_row(jnp.minimum(k + 3, n_ch - 1))
            hist(k)
            drain(rows0, sem0)
            pltpu.sync_copy(rows0, agg_sh.at[dstv.at[k]], add=True)

            @pl.when(j < n_ch // 2 - 1)
            def _():
                pltpu.async_copy(feat_sh.at[srcv.at[k + 2]], rows0, sem0)

            unpack_row(jnp.minimum(k + 4, n_ch - 1))
            hist(k + 1)
            drain(rows1, sem1)
            pltpu.sync_copy(rows1, agg_sh.at[dstv.at[k + 1]], add=True)
            return carry

        lax.fori_loop(0, n_ch // 2, body, 0)

        @pl.when(c == 0)
        def _():
            for t in range(DEG_ROWS // CH):
                pltpu.sync_copy(deg2d.at[pl.ds(t * CH, CH)],
                                deg_sh.at[rowidx.at[t]], add=True)
        plsc.subcore_barrier()
        pltpu.sync_copy(agg_sh.at[pl.ds(r0, ROWS_PER_TILE)], agg_out.at[c, s])

        @pl.when((s == 0) & (c == 0))
        def _():
            pltpu.sync_copy(deg_sh, deg_out.at[0])

    return sc_agg, n_ch


_sc_l1, N_CH1 = _make_sc_colsplit()
E_PER_TILE1 = N_EDGES // NS
E_PAD1 = N_CH1 * CH

E_PER_TILE2 = N_EDGES // N_TILES
N_CH2 = 80
E_PAD2 = N_CH2 * CH


def _make_sc_edgesplit(d):
    mesh = plsc.VectorSubcoreMesh(
        core_axis_name="c", subcore_axis_name="s", num_cores=NC, num_subcores=NS)
    scratch = [
        pltpu.VMEM((N_CH2, CH), jnp.int32),
        pltpu.VMEM((N_CH2, CH), jnp.int32),
        pltpu.VMEM((N_CH2, CH), jnp.int32),
        pltpu.VMEM((CH, d), jnp.float32),
        pltpu.VMEM((CH, d), jnp.float32),
        pltpu.VMEM_SHARED((ACC_ROWS, d), jnp.float32),
        pltpu.VMEM_SHARED((N_NODES, d), jnp.float32),
        pltpu.SemaphoreType.DMA,
        pltpu.SemaphoreType.DMA,
    ]

    @functools.partial(
        pl.kernel,
        out_type=jax.ShapeDtypeStruct((NC, NS, ROWS_PER_TILE, d), jnp.float32),
        mesh=mesh,
        scratch_types=scratch,
        compiler_params=pltpu.CompilerParams(use_tc_tiling_on_sc=False,
                                            needs_layout_passes=False),
    )
    def sc_agg(feat, edges, agg_out, epk, srcv, dstv, rows0, rows1,
               agg_sh, feat_sh, sem0, sem1):
        c = lax.axis_index("c")
        s = lax.axis_index("s")
        wid = s * NC + c
        r0 = s * ROWS_PER_TILE
        z16 = jnp.zeros((16,), jnp.float32)

        pltpu.sync_copy(feat.at[pl.ds(r0, ROWS_PER_TILE)],
                        feat_sh.at[pl.ds(r0, ROWS_PER_TILE)])
        pltpu.sync_copy(edges.at[wid], epk)

        n16 = d // 16

        def zrow(g, carry):
            rows0[lax.div(g, n16), pl.ds(lax.rem(g, n16) * 16, 16)] = z16
            return carry

        lax.fori_loop(0, CH * n16, zrow, 0)
        off = 0
        while off < ROWS_PER_TILE:
            sz = min(CH, ROWS_PER_TILE - off)
            pltpu.sync_copy(rows0.at[pl.ds(0, sz)],
                            agg_sh.at[pl.ds(r0 + off, sz)])
            off += sz

        def unpack_row(row):
            for g in range(8):
                e = epk[row, pl.ds(g * 16, 16)]
                srcv[row, pl.ds(g * 16, 16)] = e & 0xFFFF
                dstv[row, pl.ds(g * 16, 16)] = lax.shift_right_logical(e, 16)

        for row in range(4):
            unpack_row(row)
        plsc.subcore_barrier()

        pltpu.async_copy(feat_sh.at[srcv.at[0]], rows0, sem0)

        def drain(buf, sem):
            pltpu.make_async_copy(feat.at[pl.ds(0, CH)], buf, sem).wait()

        def body(j, carry):
            k = 2 * j
            pltpu.async_copy(feat_sh.at[srcv.at[k + 1]], rows1, sem1)
            unpack_row(jnp.minimum(k + 3, N_CH2 - 1))
            drain(rows0, sem0)
            pltpu.sync_copy(rows0, agg_sh.at[dstv.at[k]], add=True)

            @pl.when(j < N_CH2 // 2 - 1)
            def _():
                pltpu.async_copy(feat_sh.at[srcv.at[k + 2]], rows0, sem0)

            unpack_row(jnp.minimum(k + 4, N_CH2 - 1))
            drain(rows1, sem1)
            pltpu.sync_copy(rows1, agg_sh.at[dstv.at[k + 1]], add=True)
            return carry

        lax.fori_loop(0, N_CH2 // 2, body, 0)
        plsc.subcore_barrier()
        pltpu.sync_copy(agg_sh.at[pl.ds(r0, ROWS_PER_TILE)], agg_out.at[c, s])

    return sc_agg


_sc_l2 = _make_sc_edgesplit(32)


def _tc1_body(x_ref, wla_ref, wlb_ref, wr_ref, ps_ref, r_ref):
    xb = x_ref[...]
    ps_ref[0] = jnp.dot(xb, wla_ref[...], preferred_element_type=jnp.float32)
    ps_ref[1] = jnp.dot(xb, wlb_ref[...], preferred_element_type=jnp.float32)
    r_ref[...] = jnp.dot(xb, wr_ref[...], preferred_element_type=jnp.float32)


def _tc1(x, wla, wlb, wr1):
    return pl.pallas_call(
        _tc1_body,
        grid=(_GRID,),
        in_specs=[
            pl.BlockSpec((_BLK, 128), lambda i: (i, 0)),
            pl.BlockSpec((128, 32), lambda i: (0, 0)),
            pl.BlockSpec((128, 32), lambda i: (0, 0)),
            pl.BlockSpec((128, 64), lambda i: (0, 0)),
        ],
        out_specs=[
            pl.BlockSpec((NC, _BLK, 32), lambda i: (0, i, 0)),
            pl.BlockSpec((_BLK, 64), lambda i: (i, 0)),
        ],
        out_shape=[
            jax.ShapeDtypeStruct((NC, N_NODES, 32), jnp.float32),
            jax.ShapeDtypeStruct((N_NODES, 64), jnp.float32),
        ],
    )(x, wla, wlb, wr1)


def _tc2_body(agg_ref, deg_ref, r1_ref, b1_ref, wl2a_ref, wl2b_ref,
              wr2a_ref, wr2b_ref, p2_ref, r2_ref, inv8_ref):
    deg = deg_ref[...]
    inv = 1.0 / jnp.maximum(deg, 1.0)
    r1b = r1_ref[...]
    b1b = b1_ref[...]
    h0 = jnp.maximum(agg_ref[0] * inv + r1b[:, :32] + b1b[:, :32], 0.0)
    h1 = jnp.maximum(agg_ref[1] * inv + r1b[:, 32:] + b1b[:, 32:], 0.0)
    p2_ref[...] = (jnp.dot(h0, wl2a_ref[...], preferred_element_type=jnp.float32)
                   + jnp.dot(h1, wl2b_ref[...], preferred_element_type=jnp.float32))
    r2_ref[...] = (jnp.dot(h0, wr2a_ref[...], preferred_element_type=jnp.float32)
                   + jnp.dot(h1, wr2b_ref[...], preferred_element_type=jnp.float32))
    inv8_ref[...] = jnp.broadcast_to(inv, (inv.shape[0], 8))


def _tc2(agg1, deg1, r1, b1r, wl2a, wl2b, wr2a, wr2b):
    return pl.pallas_call(
        _tc2_body,
        grid=(_GRID,),
        in_specs=[
            pl.BlockSpec((NC, _BLK, 32), lambda i: (0, i, 0)),
            pl.BlockSpec((_BLK, 1), lambda i: (i, 0)),
            pl.BlockSpec((_BLK, 64), lambda i: (i, 0)),
            pl.BlockSpec((1, 64), lambda i: (0, 0)),
            pl.BlockSpec((32, 32), lambda i: (0, 0)),
            pl.BlockSpec((32, 32), lambda i: (0, 0)),
            pl.BlockSpec((32, 32), lambda i: (0, 0)),
            pl.BlockSpec((32, 32), lambda i: (0, 0)),
        ],
        out_specs=[
            pl.BlockSpec((_BLK, 32), lambda i: (i, 0)),
            pl.BlockSpec((_BLK, 32), lambda i: (i, 0)),
            pl.BlockSpec((_BLK, 8), lambda i: (i, 0)),
        ],
        out_shape=[
            jax.ShapeDtypeStruct((N_NODES, 32), jnp.float32),
            jax.ShapeDtypeStruct((N_NODES, 32), jnp.float32),
            jax.ShapeDtypeStruct((N_NODES, 8), jnp.float32),
        ],
    )(agg1, deg1, r1, b1r, wl2a, wl2b, wr2a, wr2b)


def _tc3_body(agg_ref, r2_ref, inv8_ref, b2_ref, w3_ref, b3_ref, o_ref):
    inv = inv8_ref[...][:, :1]
    h2 = jnp.maximum((agg_ref[0] + agg_ref[1]) * inv + r2_ref[...] + b2_ref[...], 0.0)
    o_ref[...] = jnp.dot(h2, w3_ref[...], preferred_element_type=jnp.float32) + b3_ref[...]


def _tc3(agg2, r2, inv8, b2r, w3pad, b3r):
    return pl.pallas_call(
        _tc3_body,
        grid=(_GRID,),
        in_specs=[
            pl.BlockSpec((NC, _BLK, 32), lambda i: (0, i, 0)),
            pl.BlockSpec((_BLK, 32), lambda i: (i, 0)),
            pl.BlockSpec((_BLK, 8), lambda i: (i, 0)),
            pl.BlockSpec((1, 32), lambda i: (0, 0)),
            pl.BlockSpec((32, 8), lambda i: (0, 0)),
            pl.BlockSpec((1, 8), lambda i: (0, 0)),
        ],
        out_specs=pl.BlockSpec((_BLK, 8), lambda i: (i, 0)),
        out_shape=jax.ShapeDtypeStruct((N_NODES, 8), jnp.float32),
    )(agg2, r2, inv8, b2r, w3pad, b3r)


def kernel(x, edge_index, W_l1, W_r1, b1, W_l2, W_r2, b2, W3, b3):
    src = edge_index[0].astype(jnp.int32)
    dst = edge_index[1].astype(jnp.int32)
    packed = src | (dst << 16)

    pad1 = E_PAD1 - E_PER_TILE1
    e1 = jnp.pad(packed.reshape(NS, E_PER_TILE1), ((0, 0), (0, pad1)),
                 constant_values=N_NODES << 16).reshape(NS, N_CH1, CH)
    pad2 = E_PAD2 - E_PER_TILE2
    e2 = jnp.pad(packed.reshape(N_TILES, E_PER_TILE2), ((0, 0), (0, pad2)),
                 constant_values=N_NODES << 16).reshape(N_TILES, N_CH2, CH)

    p1s, r1 = _tc1(x, W_l1[:, :32], W_l1[:, 32:], W_r1)
    agg1, deg_raw = _sc_l1(p1s, e1)
    agg1 = agg1.reshape(NC, N_NODES, 32)
    deg1 = deg_raw[0].reshape(DEG_ROWS * 16, 1)[:N_NODES]
    p2, r2, inv8 = _tc2(agg1, deg1, r1, b1.reshape(1, 64),
                        W_l2[:32], W_l2[32:], W_r2[:32], W_r2[32:])
    agg2 = _sc_l2(p2, e2).reshape(NC, N_NODES, 32)
    o = _tc3(agg2, r2, inv8, b2.reshape(1, 32),
             jnp.pad(W3, ((0, 0), (0, 7))),
             jnp.broadcast_to(b3.reshape(1, 1), (1, 8)))
    return o[:, :1]

# --- scband reference (transcript-rebuilt; emitter-appended) ---
"""Pipeline reference for scband-fae-sageconv-5231270167342 (READ-ONLY COPY).

The authoritative reference and input builder live on the scoring server;
editing this copy changes nothing except your own understanding.
"""

import jax, jax.numpy as jnp
import numpy as np

N_NODES = 10000
N_EDGES = 320000
D_IN = 128


def setup_inputs(seed: int = 0) -> dict:
    key = jax.random.key(seed)
    ks = jax.random.split(key, 10)
    x = jax.random.normal(ks[0], (N_NODES, D_IN), dtype=jnp.float32)
    edge_index = jax.random.randint(ks[1], (2, N_EDGES), 0, N_NODES, dtype=jnp.int64 if jax.config.jax_enable_x64 else jnp.int32)
    # SAGEConv1: 128 -> 64 (lin_l for aggregated neighbors, lin_r for root)
    s1 = 1.0 / np.sqrt(D_IN)
    W_l1 = jax.random.uniform(ks[2], (D_IN, 64), jnp.float32, -s1, s1)
    W_r1 = jax.random.uniform(ks[3], (D_IN, 64), jnp.float32, -s1, s1)
    b1 = jnp.zeros((64,), jnp.float32)
    # SAGEConv2: 64 -> 32
    s2 = 1.0 / np.sqrt(64)
    W_l2 = jax.random.uniform(ks[4], (64, 32), jnp.float32, -s2, s2)
    W_r2 = jax.random.uniform(ks[5], (64, 32), jnp.float32, -s2, s2)
    b2 = jnp.zeros((32,), jnp.float32)
    # Final Linear: 32 -> 1
    s3 = 1.0 / np.sqrt(32)
    W3 = jax.random.uniform(ks[6], (32, 1), jnp.float32, -s3, s3)
    b3 = jax.random.uniform(ks[7], (1,), jnp.float32, -s3, s3)
    return {"x": x, "edge_index": edge_index, "W_l1": W_l1, "W_r1": W_r1, "b1": b1,
            "W_l2": W_l2, "W_r2": W_r2, "b2": b2, "W3": W3, "b3": b3}


def _sage_conv(x, src, dst, Wl, Wr, b, n_nodes):
    # PyG SAGEConv with mean aggregation:
    # out = lin_l(mean_{j in N(i)} x_j) + lin_r(x_i)
    msg = x[src]                                   # gather: [E, d]
    agg = jax.ops.segment_sum(msg, dst, num_segments=n_nodes)  # scatter-add
    deg = jax.ops.segment_sum(jnp.ones((src.shape[0], 1), x.dtype), dst, num_segments=n_nodes)
    mean = agg / jnp.clip(deg, 1.0)
    return mean @ Wl + b + x @ Wr


def reference(x, edge_index, W_l1, W_r1, b1, W_l2, W_r2, b2, W3, b3):
    src = edge_index[0]
    dst = edge_index[1]
    n = x.shape[0]
    h = jax.nn.relu(_sage_conv(x, src, dst, W_l1, W_r1, b1, n))
    h = jax.nn.relu(_sage_conv(h, src, dst, W_l2, W_r2, b2, n))
    out = h @ W3 + b3
    return out

if __name__ == "__main__":
    import jax
    _d = setup_inputs()
    print(jax.jit(kernel)(*tuple(_d.values())))

</pallas_src>

<mosaic_0001>
#map = affine_map<(d0, d1) -> (0, 0, 0)>
#map1 = affine_map<(d0, d1) -> (0, 0, 0, 0)>
module attributes {stable_mosaic.version = 14 : i64} {
  func.func @sc_agg(%arg0: i32, %arg1: i32, %arg2: memref<2x10000x32xf32, #tpu.memory_space<hbm>>, %arg3: memref<16x158x128xi32, #tpu.memory_space<hbm>>, %arg4: memref<2x16x625x32xf32, #tpu.memory_space<hbm>>, %arg5: memref<2x640x16xf32, #tpu.memory_space<hbm>>, %arg6: memref<158x128xi32, #tpu.memory_space<vmem>>, %arg7: memref<158x128xi32, #tpu.memory_space<vmem>>, %arg8: memref<158x128xi32, #tpu.memory_space<vmem>>, %arg9: memref<128x32xf32, #tpu.memory_space<vmem>>, %arg10: memref<128x32xf32, #tpu.memory_space<vmem>>, %arg11: memref<10008x32xf32, #tpu.memory_space<vmem_shared>>, %arg12: memref<10000x32xf32, #tpu.memory_space<vmem_shared>>, %arg13: memref<640x16xf32, #tpu.memory_space<vmem>>, %arg14: memref<5x128xi32, #tpu.memory_space<vmem>>, %arg15: memref<640x16xf32, #tpu.memory_space<vmem_shared>>, %arg16: memref<!tpu.dma_semaphore, #tpu.memory_space<semaphore_mem>>, %arg17: memref<!tpu.dma_semaphore, #tpu.memory_space<semaphore_mem>>) attributes {dimension_semantics = [#tpu.dimension_semantics<core_parallel>, #tpu.dimension_semantics<subcore_parallel>], iteration_bounds = array<i64: 2, 16>, scalar_prefetch = 0 : i64, scratch_operands = 12 : i64, tpu.core_type = #tpu.core_type<sc_vector_subcore>, window_params = [{transform_indices = #map}, {transform_indices = #map}, {transform_indices = #map1}, {transform_indices = #map}]} {
    %mul3A = arith.constant 625 : i32
    %mul3A_0 = arith.muli %arg1, %mul3A : i32
    %broadcast_in_dim3A = arith.constant 0.000000e+00 : f32
    %broadcast_in_dim3A_1 = vector.broadcast %broadcast_in_dim3A : f32 to vector<16xf32>
    "tpu.region"() ({
      %run_scoped3A = tpu.sem_alloc : memref<!tpu.dma_semaphore, #tpu.memory_space<semaphore_mem>>
      %dma_start3A_631 = arith.constant 0 : i32
      %dma_start3A_632 = tpu.memref_slice %arg12[%mul3A_0, %dma_start3A_631] : memref<10000x32xf32, #tpu.memory_space<vmem_shared>> -> memref<625x32xf32, #tpu.memory_space<vmem_shared>>
      %dma_start3A_633 = arith.constant 0 : i32
      %dma_start3A_634 = tpu.memref_slice %arg2[%arg0, %mul3A_0, %dma_start3A_633] : memref<2x10000x32xf32, #tpu.memory_space<hbm>> -> memref<1x625x32xf32, #tpu.memory_space<hbm>>
      %dma_start3A_635 = tpu.memref_squeeze %dma_start3A_634 : memref<1x625x32xf32, #tpu.memory_space<hbm>> -> memref<625x32xf32, #tpu.memory_space<hbm>>
      tpu.enqueue_dma source(%dma_start3A_635 : memref<625x32xf32, #tpu.memory_space<hbm>>) target(%dma_start3A_632 : memref<625x32xf32, #tpu.memory_space<vmem_shared>>) target_semaphore(%run_scoped3A : memref<!tpu.dma_semaphore, #tpu.memory_space<semaphore_mem>>)
      %dma_wait3A = arith.constant 0 : i32
      %dma_wait3A_636 = tpu.memref_slice %arg12[%mul3A_0, %dma_wait3A] : memref<10000x32xf32, #tpu.memory_space<vmem_shared>> -> memref<625x32xf32, #tpu.memory_space<vmem_shared>>
      %dma_wait3A_637 = arith.constant 0 : i32
      %dma_wait3A_638 = tpu.memref_slice %arg2[%arg0, %mul3A_0, %dma_wait3A_637] : memref<2x10000x32xf32, #tpu.memory_space<hbm>> -> memref<1x625x32xf32, #tpu.memory_space<hbm>>
      %dma_wait3A_639 = tpu.memref_squeeze %dma_wait3A_638 : memref<1x625x32xf32, #tpu.memory_space<hbm>> -> memref<625x32xf32, #tpu.memory_space<hbm>>
      tpu.wait_dma2 semaphore(%run_scoped3A : memref<!tpu.dma_semaphore, #tpu.memory_space<semaphore_mem>>) src(%dma_wait3A_639 : memref<625x32xf32, #tpu.memory_space<hbm>>) dst(%dma_wait3A_636 : memref<625x32xf32, #tpu.memory_space<vmem_shared>>)
      tpu.yield
    }) : () -> ()
    "tpu.region"() ({
      %run_scoped3A = tpu.sem_alloc : memref<!tpu.dma_semaphore, #tpu.memory_space<semaphore_mem>>
      %dma_start3A_631 = arith.constant 0 : i32
      %dma_start3A_632 = arith.constant 0 : i32
      %dma_start3A_633 = tpu.memref_slice %arg3[%arg1, %dma_start3A_631, %dma_start3A_632] : memref<16x158x128xi32, #tpu.memory_space<hbm>> -> memref<1x158x128xi32, #tpu.memory_space<hbm>>
      %dma_start3A_634 = tpu.memref_squeeze %dma_start3A_633 : memref<1x158x128xi32, #tpu.memory_space<hbm>> -> memref<158x128xi32, #tpu.memory_space<hbm>>
      %dma_start3A_635 = arith.constant 0 : i32
      %dma_start3A_636 = arith.constant 0 : i32
      %dma_start3A_637 = tpu.memref_slice %arg3[%arg1, %dma_start3A_635, %dma_start3A_636] : memref<16x158x128xi32, #tpu.memory_space<hbm>> -> memref<1x158x128xi32, #tpu.memory_space<hbm>>
      %dma_start3A_638 = tpu.memref_squeeze %dma_start3A_637 : memref<1x158x128xi32, #tpu.memory_space<hbm>> -> memref<158x128xi32, #tpu.memory_space<hbm>>
      tpu.enqueue_dma source(%dma_start3A_638 : memref<158x128xi32, #tpu.memory_space<hbm>>) target(%arg6 : memref<158x128xi32, #tpu.memory_space<vmem>>) target_semaphore(%run_scoped3A : memref<!tpu.dma_semaphore, #tpu.memory_space<semaphore_mem>>)
      %dma_wait3A = arith.constant 0 : i32
      %dma_wait3A_639 = arith.constant 0 : i32
      %dma_wait3A_640 = tpu.memref_slice %arg3[%arg1, %dma_wait3A, %dma_wait3A_639] : memref<16x158x128xi32, #tpu.memory_space<hbm>> -> memref<1x158x128xi32, #tpu.memory_space<hbm>>
      %dma_wait3A_641 = tpu.memref_squeeze %dma_wait3A_640 : memref<1x158x128xi32, #tpu.memory_space<hbm>> -> memref<158x128xi32, #tpu.memory_space<hbm>>
      %dma_wait3A_642 = arith.constant 0 : i32
      %dma_wait3A_643 = arith.constant 0 : i32
      %dma_wait3A_644 = tpu.memref_slice %arg3[%arg1, %dma_wait3A_642, %dma_wait3A_643] : memref<16x158x128xi32, #tpu.memory_space<hbm>> -> memref<1x158x128xi32, #tpu.memory_space<hbm>>
      %dma_wait3A_645 = tpu.memref_squeeze %dma_wait3A_644 : memref<1x158x128xi32, #tpu.memory_space<hbm>> -> memref<158x128xi32, #tpu.memory_space<hbm>>
      tpu.wait_dma2 semaphore(%run_scoped3A : memref<!tpu.dma_semaphore, #tpu.memory_space<semaphore_mem>>) src(%dma_wait3A_645 : memref<158x128xi32, #tpu.memory_space<hbm>>) dst(%arg6 : memref<158x128xi32, #tpu.memory_space<vmem>>)
      tpu.yield
    }) : () -> ()
    %scan3A = arith.constant 0 : i32
    %scan3A_2 = arith.constant 0 : i32
    %scan3A_3 = arith.constant 256 : i32
    %scan3A_4 = arith.addi %scan3A_2, %scan3A_3 : i32
    %scan3A_5 = arith.constant 1 : i32
    scf.for %scan3A_631 = %scan3A_2 to %scan3A_4 step %scan3A_5  : i32 {
      %div3A = arith.constant 2 : i32
      %div3A_632 = arith.divsi %scan3A_631, %div3A : i32
      %rem3A = arith.constant 2 : i32
      %rem3A_633 = arith.remsi %scan3A_631, %rem3A : i32
      %mul3A_634 = arith.constant 16 : i32
      %mul3A_635 = arith.muli %rem3A_633, %mul3A_634 : i32
      %swap3A_636 = arith.index_cast %div3A_632 : i32 to index
      %swap3A_637 = arith.index_cast %mul3A_635 : i32 to index
      %swap3A_638 = tpu.vector_load %arg9[%swap3A_636, %swap3A_637] {strides = array<i32>} : memref<128x32xf32, #tpu.memory_space<vmem>>, vector<16xf32>,
      tpu.vector_store %arg9[%swap3A_636, %swap3A_637], %broadcast_in_dim3A_1 {strides = array<i32>} : memref<128x32xf32, #tpu.memory_space<vmem>>, vector<16xf32>,
    }
    %scan3A_6 = arith.constant 256 : i32
    %add3A = arith.constant 0 : i32
    %add3A_7 = arith.addi %mul3A_0, %add3A : i32
    "tpu.region"() ({
      %run_scoped3A = tpu.sem_alloc : memref<!tpu.dma_semaphore, #tpu.memory_space<semaphore_mem>>
      %dma_start3A_631 = arith.constant 0 : i32
      %dma_start3A_632 = arith.constant 0 : i32
      %dma_start3A_633 = tpu.memref_slice %arg9[%dma_start3A_631, %dma_start3A_632] : memref<128x32xf32, #tpu.memory_space<vmem>> -> memref<128x32xf32, #tpu.memory_space<vmem>>
      %dma_start3A_634 = arith.constant 0 : i32
      %dma_start3A_635 = tpu.memref_slice %arg11[%add3A_7, %dma_start3A_634] : memref<10008x32xf32, #tpu.memory_space<vmem_shared>> -> memref<128x32xf32, #tpu.memory_space<vmem_shared>>
      %dma_start3A_636 = arith.constant 0 : i32
      %dma_start3A_637 = tpu.memref_slice %arg11[%add3A_7, %dma_start3A_636] : memref<10008x32xf32, #tpu.memory_space<vmem_shared>> -> memref<128x32xf32, #tpu.memory_space<vmem_shared>>
      %dma_start3A_638 = arith.constant 0 : i32
      %dma_start3A_639 = arith.constant 0 : i32
      %dma_start3A_640 = tpu.memref_slice %arg9[%dma_start3A_638, %dma_start3A_639] : memref<128x32xf32, #tpu.memory_space<vmem>> -> memref<128x32xf32, #tpu.memory_space<vmem>>
      tpu.enqueue_dma source(%dma_start3A_640 : memref<128x32xf32, #tpu.memory_space<vmem>>) target(%dma_start3A_637 : memref<128x32xf32, #tpu.memory_space<vmem_shared>>) target_semaphore(%run_scoped3A : memref<!tpu.dma_semaphore, #tpu.memory_space<semaphore_mem>>)
      %dma_wait3A = arith.constant 0 : i32
      %dma_wait3A_641 = arith.constant 0 : i32
      %dma_wait3A_642 = tpu.memref_slice %arg9[%dma_wait3A, %dma_wait3A_641] : memref<128x32xf32, #tpu.memory_space<vmem>> -> memref<128x32xf32, #tpu.memory_space<vmem>>
      %dma_wait3A_643 = arith.constant 0 : i32
      %dma_wait3A_644 = tpu.memref_slice %arg11[%add3A_7, %dma_wait3A_643] : memref<10008x32xf32, #tpu.memory_space<vmem_shared>> -> memref<128x32xf32, #tpu.memory_space<vmem_shared>>
      %dma_wait3A_645 = arith.constant 0 : i32
      %dma_wait3A_646 = tpu.memref_slice %arg11[%add3A_7, %dma_wait3A_645] : memref<10008x32xf32, #tpu.memory_space<vmem_shared>> -> memref<128x32xf32, #tpu.memory_space<vmem_shared>>
      %dma_wait3A_647 = arith.constant 0 : i32
      %dma_wait3A_648 = arith.constant 0 : i32
      %dma_wait3A_649 = tpu.memref_slice %arg9[%dma_wait3A_647, %dma_wait3A_648] : memref<128x32xf32, #tpu.memory_space<vmem>> -> memref<128x32xf32, #tpu.memory_space<vmem>>
      tpu.wait_dma2 semaphore(%run_scoped3A : memref<!tpu.dma_semaphore, #tpu.memory_space<semaphore_mem>>) src(%dma_wait3A_649 : memref<128x32xf32, #tpu.memory_space<vmem>>) dst(%dma_wait3A_646 : memref<128x32xf32, #tpu.memory_space<vmem_shared>>)
      tpu.yield
    }) : () -> ()
    %add3A_8 = arith.constant 128 : i32
    %add3A_9 = arith.addi %mul3A_0, %add3A_8 : i32
    "tpu.region"() ({
      %run_scoped3A = tpu.sem_alloc : memref<!tpu.dma_semaphore, #tpu.memory_space<semaphore_mem>>
      %dma_start3A_631 = arith.constant 0 : i32
      %dma_start3A_632 = arith.constant 0 : i32
      %dma_start3A_633 = tpu.memref_slice %arg9[%dma_start3A_631, %dma_start3A_632] : memref<128x32xf32, #tpu.memory_space<vmem>> -> memref<128x32xf32, #tpu.memory_space<vmem>>
      %dma_start3A_634 = arith.constant 0 : i32
      %dma_start3A_635 = tpu.memref_slice %arg11[%add3A_9, %dma_start3A_634] : memref<10008x32xf32, #tpu.memory_space<vmem_shared>> -> memref<128x32xf32, #tpu.memory_space<vmem_shared>>
      %dma_start3A_636 = arith.constant 0 : i32
      %dma_start3A_637 = tpu.memref_slice %arg11[%add3A_9, %dma_start3A_636] : memref<10008x32xf32, #tpu.memory_space<vmem_shared>> -> memref<128x32xf32, #tpu.memory_space<vmem_shared>>
      %dma_start3A_638 = arith.constant 0 : i32
      %dma_start3A_639 = arith.constant 0 : i32
      %dma_start3A_640 = tpu.memref_slice %arg9[%dma_start3A_638, %dma_start3A_639] : memref<128x32xf32, #tpu.memory_space<vmem>> -> memref<128x32xf32, #tpu.memory_space<vmem>>
      tpu.enqueue_dma source(%dma_start3A_640 : memref<128x32xf32, #tpu.memory_space<vmem>>) target(%dma_start3A_637 : memref<128x32xf32, #tpu.memory_space<vmem_shared>>) target_semaphore(%run_scoped3A : memref<!tpu.dma_semaphore, #tpu.memory_space<semaphore_mem>>)
      %dma_wait3A = arith.constant 0 : i32
      %dma_wait3A_641 = arith.constant 0 : i32
      %dma_wait3A_642 = tpu.memref_slice %arg9[%dma_wait3A, %dma_wait3A_641] : memref<128x32xf32, #tpu.memory_space<vmem>> -> memref<128x32xf32, #tpu.memory_space<vmem>>
      %dma_wait3A_643 = arith.constant 0 : i32
      %dma_wait3A_644 = tpu.memref_slice %arg11[%add3A_9, %dma_wait3A_643] : memref<10008x32xf32, #tpu.memory_space<vmem_shared>> -> memref<128x32xf32, #tpu.memory_space<vmem_shared>>
      %dma_wait3A_645 = arith.constant 0 : i32
      %dma_wait3A_646 = tpu.memref_slice %arg11[%add3A_9, %dma_wait3A_645] : memref<10008x32xf32, #tpu.memory_space<vmem_shared>> -> memref<128x32xf32, #tpu.memory_space<vmem_shared>>
      %dma_wait3A_647 = arith.constant 0 : i32
      %dma_wait3A_648 = arith.constant 0 : i32
      %dma_wait3A_649 = tpu.memref_slice %arg9[%dma_wait3A_647, %dma_wait3A_648] : memref<128x32xf32, #tpu.memory_space<vmem>> -> memref<128x32xf32, #tpu.memory_space<vmem>>
      tpu.wait_dma2 semaphore(%run_scoped3A : memref<!tpu.dma_semaphore, #tpu.memory_space<semaphore_mem>>) src(%dma_wait3A_649 : memref<128x32xf32, #tpu.memory_space<vmem>>) dst(%dma_wait3A_646 : memref<128x32xf32, #tpu.memory_space<vmem_shared>>)
      tpu.yield
    }) : () -> ()
    %add3A_10 = arith.constant 256 : i32
    %add3A_11 = arith.addi %mul3A_0, %add3A_10 : i32
    "tpu.region"() ({
      %run_scoped3A = tpu.sem_alloc : memref<!tpu.dma_semaphore, #tpu.memory_space<semaphore_mem>>
      %dma_start3A_631 = arith.constant 0 : i32
      %dma_start3A_632 = arith.constant 0 : i32
      %dma_start3A_633 = tpu.memref_slice %arg9[%dma_start3A_631, %dma_start3A_632] : memref<128x32xf32, #tpu.memory_space<vmem>> -> memref<128x32xf32, #tpu.memory_space<vmem>>
      %dma_start3A_634 = arith.constant 0 : i32
      %dma_start3A_635 = tpu.memref_slice %arg11[%add3A_11, %dma_start3A_634] : memref<10008x32xf32, #tpu.memory_space<vmem_shared>> -> memref<128x32xf32, #tpu.memory_space<vmem_shared>>
      %dma_start3A_636 = arith.constant 0 : i32
      %dma_start3A_637 = tpu.memref_slice %arg11[%add3A_11, %dma_start3A_636] : memref<10008x32xf32, #tpu.memory_space<vmem_shared>> -> memref<128x32xf32, #tpu.memory_space<vmem_shared>>
      %dma_start3A_638 = arith.constant 0 : i32
      %dma_start3A_639 = arith.constant 0 : i32
      %dma_start3A_640 = tpu.memref_slice %arg9[%dma_start3A_638, %dma_start3A_639] : memref<128x32xf32, #tpu.memory_space<vmem>> -> memref<128x32xf32, #tpu.memory_space<vmem>>
      tpu.enqueue_dma source(%dma_start3A_640 : memref<128x32xf32, #tpu.memory_space<vmem>>) target(%dma_start3A_637 : memref<128x32xf32, #tpu.memory_space<vmem_shared>>) target_semaphore(%run_scoped3A : memref<!tpu.dma_semaphore, #tpu.memory_space<semaphore_mem>>)
      %dma_wait3A = arith.constant 0 : i32
      %dma_wait3A_641 = arith.constant 0 : i32
      %dma_wait3A_642 = tpu.memref_slice %arg9[%dma_wait3A, %dma_wait3A_641] : memref<128x32xf32, #tpu.memory_space<vmem>> -> memref<128x32xf32, #tpu.memory_space<vmem>>
      %dma_wait3A_643 = arith.constant 0 : i32
      %dma_wait3A_644 = tpu.memref_slice %arg11[%add3A_11, %dma_wait3A_643] : memref<10008x32xf32, #tpu.memory_space<vmem_shared>> -> memref<128x32xf32, #tpu.memory_space<vmem_shared>>
      %dma_wait3A_645 = arith.constant 0 : i32
      %dma_wait3A_646 = tpu.memref_slice %arg11[%add3A_11, %dma_wait3A_645] : memref<10008x32xf32, #tpu.memory_space<vmem_shared>> -> memref<128x32xf32, #tpu.memory_space<vmem_shared>>
      %dma_wait3A_647 = arith.constant 0 : i32
      %dma_wait3A_648 = arith.constant 0 : i32
      %dma_wait3A_649 = tpu.memref_slice %arg9[%dma_wait3A_647, %dma_wait3A_648] : memref<128x32xf32, #tpu.memory_space<vmem>> -> memref<128x32xf32, #tpu.memory_space<vmem>>
      tpu.wait_dma2 semaphore(%run_scoped3A : memref<!tpu.dma_semaphore, #tpu.memory_space<semaphore_mem>>) src(%dma_wait3A_649 : memref<128x32xf32, #tpu.memory_space<vmem>>) dst(%dma_wait3A_646 : memref<128x32xf32, #tpu.memory_space<vmem_shared>>)
      tpu.yield
    }) : () -> ()
    %add3A_12 = arith.constant 384 : i32
    %add3A_13 = arith.addi %mul3A_0, %add3A_12 : i32
    "tpu.region"() ({
      %run_scoped3A = tpu.sem_alloc : memref<!tpu.dma_semaphore, #tpu.memory_space<semaphore_mem>>
      %dma_start3A_631 = arith.constant 0 : i32
      %dma_start3A_632 = arith.constant 0 : i32
      %dma_start3A_633 = tpu.memref_slice %arg9[%dma_start3A_631, %dma_start3A_632] : memref<128x32xf32, #tpu.memory_space<vmem>> -> memref<128x32xf32, #tpu.memory_space<vmem>>
      %dma_start3A_634 = arith.constant 0 : i32
      %dma_start3A_635 = tpu.memref_slice %arg11[%add3A_13, %dma_start3A_634] : memref<10008x32xf32, #tpu.memory_space<vmem_shared>> -> memref<128x32xf32, #tpu.memory_space<vmem_shared>>
      %dma_start3A_636 = arith.constant 0 : i32
      %dma_start3A_637 = tpu.memref_slice %arg11[%add3A_13, %dma_start3A_636] : memref<10008x32xf32, #tpu.memory_space<vmem_shared>> -> memref<128x32xf32, #tpu.memory_space<vmem_shared>>
      %dma_start3A_638 = arith.constant 0 : i32
      %dma_start3A_639 = arith.constant 0 : i32
      %dma_start3A_640 = tpu.memref_slice %arg9[%dma_start3A_638, %dma_start3A_639] : memref<128x32xf32, #tpu.memory_space<vmem>> -> memref<128x32xf32, #tpu.memory_space<vmem>>
      tpu.enqueue_dma source(%dma_start3A_640 : memref<128x32xf32, #tpu.memory_space<vmem>>) target(%dma_start3A_637 : memref<128x32xf32, #tpu.memory_space<vmem_shared>>) target_semaphore(%run_scoped3A : memref<!tpu.dma_semaphore, #tpu.memory_space<semaphore_mem>>)
      %dma_wait3A = arith.constant 0 : i32
      %dma_wait3A_641 = arith.constant 0 : i32
      %dma_wait3A_642 = tpu.memref_slice %arg9[%dma_wait3A, %dma_wait3A_641] : memref<128x32xf32, #tpu.memory_space<vmem>> -> memref<128x32xf32, #tpu.memory_space<vmem>>
      %dma_wait3A_643 = arith.constant 0 : i32
      %dma_wait3A_644 = tpu.memref_slice %arg11[%add3A_13, %dma_wait3A_643] : memref<10008x32xf32, #tpu.memory_space<vmem_shared>> -> memref<128x32xf32, #tpu.memory_space<vmem_shared>>
      %dma_wait3A_645 = arith.constant 0 : i32
      %dma_wait3A_646 = tpu.memref_slice %arg11[%add3A_13, %dma_wait3A_645] : memref<10008x32xf32, #tpu.memory_space<vmem_shared>> -> memref<128x32xf32, #tpu.memory_space<vmem_shared>>
      %dma_wait3A_647 = arith.constant 0 : i32
      %dma_wait3A_648 = arith.constant 0 : i32
      %dma_wait3A_649 = tpu.memref_slice %arg9[%dma_wait3A_647, %dma_wait3A_648] : memref<128x32xf32, #tpu.memory_space<vmem>> -> memref<128x32xf32, #tpu.memory_space<vmem>>
      tpu.wait_dma2 semaphore(%run_scoped3A : memref<!tpu.dma_semaphore, #tpu.memory_space<semaphore_mem>>) src(%dma_wait3A_649 : memref<128x32xf32, #tpu.memory_space<vmem>>) dst(%dma_wait3A_646 : memref<128x32xf32, #tpu.memory_space<vmem_shared>>)
      tpu.yield
    }) : () -> ()
    %add3A_14 = arith.constant 512 : i32
    %add3A_15 = arith.addi %mul3A_0, %add3A_14 : i32
    "tpu.region"() ({
      %run_scoped3A = tpu.sem_alloc : memref<!tpu.dma_semaphore, #tpu.memory_space<semaphore_mem>>
      %dma_start3A_631 = arith.constant 0 : i32
      %dma_start3A_632 = arith.constant 0 : i32
      %dma_start3A_633 = tpu.memref_slice %arg9[%dma_start3A_631, %dma_start3A_632] : memref<128x32xf32, #tpu.memory_space<vmem>> -> memref<113x32xf32, #tpu.memory_space<vmem>>
      %dma_start3A_634 = arith.constant 0 : i32
      %dma_start3A_635 = tpu.memref_slice %arg11[%add3A_15, %dma_start3A_634] : memref<10008x32xf32, #tpu.memory_space<vmem_shared>> -> memref<113x32xf32, #tpu.memory_space<vmem_shared>>
      %dma_start3A_636 = arith.constant 0 : i32
      %dma_start3A_637 = tpu.memref_slice %arg11[%add3A_15, %dma_start3A_636] : memref<10008x32xf32, #tpu.memory_space<vmem_shared>> -> memref<113x32xf32, #tpu.memory_space<vmem_shared>>
      %dma_start3A_638 = arith.constant 0 : i32
      %dma_start3A_639 = arith.constant 0 : i32
      %dma_start3A_640 = tpu.memref_slice %arg9[%dma_start3A_638, %dma_start3A_639] : memref<128x32xf32, #tpu.memory_space<vmem>> -> memref<113x32xf32, #tpu.memory_space<vmem>>
      tpu.enqueue_dma source(%dma_start3A_640 : memref<113x32xf32, #tpu.memory_space<vmem>>) target(%dma_start3A_637 : memref<113x32xf32, #tpu.memory_space<vmem_shared>>) target_semaphore(%run_scoped3A : memref<!tpu.dma_semaphore, #tpu.memory_space<semaphore_mem>>)
      %dma_wait3A = arith.constant 0 : i32
      %dma_wait3A_641 = arith.constant 0 : i32
      %dma_wait3A_642 = tpu.memref_slice %arg9[%dma_wait3A, %dma_wait3A_641] : memref<128x32xf32, #tpu.memory_space<vmem>> -> memref<113x32xf32, #tpu.memory_space<vmem>>
      %dma_wait3A_643 = arith.constant 0 : i32
      %dma_wait3A_644 = tpu.memref_slice %arg11[%add3A_15, %dma_wait3A_643] : memref<10008x32xf32, #tpu.memory_space<vmem_shared>> -> memref<113x32xf32, #tpu.memory_space<vmem_shared>>
      %dma_wait3A_645 = arith.constant 0 : i32
      %dma_wait3A_646 = tpu.memref_slice %arg11[%add3A_15, %dma_wait3A_645] : memref<10008x32xf32, #tpu.memory_space<vmem_shared>> -> memref<113x32xf32, #tpu.memory_space<vmem_shared>>
      %dma_wait3A_647 = arith.constant 0 : i32
      %dma_wait3A_648 = arith.constant 0 : i32
      %dma_wait3A_649 = tpu.memref_slice %arg9[%dma_wait3A_647, %dma_wait3A_648] : memref<128x32xf32, #tpu.memory_space<vmem>> -> memref<113x32xf32, #tpu.memory_space<vmem>>
      tpu.wait_dma2 semaphore(%run_scoped3A : memref<!tpu.dma_semaphore, #tpu.memory_space<semaphore_mem>>) src(%dma_wait3A_649 : memref<113x32xf32, #tpu.memory_space<vmem>>) dst(%dma_wait3A_646 : memref<113x32xf32, #tpu.memory_space<vmem_shared>>)
      tpu.yield
    }) : () -> ()
    %scan3A_16 = arith.constant 0 : i32
    %scan3A_17 = arith.constant 0 : i32
    %scan3A_18 = arith.constant 640 : i32
    %scan3A_19 = arith.addi %scan3A_17, %scan3A_18 : i32
    %scan3A_20 = arith.constant 1 : i32
    scf.for %scan3A_631 = %scan3A_17 to %scan3A_19 step %scan3A_20  : i32 {
      %swap3A_632 = arith.index_cast %scan3A_631 : i32 to index
      %swap3A_633 = arith.constant 0 : index
      %swap3A_634 = tpu.vector_load %arg13[%swap3A_632, %swap3A_633] {strides = array<i32>} : memref<640x16xf32, #tpu.memory_space<vmem>>, vector<16xf32>,
      tpu.vector_store %arg13[%swap3A_632, %swap3A_633], %broadcast_in_dim3A_1 {strides = array<i32>} : memref<640x16xf32, #tpu.memory_space<vmem>>, vector<16xf32>,
    }
    %scan3A_21 = arith.constant 640 : i32
    %eq3A = arith.constant 0 : i32
    %eq3A_22 = arith.cmpi eq, %arg1, %eq3A : i32
    %eq3A_23 = arith.constant 0 : i32
    %eq3A_24 = arith.cmpi eq, %arg0, %eq3A_23 : i32
    %and3A = arith.andi %eq3A_22, %eq3A_24 : i1
    %convert_element_type3A = arith.extui %and3A : i1 to i32
    %cond3A = arith.constant 0 : i32
    %cond3A_25 = arith.cmpi ne, %convert_element_type3A, %cond3A : i32
    scf.if %cond3A_25 {
      "tpu.region"() ({
        %run_scoped3A = tpu.sem_alloc : memref<!tpu.dma_semaphore, #tpu.memory_space<semaphore_mem>>
        tpu.enqueue_dma source(%arg13 : memref<640x16xf32, #tpu.memory_space<vmem>>) target(%arg15 : memref<640x16xf32, #tpu.memory_space<vmem_shared>>) target_semaphore(%run_scoped3A : memref<!tpu.dma_semaphore, #tpu.memory_space<semaphore_mem>>)
        tpu.wait_dma2 semaphore(%run_scoped3A : memref<!tpu.dma_semaphore, #tpu.memory_space<semaphore_mem>>) src(%arg13 : memref<640x16xf32, #tpu.memory_space<vmem>>) dst(%arg15 : memref<640x16xf32, #tpu.memory_space<vmem_shared>>)
        tpu.yield
      }) : () -> ()
    } else {
    }
    %scan3A_26 = arith.constant 0 : i32
    %scan3A_27 = arith.constant 0 : i32
    %scan3A_28 = arith.constant 40 : i32
    %scan3A_29 = arith.addi %scan3A_27, %scan3A_28 : i32
    %scan3A_30 = arith.constant 1 : i32
    scf.for %scan3A_631 = %scan3A_27 to %scan3A_29 step %scan3A_30  : i32 {
      %iota3A = tpu.iota {dimensions = array<i32: 0>} : vector<16xi32>
      %mul3A_632 = arith.constant 16 : i32
      %mul3A_633 = arith.muli %scan3A_631, %mul3A_632 : i32
      %add3A_634 = vector.broadcast %mul3A_633 : i32 to vector<16xi32>
      %add3A_635 = arith.addi %iota3A, %add3A_634 : vector<16xi32>
      %div3A = arith.constant 8 : i32
      %div3A_636 = arith.divsi %scan3A_631, %div3A : i32
      %rem3A = arith.constant 8 : i32
      %rem3A_637 = arith.remsi %scan3A_631, %rem3A : i32
      %mul3A_638 = arith.constant 16 : i32
      %mul3A_639 = arith.muli %rem3A_637, %mul3A_638 : i32
      %swap3A_640 = arith.index_cast %div3A_636 : i32 to index
      %swap3A_641 = arith.index_cast %mul3A_639 : i32 to index
      %swap3A_642 = tpu.vector_load %arg14[%swap3A_640, %swap3A_641] {strides = array<i32>} : memref<5x128xi32, #tpu.memory_space<vmem>>, vector<16xi32>,
      tpu.vector_store %arg14[%swap3A_640, %swap3A_641], %add3A_635 {strides = array<i32>} : memref<5x128xi32, #tpu.memory_space<vmem>>, vector<16xi32>,
    }
    %scan3A_31 = arith.constant 40 : i32
    %get3A = arith.constant 0 : i32
    %get3A_32 = arith.index_cast %get3A : i32 to index
    %get3A_33 = arith.constant 0 : index
    %get3A_34 = tpu.vector_load %arg6[%get3A_32, %get3A_33] {strides = array<i32>} : memref<158x128xi32, #tpu.memory_space<vmem>>, vector<16xi32>,
    %and3A_35 = arith.constant 65535 : i32
    %and3A_36 = vector.broadcast %and3A_35 : i32 to vector<16xi32>
    %and3A_37 = arith.andi %get3A_34, %and3A_36 : vector<16xi32>
    %swap3A = arith.constant 0 : i32
    %swap3A_38 = arith.index_cast %swap3A : i32 to index
    %swap3A_39 = arith.constant 0 : index
    %swap3A_40 = tpu.vector_load %arg7[%swap3A_38, %swap3A_39] {strides = array<i32>} : memref<158x128xi32, #tpu.memory_space<vmem>>, vector<16xi32>,
    tpu.vector_store %arg7[%swap3A_38, %swap3A_39], %and3A_37 {strides = array<i32>} : memref<158x128xi32, #tpu.memory_space<vmem>>, vector<16xi32>,
    %shift_right_logical3A = arith.constant 16 : i32
    %shift_right_logical3A_41 = vector.broadcast %shift_right_logical3A : i32 to vector<16xi32>
    %shift_right_logical3A_42 = arith.shrui %get3A_34, %shift_right_logical3A_41 : vector<16xi32>
    %swap3A_43 = arith.constant 0 : i32
    %swap3A_44 = arith.index_cast %swap3A_43 : i32 to index
    %swap3A_45 = arith.constant 0 : index
    %swap3A_46 = tpu.vector_load %arg8[%swap3A_44, %swap3A_45] {strides = array<i32>} : memref<158x128xi32, #tpu.memory_space<vmem>>, vector<16xi32>,
    tpu.vector_store %arg8[%swap3A_44, %swap3A_45], %shift_right_logical3A_42 {strides = array<i32>} : memref<158x128xi32, #tpu.memory_space<vmem>>, vector<16xi32>,
    %get3A_47 = arith.constant 0 : i32
    %get3A_48 = arith.index_cast %get3A_47 : i32 to index
    %get3A_49 = arith.constant 16 : index
    %get3A_50 = tpu.vector_load %arg6[%get3A_48, %get3A_49] {strides = array<i32>} : memref<158x128xi32, #tpu.memory_space<vmem>>, vector<16xi32>,
    %and3A_51 = arith.constant 65535 : i32
    %and3A_52 = vector.broadcast %and3A_51 : i32 to vector<16xi32>
    %and3A_53 = arith.andi %get3A_50, %and3A_52 : vector<16xi32>
    %swap3A_54 = arith.constant 0 : i32
    %swap3A_55 = arith.index_cast %swap3A_54 : i32 to index
    %swap3A_56 = arith.constant 16 : index
    %swap3A_57 = tpu.vector_load %arg7[%swap3A_55, %swap3A_56] {strides = array<i32>} : memref<158x128xi32, #tpu.memory_space<vmem>>, vector<16xi32>,
    tpu.vector_store %arg7[%swap3A_55, %swap3A_56], %and3A_53 {strides = array<i32>} : memref<158x128xi32, #tpu.memory_space<vmem>>, vector<16xi32>,
    %shift_right_logical3A_58 = arith.constant 16 : i32
    %shift_right_logical3A_59 = vector.broadcast %shift_right_logical3A_58 : i32 to vector<16xi32>
    %shift_right_logical3A_60 = arith.shrui %get3A_50, %shift_right_logical3A_59 : vector<16xi32>
    %swap3A_61 = arith.constant 0 : i32
    %swap3A_62 = arith.index_cast %swap3A_61 : i32 to index
    %swap3A_63 = arith.constant 16 : index
    %swap3A_64 = tpu.vector_load %arg8[%swap3A_62, %swap3A_63] {strides = array<i32>} : memref<158x128xi32, #tpu.memory_space<vmem>>, vector<16xi32>,
    tpu.vector_store %arg8[%swap3A_62, %swap3A_63], %shift_right_logical3A_60 {strides = array<i32>} : memref<158x128xi32, #tpu.memory_space<vmem>>, vector<16xi32>,
    %get3A_65 = arith.constant 0 : i32
    %get3A_66 = arith.index_cast %get3A_65 : i32 to index
    %get3A_67 = arith.constant 32 : index
    %get3A_68 = tpu.vector_load %arg6[%get3A_66, %get3A_67] {strides = array<i32>} : memref<158x128xi32, #tpu.memory_space<vmem>>, vector<16xi32>,
    %and3A_69 = arith.constant 65535 : i32
    %and3A_70 = vector.broadcast %and3A_69 : i32 to vector<16xi32>
    %and3A_71 = arith.andi %get3A_68, %and3A_70 : vector<16xi32>
    %swap3A_72 = arith.constant 0 : i32
    %swap3A_73 = arith.index_cast %swap3A_72 : i32 to index
    %swap3A_74 = arith.constant 32 : index
    %swap3A_75 = tpu.vector_load %arg7[%swap3A_73, %swap3A_74] {strides = array<i32>} : memref<158x128xi32, #tpu.memory_space<vmem>>, vector<16xi32>,
    tpu.vector_store %arg7[%swap3A_73, %swap3A_74], %and3A_71 {strides = array<i32>} : memref<158x128xi32, #tpu.memory_space<vmem>>, vector<16xi32>,
    %shift_right_logical3A_76 = arith.constant 16 : i32
    %shift_right_logical3A_77 = vector.broadcast %shift_right_logical3A_76 : i32 to vector<16xi32>
    %shift_right_logical3A_78 = arith.shrui %get3A_68, %shift_right_logical3A_77 : vector<16xi32>
    %swap3A_79 = arith.constant 0 : i32
    %swap3A_80 = arith.index_cast %swap3A_79 : i32 to index
    %swap3A_81 = arith.constant 32 : index
    %swap3A_82 = tpu.vector_load %arg8[%swap3A_80, %swap3A_81] {strides = array<i32>} : memref<158x128xi32, #tpu.memory_space<vmem>>, vector<16xi32>,
    tpu.vector_store %arg8[%swap3A_80, %swap3A_81], %shift_right_logical3A_78 {strides = array<i32>} : memref<158x128xi32, #tpu.memory_space<vmem>>, vector<16xi32>,
    %get3A_83 = arith.constant 0 : i32
    %get3A_84 = arith.index_cast %get3A_83 : i32 to index
    %get3A_85 = arith.constant 48 : index
    %get3A_86 = tpu.vector_load %arg6[%get3A_84, %get3A_85] {strides = array<i32>} : memref<158x128xi32, #tpu.memory_space<vmem>>, vector<16xi32>,
    %and3A_87 = arith.constant 65535 : i32
    %and3A_88 = vector.broadcast %and3A_87 : i32 to vector<16xi32>
    %and3A_89 = arith.andi %get3A_86, %and3A_88 : vector<16xi32>
    %swap3A_90 = arith.constant 0 : i32
    %swap3A_91 = arith.index_cast %swap3A_90 : i32 to index
    %swap3A_92 = arith.constant 48 : index
    %swap3A_93 = tpu.vector_load %arg7[%swap3A_91, %swap3A_92] {strides = array<i32>} : memref<158x128xi32, #tpu.memory_space<vmem>>, vector<16xi32>,
    tpu.vector_store %arg7[%swap3A_91, %swap3A_92], %and3A_89 {strides = array<i32>} : memref<158x128xi32, #tpu.memory_space<vmem>>, vector<16xi32>,
    %shift_right_logical3A_94 = arith.constant 16 : i32
    %shift_right_logical3A_95 = vector.broadcast %shift_right_logical3A_94 : i32 to vector<16xi32>
    %shift_right_logical3A_96 = arith.shrui %get3A_86, %shift_right_logical3A_95 : vector<16xi32>
    %swap3A_97 = arith.constant 0 : i32
    %swap3A_98 = arith.index_cast %swap3A_97 : i32 to index
    %swap3A_99 = arith.constant 48 : index
    %swap3A_100 = tpu.vector_load %arg8[%swap3A_98, %swap3A_99] {strides = array<i32>} : memref<158x128xi32, #tpu.memory_space<vmem>>, vector<16xi32>,
    tpu.vector_store %arg8[%swap3A_98, %swap3A_99], %shift_right_logical3A_96 {strides = array<i32>} : memref<158x128xi32, #tpu.memory_space<vmem>>, vector<16xi32>,
    %get3A_101 = arith.constant 0 : i32
    %get3A_102 = arith.index_cast %get3A_101 : i32 to index
    %get3A_103 = arith.constant 64 : index
    %get3A_104 = tpu.vector_load %arg6[%get3A_102, %get3A_103] {strides = array<i32>} : memref<158x128xi32, #tpu.memory_space<vmem>>, vector<16xi32>,
    %and3A_105 = arith.constant 65535 : i32
    %and3A_106 = vector.broadcast %and3A_105 : i32 to vector<16xi32>
    %and3A_107 = arith.andi %get3A_104, %and3A_106 : vector<16xi32>
    %swap3A_108 = arith.constant 0 : i32
    %swap3A_109 = arith.index_cast %swap3A_108 : i32 to index
    %swap3A_110 = arith.constant 64 : index
    %swap3A_111 = tpu.vector_load %arg7[%swap3A_109, %swap3A_110] {strides = array<i32>} : memref<158x128xi32, #tpu.memory_space<vmem>>, vector<16xi32>,
    tpu.vector_store %arg7[%swap3A_109, %swap3A_110], %and3A_107 {strides = array<i32>} : memref<158x128xi32, #tpu.memory_space<vmem>>, vector<16xi32>,
    %shift_right_logical3A_112 = arith.constant 16 : i32
    %shift_right_logical3A_113 = vector.broadcast %shift_right_logical3A_112 : i32 to vector<16xi32>
    %shift_right_logical3A_114 = arith.shrui %get3A_104, %shift_right_logical3A_113 : vector<16xi32>
    %swap3A_115 = arith.constant 0 : i32
    %swap3A_116 = arith.index_cast %swap3A_115 : i32 to index
    %swap3A_117 = arith.constant 64 : index
    %swap3A_118 = tpu.vector_load %arg8[%swap3A_116, %swap3A_117] {strides = array<i32>} : memref<158x128xi32, #tpu.memory_space<vmem>>, vector<16xi32>,
    tpu.vector_store %arg8[%swap3A_116, %swap3A_117], %shift_right_logical3A_114 {strides = array<i32>} : memref<158x128xi32, #tpu.memory_space<vmem>>, vector<16xi32>,
    %get3A_119 = arith.constant 0 : i32
    %get3A_120 = arith.index_cast %get3A_119 : i32 to index
    %get3A_121 = arith.constant 80 : index
    %get3A_122 = tpu.vector_load %arg6[%get3A_120, %get3A_121] {strides = array<i32>} : memref<158x128xi32, #tpu.memory_space<vmem>>, vector<16xi32>,
    %and3A_123 = arith.constant 65535 : i32
    %and3A_124 = vector.broadcast %and3A_123 : i32 to vector<16xi32>
    %and3A_125 = arith.andi %get3A_122, %and3A_124 : vector<16xi32>
    %swap3A_126 = arith.constant 0 : i32
    %swap3A_127 = arith.index_cast %swap3A_126 : i32 to index
    %swap3A_128 = arith.constant 80 : index
    %swap3A_129 = tpu.vector_load %arg7[%swap3A_127, %swap3A_128] {strides = array<i32>} : memref<158x128xi32, #tpu.memory_space<vmem>>, vector<16xi32>,
    tpu.vector_store %arg7[%swap3A_127, %swap3A_128], %and3A_125 {strides = array<i32>} : memref<158x128xi32, #tpu.memory_space<vmem>>, vector<16xi32>,
    %shift_right_logical3A_130 = arith.constant 16 : i32
    %shift_right_logical3A_131 = vector.broadcast %shift_right_logical3A_130 : i32 to vector<16xi32>
    %shift_right_logical3A_132 = arith.shrui %get3A_122, %shift_right_logical3A_131 : vector<16xi32>
    %swap3A_133 = arith.constant 0 : i32
    %swap3A_134 = arith.index_cast %swap3A_133 : i32 to index
    %swap3A_135 = arith.constant 80 : index
    %swap3A_136 = tpu.vector_load %arg8[%swap3A_134, %swap3A_135] {strides = array<i32>} : memref<158x128xi32, #tpu.memory_space<vmem>>, vector<16xi32>,
    tpu.vector_store %arg8[%swap3A_134, %swap3A_135], %shift_right_logical3A_132 {strides = array<i32>} : memref<158x128xi32, #tpu.memory_space<vmem>>, vector<16xi32>,
    %get3A_137 = arith.constant 0 : i32
    %get3A_138 = arith.index_cast %get3A_137 : i32 to index
    %get3A_139 = arith.constant 96 : index
    %get3A_140 = tpu.vector_load %arg6[%get3A_138, %get3A_139] {strides = array<i32>} : memref<158x128xi32, #tpu.memory_space<vmem>>, vector<16xi32>,
    %and3A_141 = arith.constant 65535 : i32
    %and3A_142 = vector.broadcast %and3A_141 : i32 to vector<16xi32>
    %and3A_143 = arith.andi %get3A_140, %and3A_142 : vector<16xi32>
    %swap3A_144 = arith.constant 0 : i32
    %swap3A_145 = arith.index_cast %swap3A_144 : i32 to index
    %swap3A_146 = arith.constant 96 : index
    %swap3A_147 = tpu.vector_load %arg7[%swap3A_145, %swap3A_146] {strides = array<i32>} : memref<158x128xi32, #tpu.memory_space<vmem>>, vector<16xi32>,
    tpu.vector_store %arg7[%swap3A_145, %swap3A_146], %and3A_143 {strides = array<i32>} : memref<158x128xi32, #tpu.memory_space<vmem>>, vector<16xi32>,
    %shift_right_logical3A_148 = arith.constant 16 : i32
    %shift_right_logical3A_149 = vector.broadcast %shift_right_logical3A_148 : i32 to vector<16xi32>
    %shift_right_logical3A_150 = arith.shrui %get3A_140, %shift_right_logical3A_149 : vector<16xi32>
    %swap3A_151 = arith.constant 0 : i32
    %swap3A_152 = arith.index_cast %swap3A_151 : i32 to index
    %swap3A_153 = arith.constant 96 : index
    %swap3A_154 = tpu.vector_load %arg8[%swap3A_152, %swap3A_153] {strides = array<i32>} : memref<158x128xi32, #tpu.memory_space<vmem>>, vector<16xi32>,
    tpu.vector_store %arg8[%swap3A_152, %swap3A_153], %shift_right_logical3A_150 {strides = array<i32>} : memref<158x128xi32, #tpu.memory_space<vmem>>, vector<16xi32>,
    %get3A_155 = arith.constant 0 : i32
    %get3A_156 = arith.index_cast %get3A_155 : i32 to index
    %get3A_157 = arith.constant 112 : index
    %get3A_158 = tpu.vector_load %arg6[%get3A_156, %get3A_157] {strides = array<i32>} : memref<158x128xi32, #tpu.memory_space<vmem>>, vector<16xi32>,
    %and3A_159 = arith.constant 65535 : i32
    %and3A_160 = vector.broadcast %and3A_159 : i32 to vector<16xi32>
    %and3A_161 = arith.andi %get3A_158, %and3A_160 : vector<16xi32>
    %swap3A_162 = arith.constant 0 : i32
    %swap3A_163 = arith.index_cast %swap3A_162 : i32 to index
    %swap3A_164 = arith.constant 112 : index
    %swap3A_165 = tpu.vector_load %arg7[%swap3A_163, %swap3A_164] {strides = array<i32>} : memref<158x128xi32, #tpu.memory_space<vmem>>, vector<16xi32>,
    tpu.vector_store %arg7[%swap3A_163, %swap3A_164], %and3A_161 {strides = array<i32>} : memref<158x128xi32, #tpu.memory_space<vmem>>, vector<16xi32>,
    %shift_right_logical3A_166 = arith.constant 16 : i32
    %shift_right_logical3A_167 = vector.broadcast %shift_right_logical3A_166 : i32 to vector<16xi32>
    %shift_right_logical3A_168 = arith.shrui %get3A_158, %shift_right_logical3A_167 : vector<16xi32>
    %swap3A_169 = arith.constant 0 : i32
    %swap3A_170 = arith.index_cast %swap3A_169 : i32 to index
    %swap3A_171 = arith.constant 112 : index
    %swap3A_172 = tpu.vector_load %arg8[%swap3A_170, %swap3A_171] {strides = array<i32>} : memref<158x128xi32, #tpu.memory_space<vmem>>, vector<16xi32>,
    tpu.vector_store %arg8[%swap3A_170, %swap3A_171], %shift_right_logical3A_168 {strides = array<i32>} : memref<158x128xi32, #tpu.memory_space<vmem>>, vector<16xi32>,
    %get3A_173 = arith.constant 1 : i32
    %get3A_174 = arith.index_cast %get3A_173 : i32 to index
    %get3A_175 = arith.constant 0 : index
    %get3A_176 = tpu.vector_load %arg6[%get3A_174, %get3A_175] {strides = array<i32>} : memref<158x128xi32, #tpu.memory_space<vmem>>, vector<16xi32>,
    %and3A_177 = arith.constant 65535 : i32
    %and3A_178 = vector.broadcast %and3A_177 : i32 to vector<16xi32>
    %and3A_179 = arith.andi %get3A_176, %and3A_178 : vector<16xi32>
    %swap3A_180 = arith.constant 1 : i32
    %swap3A_181 = arith.index_cast %swap3A_180 : i32 to index
    %swap3A_182 = arith.constant 0 : index
    %swap3A_183 = tpu.vector_load %arg7[%swap3A_181, %swap3A_182] {strides = array<i32>} : memref<158x128xi32, #tpu.memory_space<vmem>>, vector<16xi32>,
    tpu.vector_store %arg7[%swap3A_181, %swap3A_182], %and3A_179 {strides = array<i32>} : memref<158x128xi32, #tpu.memory_space<vmem>>, vector<16xi32>,
    %shift_right_logical3A_184 = arith.constant 16 : i32
    %shift_right_logical3A_185 = vector.broadcast %shift_right_logical3A_184 : i32 to vector<16xi32>
    %shift_right_logical3A_186 = arith.shrui %get3A_176, %shift_right_logical3A_185 : vector<16xi32>
    %swap3A_187 = arith.constant 1 : i32
    %swap3A_188 = arith.index_cast %swap3A_187 : i32 to index
    %swap3A_189 = arith.constant 0 : index
    %swap3A_190 = tpu.vector_load %arg8[%swap3A_188, %swap3A_189] {strides = array<i32>} : memref<158x128xi32, #tpu.memory_space<vmem>>, vector<16xi32>,
    tpu.vector_store %arg8[%swap3A_188, %swap3A_189], %shift_right_logical3A_186 {strides = array<i32>} : memref<158x128xi32, #tpu.memory_space<vmem>>, vector<16xi32>,
    %get3A_191 = arith.constant 1 : i32
    %get3A_192 = arith.index_cast %get3A_191 : i32 to index
    %get3A_193 = arith.constant 16 : index
    %get3A_194 = tpu.vector_load %arg6[%get3A_192, %get3A_193] {strides = array<i32>} : memref<158x128xi32, #tpu.memory_space<vmem>>, vector<16xi32>,
    %and3A_195 = arith.constant 65535 : i32
    %and3A_196 = vector.broadcast %and3A_195 : i32 to vector<16xi32>
    %and3A_197 = arith.andi %get3A_194, %and3A_196 : vector<16xi32>
    %swap3A_198 = arith.constant 1 : i32
    %swap3A_199 = arith.index_cast %swap3A_198 : i32 to index
    %swap3A_200 = arith.constant 16 : index
    %swap3A_201 = tpu.vector_load %arg7[%swap3A_199, %swap3A_200] {strides = array<i32>} : memref<158x128xi32, #tpu.memory_space<vmem>>, vector<16xi32>,
    tpu.vector_store %arg7[%swap3A_199, %swap3A_200], %and3A_197 {strides = array<i32>} : memref<158x128xi32, #tpu.memory_space<vmem>>, vector<16xi32>,
    %shift_right_logical3A_202 = arith.constant 16 : i32
    %shift_right_logical3A_203 = vector.broadcast %shift_right_logical3A_202 : i32 to vector<16xi32>
    %shift_right_logical3A_204 = arith.shrui %get3A_194, %shift_right_logical3A_203 : vector<16xi32>
    %swap3A_205 = arith.constant 1 : i32
    %swap3A_206 = arith.index_cast %swap3A_205 : i32 to index
    %swap3A_207 = arith.constant 16 : index
    %swap3A_208 = tpu.vector_load %arg8[%swap3A_206, %swap3A_207] {strides = array<i32>} : memref<158x128xi32, #tpu.memory_space<vmem>>, vector<16xi32>,
    tpu.vector_store %arg8[%swap3A_206, %swap3A_207], %shift_right_logical3A_204 {strides = array<i32>} : memref<158x128xi32, #tpu.memory_space<vmem>>, vector<16xi32>,
    %get3A_209 = arith.constant 1 : i32
    %get3A_210 = arith.index_cast %get3A_209 : i32 to index
    %get3A_211 = arith.constant 32 : index
    %get3A_212 = tpu.vector_load %arg6[%get3A_210, %get3A_211] {strides = array<i32>} : memref<158x128xi32, #tpu.memory_space<vmem>>, vector<16xi32>,
    %and3A_213 = arith.constant 65535 : i32
    %and3A_214 = vector.broadcast %and3A_213 : i32 to vector<16xi32>
    %and3A_215 = arith.andi %get3A_212, %and3A_214 : vector<16xi32>
    %swap3A_216 = arith.constant 1 : i32
    %swap3A_217 = arith.index_cast %swap3A_216 : i32 to index
    %swap3A_218 = arith.constant 32 : index
    %swap3A_219 = tpu.vector_load %arg7[%swap3A_217, %swap3A_218] {strides = array<i32>} : memref<158x128xi32, #tpu.memory_space<vmem>>, vector<16xi32>,
    tpu.vector_store %arg7[%swap3A_217, %swap3A_218], %and3A_215 {strides = array<i32>} : memref<158x128xi32, #tpu.memory_space<vmem>>, vector<16xi32>,
    %shift_right_logical3A_220 = arith.constant 16 : i32
    %shift_right_logical3A_221 = vector.broadcast %shift_right_logical3A_220 : i32 to vector<16xi32>
    %shift_right_logical3A_222 = arith.shrui %get3A_212, %shift_right_logical3A_221 : vector<16xi32>
    %swap3A_223 = arith.constant 1 : i32
    %swap3A_224 = arith.index_cast %swap3A_223 : i32 to index
    %swap3A_225 = arith.constant 32 : index
    %swap3A_226 = tpu.vector_load %arg8[%swap3A_224, %swap3A_225] {strides = array<i32>} : memref<158x128xi32, #tpu.memory_space<vmem>>, vector<16xi32>,
    tpu.vector_store %arg8[%swap3A_224, %swap3A_225], %shift_right_logical3A_222 {strides = array<i32>} : memref<158x128xi32, #tpu.memory_space<vmem>>, vector<16xi32>,
    %get3A_227 = arith.constant 1 : i32
    %get3A_228 = arith.index_cast %get3A_227 : i32 to index
    %get3A_229 = arith.constant 48 : index
    %get3A_230 = tpu.vector_load %arg6[%get3A_228, %get3A_229] {strides = array<i32>} : memref<158x128xi32, #tpu.memory_space<vmem>>, vector<16xi32>,
    %and3A_231 = arith.constant 65535 : i32
    %and3A_232 = vector.broadcast %and3A_231 : i32 to vector<16xi32>
    %and3A_233 = arith.andi %get3A_230, %and3A_232 : vector<16xi32>
    %swap3A_234 = arith.constant 1 : i32
    %swap3A_235 = arith.index_cast %swap3A_234 : i32 to index
    %swap3A_236 = arith.constant 48 : index
    %swap3A_237 = tpu.vector_load %arg7[%swap3A_235, %swap3A_236] {strides = array<i32>} : memref<158x128xi32, #tpu.memory_space<vmem>>, vector<16xi32>,
    tpu.vector_store %arg7[%swap3A_235, %swap3A_236], %and3A_233 {strides = array<i32>} : memref<158x128xi32, #tpu.memory_space<vmem>>, vector<16xi32>,
    %shift_right_logical3A_238 = arith.constant 16 : i32
    %shift_right_logical3A_239 = vector.broadcast %shift_right_logical3A_238 : i32 to vector<16xi32>
    %shift_right_logical3A_240 = arith.shrui %get3A_230, %shift_right_logical3A_239 : vector<16xi32>
    %swap3A_241 = arith.constant 1 : i32
    %swap3A_242 = arith.index_cast %swap3A_241 : i32 to index
    %swap3A_243 = arith.constant 48 : index
    %swap3A_244 = tpu.vector_load %arg8[%swap3A_242, %swap3A_243] {strides = array<i32>} : memref<158x128xi32, #tpu.memory_space<vmem>>, vector<16xi32>,
    tpu.vector_store %arg8[%swap3A_242, %swap3A_243], %shift_right_logical3A_240 {strides = array<i32>} : memref<158x128xi32, #tpu.memory_space<vmem>>, vector<16xi32>,
    %get3A_245 = arith.constant 1 : i32
    %get3A_246 = arith.index_cast %get3A_245 : i32 to index
    %get3A_247 = arith.constant 64 : index
    %get3A_248 = tpu.vector_load %arg6[%get3A_246, %get3A_247] {strides = array<i32>} : memref<158x128xi32, #tpu.memory_space<vmem>>, vector<16xi32>,
    %and3A_249 = arith.constant 65535 : i32
    %and3A_250 = vector.broadcast %and3A_249 : i32 to vector<16xi32>
    %and3A_251 = arith.andi %get3A_248, %and3A_250 : vector<16xi32>
    %swap3A_252 = arith.constant 1 : i32
    %swap3A_253 = arith.index_cast %swap3A_252 : i32 to index
    %swap3A_254 = arith.constant 64 : index
    %swap3A_255 = tpu.vector_load %arg7[%swap3A_253, %swap3A_254] {strides = array<i32>} : memref<158x128xi32, #tpu.memory_space<vmem>>, vector<16xi32>,
    tpu.vector_store %arg7[%swap3A_253, %swap3A_254], %and3A_251 {strides = array<i32>} : memref<158x128xi32, #tpu.memory_space<vmem>>, vector<16xi32>,
    %shift_right_logical3A_256 = arith.constant 16 : i32
    %shift_right_logical3A_257 = vector.broadcast %shift_right_logical3A_256 : i32 to vector<16xi32>
    %shift_right_logical3A_258 = arith.shrui %get3A_248, %shift_right_logical3A_257 : vector<16xi32>
    %swap3A_259 = arith.constant 1 : i32
    %swap3A_260 = arith.index_cast %swap3A_259 : i32 to index
    %swap3A_261 = arith.constant 64 : index
    %swap3A_262 = tpu.vector_load %arg8[%swap3A_260, %swap3A_261] {strides = array<i32>} : memref<158x128xi32, #tpu.memory_space<vmem>>, vector<16xi32>,
    tpu.vector_store %arg8[%swap3A_260, %swap3A_261], %shift_right_logical3A_258 {strides = array<i32>} : memref<158x128xi32, #tpu.memory_space<vmem>>, vector<16xi32>,
    %get3A_263 = arith.constant 1 : i32
    %get3A_264 = arith.index_cast %get3A_263 : i32 to index
    %get3A_265 = arith.constant 80 : index
    %get3A_266 = tpu.vector_load %arg6[%get3A_264, %get3A_265] {strides = array<i32>} : memref<158x128xi32, #tpu.memory_space<vmem>>, vector<16xi32>,
    %and3A_267 = arith.constant 65535 : i32
    %and3A_268 = vector.broadcast %and3A_267 : i32 to vector<16xi32>
    %and3A_269 = arith.andi %get3A_266, %and3A_268 : vector<16xi32>
    %swap3A_270 = arith.constant 1 : i32
    %swap3A_271 = arith.index_cast %swap3A_270 : i32 to index
    %swap3A_272 = arith.constant 80 : index
    %swap3A_273 = tpu.vector_load %arg7[%swap3A_271, %swap3A_272] {strides = array<i32>} : memref<158x128xi32, #tpu.memory_space<vmem>>, vector<16xi32>,
    tpu.vector_store %arg7[%swap3A_271, %swap3A_272], %and3A_269 {strides = array<i32>} : memref<158x128xi32, #tpu.memory_space<vmem>>, vector<16xi32>,
    %shift_right_logical3A_274 = arith.constant 16 : i32
    %shift_right_logical3A_275 = vector.broadcast %shift_right_logical3A_274 : i32 to vector<16xi32>
    %shift_right_logical3A_276 = arith.shrui %get3A_266, %shift_right_logical3A_275 : vector<16xi32>
    %swap3A_277 = arith.constant 1 : i32
    %swap3A_278 = arith.index_cast %swap3A_277 : i32 to index
    %swap3A_279 = arith.constant 80 : index
    %swap3A_280 = tpu.vector_load %arg8[%swap3A_278, %swap3A_279] {strides = array<i32>} : memref<158x128xi32, #tpu.memory_space<vmem>>, vector<16xi32>,
    tpu.vector_store %arg8[%swap3A_278, %swap3A_279], %shift_right_logical3A_276 {strides = array<i32>} : memref<158x128xi32, #tpu.memory_space<vmem>>, vector<16xi32>,
    %get3A_281 = arith.constant 1 : i32
    %get3A_282 = arith.index_cast %get3A_281 : i32 to index
    %get3A_283 = arith.constant 96 : index
    %get3A_284 = tpu.vector_load %arg6[%get3A_282, %get3A_283] {strides = array<i32>} : memref<158x128xi32, #tpu.memory_space<vmem>>, vector<16xi32>,
    %and3A_285 = arith.constant 65535 : i32
    %and3A_286 = vector.broadcast %and3A_285 : i32 to vector<16xi32>
    %and3A_287 = arith.andi %get3A_284, %and3A_286 : vector<16xi32>
    %swap3A_288 = arith.constant 1 : i32
    %swap3A_289 = arith.index_cast %swap3A_288 : i32 to index
    %swap3A_290 = arith.constant 96 : index
    %swap3A_291 = tpu.vector_load %arg7[%swap3A_289, %swap3A_290] {strides = array<i32>} : memref<158x128xi32, #tpu.memory_space<vmem>>, vector<16xi32>,
    tpu.vector_store %arg7[%swap3A_289, %swap3A_290], %and3A_287 {strides = array<i32>} : memref<158x128xi32, #tpu.memory_space<vmem>>, vector<16xi32>,
    %shift_right_logical3A_292 = arith.constant 16 : i32
    %shift_right_logical3A_293 = vector.broadcast %shift_right_logical3A_292 : i32 to vector<16xi32>
    %shift_right_logical3A_294 = arith.shrui %get3A_284, %shift_right_logical3A_293 : vector<16xi32>
    %swap3A_295 = arith.constant 1 : i32
    %swap3A_296 = arith.index_cast %swap3A_295 : i32 to index
    %swap3A_297 = arith.constant 96 : index
    %swap3A_298 = tpu.vector_load %arg8[%swap3A_296, %swap3A_297] {strides = array<i32>} : memref<158x128xi32, #tpu.memory_space<vmem>>, vector<16xi32>,
    tpu.vector_store %arg8[%swap3A_296, %swap3A_297], %shift_right_logical3A_294 {strides = array<i32>} : memref<158x128xi32, #tpu.memory_space<vmem>>, vector<16xi32>,
    %get3A_299 = arith.constant 1 : i32
    %get3A_300 = arith.index_cast %get3A_299 : i32 to index
    %get3A_301 = arith.constant 112 : index
    %get3A_302 = tpu.vector_load %arg6[%get3A_300, %get3A_301] {strides = array<i32>} : memref<158x128xi32, #tpu.memory_space<vmem>>, vector<16xi32>,
    %and3A_303 = arith.constant 65535 : i32
    %and3A_304 = vector.broadcast %and3A_303 : i32 to vector<16xi32>
    %and3A_305 = arith.andi %get3A_302, %and3A_304 : vector<16xi32>
    %swap3A_306 = arith.constant 1 : i32
    %swap3A_307 = arith.index_cast %swap3A_306 : i32 to index
    %swap3A_308 = arith.constant 112 : index
    %swap3A_309 = tpu.vector_load %arg7[%swap3A_307, %swap3A_308] {strides = array<i32>} : memref<158x128xi32, #tpu.memory_space<vmem>>, vector<16xi32>,
    tpu.vector_store %arg7[%swap3A_307, %swap3A_308], %and3A_305 {strides = array<i32>} : memref<158x128xi32, #tpu.memory_space<vmem>>, vector<16xi32>,
    %shift_right_logical3A_310 = arith.constant 16 : i32
    %shift_right_logical3A_311 = vector.broadcast %shift_right_logical3A_310 : i32 to vector<16xi32>
    %shift_right_logical3A_312 = arith.shrui %get3A_302, %shift_right_logical3A_311 : vector<16xi32>
    %swap3A_313 = arith.constant 1 : i32
    %swap3A_314 = arith.index_cast %swap3A_313 : i32 to index
    %swap3A_315 = arith.constant 112 : index
    %swap3A_316 = tpu.vector_load %arg8[%swap3A_314, %swap3A_315] {strides = array<i32>} : memref<158x128xi32, #tpu.memory_space<vmem>>, vector<16xi32>,
    tpu.vector_store %arg8[%swap3A_314, %swap3A_315], %shift_right_logical3A_312 {strides = array<i32>} : memref<158x128xi32, #tpu.memory_space<vmem>>, vector<16xi32>,
    %get3A_317 = arith.constant 2 : i32
    %get3A_318 = arith.index_cast %get3A_317 : i32 to index
    %get3A_319 = arith.constant 0 : index
    %get3A_320 = tpu.vector_load %arg6[%get3A_318, %get3A_319] {strides = array<i32>} : memref<158x128xi32, #tpu.memory_space<vmem>>, vector<16xi32>,
    %and3A_321 = arith.constant 65535 : i32
    %and3A_322 = vector.broadcast %and3A_321 : i32 to vector<16xi32>
    %and3A_323 = arith.andi %get3A_320, %and3A_322 : vector<16xi32>
    %swap3A_324 = arith.constant 2 : i32
    %swap3A_325 = arith.index_cast %swap3A_324 : i32 to index
    %swap3A_326 = arith.constant 0 : index
    %swap3A_327 = tpu.vector_load %arg7[%swap3A_325, %swap3A_326] {strides = array<i32>} : memref<158x128xi32, #tpu.memory_space<vmem>>, vector<16xi32>,
    tpu.vector_store %arg7[%swap3A_325, %swap3A_326], %and3A_323 {strides = array<i32>} : memref<158x128xi32, #tpu.memory_space<vmem>>, vector<16xi32>,
    %shift_right_logical3A_328 = arith.constant 16 : i32
    %shift_right_logical3A_329 = vector.broadcast %shift_right_logical3A_328 : i32 to vector<16xi32>
    %shift_right_logical3A_330 = arith.shrui %get3A_320, %shift_right_logical3A_329 : vector<16xi32>
    %swap3A_331 = arith.constant 2 : i32
    %swap3A_332 = arith.index_cast %swap3A_331 : i32 to index
    %swap3A_333 = arith.constant 0 : index
    %swap3A_334 = tpu.vector_load %arg8[%swap3A_332, %swap3A_333] {strides = array<i32>} : memref<158x128xi32, #tpu.memory_space<vmem>>, vector<16xi32>,
    tpu.vector_store %arg8[%swap3A_332, %swap3A_333], %shift_right_logical3A_330 {strides = array<i32>} : memref<158x128xi32, #tpu.memory_space<vmem>>, vector<16xi32>,
    %get3A_335 = arith.constant 2 : i32
    %get3A_336 = arith.index_cast %get3A_335 : i32 to index
    %get3A_337 = arith.constant 16 : index
    %get3A_338 = tpu.vector_load %arg6[%get3A_336, %get3A_337] {strides = array<i32>} : memref<158x128xi32, #tpu.memory_space<vmem>>, vector<16xi32>,
    %and3A_339 = arith.constant 65535 : i32
    %and3A_340 = vector.broadcast %and3A_339 : i32 to vector<16xi32>
    %and3A_341 = arith.andi %get3A_338, %and3A_340 : vector<16xi32>
    %swap3A_342 = arith.constant 2 : i32
    %swap3A_343 = arith.index_cast %swap3A_342 : i32 to index
    %swap3A_344 = arith.constant 16 : index
    %swap3A_345 = tpu.vector_load %arg7[%swap3A_343, %swap3A_344] {strides = array<i32>} : memref<158x128xi32, #tpu.memory_space<vmem>>, vector<16xi32>,
    tpu.vector_store %arg7[%swap3A_343, %swap3A_344], %and3A_341 {strides = array<i32>} : memref<158x128xi32, #tpu.memory_space<vmem>>, vector<16xi32>,
    %shift_right_logical3A_346 = arith.constant 16 : i32
    %shift_right_logical3A_347 = vector.broadcast %shift_right_logical3A_346 : i32 to vector<16xi32>
    %shift_right_logical3A_348 = arith.shrui %get3A_338, %shift_right_logical3A_347 : vector<16xi32>
    %swap3A_349 = arith.constant 2 : i32
    %swap3A_350 = arith.index_cast %swap3A_349 : i32 to index
    %swap3A_351 = arith.constant 16 : index
    %swap3A_352 = tpu.vector_load %arg8[%swap3A_350, %swap3A_351] {strides = array<i32>} : memref<158x128xi32, #tpu.memory_space<vmem>>, vector<16xi32>,
    tpu.vector_store %arg8[%swap3A_350, %swap3A_351], %shift_right_logical3A_348 {strides = array<i32>} : memref<158x128xi32, #tpu.memory_space<vmem>>, vector<16xi32>,
    %get3A_353 = arith.constant 2 : i32
    %get3A_354 = arith.index_cast %get3A_353 : i32 to index
    %get3A_355 = arith.constant 32 : index
    %get3A_356 = tpu.vector_load %arg6[%get3A_354, %get3A_355] {strides = array<i32>} : memref<158x128xi32, #tpu.memory_space<vmem>>, vector<16xi32>,
    %and3A_357 = arith.constant 65535 : i32
    %and3A_358 = vector.broadcast %and3A_357 : i32 to vector<16xi32>
    %and3A_359 = arith.andi %get3A_356, %and3A_358 : vector<16xi32>
    %swap3A_360 = arith.constant 2 : i32
    %swap3A_361 = arith.index_cast %swap3A_360 : i32 to index
    %swap3A_362 = arith.constant 32 : index
    %swap3A_363 = tpu.vector_load %arg7[%swap3A_361, %swap3A_362] {strides = array<i32>} : memref<158x128xi32, #tpu.memory_space<vmem>>, vector<16xi32>,
    tpu.vector_store %arg7[%swap3A_361, %swap3A_362], %and3A_359 {strides = array<i32>} : memref<158x128xi32, #tpu.memory_space<vmem>>, vector<16xi32>,
    %shift_right_logical3A_364 = arith.constant 16 : i32
    %shift_right_logical3A_365 = vector.broadcast %shift_right_logical3A_364 : i32 to vector<16xi32>
    %shift_right_logical3A_366 = arith.shrui %get3A_356, %shift_right_logical3A_365 : vector<16xi32>
    %swap3A_367 = arith.constant 2 : i32
    %swap3A_368 = arith.index_cast %swap3A_367 : i32 to index
    %swap3A_369 = arith.constant 32 : index
    %swap3A_370 = tpu.vector_load %arg8[%swap3A_368, %swap3A_369] {strides = array<i32>} : memref<158x128xi32, #tpu.memory_space<vmem>>, vector<16xi32>,
    tpu.vector_store %arg8[%swap3A_368, %swap3A_369], %shift_right_logical3A_366 {strides = array<i32>} : memref<158x128xi32, #tpu.memory_space<vmem>>, vector<16xi32>,
    %get3A_371 = arith.constant 2 : i32
    %get3A_372 = arith.index_cast %get3A_371 : i32 to index
    %get3A_373 = arith.constant 48 : index
    %get3A_374 = tpu.vector_load %arg6[%get3A_372, %get3A_373] {strides = array<i32>} : memref<158x128xi32, #tpu.memory_space<vmem>>, vector<16xi32>,
    %and3A_375 = arith.constant 65535 : i32
    %and3A_376 = vector.broadcast %and3A_375 : i32 to vector<16xi32>
    %and3A_377 = arith.andi %get3A_374, %and3A_376 : vector<16xi32>
    %swap3A_378 = arith.constant 2 : i32
    %swap3A_379 = arith.index_cast %swap3A_378 : i32 to index
    %swap3A_380 = arith.constant 48 : index
    %swap3A_381 = tpu.vector_load %arg7[%swap3A_379, %swap3A_380] {strides = array<i32>} : memref<158x128xi32, #tpu.memory_space<vmem>>, vector<16xi32>,
    tpu.vector_store %arg7[%swap3A_379, %swap3A_380], %and3A_377 {strides = array<i32>} : memref<158x128xi32, #tpu.memory_space<vmem>>, vector<16xi32>,
    %shift_right_logical3A_382 = arith.constant 16 : i32
    %shift_right_logical3A_383 = vector.broadcast %shift_right_logical3A_382 : i32 to vector<16xi32>
    %shift_right_logical3A_384 = arith.shrui %get3A_374, %shift_right_logical3A_383 : vector<16xi32>
    %swap3A_385 = arith.constant 2 : i32
    %swap3A_386 = arith.index_cast %swap3A_385 : i32 to index
    %swap3A_387 = arith.constant 48 : index
    %swap3A_388 = tpu.vector_load %arg8[%swap3A_386, %swap3A_387] {strides = array<i32>} : memref<158x128xi32, #tpu.memory_space<vmem>>, vector<16xi32>,
    tpu.vector_store %arg8[%swap3A_386, %swap3A_387], %shift_right_logical3A_384 {strides = array<i32>} : memref<158x128xi32, #tpu.memory_space<vmem>>, vector<16xi32>,
    %get3A_389 = arith.constant 2 : i32
    %get3A_390 = arith.index_cast %get3A_389 : i32 to index
    %get3A_391 = arith.constant 64 : index
    %get3A_392 = tpu.vector_load %arg6[%get3A_390, %get3A_391] {strides = array<i32>} : memref<158x128xi32, #tpu.memory_space<vmem>>, vector<16xi32>,
    %and3A_393 = arith.constant 65535 : i32
    %and3A_394 = vector.broadcast %and3A_393 : i32 to vector<16xi32>
    %and3A_395 = arith.andi %get3A_392, %and3A_394 : vector<16xi32>
    %swap3A_396 = arith.constant 2 : i32
    %swap3A_397 = arith.index_cast %swap3A_396 : i32 to index
    %swap3A_398 = arith.constant 64 : index
    %swap3A_399 = tpu.vector_load %arg7[%swap3A_397, %swap3A_398] {strides = array<i32>} : memref<158x128xi32, #tpu.memory_space<vmem>>, vector<16xi32>,
    tpu.vector_store %arg7[%swap3A_397, %swap3A_398], %and3A_395 {strides = array<i32>} : memref<158x128xi32, #tpu.memory_space<vmem>>, vector<16xi32>,
    %shift_right_logical3A_400 = arith.constant 16 : i32
    %shift_right_logical3A_401 = vector.broadcast %shift_right_logical3A_400 : i32 to vector<16xi32>
    %shift_right_logical3A_402 = arith.shrui %get3A_392, %shift_right_logical3A_401 : vector<16xi32>
    %swap3A_403 = arith.constant 2 : i32
    %swap3A_404 = arith.index_cast %swap3A_403 : i32 to index
    %swap3A_405 = arith.constant 64 : index
    %swap3A_406 = tpu.vector_load %arg8[%swap3A_404, %swap3A_405] {strides = array<i32>} : memref<158x128xi32, #tpu.memory_space<vmem>>, vector<16xi32>,
    tpu.vector_store %arg8[%swap3A_404, %swap3A_405], %shift_right_logical3A_402 {strides = array<i32>} : memref<158x128xi32, #tpu.memory_space<vmem>>, vector<16xi32>,
    %get3A_407 = arith.constant 2 : i32
    %get3A_408 = arith.index_cast %get3A_407 : i32 to index
    %get3A_409 = arith.constant 80 : index
    %get3A_410 = tpu.vector_load %arg6[%get3A_408, %get3A_409] {strides = array<i32>} : memref<158x128xi32, #tpu.memory_space<vmem>>, vector<16xi32>,
    %and3A_411 = arith.constant 65535 : i32
    %and3A_412 = vector.broadcast %and3A_411 : i32 to vector<16xi32>
    %and3A_413 = arith.andi %get3A_410, %and3A_412 : vector<16xi32>
    %swap3A_414 = arith.constant 2 : i32
    %swap3A_415 = arith.index_cast %swap3A_414 : i32 to index
    %swap3A_416 = arith.constant 80 : index
    %swap3A_417 = tpu.vector_load %arg7[%swap3A_415, %swap3A_416] {strides = array<i32>} : memref<158x128xi32, #tpu.memory_space<vmem>>, vector<16xi32>,
    tpu.vector_store %arg7[%swap3A_415, %swap3A_416], %and3A_413 {strides = array<i32>} : memref<158x128xi32, #tpu.memory_space<vmem>>, vector<16xi32>,
    %shift_right_logical3A_418 = arith.constant 16 : i32
    %shift_right_logical3A_419 = vector.broadcast %shift_right_logical3A_418 : i32 to vector<16xi32>
    %shift_right_logical3A_420 = arith.shrui %get3A_410, %shift_right_logical3A_419 : vector<16xi32>
    %swap3A_421 = arith.constant 2 : i32
    %swap3A_422 = arith.index_cast %swap3A_421 : i32 to index
    %swap3A_423 = arith.constant 80 : index
    %swap3A_424 = tpu.vector_load %arg8[%swap3A_422, %swap3A_423] {strides = array<i32>} : memref<158x128xi32, #tpu.memory_space<vmem>>, vector<16xi32>,
    tpu.vector_store %arg8[%swap3A_422, %swap3A_423], %shift_right_logical3A_420 {strides = array<i32>} : memref<158x128xi32, #tpu.memory_space<vmem>>, vector<16xi32>,
    %get3A_425 = arith.constant 2 : i32
    %get3A_426 = arith.index_cast %get3A_425 : i32 to index
    %get3A_427 = arith.constant 96 : index
    %get3A_428 = tpu.vector_load %arg6[%get3A_426, %get3A_427] {strides = array<i32>} : memref<158x128xi32, #tpu.memory_space<vmem>>, vector<16xi32>,
    %and3A_429 = arith.constant 65535 : i32
    %and3A_430 = vector.broadcast %and3A_429 : i32 to vector<16xi32>
    %and3A_431 = arith.andi %get3A_428, %and3A_430 : vector<16xi32>
    %swap3A_432 = arith.constant 2 : i32
    %swap3A_433 = arith.index_cast %swap3A_432 : i32 to index
    %swap3A_434 = arith.constant 96 : index
    %swap3A_435 = tpu.vector_load %arg7[%swap3A_433, %swap3A_434] {strides = array<i32>} : memref<158x128xi32, #tpu.memory_space<vmem>>, vector<16xi32>,
    tpu.vector_store %arg7[%swap3A_433, %swap3A_434], %and3A_431 {strides = array<i32>} : memref<158x128xi32, #tpu.memory_space<vmem>>, vector<16xi32>,
    %shift_right_logical3A_436 = arith.constant 16 : i32
    %shift_right_logical3A_437 = vector.broadcast %shift_right_logical3A_436 : i32 to vector<16xi32>
    %shift_right_logical3A_438 = arith.shrui %get3A_428, %shift_right_logical3A_437 : vector<16xi32>
    %swap3A_439 = arith.constant 2 : i32
    %swap3A_440 = arith.index_cast %swap3A_439 : i32 to index
    %swap3A_441 = arith.constant 96 : index
    %swap3A_442 = tpu.vector_load %arg8[%swap3A_440, %swap3A_441] {strides = array<i32>} : memref<158x128xi32, #tpu.memory_space<vmem>>, vector<16xi32>,
    tpu.vector_store %arg8[%swap3A_440, %swap3A_441], %shift_right_logical3A_438 {strides = array<i32>} : memref<158x128xi32, #tpu.memory_space<vmem>>, vector<16xi32>,
    %get3A_443 = arith.constant 2 : i32
    %get3A_444 = arith.index_cast %get3A_443 : i32 to index
    %get3A_445 = arith.constant 112 : index
    %get3A_446 = tpu.vector_load %arg6[%get3A_444, %get3A_445] {strides = array<i32>} : memref<158x128xi32, #tpu.memory_space<vmem>>, vector<16xi32>,
    %and3A_447 = arith.constant 65535 : i32
    %and3A_448 = vector.broadcast %and3A_447 : i32 to vector<16xi32>
    %and3A_449 = arith.andi %get3A_446, %and3A_448 : vector<16xi32>
    %swap3A_450 = arith.constant 2 : i32
    %swap3A_451 = arith.index_cast %swap3A_450 : i32 to index
    %swap3A_452 = arith.constant 112 : index
    %swap3A_453 = tpu.vector_load %arg7[%swap3A_451, %swap3A_452] {strides = array<i32>} : memref<158x128xi32, #tpu.memory_space<vmem>>, vector<16xi32>,
    tpu.vector_store %arg7[%swap3A_451, %swap3A_452], %and3A_449 {strides = array<i32>} : memref<158x128xi32, #tpu.memory_space<vmem>>, vector<16xi32>,
    %shift_right_logical3A_454 = arith.constant 16 : i32
    %shift_right_logical3A_455 = vector.broadcast %shift_right_logical3A_454 : i32 to vector<16xi32>
    %shift_right_logical3A_456 = arith.shrui %get3A_446, %shift_right_logical3A_455 : vector<16xi32>
    %swap3A_457 = arith.constant 2 : i32
    %swap3A_458 = arith.index_cast %swap3A_457 : i32 to index
    %swap3A_459 = arith.constant 112 : index
    %swap3A_460 = tpu.vector_load %arg8[%swap3A_458, %swap3A_459] {strides = array<i32>} : memref<158x128xi32, #tpu.memory_space<vmem>>, vector<16xi32>,
    tpu.vector_store %arg8[%swap3A_458, %swap3A_459], %shift_right_logical3A_456 {strides = array<i32>} : memref<158x128xi32, #tpu.memory_space<vmem>>, vector<16xi32>,
    %get3A_461 = arith.constant 3 : i32
    %get3A_462 = arith.index_cast %get3A_461 : i32 to index
    %get3A_463 = arith.constant 0 : index
    %get3A_464 = tpu.vector_load %arg6[%get3A_462, %get3A_463] {strides = array<i32>} : memref<158x128xi32, #tpu.memory_space<vmem>>, vector<16xi32>,
    %and3A_465 = arith.constant 65535 : i32
    %and3A_466 = vector.broadcast %and3A_465 : i32 to vector<16xi32>
    %and3A_467 = arith.andi %get3A_464, %and3A_466 : vector<16xi32>
    %swap3A_468 = arith.constant 3 : i32
    %swap3A_469 = arith.index_cast %swap3A_468 : i32 to index
    %swap3A_470 = arith.constant 0 : index
    %swap3A_471 = tpu.vector_load %arg7[%swap3A_469, %swap3A_470] {strides = array<i32>} : memref<158x128xi32, #tpu.memory_space<vmem>>, vector<16xi32>,
    tpu.vector_store %arg7[%swap3A_469, %swap3A_470], %and3A_467 {strides = array<i32>} : memref<158x128xi32, #tpu.memory_space<vmem>>, vector<16xi32>,
    %shift_right_logical3A_472 = arith.constant 16 : i32
    %shift_right_logical3A_473 = vector.broadcast %shift_right_logical3A_472 : i32 to vector<16xi32>
    %shift_right_logical3A_474 = arith.shrui %get3A_464, %shift_right_logical3A_473 : vector<16xi32>
    %swap3A_475 = arith.constant 3 : i32
    %swap3A_476 = arith.index_cast %swap3A_475 : i32 to index
    %swap3A_477 = arith.constant 0 : index
    %swap3A_478 = tpu.vector_load %arg8[%swap3A_476, %swap3A_477] {strides = array<i32>} : memref<158x128xi32, #tpu.memory_space<vmem>>, vector<16xi32>,
    tpu.vector_store %arg8[%swap3A_476, %swap3A_477], %shift_right_logical3A_474 {strides = array<i32>} : memref<158x128xi32, #tpu.memory_space<vmem>>, vector<16xi32>,
    %get3A_479 = arith.constant 3 : i32
    %get3A_480 = arith.index_cast %get3A_479 : i32 to index
    %get3A_481 = arith.constant 16 : index
    %get3A_482 = tpu.vector_load %arg6[%get3A_480, %get3A_481] {strides = array<i32>} : memref<158x128xi32, #tpu.memory_space<vmem>>, vector<16xi32>,
    %and3A_483 = arith.constant 65535 : i32
    %and3A_484 = vector.broadcast %and3A_483 : i32 to vector<16xi32>
    %and3A_485 = arith.andi %get3A_482, %and3A_484 : vector<16xi32>
    %swap3A_486 = arith.constant 3 : i32
    %swap3A_487 = arith.index_cast %swap3A_486 : i32 to index
    %swap3A_488 = arith.constant 16 : index
    %swap3A_489 = tpu.vector_load %arg7[%swap3A_487, %swap3A_488] {strides = array<i32>} : memref<158x128xi32, #tpu.memory_space<vmem>>, vector<16xi32>,
    tpu.vector_store %arg7[%swap3A_487, %swap3A_488], %and3A_485 {strides = array<i32>} : memref<158x128xi32, #tpu.memory_space<vmem>>, vector<16xi32>,
    %shift_right_logical3A_490 = arith.constant 16 : i32
    %shift_right_logical3A_491 = vector.broadcast %shift_right_logical3A_490 : i32 to vector<16xi32>
    %shift_right_logical3A_492 = arith.shrui %get3A_482, %shift_right_logical3A_491 : vector<16xi32>
    %swap3A_493 = arith.constant 3 : i32
    %swap3A_494 = arith.index_cast %swap3A_493 : i32 to index
    %swap3A_495 = arith.constant 16 : index
    %swap3A_496 = tpu.vector_load %arg8[%swap3A_494, %swap3A_495] {strides = array<i32>} : memref<158x128xi32, #tpu.memory_space<vmem>>, vector<16xi32>,
    tpu.vector_store %arg8[%swap3A_494, %swap3A_495], %shift_right_logical3A_492 {strides = array<i32>} : memref<158x128xi32, #tpu.memory_space<vmem>>, vector<16xi32>,
    %get3A_497 = arith.constant 3 : i32
    %get3A_498 = arith.index_cast %get3A_497 : i32 to index
    %get3A_499 = arith.constant 32 : index
    %get3A_500 = tpu.vector_load %arg6[%get3A_498, %get3A_499] {strides = array<i32>} : memref<158x128xi32, #tpu.memory_space<vmem>>, vector<16xi32>,
    %and3A_501 = arith.constant 65535 : i32
    %and3A_502 = vector.broadcast %and3A_501 : i32 to vector<16xi32>
    %and3A_503 = arith.andi %get3A_500, %and3A_502 : vector<16xi32>
    %swap3A_504 = arith.constant 3 : i32
    %swap3A_505 = arith.index_cast %swap3A_504 : i32 to index
    %swap3A_506 = arith.constant 32 : index
    %swap3A_507 = tpu.vector_load %arg7[%swap3A_505, %swap3A_506] {strides = array<i32>} : memref<158x128xi32, #tpu.memory_space<vmem>>, vector<16xi32>,
    tpu.vector_store %arg7[%swap3A_505, %swap3A_506], %and3A_503 {strides = array<i32>} : memref<158x128xi32, #tpu.memory_space<vmem>>, vector<16xi32>,
    %shift_right_logical3A_508 = arith.constant 16 : i32
    %shift_right_logical3A_509 = vector.broadcast %shift_right_logical3A_508 : i32 to vector<16xi32>
    %shift_right_logical3A_510 = arith.shrui %get3A_500, %shift_right_logical3A_509 : vector<16xi32>
    %swap3A_511 = arith.constant 3 : i32
    %swap3A_512 = arith.index_cast %swap3A_511 : i32 to index
    %swap3A_513 = arith.constant 32 : index
    %swap3A_514 = tpu.vector_load %arg8[%swap3A_512, %swap3A_513] {strides = array<i32>} : memref<158x128xi32, #tpu.memory_space<vmem>>, vector<16xi32>,
    tpu.vector_store %arg8[%swap3A_512, %swap3A_513], %shift_right_logical3A_510 {strides = array<i32>} : memref<158x128xi32, #tpu.memory_space<vmem>>, vector<16xi32>,
    %get3A_515 = arith.constant 3 : i32
    %get3A_516 = arith.index_cast %get3A_515 : i32 to index
    %get3A_517 = arith.constant 48 : index
    %get3A_518 = tpu.vector_load %arg6[%get3A_516, %get3A_517] {strides = array<i32>} : memref<158x128xi32, #tpu.memory_space<vmem>>, vector<16xi32>,
    %and3A_519 = arith.constant 65535 : i32
    %and3A_520 = vector.broadcast %and3A_519 : i32 to vector<16xi32>
    %and3A_521 = arith.andi %get3A_518, %and3A_520 : vector<16xi32>
    %swap3A_522 = arith.constant 3 : i32
    %swap3A_523 = arith.index_cast %swap3A_522 : i32 to index
    %swap3A_524 = arith.constant 48 : index
    %swap3A_525 = tpu.vector_load %arg7[%swap3A_523, %swap3A_524] {strides = array<i32>} : memref<158x128xi32, #tpu.memory_space<vmem>>, vector<16xi32>,
    tpu.vector_store %arg7[%swap3A_523, %swap3A_524], %and3A_521 {strides = array<i32>} : memref<158x128xi32, #tpu.memory_space<vmem>>, vector<16xi32>,
    %shift_right_logical3A_526 = arith.constant 16 : i32
    %shift_right_logical3A_527 = vector.broadcast %shift_right_logical3A_526 : i32 to vector<16xi32>
    %shift_right_logical3A_528 = arith.shrui %get3A_518, %shift_right_logical3A_527 : vector<16xi32>
    %swap3A_529 = arith.constant 3 : i32
    %swap3A_530 = arith.index_cast %swap3A_529 : i32 to index
    %swap3A_531 = arith.constant 48 : index
    %swap3A_532 = tpu.vector_load %arg8[%swap3A_530, %swap3A_531] {strides = array<i32>} : memref<158x128xi32, #tpu.memory_space<vmem>>, vector<16xi32>,
    tpu.vector_store %arg8[%swap3A_530, %swap3A_531], %shift_right_logical3A_528 {strides = array<i32>} : memref<158x128xi32, #tpu.memory_space<vmem>>, vector<16xi32>,
    %get3A_533 = arith.constant 3 : i32
    %get3A_534 = arith.index_cast %get3A_533 : i32 to index
    %get3A_535 = arith.constant 64 : index
    %get3A_536 = tpu.vector_load %arg6[%get3A_534, %get3A_535] {strides = array<i32>} : memref<158x128xi32, #tpu.memory_space<vmem>>, vector<16xi32>,
    %and3A_537 = arith.constant 65535 : i32
    %and3A_538 = vector.broadcast %and3A_537 : i32 to vector<16xi32>
    %and3A_539 = arith.andi %get3A_536, %and3A_538 : vector<16xi32>
    %swap3A_540 = arith.constant 3 : i32
    %swap3A_541 = arith.index_cast %swap3A_540 : i32 to index
    %swap3A_542 = arith.constant 64 : index
    %swap3A_543 = tpu.vector_load %arg7[%swap3A_541, %swap3A_542] {strides = array<i32>} : memref<158x128xi32, #tpu.memory_space<vmem>>, vector<16xi32>,
    tpu.vector_store %arg7[%swap3A_541, %swap3A_542], %and3A_539 {strides = array<i32>} : memref<158x128xi32, #tpu.memory_space<vmem>>, vector<16xi32>,
    %shift_right_logical3A_544 = arith.constant 16 : i32
    %shift_right_logical3A_545 = vector.broadcast %shift_right_logical3A_544 : i32 to vector<16xi32>
    %shift_right_logical3A_546 = arith.shrui %get3A_536, %shift_right_logical3A_545 : vector<16xi32>
    %swap3A_547 = arith.constant 3 : i32
    %swap3A_548 = arith.index_cast %swap3A_547 : i32 to index
    %swap3A_549 = arith.constant 64 : index
    %swap3A_550 = tpu.vector_load %arg8[%swap3A_548, %swap3A_549] {strides = array<i32>} : memref<158x128xi32, #tpu.memory_space<vmem>>, vector<16xi32>,
    tpu.vector_store %arg8[%swap3A_548, %swap3A_549], %shift_right_logical3A_546 {strides = array<i32>} : memref<158x128xi32, #tpu.memory_space<vmem>>, vector<16xi32>,
    %get3A_551 = arith.constant 3 : i32
    %get3A_552 = arith.index_cast %get3A_551 : i32 to index
    %get3A_553 = arith.constant 80 : index
    %get3A_554 = tpu.vector_load %arg6[%get3A_552, %get3A_553] {strides = array<i32>} : memref<158x128xi32, #tpu.memory_space<vmem>>, vector<16xi32>,
    %and3A_555 = arith.constant 65535 : i32
    %and3A_556 = vector.broadcast %and3A_555 : i32 to vector<16xi32>
    %and3A_557 = arith.andi %get3A_554, %and3A_556 : vector<16xi32>
    %swap3A_558 = arith.constant 3 : i32
    %swap3A_559 = arith.index_cast %swap3A_558 : i32 to index
    %swap3A_560 = arith.constant 80 : index
    %swap3A_561 = tpu.vector_load %arg7[%swap3A_559, %swap3A_560] {strides = array<i32>} : memref<158x128xi32, #tpu.memory_space<vmem>>, vector<16xi32>,
    tpu.vector_store %arg7[%swap3A_559, %swap3A_560], %and3A_557 {strides = array<i32>} : memref<158x128xi32, #tpu.memory_space<vmem>>, vector<16xi32>,
    %shift_right_logical3A_562 = arith.constant 16 : i32
    %shift_right_logical3A_563 = vector.broadcast %shift_right_logical3A_562 : i32 to vector<16xi32>
    %shift_right_logical3A_564 = arith.shrui %get3A_554, %shift_right_logical3A_563 : vector<16xi32>
    %swap3A_565 = arith.constant 3 : i32
    %swap3A_566 = arith.index_cast %swap3A_565 : i32 to index
    %swap3A_567 = arith.constant 80 : index
    %swap3A_568 = tpu.vector_load %arg8[%swap3A_566, %swap3A_567] {strides = array<i32>} : memref<158x128xi32, #tpu.memory_space<vmem>>, vector<16xi32>,
    tpu.vector_store %arg8[%swap3A_566, %swap3A_567], %shift_right_logical3A_564 {strides = array<i32>} : memref<158x128xi32, #tpu.memory_space<vmem>>, vector<16xi32>,
    %get3A_569 = arith.constant 3 : i32
    %get3A_570 = arith.index_cast %get3A_569 : i32 to index
    %get3A_571 = arith.constant 96 : index
    %get3A_572 = tpu.vector_load %arg6[%get3A_570, %get3A_571] {strides = array<i32>} : memref<158x128xi32, #tpu.memory_space<vmem>>, vector<16xi32>,
    %and3A_573 = arith.constant 65535 : i32
    %and3A_574 = vector.broadcast %and3A_573 : i32 to vector<16xi32>
    %and3A_575 = arith.andi %get3A_572, %and3A_574 : vector<16xi32>
    %swap3A_576 = arith.constant 3 : i32
    %swap3A_577 = arith.index_cast %swap3A_576 : i32 to index
    %swap3A_578 = arith.constant 96 : index
    %swap3A_579 = tpu.vector_load %arg7[%swap3A_577, %swap3A_578] {strides = array<i32>} : memref<158x128xi32, #tpu.memory_space<vmem>>, vector<16xi32>,
    tpu.vector_store %arg7[%swap3A_577, %swap3A_578], %and3A_575 {strides = array<i32>} : memref<158x128xi32, #tpu.memory_space<vmem>>, vector<16xi32>,
    %shift_right_logical3A_580 = arith.constant 16 : i32
    %shift_right_logical3A_581 = vector.broadcast %shift_right_logical3A_580 : i32 to vector<16xi32>
    %shift_right_logical3A_582 = arith.shrui %get3A_572, %shift_right_logical3A_581 : vector<16xi32>
    %swap3A_583 = arith.constant 3 : i32
    %swap3A_584 = arith.index_cast %swap3A_583 : i32 to index
    %swap3A_585 = arith.constant 96 : index
    %swap3A_586 = tpu.vector_load %arg8[%swap3A_584, %swap3A_585] {strides = array<i32>} : memref<158x128xi32, #tpu.memory_space<vmem>>, vector<16xi32>,
    tpu.vector_store %arg8[%swap3A_584, %swap3A_585], %shift_right_logical3A_582 {strides = array<i32>} : memref<158x128xi32, #tpu.memory_space<vmem>>, vector<16xi32>,
    %get3A_587 = arith.constant 3 : i32
    %get3A_588 = arith.index_cast %get3A_587 : i32 to index
    %get3A_589 = arith.constant 112 : index
    %get3A_590 = tpu.vector_load %arg6[%get3A_588, %get3A_589] {strides = array<i32>} : memref<158x128xi32, #tpu.memory_space<vmem>>, vector<16xi32>,
    %and3A_591 = arith.constant 65535 : i32
    %and3A_592 = vector.broadcast %and3A_591 : i32 to vector<16xi32>
    %and3A_593 = arith.andi %get3A_590, %and3A_592 : vector<16xi32>
    %swap3A_594 = arith.constant 3 : i32
    %swap3A_595 = arith.index_cast %swap3A_594 : i32 to index
    %swap3A_596 = arith.constant 112 : index
    %swap3A_597 = tpu.vector_load %arg7[%swap3A_595, %swap3A_596] {strides = array<i32>} : memref<158x128xi32, #tpu.memory_space<vmem>>, vector<16xi32>,
    tpu.vector_store %arg7[%swap3A_595, %swap3A_596], %and3A_593 {strides = array<i32>} : memref<158x128xi32, #tpu.memory_space<vmem>>, vector<16xi32>,
    %shift_right_logical3A_598 = arith.constant 16 : i32
    %shift_right_logical3A_599 = vector.broadcast %shift_right_logical3A_598 : i32 to vector<16xi32>
    %shift_right_logical3A_600 = arith.shrui %get3A_590, %shift_right_logical3A_599 : vector<16xi32>
    %swap3A_601 = arith.constant 3 : i32
    %swap3A_602 = arith.index_cast %swap3A_601 : i32 to index
    %swap3A_603 = arith.constant 112 : index
    %swap3A_604 = tpu.vector_load %arg8[%swap3A_602, %swap3A_603] {strides = array<i32>} : memref<158x128xi32, #tpu.memory_space<vmem>>, vector<16xi32>,
    tpu.vector_store %arg8[%swap3A_602, %swap3A_603], %shift_right_logical3A_600 {strides = array<i32>} : memref<158x128xi32, #tpu.memory_space<vmem>>, vector<16xi32>,
    %barrier3A = arith.constant 0 : index
    tpu.barrier barrier_id(%barrier3A)
    %dma_start3A = arith.constant 0 : i32
    %dma_start3A_605 = arith.constant 0 : i32
    %dma_start3A_606 = tpu.memref_slice %arg7[%dma_start3A, %dma_start3A_605] : memref<158x128xi32, #tpu.memory_space<vmem>> -> memref<1x128xi32, #tpu.memory_space<vmem>>
    %dma_start3A_607 = tpu.memref_squeeze %dma_start3A_606 : memref<1x128xi32, #tpu.memory_space<vmem>> -> memref<128xi32, #tpu.memory_space<vmem>>
    %dma_start3A_608 = arith.constant 0 : i32
    %dma_start3A_609 = arith.constant 0 : i32
    %dma_start3A_610 = tpu.memref_slice %arg12[%dma_start3A_608, %dma_start3A_609] : memref<10000x32xf32, #tpu.memory_space<vmem_shared>> -> memref<10000x32xf32, #tpu.memory_space<vmem_shared>>
    tpu.enqueue_indirect_dma source(%dma_start3A_610 : memref<10000x32xf32, #tpu.memory_space<vmem_shared>>) target(%arg9 : memref<128x32xf32, #tpu.memory_space<vmem>>) offsets(%dma_start3A_607 : memref<128xi32, #tpu.memory_space<vmem>>) semaphore(%arg16 : memref<!tpu.dma_semaphore, #tpu.memory_space<semaphore_mem>>)
    %scan3A_611 = arith.constant 0 : i32
    %scan3A_612 = arith.constant 0 : i32
    %scan3A_613 = arith.constant 79 : i32
    %scan3A_614 = arith.addi %scan3A_612, %scan3A_613 : i32
    %scan3A_615 = arith.constant 1 : i32
    scf.for %scan3A_631 = %scan3A_612 to %scan3A_614 step %scan3A_615  : i32 {
      %mul3A_632 = arith.constant 2 : i32
      %mul3A_633 = arith.muli %mul3A_632, %scan3A_631 : i32
      %add3A_634 = arith.constant 1 : i32
      %add3A_635 = arith.addi %mul3A_633, %add3A_634 : i32
      %dma_start3A_636 = arith.constant 0 : i32
      %dma_start3A_637 = tpu.memref_slice %arg7[%add3A_635, %dma_start3A_636] : memref<158x128xi32, #tpu.memory_space<vmem>> -> memref<1x128xi32, #tpu.memory_space<vmem>>
      %dma_start3A_638 = tpu.memref_squeeze %dma_start3A_637 : memref<1x128xi32, #tpu.memory_space<vmem>> -> memref<128xi32, #tpu.memory_space<vmem>>
      %dma_start3A_639 = arith.constant 0 : i32
      %dma_start3A_640 = arith.constant 0 : i32
      %dma_start3A_641 = tpu.memref_slice %arg12[%dma_start3A_639, %dma_start3A_640] : memref<10000x32xf32, #tpu.memory_space<vmem_shared>> -> memref<10000x32xf32, #tpu.memory_space<vmem_shared>>
      tpu.enqueue_indirect_dma source(%dma_start3A_641 : memref<10000x32xf32, #tpu.memory_space<vmem_shared>>) target(%arg10 : memref<128x32xf32, #tpu.memory_space<vmem>>) offsets(%dma_start3A_638 : memref<128xi32, #tpu.memory_space<vmem>>) semaphore(%arg17 : memref<!tpu.dma_semaphore, #tpu.memory_space<semaphore_mem>>)
      %add3A_642 = arith.constant 3 : i32
      %add3A_643 = arith.addi %mul3A_633, %add3A_642 : i32
      %min3A = arith.constant 157 : i32
      %min3A_644 = arith.minsi %add3A_643, %min3A : i32
      %get3A_645 = arith.index_cast %min3A_644 : i32 to index
      %get3A_646 = arith.constant 0 : index
      %get3A_647 = tpu.vector_load %arg6[%get3A_645, %get3A_646] {strides = array<i32>} : memref<158x128xi32, #tpu.memory_space<vmem>>, vector<16xi32>,
      %and3A_648 = arith.constant 65535 : i32
      %and3A_649 = vector.broadcast %and3A_648 : i32 to vector<16xi32>
      %and3A_650 = arith.andi %get3A_647, %and3A_649 : vector<16xi32>
      %swap3A_651 = arith.index_cast %min3A_644 : i32 to index
      %swap3A_652 = arith.constant 0 : index
      %swap3A_653 = tpu.vector_load %arg7[%swap3A_651, %swap3A_652] {strides = array<i32>} : memref<158x128xi32, #tpu.memory_space<vmem>>, vector<16xi32>,
      tpu.vector_store %arg7[%swap3A_651, %swap3A_652], %and3A_650 {strides = array<i32>} : memref<158x128xi32, #tpu.memory_space<vmem>>, vector<16xi32>,
      %shift_right_logical3A_654 = arith.constant 16 : i32
      %shift_right_logical3A_655 = vector.broadcast %shift_right_logical3A_654 : i32 to vector<16xi32>
      %shift_right_logical3A_656 = arith.shrui %get3A_647, %shift_right_logical3A_655 : vector<16xi32>
      %swap3A_657 = arith.index_cast %min3A_644 : i32 to index
      %swap3A_658 = arith.constant 0 : index
      %swap3A_659 = tpu.vector_load %arg8[%swap3A_657, %swap3A_658] {strides = array<i32>} : memref<158x128xi32, #tpu.memory_space<vmem>>, vector<16xi32>,
      tpu.vector_store %arg8[%swap3A_657, %swap3A_658], %shift_right_logical3A_656 {strides = array<i32>} : memref<158x128xi32, #tpu.memory_space<vmem>>, vector<16xi32>,
      %get3A_660 = arith.index_cast %min3A_644 : i32 to index
      %get3A_661 = arith.constant 16 : index
      %get3A_662 = tpu.vector_load %arg6[%get3A_660, %get3A_661] {strides = array<i32>} : memref<158x128xi32, #tpu.memory_space<vmem>>, vector<16xi32>,
      %and3A_663 = arith.constant 65535 : i32
      %and3A_664 = vector.broadcast %and3A_663 : i32 to vector<16xi32>
      %and3A_665 = arith.andi %get3A_662, %and3A_664 : vector<16xi32>
      %swap3A_666 = arith.index_cast %min3A_644 : i32 to index
      %swap3A_667 = arith.constant 16 : index
      %swap3A_668 = tpu.vector_load %arg7[%swap3A_666, %swap3A_667] {strides = array<i32>} : memref<158x128xi32, #tpu.memory_space<vmem>>, vector<16xi32>,
      tpu.vector_store %arg7[%swap3A_666, %swap3A_667], %and3A_665 {strides = array<i32>} : memref<158x128xi32, #tpu.memory_space<vmem>>, vector<16xi32>,
      %shift_right_logical3A_669 = arith.constant 16 : i32
      %shift_right_logical3A_670 = vector.broadcast %shift_right_logical3A_669 : i32 to vector<16xi32>
      %shift_right_logical3A_671 = arith.shrui %get3A_662, %shift_right_logical3A_670 : vector<16xi32>
      %swap3A_672 = arith.index_cast %min3A_644 : i32 to index
      %swap3A_673 = arith.constant 16 : index
      %swap3A_674 = tpu.vector_load %arg8[%swap3A_672, %swap3A_673] {strides = array<i32>} : memref<158x128xi32, #tpu.memory_space<vmem>>, vector<16xi32>,
      tpu.vector_store %arg8[%swap3A_672, %swap3A_673], %shift_right_logical3A_671 {strides = array<i32>} : memref<158x128xi32, #tpu.memory_space<vmem>>, vector<16xi32>,
      %get3A_675 = arith.index_cast %min3A_644 : i32 to index
      %get3A_676 = arith.constant 32 : index
      %get3A_677 = tpu.vector_load %arg6[%get3A_675, %get3A_676] {strides = array<i32>} : memref<158x128xi32, #tpu.memory_space<vmem>>, vector<16xi32>,
      %and3A_678 = arith.constant 65535 : i32
      %and3A_679 = vector.broadcast %and3A_678 : i32 to vector<16xi32>
      %and3A_680 = arith.andi %get3A_677, %and3A_679 : vector<16xi32>
      %swap3A_681 = arith.index_cast %min3A_644 : i32 to index
      %swap3A_682 = arith.constant 32 : index
      %swap3A_683 = tpu.vector_load %arg7[%swap3A_681, %swap3A_682] {strides = array<i32>} : memref<158x128xi32, #tpu.memory_space<vmem>>, vector<16xi32>,
      tpu.vector_store %arg7[%swap3A_681, %swap3A_682], %and3A_680 {strides = array<i32>} : memref<158x128xi32, #tpu.memory_space<vmem>>, vector<16xi32>,
      %shift_right_logical3A_684 = arith.constant 16 : i32
      %shift_right_logical3A_685 = vector.broadcast %shift_right_logical3A_684 : i32 to vector<16xi32>
      %shift_right_logical3A_686 = arith.shrui %get3A_677, %shift_right_logical3A_685 : vector<16xi32>
      %swap3A_687 = arith.index_cast %min3A_644 : i32 to index
      %swap3A_688 = arith.constant 32 : index
      %swap3A_689 = tpu.vector_load %arg8[%swap3A_687, %swap3A_688] {strides = array<i32>} : memref<158x128xi32, #tpu.memory_space<vmem>>, vector<16xi32>,
      tpu.vector_store %arg8[%swap3A_687, %swap3A_688], %shift_right_logical3A_686 {strides = array<i32>} : memref<158x128xi32, #tpu.memory_space<vmem>>, vector<16xi32>,
      %get3A_690 = arith.index_cast %min3A_644 : i32 to index
      %get3A_691 = arith.constant 48 : index
      %get3A_692 = tpu.vector_load %arg6[%get3A_690, %get3A_691] {strides = array<i32>} : memref<158x128xi32, #tpu.memory_space<vmem>>, vector<16xi32>,
      %and3A_693 = arith.constant 65535 : i32
      %and3A_694 = vector.broadcast %and3A_693 : i32 to vector<16xi32>
      %and3A_695 = arith.andi %get3A_692, %and3A_694 : vector<16xi32>
      %swap3A_696 = arith.index_cast %min3A_644 : i32 to index
      %swap3A_697 = arith.constant 48 : index
      %swap3A_698 = tpu.vector_load %arg7[%swap3A_696, %swap3A_697] {strides = array<i32>} : memref<158x128xi32, #tpu.memory_space<vmem>>, vector<16xi32>,
      tpu.vector_store %arg7[%swap3A_696, %swap3A_697], %and3A_695 {strides = array<i32>} : memref<158x128xi32, #tpu.memory_space<vmem>>, vector<16xi32>,
      %shift_right_logical3A_699 = arith.constant 16 : i32
      %shift_right_logical3A_700 = vector.broadcast %shift_right_logical3A_699 : i32 to vector<16xi32>
      %shift_right_logical3A_701 = arith.shrui %get3A_692, %shift_right_logical3A_700 : vector<16xi32>
      %swap3A_702 = arith.index_cast %min3A_644 : i32 to index
      %swap3A_703 = arith.constant 48 : index
      %swap3A_704 = tpu.vector_load %arg8[%swap3A_702, %swap3A_703] {strides = array<i32>} : memref<158x128xi32, #tpu.memory_space<vmem>>, vector<16xi32>,
      tpu.vector_store %arg8[%swap3A_702, %swap3A_703], %shift_right_logical3A_701 {strides = array<i32>} : memref<158x128xi32, #tpu.memory_space<vmem>>, vector<16xi32>,
      %get3A_705 = arith.index_cast %min3A_644 : i32 to index
      %get3A_706 = arith.constant 64 : index
      %get3A_707 = tpu.vector_load %arg6[%get3A_705, %get3A_706] {strides = array<i32>} : memref<158x128xi32, #tpu.memory_space<vmem>>, vector<16xi32>,
      %and3A_708 = arith.constant 65535 : i32
      %and3A_709 = vector.broadcast %and3A_708 : i32 to vector<16xi32>
      %and3A_710 = arith.andi %get3A_707, %and3A_709 : vector<16xi32>
      %swap3A_711 = arith.index_cast %min3A_644 : i32 to index
      %swap3A_712 = arith.constant 64 : index
      %swap3A_713 = tpu.vector_load %arg7[%swap3A_711, %swap3A_712] {strides = array<i32>} : memref<158x128xi32, #tpu.memory_space<vmem>>, vector<16xi32>,
      tpu.vector_store %arg7[%swap3A_711, %swap3A_712], %and3A_710 {strides = array<i32>} : memref<158x128xi32, #tpu.memory_space<vmem>>, vector<16xi32>,
      %shift_right_logical3A_714 = arith.constant 16 : i32
      %shift_right_logical3A_715 = vector.broadcast %shift_right_logical3A_714 : i32 to vector<16xi32>
      %shift_right_logical3A_716 = arith.shrui %get3A_707, %shift_right_logical3A_715 : vector<16xi32>
      %swap3A_717 = arith.index_cast %min3A_644 : i32 to index
      %swap3A_718 = arith.constant 64 : index
      %swap3A_719 = tpu.vector_load %arg8[%swap3A_717, %swap3A_718] {strides = array<i32>} : memref<158x128xi32, #tpu.memory_space<vmem>>, vector<16xi32>,
      tpu.vector_store %arg8[%swap3A_717, %swap3A_718], %shift_right_logical3A_716 {strides = array<i32>} : memref<158x128xi32, #tpu.memory_space<vmem>>, vector<16xi32>,
      %get3A_720 = arith.index_cast %min3A_644 : i32 to index
      %get3A_721 = arith.constant 80 : index
      %get3A_722 = tpu.vector_load %arg6[%get3A_720, %get3A_721] {strides = array<i32>} : memref<158x128xi32, #tpu.memory_space<vmem>>, vector<16xi32>,
      %and3A_723 = arith.constant 65535 : i32
      %and3A_724 = vector.broadcast %and3A_723 : i32 to vector<16xi32>
      %and3A_725 = arith.andi %get3A_722, %and3A_724 : vector<16xi32>
      %swap3A_726 = arith.index_cast %min3A_644 : i32 to index
      %swap3A_727 = arith.constant 80 : index
      %swap3A_728 = tpu.vector_load %arg7[%swap3A_726, %swap3A_727] {strides = array<i32>} : memref<158x128xi32, #tpu.memory_space<vmem>>, vector<16xi32>,
      tpu.vector_store %arg7[%swap3A_726, %swap3A_727], %and3A_725 {strides = array<i32>} : memref<158x128xi32, #tpu.memory_space<vmem>>, vector<16xi32>,
      %shift_right_logical3A_729 = arith.constant 16 : i32
      %shift_right_logical3A_730 = vector.broadcast %shift_right_logical3A_729 : i32 to vector<16xi32>
      %shift_right_logical3A_731 = arith.shrui %get3A_722, %shift_right_logical3A_730 : vector<16xi32>
      %swap3A_732 = arith.index_cast %min3A_644 : i32 to index
      %swap3A_733 = arith.constant 80 : index
      %swap3A_734 = tpu.vector_load %arg8[%swap3A_732, %swap3A_733] {strides = array<i32>} : memref<158x128xi32, #tpu.memory_space<vmem>>, vector<16xi32>,
      tpu.vector_store %arg8[%swap3A_732, %swap3A_733], %shift_right_logical3A_731 {strides = array<i32>} : memref<158x128xi32, #tpu.memory_space<vmem>>, vector<16xi32>,
      %get3A_735 = arith.index_cast %min3A_644 : i32 to index
      %get3A_736 = arith.constant 96 : index
      %get3A_737 = tpu.vector_load %arg6[%get3A_735, %get3A_736] {strides = array<i32>} : memref<158x128xi32, #tpu.memory_space<vmem>>, vector<16xi32>,
      %and3A_738 = arith.constant 65535 : i32
      %and3A_739 = vector.broadcast %and3A_738 : i32 to vector<16xi32>
      %and3A_740 = arith.andi %get3A_737, %and3A_739 : vector<16xi32>
      %swap3A_741 = arith.index_cast %min3A_644 : i32 to index
      %swap3A_742 = arith.constant 96 : index
      %swap3A_743 = tpu.vector_load %arg7[%swap3A_741, %swap3A_742] {strides = array<i32>} : memref<158x128xi32, #tpu.memory_space<vmem>>, vector<16xi32>,
      tpu.vector_store %arg7[%swap3A_741, %swap3A_742], %and3A_740 {strides = array<i32>} : memref<158x128xi32, #tpu.memory_space<vmem>>, vector<16xi32>,
      %shift_right_logical3A_744 = arith.constant 16 : i32
      %shift_right_logical3A_745 = vector.broadcast %shift_right_logical3A_744 : i32 to vector<16xi32>
      %shift_right_logical3A_746 = arith.shrui %get3A_737, %shift_right_logical3A_745 : vector<16xi32>
      %swap3A_747 = arith.index_cast %min3A_644 : i32 to index
      %swap3A_748 = arith.constant 96 : index
      %swap3A_749 = tpu.vector_load %arg8[%swap3A_747, %swap3A_748] {strides = array<i32>} : memref<158x128xi32, #tpu.memory_space<vmem>>, vector<16xi32>,
      tpu.vector_store %arg8[%swap3A_747, %swap3A_748], %shift_right_logical3A_746 {strides = array<i32>} : memref<158x128xi32, #tpu.memory_space<vmem>>, vector<16xi32>,
      %get3A_750 = arith.index_cast %min3A_644 : i32 to index
      %get3A_751 = arith.constant 112 : index
      %get3A_752 = tpu.vector_load %arg6[%get3A_750, %get3A_751] {strides = array<i32>} : memref<158x128xi32, #tpu.memory_space<vmem>>, vector<16xi32>,
      %and3A_753 = arith.constant 65535 : i32
      %and3A_754 = vector.broadcast %and3A_753 : i32 to vector<16xi32>
      %and3A_755 = arith.andi %get3A_752, %and3A_754 : vector<16xi32>
      %swap3A_756 = arith.index_cast %min3A_644 : i32 to index
      %swap3A_757 = arith.constant 112 : index
      %swap3A_758 = tpu.vector_load %arg7[%swap3A_756, %swap3A_757] {strides = array<i32>} : memref<158x128xi32, #tpu.memory_space<vmem>>, vector<16xi32>,
      tpu.vector_store %arg7[%swap3A_756, %swap3A_757], %and3A_755 {strides = array<i32>} : memref<158x128xi32, #tpu.memory_space<vmem>>, vector<16xi32>,
      %shift_right_logical3A_759 = arith.constant 16 : i32
      %shift_right_logical3A_760 = vector.broadcast %shift_right_logical3A_759 : i32 to vector<16xi32>
      %shift_right_logical3A_761 = arith.shrui %get3A_752, %shift_right_logical3A_760 : vector<16xi32>
      %swap3A_762 = arith.index_cast %min3A_644 : i32 to index
      %swap3A_763 = arith.constant 112 : index
      %swap3A_764 = tpu.vector_load %arg8[%swap3A_762, %swap3A_763] {strides = array<i32>} : memref<158x128xi32, #tpu.memory_space<vmem>>, vector<16xi32>,
      tpu.vector_store %arg8[%swap3A_762, %swap3A_763], %shift_right_logical3A_761 {strides = array<i32>} : memref<158x128xi32, #tpu.memory_space<vmem>>, vector<16xi32>,
      %eq3A_765 = arith.constant 0 : i32
      %eq3A_766 = arith.cmpi eq, %arg0, %eq3A_765 : i32
      %convert_element_type3A_767 = arith.extui %eq3A_766 : i1 to i32
      %cond3A_768 = arith.constant 0 : i32
      %cond3A_769 = arith.cmpi ne, %convert_element_type3A_767, %cond3A_768 : i32
      scf.if %cond3A_769 {
        %get3A_924 = arith.index_cast %mul3A_633 : i32 to index
        %get3A_925 = arith.constant 0 : index
        %get3A_926 = tpu.vector_load %arg8[%get3A_924, %get3A_925] {strides = array<i32>} : memref<158x128xi32, #tpu.memory_space<vmem>>, vector<16xi32>,
        %shift_right_logical3A_927 = arith.constant 4 : i32
        %shift_right_logical3A_928 = vector.broadcast %shift_right_logical3A_927 : i32 to vector<16xi32>
        %shift_right_logical3A_929 = arith.shrui %get3A_926, %shift_right_logical3A_928 : vector<16xi32>
        %and3A_930 = arith.constant 15 : i32
        %and3A_931 = vector.broadcast %and3A_930 : i32 to vector<16xi32>
        %and3A_932 = arith.andi %get3A_926, %and3A_931 : vector<16xi32>
        %broadcast_in_dim3A_933 = arith.constant 1.000000e+00 : f32
        %broadcast_in_dim3A_934 = vector.broadcast %broadcast_in_dim3A_933 : f32 to vector<16xf32>
        tpu.vector_store_idx %arg13[%shift_right_logical3A_929, %and3A_932], %broadcast_in_dim3A_934 {add = true} : memref<640x16xf32, #tpu.memory_space<vmem>>[vector<16xi32>, vector<16xi32>], vector<16xf32>,
        %get3A_935 = arith.index_cast %mul3A_633 : i32 to index
        %get3A_936 = arith.constant 16 : index
        %get3A_937 = tpu.vector_load %arg8[%get3A_935, %get3A_936] {strides = array<i32>} : memref<158x128xi32, #tpu.memory_space<vmem>>, vector<16xi32>,
        %shift_right_logical3A_938 = arith.constant 4 : i32
        %shift_right_logical3A_939 = vector.broadcast %shift_right_logical3A_938 : i32 to vector<16xi32>
        %shift_right_logical3A_940 = arith.shrui %get3A_937, %shift_right_logical3A_939 : vector<16xi32>
        %and3A_941 = arith.constant 15 : i32
        %and3A_942 = vector.broadcast %and3A_941 : i32 to vector<16xi32>
        %and3A_943 = arith.andi %get3A_937, %and3A_942 : vector<16xi32>
        %broadcast_in_dim3A_944 = arith.constant 1.000000e+00 : f32
        %broadcast_in_dim3A_945 = vector.broadcast %broadcast_in_dim3A_944 : f32 to vector<16xf32>
        tpu.vector_store_idx %arg13[%shift_right_logical3A_940, %and3A_943], %broadcast_in_dim3A_945 {add = true} : memref<640x16xf32, #tpu.memory_space<vmem>>[vector<16xi32>, vector<16xi32>], vector<16xf32>,
        %get3A_946 = arith.index_cast %mul3A_633 : i32 to index
        %get3A_947 = arith.constant 32 : index
        %get3A_948 = tpu.vector_load %arg8[%get3A_946, %get3A_947] {strides = array<i32>} : memref<158x128xi32, #tpu.memory_space<vmem>>, vector<16xi32>,
        %shift_right_logical3A_949 = arith.constant 4 : i32
        %shift_right_logical3A_950 = vector.broadcast %shift_right_logical3A_949 : i32 to vector<16xi32>
        %shift_right_logical3A_951 = arith.shrui %get3A_948, %shift_right_logical3A_950 : vector<16xi32>
        %and3A_952 = arith.constant 15 : i32
        %and3A_953 = vector.broadcast %and3A_952 : i32 to vector<16xi32>
        %and3A_954 = arith.andi %get3A_948, %and3A_953 : vector<16xi32>
        %broadcast_in_dim3A_955 = arith.constant 1.000000e+00 : f32
        %broadcast_in_dim3A_956 = vector.broadcast %broadcast_in_dim3A_955 : f32 to vector<16xf32>
        tpu.vector_store_idx %arg13[%shift_right_logical3A_951, %and3A_954], %broadcast_in_dim3A_956 {add = true} : memref<640x16xf32, #tpu.memory_space<vmem>>[vector<16xi32>, vector<16xi32>], vector<16xf32>,
        %get3A_957 = arith.index_cast %mul3A_633 : i32 to index
        %get3A_958 = arith.constant 48 : index
        %get3A_959 = tpu.vector_load %arg8[%get3A_957, %get3A_958] {strides = array<i32>} : memref<158x128xi32, #tpu.memory_space<vmem>>, vector<16xi32>,
        %shift_right_logical3A_960 = arith.constant 4 : i32
        %shift_right_logical3A_961 = vector.broadcast %shift_right_logical3A_960 : i32 to vector<16xi32>
        %shift_right_logical3A_962 = arith.shrui %get3A_959, %shift_right_logical3A_961 : vector<16xi32>
        %and3A_963 = arith.constant 15 : i32
        %and3A_964 = vector.broadcast %and3A_963 : i32 to vector<16xi32>
        %and3A_965 = arith.andi %get3A_959, %and3A_964 : vector<16xi32>
        %broadcast_in_dim3A_966 = arith.constant 1.000000e+00 : f32
        %broadcast_in_dim3A_967 = vector.broadcast %broadcast_in_dim3A_966 : f32 to vector<16xf32>
        tpu.vector_store_idx %arg13[%shift_right_logical3A_962, %and3A_965], %broadcast_in_dim3A_967 {add = true} : memref<640x16xf32, #tpu.memory_space<vmem>>[vector<16xi32>, vector<16xi32>], vector<16xf32>,
        %get3A_968 = arith.index_cast %mul3A_633 : i32 to index
        %get3A_969 = arith.constant 64 : index
        %get3A_970 = tpu.vector_load %arg8[%get3A_968, %get3A_969] {strides = array<i32>} : memref<158x128xi32, #tpu.memory_space<vmem>>, vector<16xi32>,
        %shift_right_logical3A_971 = arith.constant 4 : i32
        %shift_right_logical3A_972 = vector.broadcast %shift_right_logical3A_971 : i32 to vector<16xi32>
        %shift_right_logical3A_973 = arith.shrui %get3A_970, %shift_right_logical3A_972 : vector<16xi32>
        %and3A_974 = arith.constant 15 : i32
        %and3A_975 = vector.broadcast %and3A_974 : i32 to vector<16xi32>
        %and3A_976 = arith.andi %get3A_970, %and3A_975 : vector<16xi32>
        %broadcast_in_dim3A_977 = arith.constant 1.000000e+00 : f32
        %broadcast_in_dim3A_978 = vector.broadcast %broadcast_in_dim3A_977 : f32 to vector<16xf32>
        tpu.vector_store_idx %arg13[%shift_right_logical3A_973, %and3A_976], %broadcast_in_dim3A_978 {add = true} : memref<640x16xf32, #tpu.memory_space<vmem>>[vector<16xi32>, vector<16xi32>], vector<16xf32>,
        %get3A_979 = arith.index_cast %mul3A_633 : i32 to index
        %get3A_980 = arith.constant 80 : index
        %get3A_981 = tpu.vector_load %arg8[%get3A_979, %get3A_980] {strides = array<i32>} : memref<158x128xi32, #tpu.memory_space<vmem>>, vector<16xi32>,
        %shift_right_logical3A_982 = arith.constant 4 : i32
        %shift_right_logical3A_983 = vector.broadcast %shift_right_logical3A_982 : i32 to vector<16xi32>
        %shift_right_logical3A_984 = arith.shrui %get3A_981, %shift_right_logical3A_983 : vector<16xi32>
        %and3A_985 = arith.constant 15 : i32
        %and3A_986 = vector.broadcast %and3A_985 : i32 to vector<16xi32>
        %and3A_987 = arith.andi %get3A_981, %and3A_986 : vector<16xi32>
        %broadcast_in_dim3A_988 = arith.constant 1.000000e+00 : f32
        %broadcast_in_dim3A_989 = vector.broadcast %broadcast_in_dim3A_988 : f32 to vector<16xf32>
        tpu.vector_store_idx %arg13[%shift_right_logical3A_984, %and3A_987], %broadcast_in_dim3A_989 {add = true} : memref<640x16xf32, #tpu.memory_space<vmem>>[vector<16xi32>, vector<16xi32>], vector<16xf32>,
        %get3A_990 = arith.index_cast %mul3A_633 : i32 to index
        %get3A_991 = arith.constant 96 : index
        %get3A_992 = tpu.vector_load %arg8[%get3A_990, %get3A_991] {strides = array<i32>} : memref<158x128xi32, #tpu.memory_space<vmem>>, vector<16xi32>,
        %shift_right_logical3A_993 = arith.constant 4 : i32
        %shift_right_logical3A_994 = vector.broadcast %shift_right_logical3A_993 : i32 to vector<16xi32>
        %shift_right_logical3A_995 = arith.shrui %get3A_992, %shift_right_logical3A_994 : vector<16xi32>
        %and3A_996 = arith.constant 15 : i32
        %and3A_997 = vector.broadcast %and3A_996 : i32 to vector<16xi32>
        %and3A_998 = arith.andi %get3A_992, %and3A_997 : vector<16xi32>
        %broadcast_in_dim3A_999 = arith.constant 1.000000e+00 : f32
        %broadcast_in_dim3A_1000 = vector.broadcast %broadcast_in_dim3A_999 : f32 to vector<16xf32>
        tpu.vector_store_idx %arg13[%shift_right_logical3A_995, %and3A_998], %broadcast_in_dim3A_1000 {add = true} : memref<640x16xf32, #tpu.memory_space<vmem>>[vector<16xi32>, vector<16xi32>], vector<16xf32>,
        %get3A_1001 = arith.index_cast %mul3A_633 : i32 to index
        %get3A_1002 = arith.constant 112 : index
        %get3A_1003 = tpu.vector_load %arg8[%get3A_1001, %get3A_1002] {strides = array<i32>} : memref<158x128xi32, #tpu.memory_space<vmem>>, vector<16xi32>,
        %shift_right_logical3A_1004 = arith.constant 4 : i32
        %shift_right_logical3A_1005 = vector.broadcast %shift_right_logical3A_1004 : i32 to vector<16xi32>
        %shift_right_logical3A_1006 = arith.shrui %get3A_1003, %shift_right_logical3A_1005 : vector<16xi32>
        %and3A_1007 = arith.constant 15 : i32
        %and3A_1008 = vector.broadcast %and3A_1007 : i32 to vector<16xi32>
        %and3A_1009 = arith.andi %get3A_1003, %and3A_1008 : vector<16xi32>
        %broadcast_in_dim3A_1010 = arith.constant 1.000000e+00 : f32
        %broadcast_in_dim3A_1011 = vector.broadcast %broadcast_in_dim3A_1010 : f32 to vector<16xf32>
        tpu.vector_store_idx %arg13[%shift_right_logical3A_1006, %and3A_1009], %broadcast_in_dim3A_1011 {add = true} : memref<640x16xf32, #tpu.memory_space<vmem>>[vector<16xi32>, vector<16xi32>], vector<16xf32>,
      } else {
      }
      %dma_wait3A = arith.constant 0 : i32
      %dma_wait3A_770 = arith.constant 0 : i32
      %dma_wait3A_771 = arith.constant 0 : i32
      %dma_wait3A_772 = tpu.memref_slice %arg2[%dma_wait3A, %dma_wait3A_770, %dma_wait3A_771] : memref<2x10000x32xf32, #tpu.memory_space<hbm>> -> memref<1x128x32xf32, #tpu.memory_space<hbm>>
      %dma_wait3A_773 = tpu.memref_squeeze %dma_wait3A_772 : memref<1x128x32xf32, #tpu.memory_space<hbm>> -> memref<128x32xf32, #tpu.memory_space<hbm>>
      %dma_wait3A_774 = arith.constant 0 : i32
      %dma_wait3A_775 = arith.constant 0 : i32
      %dma_wait3A_776 = tpu.memref_slice %arg2[%dma_wait3A, %dma_wait3A_774, %dma_wait3A_775] : memref<2x10000x32xf32, #tpu.memory_space<hbm>> -> memref<1x128x32xf32, #tpu.memory_space<hbm>>
      %dma_wait3A_777 = tpu.memref_squeeze %dma_wait3A_776 : memref<1x128x32xf32, #tpu.memory_space<hbm>> -> memref<128x32xf32, #tpu.memory_space<hbm>>
      tpu.wait_dma2 semaphore(%arg16 : memref<!tpu.dma_semaphore, #tpu.memory_space<semaphore_mem>>) src(%dma_wait3A_777 : memref<128x32xf32, #tpu.memory_space<hbm>>) dst(%arg9 : memref<128x32xf32, #tpu.memory_space<vmem>>)
      "tpu.region"() ({
        %run_scoped3A = tpu.sem_alloc : memref<!tpu.dma_semaphore, #tpu.memory_space<semaphore_mem>>
        %dma_start3A_924 = arith.constant 0 : i32
        %dma_start3A_925 = tpu.memref_slice %arg8[%mul3A_633, %dma_start3A_924] : memref<158x128xi32, #tpu.memory_space<vmem>> -> memref<1x128xi32, #tpu.memory_space<vmem>>
        %dma_start3A_926 = tpu.memref_squeeze %dma_start3A_925 : memref<1x128xi32, #tpu.memory_space<vmem>> -> memref<128xi32, #tpu.memory_space<vmem>>
        %dma_start3A_927 = arith.constant 0 : i32
        %dma_start3A_928 = arith.constant 0 : i32
        %dma_start3A_929 = tpu.memref_slice %arg11[%dma_start3A_927, %dma_start3A_928] : memref<10008x32xf32, #tpu.memory_space<vmem_shared>> -> memref<10008x32xf32, #tpu.memory_space<vmem_shared>>
        tpu.enqueue_indirect_dma source(%arg9 : memref<128x32xf32, #tpu.memory_space<vmem>>) target(%dma_start3A_929 : memref<10008x32xf32, #tpu.memory_space<vmem_shared>>) offsets(%dma_start3A_926 : memref<128xi32, #tpu.memory_space<vmem>>) semaphore(%run_scoped3A : memref<!tpu.dma_semaphore, #tpu.memory_space<semaphore_mem>>) {add = true}
        %dma_wait3A_930 = arith.constant 0 : i32
        %dma_wait3A_931 = tpu.memref_slice %arg8[%mul3A_633, %dma_wait3A_930] : memref<158x128xi32, #tpu.memory_space<vmem>> -> memref<1x128xi32, #tpu.memory_space<vmem>>
        %dma_wait3A_932 = tpu.memref_squeeze %dma_wait3A_931 : memref<1x128xi32, #tpu.memory_space<vmem>> -> memref<128xi32, #tpu.memory_space<vmem>>
        %dma_wait3A_933 = arith.constant 0 : i32
        %dma_wait3A_934 = arith.constant 0 : i32
        %dma_wait3A_935 = tpu.memref_slice %arg11[%dma_wait3A_933, %dma_wait3A_934] : memref<10008x32xf32, #tpu.memory_space<vmem_shared>> -> memref<10008x32xf32, #tpu.memory_space<vmem_shared>>
        tpu.wait_indirect_dma semaphore(%run_scoped3A : memref<!tpu.dma_semaphore, #tpu.memory_space<semaphore_mem>>) src(%arg9 : memref<128x32xf32, #tpu.memory_space<vmem>>) dst(%dma_wait3A_935 : memref<10008x32xf32, #tpu.memory_space<vmem_shared>>)
        tpu.yield
      }) : () -> ()
      %lt3A = arith.constant 78 : i32
      %lt3A_778 = arith.cmpi slt, %scan3A_631, %lt3A : i32
      %convert_element_type3A_779 = arith.extui %lt3A_778 : i1 to i32
      %cond3A_780 = arith.constant 0 : i32
      %cond3A_781 = arith.cmpi ne, %convert_element_type3A_779, %cond3A_780 : i32
      scf.if %cond3A_781 {
        %add3A_924 = arith.constant 2 : i32
        %add3A_925 = arith.addi %mul3A_633, %add3A_924 : i32
        %dma_start3A_926 = arith.constant 0 : i32
        %dma_start3A_927 = tpu.memref_slice %arg7[%add3A_925, %dma_start3A_926] : memref<158x128xi32, #tpu.memory_space<vmem>> -> memref<1x128xi32, #tpu.memory_space<vmem>>
        %dma_start3A_928 = tpu.memref_squeeze %dma_start3A_927 : memref<1x128xi32, #tpu.memory_space<vmem>> -> memref<128xi32, #tpu.memory_space<vmem>>
        %dma_start3A_929 = arith.constant 0 : i32
        %dma_start3A_930 = arith.constant 0 : i32
        %dma_start3A_931 = tpu.memref_slice %arg12[%dma_start3A_929, %dma_start3A_930] : memref<10000x32xf32, #tpu.memory_space<vmem_shared>> -> memref<10000x32xf32, #tpu.memory_space<vmem_shared>>
        tpu.enqueue_indirect_dma source(%dma_start3A_931 : memref<10000x32xf32, #tpu.memory_space<vmem_shared>>) target(%arg9 : memref<128x32xf32, #tpu.memory_space<vmem>>) offsets(%dma_start3A_928 : memref<128xi32, #tpu.memory_space<vmem>>) semaphore(%arg16 : memref<!tpu.dma_semaphore, #tpu.memory_space<semaphore_mem>>)
      } else {
      }
      %add3A_782 = arith.constant 4 : i32
      %add3A_783 = arith.addi %mul3A_633, %add3A_782 : i32
      %min3A_784 = arith.constant 157 : i32
      %min3A_785 = arith.minsi %add3A_783, %min3A_784 : i32
      %get3A_786 = arith.index_cast %min3A_785 : i32 to index
      %get3A_787 = arith.constant 0 : index
      %get3A_788 = tpu.vector_load %arg6[%get3A_786, %get3A_787] {strides = array<i32>} : memref<158x128xi32, #tpu.memory_space<vmem>>, vector<16xi32>,
      %and3A_789 = arith.constant 65535 : i32
      %and3A_790 = vector.broadcast %and3A_789 : i32 to vector<16xi32>
      %and3A_791 = arith.andi %get3A_788, %and3A_790 : vector<16xi32>
      %swap3A_792 = arith.index_cast %min3A_785 : i32 to index
      %swap3A_793 = arith.constant 0 : index
      %swap3A_794 = tpu.vector_load %arg7[%swap3A_792, %swap3A_793] {strides = array<i32>} : memref<158x128xi32, #tpu.memory_space<vmem>>, vector<16xi32>,
      tpu.vector_store %arg7[%swap3A_792, %swap3A_793], %and3A_791 {strides = array<i32>} : memref<158x128xi32, #tpu.memory_space<vmem>>, vector<16xi32>,
      %shift_right_logical3A_795 = arith.constant 16 : i32
      %shift_right_logical3A_796 = vector.broadcast %shift_right_logical3A_795 : i32 to vector<16xi32>
      %shift_right_logical3A_797 = arith.shrui %get3A_788, %shift_right_logical3A_796 : vector<16xi32>
      %swap3A_798 = arith.index_cast %min3A_785 : i32 to index
      %swap3A_799 = arith.constant 0 : index
      %swap3A_800 = tpu.vector_load %arg8[%swap3A_798, %swap3A_799] {strides = array<i32>} : memref<158x128xi32, #tpu.memory_space<vmem>>, vector<16xi32>,
      tpu.vector_store %arg8[%swap3A_798, %swap3A_799], %shift_right_logical3A_797 {strides = array<i32>} : memref<158x128xi32, #tpu.memory_space<vmem>>, vector<16xi32>,
      %get3A_801 = arith.index_cast %min3A_785 : i32 to index
      %get3A_802 = arith.constant 16 : index
      %get3A_803 = tpu.vector_load %arg6[%get3A_801, %get3A_802] {strides = array<i32>} : memref<158x128xi32, #tpu.memory_space<vmem>>, vector<16xi32>,
      %and3A_804 = arith.constant 65535 : i32
      %and3A_805 = vector.broadcast %and3A_804 : i32 to vector<16xi32>
      %and3A_806 = arith.andi %get3A_803, %and3A_805 : vector<16xi32>
      %swap3A_807 = arith.index_cast %min3A_785 : i32 to index
      %swap3A_808 = arith.constant 16 : index
      %swap3A_809 = tpu.vector_load %arg7[%swap3A_807, %swap3A_808] {strides = array<i32>} : memref<158x128xi32, #tpu.memory_space<vmem>>, vector<16xi32>,
      tpu.vector_store %arg7[%swap3A_807, %swap3A_808], %and3A_806 {strides = array<i32>} : memref<158x128xi32, #tpu.memory_space<vmem>>, vector<16xi32>,
      %shift_right_logical3A_810 = arith.constant 16 : i32
      %shift_right_logical3A_811 = vector.broadcast %shift_right_logical3A_810 : i32 to vector<16xi32>
      %shift_right_logical3A_812 = arith.shrui %get3A_803, %shift_right_logical3A_811 : vector<16xi32>
      %swap3A_813 = arith.index_cast %min3A_785 : i32 to index
      %swap3A_814 = arith.constant 16 : index
      %swap3A_815 = tpu.vector_load %arg8[%swap3A_813, %swap3A_814] {strides = array<i32>} : memref<158x128xi32, #tpu.memory_space<vmem>>, vector<16xi32>,
      tpu.vector_store %arg8[%swap3A_813, %swap3A_814], %shift_right_logical3A_812 {strides = array<i32>} : memref<158x128xi32, #tpu.memory_space<vmem>>, vector<16xi32>,
      %get3A_816 = arith.index_cast %min3A_785 : i32 to index
      %get3A_817 = arith.constant 32 : index
      %get3A_818 = tpu.vector_load %arg6[%get3A_816, %get3A_817] {strides = array<i32>} : memref<158x128xi32, #tpu.memory_space<vmem>>, vector<16xi32>,
      %and3A_819 = arith.constant 65535 : i32
      %and3A_820 = vector.broadcast %and3A_819 : i32 to vector<16xi32>
      %and3A_821 = arith.andi %get3A_818, %and3A_820 : vector<16xi32>
      %swap3A_822 = arith.index_cast %min3A_785 : i32 to index
      %swap3A_823 = arith.constant 32 : index
      %swap3A_824 = tpu.vector_load %arg7[%swap3A_822, %swap3A_823] {strides = array<i32>} : memref<158x128xi32, #tpu.memory_space<vmem>>, vector<16xi32>,
      tpu.vector_store %arg7[%swap3A_822, %swap3A_823], %and3A_821 {strides = array<i32>} : memref<158x128xi32, #tpu.memory_space<vmem>>, vector<16xi32>,
      %shift_right_logical3A_825 = arith.constant 16 : i32
      %shift_right_logical3A_826 = vector.broadcast %shift_right_logical3A_825 : i32 to vector<16xi32>
      %shift_right_logical3A_827 = arith.shrui %get3A_818, %shift_right_logical3A_826 : vector<16xi32>
      %swap3A_828 = arith.index_cast %min3A_785 : i32 to index
      %swap3A_829 = arith.constant 32 : index
      %swap3A_830 = tpu.vector_load %arg8[%swap3A_828, %swap3A_829] {strides = array<i32>} : memref<158x128xi32, #tpu.memory_space<vmem>>, vector<16xi32>,
      tpu.vector_store %arg8[%swap3A_828, %swap3A_829], %shift_right_logical3A_827 {strides = array<i32>} : memref<158x128xi32, #tpu.memory_space<vmem>>, vector<16xi32>,
      %get3A_831 = arith.index_cast %min3A_785 : i32 to index
      %get3A_832 = arith.constant 48 : index
      %get3A_833 = tpu.vector_load %arg6[%get3A_831, %get3A_832] {strides = array<i32>} : memref<158x128xi32, #tpu.memory_space<vmem>>, vector<16xi32>,
      %and3A_834 = arith.constant 65535 : i32
      %and3A_835 = vector.broadcast %and3A_834 : i32 to vector<16xi32>
      %and3A_836 = arith.andi %get3A_833, %and3A_835 : vector<16xi32>
      %swap3A_837 = arith.index_cast %min3A_785 : i32 to index
      %swap3A_838 = arith.constant 48 : index
      %swap3A_839 = tpu.vector_load %arg7[%swap3A_837, %swap3A_838] {strides = array<i32>} : memref<158x128xi32, #tpu.memory_space<vmem>>, vector<16xi32>,
      tpu.vector_store %arg7[%swap3A_837, %swap3A_838], %and3A_836 {strides = array<i32>} : memref<158x128xi32, #tpu.memory_space<vmem>>, vector<16xi32>,
      %shift_right_logical3A_840 = arith.constant 16 : i32
      %shift_right_logical3A_841 = vector.broadcast %shift_right_logical3A_840 : i32 to vector<16xi32>
      %shift_right_logical3A_842 = arith.shrui %get3A_833, %shift_right_logical3A_841 : vector<16xi32>
      %swap3A_843 = arith.index_cast %min3A_785 : i32 to index
      %swap3A_844 = arith.constant 48 : index
      %swap3A_845 = tpu.vector_load %arg8[%swap3A_843, %swap3A_844] {strides = array<i32>} : memref<158x128xi32, #tpu.memory_space<vmem>>, vector<16xi32>,
      tpu.vector_store %arg8[%swap3A_843, %swap3A_844], %shift_right_logical3A_842 {strides = array<i32>} : memref<158x128xi32, #tpu.memory_space<vmem>>, vector<16xi32>,
      %get3A_846 = arith.index_cast %min3A_785 : i32 to index
      %get3A_847 = arith.constant 64 : index
      %get3A_848 = tpu.vector_load %arg6[%get3A_846, %get3A_847] {strides = array<i32>} : memref<158x128xi32, #tpu.memory_space<vmem>>, vector<16xi32>,
      %and3A_849 = arith.constant 65535 : i32
      %and3A_850 = vector.broadcast %and3A_849 : i32 to vector<16xi32>
      %and3A_851 = arith.andi %get3A_848, %and3A_850 : vector<16xi32>
      %swap3A_852 = arith.index_cast %min3A_785 : i32 to index
      %swap3A_853 = arith.constant 64 : index
      %swap3A_854 = tpu.vector_load %arg7[%swap3A_852, %swap3A_853] {strides = array<i32>} : memref<158x128xi32, #tpu.memory_space<vmem>>, vector<16xi32>,
      tpu.vector_store %arg7[%swap3A_852, %swap3A_853], %and3A_851 {strides = array<i32>} : memref<158x128xi32, #tpu.memory_space<vmem>>, vector<16xi32>,
      %shift_right_logical3A_855 = arith.constant 16 : i32
      %shift_right_logical3A_856 = vector.broadcast %shift_right_logical3A_855 : i32 to vector<16xi32>
      %shift_right_logical3A_857 = arith.shrui %get3A_848, %shift_right_logical3A_856 : vector<16xi32>
      %swap3A_858 = arith.index_cast %min3A_785 : i32 to index
      %swap3A_859 = arith.constant 64 : index
      %swap3A_860 = tpu.vector_load %arg8[%swap3A_858, %swap3A_859] {strides = array<i32>} : memref<158x128xi32, #tpu.memory_space<vmem>>, vector<16xi32>,
      tpu.vector_store %arg8[%swap3A_858, %swap3A_859], %shift_right_logical3A_857 {strides = array<i32>} : memref<158x128xi32, #tpu.memory_space<vmem>>, vector<16xi32>,
      %get3A_861 = arith.index_cast %min3A_785 : i32 to index
      %get3A_862 = arith.constant 80 : index
      %get3A_863 = tpu.vector_load %arg6[%get3A_861, %get3A_862] {strides = array<i32>} : memref<158x128xi32, #tpu.memory_space<vmem>>, vector<16xi32>,
      %and3A_864 = arith.constant 65535 : i32
      %and3A_865 = vector.broadcast %and3A_864 : i32 to vector<16xi32>
      %and3A_866 = arith.andi %get3A_863, %and3A_865 : vector<16xi32>
      %swap3A_867 = arith.index_cast %min3A_785 : i32 to index
      %swap3A_868 = arith.constant 80 : index
      %swap3A_869 = tpu.vector_load %arg7[%swap3A_867, %swap3A_868] {strides = array<i32>} : memref<158x128xi32, #tpu.memory_space<vmem>>, vector<16xi32>,
      tpu.vector_store %arg7[%swap3A_867, %swap3A_868], %and3A_866 {strides = array<i32>} : memref<158x128xi32, #tpu.memory_space<vmem>>, vector<16xi32>,
      %shift_right_logical3A_870 = arith.constant 16 : i32
      %shift_right_logical3A_871 = vector.broadcast %shift_right_logical3A_870 : i32 to vector<16xi32>
      %shift_right_logical3A_872 = arith.shrui %get3A_863, %shift_right_logical3A_871 : vector<16xi32>
      %swap3A_873 = arith.index_cast %min3A_785 : i32 to index
      %swap3A_874 = arith.constant 80 : index
      %swap3A_875 = tpu.vector_load %arg8[%swap3A_873, %swap3A_874] {strides = array<i32>} : memref<158x128xi32, #tpu.memory_space<vmem>>, vector<16xi32>,
      tpu.vector_store %arg8[%swap3A_873, %swap3A_874], %shift_right_logical3A_872 {strides = array<i32>} : memref<158x128xi32, #tpu.memory_space<vmem>>, vector<16xi32>,
      %get3A_876 = arith.index_cast %min3A_785 : i32 to index
      %get3A_877 = arith.constant 96 : index
      %get3A_878 = tpu.vector_load %arg6[%get3A_876, %get3A_877] {strides = array<i32>} : memref<158x128xi32, #tpu.memory_space<vmem>>, vector<16xi32>,
      %and3A_879 = arith.constant 65535 : i32
      %and3A_880 = vector.broadcast %and3A_879 : i32 to vector<16xi32>
      %and3A_881 = arith.andi %get3A_878, %and3A_880 : vector<16xi32>
      %swap3A_882 = arith.index_cast %min3A_785 : i32 to index
      %swap3A_883 = arith.constant 96 : index
      %swap3A_884 = tpu.vector_load %arg7[%swap3A_882, %swap3A_883] {strides = array<i32>} : memref<158x128xi32, #tpu.memory_space<vmem>>, vector<16xi32>,
      tpu.vector_store %arg7[%swap3A_882, %swap3A_883], %and3A_881 {strides = array<i32>} : memref<158x128xi32, #tpu.memory_space<vmem>>, vector<16xi32>,
      %shift_right_logical3A_885 = arith.constant 16 : i32
      %shift_right_logical3A_886 = vector.broadcast %shift_right_logical3A_885 : i32 to vector<16xi32>
      %shift_right_logical3A_887 = arith.shrui %get3A_878, %shift_right_logical3A_886 : vector<16xi32>
      %swap3A_888 = arith.index_cast %min3A_785 : i32 to index
      %swap3A_889 = arith.constant 96 : index
      %swap3A_890 = tpu.vector_load %arg8[%swap3A_888, %swap3A_889] {strides = array<i32>} : memref<158x128xi32, #tpu.memory_space<vmem>>, vector<16xi32>,
      tpu.vector_store %arg8[%swap3A_888, %swap3A_889], %shift_right_logical3A_887 {strides = array<i32>} : memref<158x128xi32, #tpu.memory_space<vmem>>, vector<16xi32>,
      %get3A_891 = arith.index_cast %min3A_785 : i32 to index
      %get3A_892 = arith.constant 112 : index
      %get3A_893 = tpu.vector_load %arg6[%get3A_891, %get3A_892] {strides = array<i32>} : memref<158x128xi32, #tpu.memory_space<vmem>>, vector<16xi32>,
      %and3A_894 = arith.constant 65535 : i32
      %and3A_895 = vector.broadcast %and3A_894 : i32 to vector<16xi32>
      %and3A_896 = arith.andi %get3A_893, %and3A_895 : vector<16xi32>
      %swap3A_897 = arith.index_cast %min3A_785 : i32 to index
      %swap3A_898 = arith.constant 112 : index
      %swap3A_899 = tpu.vector_load %arg7[%swap3A_897, %swap3A_898] {strides = array<i32>} : memref<158x128xi32, #tpu.memory_space<vmem>>, vector<16xi32>,
      tpu.vector_store %arg7[%swap3A_897, %swap3A_898], %and3A_896 {strides = array<i32>} : memref<158x128xi32, #tpu.memory_space<vmem>>, vector<16xi32>,
      %shift_right_logical3A_900 = arith.constant 16 : i32
      %shift_right_logical3A_901 = vector.broadcast %shift_right_logical3A_900 : i32 to vector<16xi32>
      %shift_right_logical3A_902 = arith.shrui %get3A_893, %shift_right_logical3A_901 : vector<16xi32>
      %swap3A_903 = arith.index_cast %min3A_785 : i32 to index
      %swap3A_904 = arith.constant 112 : index
      %swap3A_905 = tpu.vector_load %arg8[%swap3A_903, %swap3A_904] {strides = array<i32>} : memref<158x128xi32, #tpu.memory_space<vmem>>, vector<16xi32>,
      tpu.vector_store %arg8[%swap3A_903, %swap3A_904], %shift_right_logical3A_902 {strides = array<i32>} : memref<158x128xi32, #tpu.memory_space<vmem>>, vector<16xi32>,
      %add3A_906 = arith.constant 1 : i32
      %add3A_907 = arith.addi %mul3A_633, %add3A_906 : i32
      %eq3A_908 = arith.constant 0 : i32
      %eq3A_909 = arith.cmpi eq, %arg0, %eq3A_908 : i32
      %convert_element_type3A_910 = arith.extui %eq3A_909 : i1 to i32
      %cond3A_911 = arith.constant 0 : i32
      %cond3A_912 = arith.cmpi ne, %convert_element_type3A_910, %cond3A_911 : i32
      scf.if %cond3A_912 {
        %get3A_924 = arith.index_cast %add3A_907 : i32 to index
        %get3A_925 = arith.constant 0 : index
        %get3A_926 = tpu.vector_load %arg8[%get3A_924, %get3A_925] {strides = array<i32>} : memref<158x128xi32, #tpu.memory_space<vmem>>, vector<16xi32>,
        %shift_right_logical3A_927 = arith.constant 4 : i32
        %shift_right_logical3A_928 = vector.broadcast %shift_right_logical3A_927 : i32 to vector<16xi32>
        %shift_right_logical3A_929 = arith.shrui %get3A_926, %shift_right_logical3A_928 : vector<16xi32>
        %and3A_930 = arith.constant 15 : i32
        %and3A_931 = vector.broadcast %and3A_930 : i32 to vector<16xi32>
        %and3A_932 = arith.andi %get3A_926, %and3A_931 : vector<16xi32>
        %broadcast_in_dim3A_933 = arith.constant 1.000000e+00 : f32
        %broadcast_in_dim3A_934 = vector.broadcast %broadcast_in_dim3A_933 : f32 to vector<16xf32>
        tpu.vector_store_idx %arg13[%shift_right_logical3A_929, %and3A_932], %broadcast_in_dim3A_934 {add = true} : memref<640x16xf32, #tpu.memory_space<vmem>>[vector<16xi32>, vector<16xi32>], vector<16xf32>,
        %get3A_935 = arith.index_cast %add3A_907 : i32 to index
        %get3A_936 = arith.constant 16 : index
        %get3A_937 = tpu.vector_load %arg8[%get3A_935, %get3A_936] {strides = array<i32>} : memref<158x128xi32, #tpu.memory_space<vmem>>, vector<16xi32>,
        %shift_right_logical3A_938 = arith.constant 4 : i32
        %shift_right_logical3A_939 = vector.broadcast %shift_right_logical3A_938 : i32 to vector<16xi32>
        %shift_right_logical3A_940 = arith.shrui %get3A_937, %shift_right_logical3A_939 : vector<16xi32>
        %and3A_941 = arith.constant 15 : i32
        %and3A_942 = vector.broadcast %and3A_941 : i32 to vector<16xi32>
        %and3A_943 = arith.andi %get3A_937, %and3A_942 : vector<16xi32>
        %broadcast_in_dim3A_944 = arith.constant 1.000000e+00 : f32
        %broadcast_in_dim3A_945 = vector.broadcast %broadcast_in_dim3A_944 : f32 to vector<16xf32>
        tpu.vector_store_idx %arg13[%shift_right_logical3A_940, %and3A_943], %broadcast_in_dim3A_945 {add = true} : memref<640x16xf32, #tpu.memory_space<vmem>>[vector<16xi32>, vector<16xi32>], vector<16xf32>,
        %get3A_946 = arith.index_cast %add3A_907 : i32 to index
        %get3A_947 = arith.constant 32 : index
        %get3A_948 = tpu.vector_load %arg8[%get3A_946, %get3A_947] {strides = array<i32>} : memref<158x128xi32, #tpu.memory_space<vmem>>, vector<16xi32>,
        %shift_right_logical3A_949 = arith.constant 4 : i32
        %shift_right_logical3A_950 = vector.broadcast %shift_right_logical3A_949 : i32 to vector<16xi32>
        %shift_right_logical3A_951 = arith.shrui %get3A_948, %shift_right_logical3A_950 : vector<16xi32>
        %and3A_952 = arith.constant 15 : i32
        %and3A_953 = vector.broadcast %and3A_952 : i32 to vector<16xi32>
        %and3A_954 = arith.andi %get3A_948, %and3A_953 : vector<16xi32>
        %broadcast_in_dim3A_955 = arith.constant 1.000000e+00 : f32
        %broadcast_in_dim3A_956 = vector.broadcast %broadcast_in_dim3A_955 : f32 to vector<16xf32>
        tpu.vector_store_idx %arg13[%shift_right_logical3A_951, %and3A_954], %broadcast_in_dim3A_956 {add = true} : memref<640x16xf32, #tpu.memory_space<vmem>>[vector<16xi32>, vector<16xi32>], vector<16xf32>,
        %get3A_957 = arith.index_cast %add3A_907 : i32 to index
        %get3A_958 = arith.constant 48 : index
        %get3A_959 = tpu.vector_load %arg8[%get3A_957, %get3A_958] {strides = array<i32>} : memref<158x128xi32, #tpu.memory_space<vmem>>, vector<16xi32>,
        %shift_right_logical3A_960 = arith.constant 4 : i32
        %shift_right_logical3A_961 = vector.broadcast %shift_right_logical3A_960 : i32 to vector<16xi32>
        %shift_right_logical3A_962 = arith.shrui %get3A_959, %shift_right_logical3A_961 : vector<16xi32>
        %and3A_963 = arith.constant 15 : i32
        %and3A_964 = vector.broadcast %and3A_963 : i32 to vector<16xi32>
        %and3A_965 = arith.andi %get3A_959, %and3A_964 : vector<16xi32>
        %broadcast_in_dim3A_966 = arith.constant 1.000000e+00 : f32
        %broadcast_in_dim3A_967 = vector.broadcast %broadcast_in_dim3A_966 : f32 to vector<16xf32>
        tpu.vector_store_idx %arg13[%shift_right_logical3A_962, %and3A_965], %broadcast_in_dim3A_967 {add = true} : memref<640x16xf32, #tpu.memory_space<vmem>>[vector<16xi32>, vector<16xi32>], vector<16xf32>,
        %get3A_968 = arith.index_cast %add3A_907 : i32 to index
        %get3A_969 = arith.constant 64 : index
        %get3A_970 = tpu.vector_load %arg8[%get3A_968, %get3A_969] {strides = array<i32>} : memref<158x128xi32, #tpu.memory_space<vmem>>, vector<16xi32>,
        %shift_right_logical3A_971 = arith.constant 4 : i32
        %shift_right_logical3A_972 = vector.broadcast %shift_right_logical3A_971 : i32 to vector<16xi32>
        %shift_right_logical3A_973 = arith.shrui %get3A_970, %shift_right_logical3A_972 : vector<16xi32>
        %and3A_974 = arith.constant 15 : i32
        %and3A_975 = vector.broadcast %and3A_974 : i32 to vector<16xi32>
        %and3A_976 = arith.andi %get3A_970, %and3A_975 : vector<16xi32>
        %broadcast_in_dim3A_977 = arith.constant 1.000000e+00 : f32
        %broadcast_in_dim3A_978 = vector.broadcast %broadcast_in_dim3A_977 : f32 to vector<16xf32>
        tpu.vector_store_idx %arg13[%shift_right_logical3A_973, %and3A_976], %broadcast_in_dim3A_978 {add = true} : memref<640x16xf32, #tpu.memory_space<vmem>>[vector<16xi32>, vector<16xi32>], vector<16xf32>,
        %get3A_979 = arith.index_cast %add3A_907 : i32 to index
        %get3A_980 = arith.constant 80 : index
        %get3A_981 = tpu.vector_load %arg8[%get3A_979, %get3A_980] {strides = array<i32>} : memref<158x128xi32, #tpu.memory_space<vmem>>, vector<16xi32>,
        %shift_right_logical3A_982 = arith.constant 4 : i32
        %shift_right_logical3A_983 = vector.broadcast %shift_right_logical3A_982 : i32 to vector<16xi32>
        %shift_right_logical3A_984 = arith.shrui %get3A_981, %shift_right_logical3A_983 : vector<16xi32>
        %and3A_985 = arith.constant 15 : i32
        %and3A_986 = vector.broadcast %and3A_985 : i32 to vector<16xi32>
        %and3A_987 = arith.andi %get3A_981, %and3A_986 : vector<16xi32>
        %broadcast_in_dim3A_988 = arith.constant 1.000000e+00 : f32
        %broadcast_in_dim3A_989 = vector.broadcast %broadcast_in_dim3A_988 : f32 to vector<16xf32>
        tpu.vector_store_idx %arg13[%shift_right_logical3A_984, %and3A_987], %broadcast_in_dim3A_989 {add = true} : memref<640x16xf32, #tpu.memory_space<vmem>>[vector<16xi32>, vector<16xi32>], vector<16xf32>,
        %get3A_990 = arith.index_cast %add3A_907 : i32 to index
        %get3A_991 = arith.constant 96 : index
        %get3A_992 = tpu.vector_load %arg8[%get3A_990, %get3A_991] {strides = array<i32>} : memref<158x128xi32, #tpu.memory_space<vmem>>, vector<16xi32>,
        %shift_right_logical3A_993 = arith.constant 4 : i32
        %shift_right_logical3A_994 = vector.broadcast %shift_right_logical3A_993 : i32 to vector<16xi32>
        %shift_right_logical3A_995 = arith.shrui %get3A_992, %shift_right_logical3A_994 : vector<16xi32>
        %and3A_996 = arith.constant 15 : i32
        %and3A_997 = vector.broadcast %and3A_996 : i32 to vector<16xi32>
        %and3A_998 = arith.andi %get3A_992, %and3A_997 : vector<16xi32>
        %broadcast_in_dim3A_999 = arith.constant 1.000000e+00 : f32
        %broadcast_in_dim3A_1000 = vector.broadcast %broadcast_in_dim3A_999 : f32 to vector<16xf32>
        tpu.vector_store_idx %arg13[%shift_right_logical3A_995, %and3A_998], %broadcast_in_dim3A_1000 {add = true} : memref<640x16xf32, #tpu.memory_space<vmem>>[vector<16xi32>, vector<16xi32>], vector<16xf32>,
        %get3A_1001 = arith.index_cast %add3A_907 : i32 to index
        %get3A_1002 = arith.constant 112 : index
        %get3A_1003 = tpu.vector_load %arg8[%get3A_1001, %get3A_1002] {strides = array<i32>} : memref<158x128xi32, #tpu.memory_space<vmem>>, vector<16xi32>,
        %shift_right_logical3A_1004 = arith.constant 4 : i32
        %shift_right_logical3A_1005 = vector.broadcast %shift_right_logical3A_1004 : i32 to vector<16xi32>
        %shift_right_logical3A_1006 = arith.shrui %get3A_1003, %shift_right_logical3A_1005 : vector<16xi32>
        %and3A_1007 = arith.constant 15 : i32
        %and3A_1008 = vector.broadcast %and3A_1007 : i32 to vector<16xi32>
        %and3A_1009 = arith.andi %get3A_1003, %and3A_1008 : vector<16xi32>
        %broadcast_in_dim3A_1010 = arith.constant 1.000000e+00 : f32
        %broadcast_in_dim3A_1011 = vector.broadcast %broadcast_in_dim3A_1010 : f32 to vector<16xf32>
        tpu.vector_store_idx %arg13[%shift_right_logical3A_1006, %and3A_1009], %broadcast_in_dim3A_1011 {add = true} : memref<640x16xf32, #tpu.memory_space<vmem>>[vector<16xi32>, vector<16xi32>], vector<16xf32>,
      } else {
      }
      %dma_wait3A_913 = arith.constant 0 : i32
      %dma_wait3A_914 = arith.constant 0 : i32
      %dma_wait3A_915 = arith.constant 0 : i32
      %dma_wait3A_916 = tpu.memref_slice %arg2[%dma_wait3A_913, %dma_wait3A_914, %dma_wait3A_915] : memref<2x10000x32xf32, #tpu.memory_space<hbm>> -> memref<1x128x32xf32, #tpu.memory_space<hbm>>
      %dma_wait3A_917 = tpu.memref_squeeze %dma_wait3A_916 : memref<1x128x32xf32, #tpu.memory_space<hbm>> -> memref<128x32xf32, #tpu.memory_space<hbm>>
      %dma_wait3A_918 = arith.constant 0 : i32
      %dma_wait3A_919 = arith.constant 0 : i32
      %dma_wait3A_920 = tpu.memref_slice %arg2[%dma_wait3A_913, %dma_wait3A_918, %dma_wait3A_919] : memref<2x10000x32xf32, #tpu.memory_space<hbm>> -> memref<1x128x32xf32, #tpu.memory_space<hbm>>
      %dma_wait3A_921 = tpu.memref_squeeze %dma_wait3A_920 : memref<1x128x32xf32, #tpu.memory_space<hbm>> -> memref<128x32xf32, #tpu.memory_space<hbm>>
      tpu.wait_dma2 semaphore(%arg17 : memref<!tpu.dma_semaphore, #tpu.memory_space<semaphore_mem>>) src(%dma_wait3A_921 : memref<128x32xf32, #tpu.memory_space<hbm>>) dst(%arg10 : memref<128x32xf32, #tpu.memory_space<vmem>>)
      %add3A_922 = arith.constant 1 : i32
      %add3A_923 = arith.addi %mul3A_633, %add3A_922 : i32
      "tpu.region"() ({
        %run_scoped3A = tpu.sem_alloc : memref<!tpu.dma_semaphore, #tpu.memory_space<semaphore_mem>>
        %dma_start3A_924 = arith.constant 0 : i32
        %dma_start3A_925 = tpu.memref_slice %arg8[%add3A_923, %dma_start3A_924] : memref<158x128xi32, #tpu.memory_space<vmem>> -> memref<1x128xi32, #tpu.memory_space<vmem>>
        %dma_start3A_926 = tpu.memref_squeeze %dma_start3A_925 : memref<1x128xi32, #tpu.memory_space<vmem>> -> memref<128xi32, #tpu.memory_space<vmem>>
        %dma_start3A_927 = arith.constant 0 : i32
        %dma_start3A_928 = arith.constant 0 : i32
        %dma_start3A_929 = tpu.memref_slice %arg11[%dma_start3A_927, %dma_start3A_928] : memref<10008x32xf32, #tpu.memory_space<vmem_shared>> -> memref<10008x32xf32, #tpu.memory_space<vmem_shared>>
        tpu.enqueue_indirect_dma source(%arg10 : memref<128x32xf32, #tpu.memory_space<vmem>>) target(%dma_start3A_929 : memref<10008x32xf32, #tpu.memory_space<vmem_shared>>) offsets(%dma_start3A_926 : memref<128xi32, #tpu.memory_space<vmem>>) semaphore(%run_scoped3A : memref<!tpu.dma_semaphore, #tpu.memory_space<semaphore_mem>>) {add = true}
        %dma_wait3A_930 = arith.constant 0 : i32
        %dma_wait3A_931 = tpu.memref_slice %arg8[%add3A_923, %dma_wait3A_930] : memref<158x128xi32, #tpu.memory_space<vmem>> -> memref<1x128xi32, #tpu.memory_space<vmem>>
        %dma_wait3A_932 = tpu.memref_squeeze %dma_wait3A_931 : memref<1x128xi32, #tpu.memory_space<vmem>> -> memref<128xi32, #tpu.memory_space<vmem>>
        %dma_wait3A_933 = arith.constant 0 : i32
        %dma_wait3A_934 = arith.constant 0 : i32
        %dma_wait3A_935 = tpu.memref_slice %arg11[%dma_wait3A_933, %dma_wait3A_934] : memref<10008x32xf32, #tpu.memory_space<vmem_shared>> -> memref<10008x32xf32, #tpu.memory_space<vmem_shared>>
        tpu.wait_indirect_dma semaphore(%run_scoped3A : memref<!tpu.dma_semaphore, #tpu.memory_space<semaphore_mem>>) src(%arg10 : memref<128x32xf32, #tpu.memory_space<vmem>>) dst(%dma_wait3A_935 : memref<10008x32xf32, #tpu.memory_space<vmem_shared>>)
        tpu.yield
      }) : () -> ()
    }
    %scan3A_616 = arith.constant 79 : i32
    %eq3A_617 = arith.constant 0 : i32
    %eq3A_618 = arith.cmpi eq, %arg0, %eq3A_617 : i32
    %convert_element_type3A_619 = arith.extui %eq3A_618 : i1 to i32
    %cond3A_620 = arith.constant 0 : i32
    %cond3A_621 = arith.cmpi ne, %convert_element_type3A_619, %cond3A_620 : i32
    scf.if %cond3A_621 {
      %run_scoped3A = arith.constant 0 : i32
      "tpu.region"() ({
        %run_scoped3A_635 = tpu.sem_alloc : memref<!tpu.dma_semaphore, #tpu.memory_space<semaphore_mem>>
        %dma_start3A_636 = arith.constant 0 : i32
        %dma_start3A_637 = arith.constant 0 : i32
        %dma_start3A_638 = tpu.memref_slice %arg13[%dma_start3A_636, %dma_start3A_637] : memref<640x16xf32, #tpu.memory_space<vmem>> -> memref<128x16xf32, #tpu.memory_space<vmem>>
        %dma_start3A_639 = arith.constant 0 : i32
        %dma_start3A_640 = tpu.memref_slice %arg14[%run_scoped3A, %dma_start3A_639] : memref<5x128xi32, #tpu.memory_space<vmem>> -> memref<1x128xi32, #tpu.memory_space<vmem>>
        %dma_start3A_641 = tpu.memref_squeeze %dma_start3A_640 : memref<1x128xi32, #tpu.memory_space<vmem>> -> memref<128xi32, #tpu.memory_space<vmem>>
        %dma_start3A_642 = arith.constant 0 : i32
        %dma_start3A_643 = arith.constant 0 : i32
        %dma_start3A_644 = tpu.memref_slice %arg15[%dma_start3A_642, %dma_start3A_643] : memref<640x16xf32, #tpu.memory_space<vmem_shared>> -> memref<640x16xf32, #tpu.memory_space<vmem_shared>>
        tpu.enqueue_indirect_dma source(%dma_start3A_638 : memref<128x16xf32, #tpu.memory_space<vmem>>) target(%dma_start3A_644 : memref<640x16xf32, #tpu.memory_space<vmem_shared>>) offsets(%dma_start3A_641 : memref<128xi32, #tpu.memory_space<vmem>>) semaphore(%run_scoped3A_635 : memref<!tpu.dma_semaphore, #tpu.memory_space<semaphore_mem>>) {add = true}
        %dma_wait3A = arith.constant 0 : i32
        %dma_wait3A_645 = arith.constant 0 : i32
        %dma_wait3A_646 = tpu.memref_slice %arg13[%dma_wait3A, %dma_wait3A_645] : memref<640x16xf32, #tpu.memory_space<vmem>> -> memref<128x16xf32, #tpu.memory_space<vmem>>
        %dma_wait3A_647 = arith.constant 0 : i32
        %dma_wait3A_648 = tpu.memref_slice %arg14[%run_scoped3A, %dma_wait3A_647] : memref<5x128xi32, #tpu.memory_space<vmem>> -> memref<1x128xi32, #tpu.memory_space<vmem>>
        %dma_wait3A_649 = tpu.memref_squeeze %dma_wait3A_648 : memref<1x128xi32, #tpu.memory_space<vmem>> -> memref<128xi32, #tpu.memory_space<vmem>>
        %dma_wait3A_650 = arith.constant 0 : i32
        %dma_wait3A_651 = arith.constant 0 : i32
        %dma_wait3A_652 = tpu.memref_slice %arg15[%dma_wait3A_650, %dma_wait3A_651] : memref<640x16xf32, #tpu.memory_space<vmem_shared>> -> memref<640x16xf32, #tpu.memory_space<vmem_shared>>
        tpu.wait_indirect_dma semaphore(%run_scoped3A_635 : memref<!tpu.dma_semaphore, #tpu.memory_space<semaphore_mem>>) src(%dma_wait3A_646 : memref<128x16xf32, #tpu.memory_space<vmem>>) dst(%dma_wait3A_652 : memref<640x16xf32, #tpu.memory_space<vmem_shared>>)
        tpu.yield
      }) : () -> ()
      %run_scoped3A_631 = arith.constant 1 : i32
      "tpu.region"() ({
        %run_scoped3A_635 = tpu.sem_alloc : memref<!tpu.dma_semaphore, #tpu.memory_space<semaphore_mem>>
        %dma_start3A_636 = arith.constant 128 : i32
        %dma_start3A_637 = arith.constant 0 : i32
        %dma_start3A_638 = tpu.memref_slice %arg13[%dma_start3A_636, %dma_start3A_637] : memref<640x16xf32, #tpu.memory_space<vmem>> -> memref<128x16xf32, #tpu.memory_space<vmem>>
        %dma_start3A_639 = arith.constant 0 : i32
        %dma_start3A_640 = tpu.memref_slice %arg14[%run_scoped3A_631, %dma_start3A_639] : memref<5x128xi32, #tpu.memory_space<vmem>> -> memref<1x128xi32, #tpu.memory_space<vmem>>
        %dma_start3A_641 = tpu.memref_squeeze %dma_start3A_640 : memref<1x128xi32, #tpu.memory_space<vmem>> -> memref<128xi32, #tpu.memory_space<vmem>>
        %dma_start3A_642 = arith.constant 0 : i32
        %dma_start3A_643 = arith.constant 0 : i32
        %dma_start3A_644 = tpu.memref_slice %arg15[%dma_start3A_642, %dma_start3A_643] : memref<640x16xf32, #tpu.memory_space<vmem_shared>> -> memref<640x16xf32, #tpu.memory_space<vmem_shared>>
        tpu.enqueue_indirect_dma source(%dma_start3A_638 : memref<128x16xf32, #tpu.memory_space<vmem>>) target(%dma_start3A_644 : memref<640x16xf32, #tpu.memory_space<vmem_shared>>) offsets(%dma_start3A_641 : memref<128xi32, #tpu.memory_space<vmem>>) semaphore(%run_scoped3A_635 : memref<!tpu.dma_semaphore, #tpu.memory_space<semaphore_mem>>) {add = true}
        %dma_wait3A = arith.constant 128 : i32
        %dma_wait3A_645 = arith.constant 0 : i32
        %dma_wait3A_646 = tpu.memref_slice %arg13[%dma_wait3A, %dma_wait3A_645] : memref<640x16xf32, #tpu.memory_space<vmem>> -> memref<128x16xf32, #tpu.memory_space<vmem>>
        %dma_wait3A_647 = arith.constant 0 : i32
        %dma_wait3A_648 = tpu.memref_slice %arg14[%run_scoped3A_631, %dma_wait3A_647] : memref<5x128xi32, #tpu.memory_space<vmem>> -> memref<1x128xi32, #tpu.memory_space<vmem>>
        %dma_wait3A_649 = tpu.memref_squeeze %dma_wait3A_648 : memref<1x128xi32, #tpu.memory_space<vmem>> -> memref<128xi32, #tpu.memory_space<vmem>>
        %dma_wait3A_650 = arith.constant 0 : i32
        %dma_wait3A_651 = arith.constant 0 : i32
        %dma_wait3A_652 = tpu.memref_slice %arg15[%dma_wait3A_650, %dma_wait3A_651] : memref<640x16xf32, #tpu.memory_space<vmem_shared>> -> memref<640x16xf32, #tpu.memory_space<vmem_shared>>
        tpu.wait_indirect_dma semaphore(%run_scoped3A_635 : memref<!tpu.dma_semaphore, #tpu.memory_space<semaphore_mem>>) src(%dma_wait3A_646 : memref<128x16xf32, #tpu.memory_space<vmem>>) dst(%dma_wait3A_652 : memref<640x16xf32, #tpu.memory_space<vmem_shared>>)
        tpu.yield
      }) : () -> ()
      %run_scoped3A_632 = arith.constant 2 : i32
      "tpu.region"() ({
        %run_scoped3A_635 = tpu.sem_alloc : memref<!tpu.dma_semaphore, #tpu.memory_space<semaphore_mem>>
        %dma_start3A_636 = arith.constant 256 : i32
        %dma_start3A_637 = arith.constant 0 : i32
        %dma_start3A_638 = tpu.memref_slice %arg13[%dma_start3A_636, %dma_start3A_637] : memref<640x16xf32, #tpu.memory_space<vmem>> -> memref<128x16xf32, #tpu.memory_space<vmem>>
        %dma_start3A_639 = arith.constant 0 : i32
        %dma_start3A_640 = tpu.memref_slice %arg14[%run_scoped3A_632, %dma_start3A_639] : memref<5x128xi32, #tpu.memory_space<vmem>> -> memref<1x128xi32, #tpu.memory_space<vmem>>
        %dma_start3A_641 = tpu.memref_squeeze %dma_start3A_640 : memref<1x128xi32, #tpu.memory_space<vmem>> -> memref<128xi32, #tpu.memory_space<vmem>>
        %dma_start3A_642 = arith.constant 0 : i32
        %dma_start3A_643 = arith.constant 0 : i32
        %dma_start3A_644 = tpu.memref_slice %arg15[%dma_start3A_642, %dma_start3A_643] : memref<640x16xf32, #tpu.memory_space<vmem_shared>> -> memref<640x16xf32, #tpu.memory_space<vmem_shared>>
        tpu.enqueue_indirect_dma source(%dma_start3A_638 : memref<128x16xf32, #tpu.memory_space<vmem>>) target(%dma_start3A_644 : memref<640x16xf32, #tpu.memory_space<vmem_shared>>) offsets(%dma_start3A_641 : memref<128xi32, #tpu.memory_space<vmem>>) semaphore(%run_scoped3A_635 : memref<!tpu.dma_semaphore, #tpu.memory_space<semaphore_mem>>) {add = true}
        %dma_wait3A = arith.constant 256 : i32
        %dma_wait3A_645 = arith.constant 0 : i32
        %dma_wait3A_646 = tpu.memref_slice %arg13[%dma_wait3A, %dma_wait3A_645] : memref<640x16xf32, #tpu.memory_space<vmem>> -> memref<128x16xf32, #tpu.memory_space<vmem>>
        %dma_wait3A_647 = arith.constant 0 : i32
        %dma_wait3A_648 = tpu.memref_slice %arg14[%run_scoped3A_632, %dma_wait3A_647] : memref<5x128xi32, #tpu.memory_space<vmem>> -> memref<1x128xi32, #tpu.memory_space<vmem>>
        %dma_wait3A_649 = tpu.memref_squeeze %dma_wait3A_648 : memref<1x128xi32, #tpu.memory_space<vmem>> -> memref<128xi32, #tpu.memory_space<vmem>>
        %dma_wait3A_650 = arith.constant 0 : i32
        %dma_wait3A_651 = arith.constant 0 : i32
        %dma_wait3A_652 = tpu.memref_slice %arg15[%dma_wait3A_650, %dma_wait3A_651] : memref<640x16xf32, #tpu.memory_space<vmem_shared>> -> memref<640x16xf32, #tpu.memory_space<vmem_shared>>
        tpu.wait_indirect_dma semaphore(%run_scoped3A_635 : memref<!tpu.dma_semaphore, #tpu.memory_space<semaphore_mem>>) src(%dma_wait3A_646 : memref<128x16xf32, #tpu.memory_space<vmem>>) dst(%dma_wait3A_652 : memref<640x16xf32, #tpu.memory_space<vmem_shared>>)
        tpu.yield
      }) : () -> ()
      %run_scoped3A_633 = arith.constant 3 : i32
      "tpu.region"() ({
        %run_scoped3A_635 = tpu.sem_alloc : memref<!tpu.dma_semaphore, #tpu.memory_space<semaphore_mem>>
        %dma_start3A_636 = arith.constant 384 : i32
        %dma_start3A_637 = arith.constant 0 : i32
        %dma_start3A_638 = tpu.memref_slice %arg13[%dma_start3A_636, %dma_start3A_637] : memref<640x16xf32, #tpu.memory_space<vmem>> -> memref<128x16xf32, #tpu.memory_space<vmem>>
        %dma_start3A_639 = arith.constant 0 : i32
        %dma_start3A_640 = tpu.memref_slice %arg14[%run_scoped3A_633, %dma_start3A_639] : memref<5x128xi32, #tpu.memory_space<vmem>> -> memref<1x128xi32, #tpu.memory_space<vmem>>
        %dma_start3A_641 = tpu.memref_squeeze %dma_start3A_640 : memref<1x128xi32, #tpu.memory_space<vmem>> -> memref<128xi32, #tpu.memory_space<vmem>>
        %dma_start3A_642 = arith.constant 0 : i32
        %dma_start3A_643 = arith.constant 0 : i32
        %dma_start3A_644 = tpu.memref_slice %arg15[%dma_start3A_642, %dma_start3A_643] : memref<640x16xf32, #tpu.memory_space<vmem_shared>> -> memref<640x16xf32, #tpu.memory_space<vmem_shared>>
        tpu.enqueue_indirect_dma source(%dma_start3A_638 : memref<128x16xf32, #tpu.memory_space<vmem>>) target(%dma_start3A_644 : memref<640x16xf32, #tpu.memory_space<vmem_shared>>) offsets(%dma_start3A_641 : memref<128xi32, #tpu.memory_space<vmem>>) semaphore(%run_scoped3A_635 : memref<!tpu.dma_semaphore, #tpu.memory_space<semaphore_mem>>) {add = true}
        %dma_wait3A = arith.constant 384 : i32
        %dma_wait3A_645 = arith.constant 0 : i32
        %dma_wait3A_646 = tpu.memref_slice %arg13[%dma_wait3A, %dma_wait3A_645] : memref<640x16xf32, #tpu.memory_space<vmem>> -> memref<128x16xf32, #tpu.memory_space<vmem>>
        %dma_wait3A_647 = arith.constant 0 : i32
        %dma_wait3A_648 = tpu.memref_slice %arg14[%run_scoped3A_633, %dma_wait3A_647] : memref<5x128xi32, #tpu.memory_space<vmem>> -> memref<1x128xi32, #tpu.memory_space<vmem>>
        %dma_wait3A_649 = tpu.memref_squeeze %dma_wait3A_648 : memref<1x128xi32, #tpu.memory_space<vmem>> -> memref<128xi32, #tpu.memory_space<vmem>>
        %dma_wait3A_650 = arith.constant 0 : i32
        %dma_wait3A_651 = arith.constant 0 : i32
        %dma_wait3A_652 = tpu.memref_slice %arg15[%dma_wait3A_650, %dma_wait3A_651] : memref<640x16xf32, #tpu.memory_space<vmem_shared>> -> memref<640x16xf32, #tpu.memory_space<vmem_shared>>
        tpu.wait_indirect_dma semaphore(%run_scoped3A_635 : memref<!tpu.dma_semaphore, #tpu.memory_space<semaphore_mem>>) src(%dma_wait3A_646 : memref<128x16xf32, #tpu.memory_space<vmem>>) dst(%dma_wait3A_652 : memref<640x16xf32, #tpu.memory_space<vmem_shared>>)
        tpu.yield
      }) : () -> ()
      %run_scoped3A_634 = arith.constant 4 : i32
      "tpu.region"() ({
        %run_scoped3A_635 = tpu.sem_alloc : memref<!tpu.dma_semaphore, #tpu.memory_space<semaphore_mem>>
        %dma_start3A_636 = arith.constant 512 : i32
        %dma_start3A_637 = arith.constant 0 : i32
        %dma_start3A_638 = tpu.memref_slice %arg13[%dma_start3A_636, %dma_start3A_637] : memref<640x16xf32, #tpu.memory_space<vmem>> -> memref<128x16xf32, #tpu.memory_space<vmem>>
        %dma_start3A_639 = arith.constant 0 : i32
        %dma_start3A_640 = tpu.memref_slice %arg14[%run_scoped3A_634, %dma_start3A_639] : memref<5x128xi32, #tpu.memory_space<vmem>> -> memref<1x128xi32, #tpu.memory_space<vmem>>
        %dma_start3A_641 = tpu.memref_squeeze %dma_start3A_640 : memref<1x128xi32, #tpu.memory_space<vmem>> -> memref<128xi32, #tpu.memory_space<vmem>>
        %dma_start3A_642 = arith.constant 0 : i32
        %dma_start3A_643 = arith.constant 0 : i32
        %dma_start3A_644 = tpu.memref_slice %arg15[%dma_start3A_642, %dma_start3A_643] : memref<640x16xf32, #tpu.memory_space<vmem_shared>> -> memref<640x16xf32, #tpu.memory_space<vmem_shared>>
        tpu.enqueue_indirect_dma source(%dma_start3A_638 : memref<128x16xf32, #tpu.memory_space<vmem>>) target(%dma_start3A_644 : memref<640x16xf32, #tpu.memory_space<vmem_shared>>) offsets(%dma_start3A_641 : memref<128xi32, #tpu.memory_space<vmem>>) semaphore(%run_scoped3A_635 : memref<!tpu.dma_semaphore, #tpu.memory_space<semaphore_mem>>) {add = true}
        %dma_wait3A = arith.constant 512 : i32
        %dma_wait3A_645 = arith.constant 0 : i32
        %dma_wait3A_646 = tpu.memref_slice %arg13[%dma_wait3A, %dma_wait3A_645] : memref<640x16xf32, #tpu.memory_space<vmem>> -> memref<128x16xf32, #tpu.memory_space<vmem>>
        %dma_wait3A_647 = arith.constant 0 : i32
        %dma_wait3A_648 = tpu.memref_slice %arg14[%run_scoped3A_634, %dma_wait3A_647] : memref<5x128xi32, #tpu.memory_space<vmem>> -> memref<1x128xi32, #tpu.memory_space<vmem>>
        %dma_wait3A_649 = tpu.memref_squeeze %dma_wait3A_648 : memref<1x128xi32, #tpu.memory_space<vmem>> -> memref<128xi32, #tpu.memory_space<vmem>>
        %dma_wait3A_650 = arith.constant 0 : i32
        %dma_wait3A_651 = arith.constant 0 : i32
        %dma_wait3A_652 = tpu.memref_slice %arg15[%dma_wait3A_650, %dma_wait3A_651] : memref<640x16xf32, #tpu.memory_space<vmem_shared>> -> memref<640x16xf32, #tpu.memory_space<vmem_shared>>
        tpu.wait_indirect_dma semaphore(%run_scoped3A_635 : memref<!tpu.dma_semaphore, #tpu.memory_space<semaphore_mem>>) src(%dma_wait3A_646 : memref<128x16xf32, #tpu.memory_space<vmem>>) dst(%dma_wait3A_652 : memref<640x16xf32, #tpu.memory_space<vmem_shared>>)
        tpu.yield
      }) : () -> ()
    } else {
    }
    %barrier3A_622 = arith.constant 0 : index
    tpu.barrier barrier_id(%barrier3A_622)
    "tpu.region"() ({
      %run_scoped3A = tpu.sem_alloc : memref<!tpu.dma_semaphore, #tpu.memory_space<semaphore_mem>>
      %dma_start3A_631 = arith.constant 0 : i32
      %dma_start3A_632 = arith.constant 0 : i32
      %dma_start3A_633 = tpu.memref_slice %arg4[%arg0, %arg1, %dma_start3A_631, %dma_start3A_632] : memref<2x16x625x32xf32, #tpu.memory_space<hbm>> -> memref<1x1x625x32xf32, #tpu.memory_space<hbm>>
      %dma_start3A_634 = tpu.memref_squeeze %dma_start3A_633 : memref<1x1x625x32xf32, #tpu.memory_space<hbm>> -> memref<625x32xf32, #tpu.memory_space<hbm>>
      %dma_start3A_635 = arith.constant 0 : i32
      %dma_start3A_636 = tpu.memref_slice %arg11[%mul3A_0, %dma_start3A_635] : memref<10008x32xf32, #tpu.memory_space<vmem_shared>> -> memref<625x32xf32, #tpu.memory_space<vmem_shared>>
      tpu.enqueue_dma source(%dma_start3A_636 : memref<625x32xf32, #tpu.memory_space<vmem_shared>>) target(%dma_start3A_634 : memref<625x32xf32, #tpu.memory_space<hbm>>) target_semaphore(%run_scoped3A : memref<!tpu.dma_semaphore, #tpu.memory_space<semaphore_mem>>)
      %dma_wait3A = arith.constant 0 : i32
      %dma_wait3A_637 = arith.constant 0 : i32
      %dma_wait3A_638 = tpu.memref_slice %arg4[%arg0, %arg1, %dma_wait3A, %dma_wait3A_637] : memref<2x16x625x32xf32, #tpu.memory_space<hbm>> -> memref<1x1x625x32xf32, #tpu.memory_space<hbm>>
      %dma_wait3A_639 = tpu.memref_squeeze %dma_wait3A_638 : memref<1x1x625x32xf32, #tpu.memory_space<hbm>> -> memref<625x32xf32, #tpu.memory_space<hbm>>
      %dma_wait3A_640 = arith.constant 0 : i32
      %dma_wait3A_641 = tpu.memref_slice %arg11[%mul3A_0, %dma_wait3A_640] : memref<10008x32xf32, #tpu.memory_space<vmem_shared>> -> memref<625x32xf32, #tpu.memory_space<vmem_shared>>
      tpu.wait_dma2 semaphore(%run_scoped3A : memref<!tpu.dma_semaphore, #tpu.memory_space<semaphore_mem>>) src(%dma_wait3A_641 : memref<625x32xf32, #tpu.memory_space<vmem_shared>>) dst(%dma_wait3A_639 : memref<625x32xf32, #tpu.memory_space<hbm>>)
      tpu.yield
    }) : () -> ()
    %eq3A_623 = arith.constant 0 : i32
    %eq3A_624 = arith.cmpi eq, %arg1, %eq3A_623 : i32
    %eq3A_625 = arith.constant 0 : i32
    %eq3A_626 = arith.cmpi eq, %arg0, %eq3A_625 : i32
    %and3A_627 = arith.andi %eq3A_624, %eq3A_626 : i1
    %convert_element_type3A_628 = arith.extui %and3A_627 : i1 to i32
    %cond3A_629 = arith.constant 0 : i32
    %cond3A_630 = arith.cmpi ne, %convert_element_type3A_628, %cond3A_629 : i32
    scf.if %cond3A_630 {
      %run_scoped3A = arith.constant 0 : i32
      "tpu.region"() ({
        %run_scoped3A_631 = tpu.sem_alloc : memref<!tpu.dma_semaphore, #tpu.memory_space<semaphore_mem>>
        %dma_start3A_632 = arith.constant 0 : i32
        %dma_start3A_633 = arith.constant 0 : i32
        %dma_start3A_634 = tpu.memref_slice %arg5[%run_scoped3A, %dma_start3A_632, %dma_start3A_633] : memref<2x640x16xf32, #tpu.memory_space<hbm>> -> memref<1x640x16xf32, #tpu.memory_space<hbm>>
        %dma_start3A_635 = tpu.memref_squeeze %dma_start3A_634 : memref<1x640x16xf32, #tpu.memory_space<hbm>> -> memref<640x16xf32, #tpu.memory_space<hbm>>
        tpu.enqueue_dma source(%arg15 : memref<640x16xf32, #tpu.memory_space<vmem_shared>>) target(%dma_start3A_635 : memref<640x16xf32, #tpu.memory_space<hbm>>) target_semaphore(%run_scoped3A_631 : memref<!tpu.dma_semaphore, #tpu.memory_space<semaphore_mem>>)
        %dma_wait3A = arith.constant 0 : i32
        %dma_wait3A_636 = arith.constant 0 : i32
        %dma_wait3A_637 = tpu.memref_slice %arg5[%run_scoped3A, %dma_wait3A, %dma_wait3A_636] : memref<2x640x16xf32, #tpu.memory_space<hbm>> -> memref<1x640x16xf32, #tpu.memory_space<hbm>>
        %dma_wait3A_638 = tpu.memref_squeeze %dma_wait3A_637 : memref<1x640x16xf32, #tpu.memory_space<hbm>> -> memref<640x16xf32, #tpu.memory_space<hbm>>
        tpu.wait_dma2 semaphore(%run_scoped3A_631 : memref<!tpu.dma_semaphore, #tpu.memory_space<semaphore_mem>>) src(%arg15 : memref<640x16xf32, #tpu.memory_space<vmem_shared>>) dst(%dma_wait3A_638 : memref<640x16xf32, #tpu.memory_space<hbm>>)
        tpu.yield
      }) : () -> ()
    } else {
    }
    return
  }
}

#map = affine_map<(d0, d1) -> (0, 0)>
#map1 = affine_map<(d0, d1) -> (0, 0, 0)>
#map2 = affine_map<(d0, d1) -> (0, 0, 0, 0)>
module attributes {stable_mosaic.version = 14 : i64} {
  func.func @sc_agg(%arg0: i32, %arg1: i32, %arg2: memref<10000x32xf32, #tpu.memory_space<hbm>>, %arg3: memref<32x80x128xi32, #tpu.memory_space<hbm>>, %arg4: memref<2x16x625x32xf32, #tpu.memory_space<hbm>>, %arg5: memref<80x128xi32, #tpu.memory_space<vmem>>, %arg6: memref<80x128xi32, #tpu.memory_space<vmem>>, %arg7: memref<80x128xi32, #tpu.memory_space<vmem>>, %arg8: memref<128x32xf32, #tpu.memory_space<vmem>>, %arg9: memref<128x32xf32, #tpu.memory_space<vmem>>, %arg10: memref<10008x32xf32, #tpu.memory_space<vmem_shared>>, %arg11: memref<10000x32xf32, #tpu.memory_space<vmem_shared>>, %arg12: memref<!tpu.dma_semaphore, #tpu.memory_space<semaphore_mem>>, %arg13: memref<!tpu.dma_semaphore, #tpu.memory_space<semaphore_mem>>) attributes {dimension_semantics = [#tpu.dimension_semantics<core_parallel>, #tpu.dimension_semantics<subcore_parallel>], iteration_bounds = array<i64: 2, 16>, scalar_prefetch = 0 : i64, scratch_operands = 9 : i64, tpu.core_type = #tpu.core_type<sc_vector_subcore>, window_params = [{transform_indices = #map}, {transform_indices = #map1}, {transform_indices = #map2}]} {
    %mul3A = arith.constant 2 : i32
    %mul3A_0 = arith.muli %arg1, %mul3A : i32
    %add3A = arith.addi %mul3A_0, %arg0 : i32
    %mul3A_1 = arith.constant 625 : i32
    %mul3A_2 = arith.muli %arg1, %mul3A_1 : i32
    %broadcast_in_dim3A = arith.constant 0.000000e+00 : f32
    %broadcast_in_dim3A_3 = vector.broadcast %broadcast_in_dim3A : f32 to vector<16xf32>
    "tpu.region"() ({
      %run_scoped3A = tpu.sem_alloc : memref<!tpu.dma_semaphore, #tpu.memory_space<semaphore_mem>>
      %dma_start3A_604 = arith.constant 0 : i32
      %dma_start3A_605 = tpu.memref_slice %arg11[%mul3A_2, %dma_start3A_604] : memref<10000x32xf32, #tpu.memory_space<vmem_shared>> -> memref<625x32xf32, #tpu.memory_space<vmem_shared>>
      %dma_start3A_606 = arith.constant 0 : i32
      %dma_start3A_607 = tpu.memref_slice %arg2[%mul3A_2, %dma_start3A_606] : memref<10000x32xf32, #tpu.memory_space<hbm>> -> memref<625x32xf32, #tpu.memory_space<hbm>>
      tpu.enqueue_dma source(%dma_start3A_607 : memref<625x32xf32, #tpu.memory_space<hbm>>) target(%dma_start3A_605 : memref<625x32xf32, #tpu.memory_space<vmem_shared>>) target_semaphore(%run_scoped3A : memref<!tpu.dma_semaphore, #tpu.memory_space<semaphore_mem>>)
      %dma_wait3A = arith.constant 0 : i32
      %dma_wait3A_608 = tpu.memref_slice %arg11[%mul3A_2, %dma_wait3A] : memref<10000x32xf32, #tpu.memory_space<vmem_shared>> -> memref<625x32xf32, #tpu.memory_space<vmem_shared>>
      %dma_wait3A_609 = arith.constant 0 : i32
      %dma_wait3A_610 = tpu.memref_slice %arg2[%mul3A_2, %dma_wait3A_609] : memref<10000x32xf32, #tpu.memory_space<hbm>> -> memref<625x32xf32, #tpu.memory_space<hbm>>
      tpu.wait_dma2 semaphore(%run_scoped3A : memref<!tpu.dma_semaphore, #tpu.memory_space<semaphore_mem>>) src(%dma_wait3A_610 : memref<625x32xf32, #tpu.memory_space<hbm>>) dst(%dma_wait3A_608 : memref<625x32xf32, #tpu.memory_space<vmem_shared>>)
      tpu.yield
    }) : () -> ()
    "tpu.region"() ({
      %run_scoped3A = tpu.sem_alloc : memref<!tpu.dma_semaphore, #tpu.memory_space<semaphore_mem>>
      %dma_start3A_604 = arith.constant 0 : i32
      %dma_start3A_605 = arith.constant 0 : i32
      %dma_start3A_606 = tpu.memref_slice %arg3[%add3A, %dma_start3A_604, %dma_start3A_605] : memref<32x80x128xi32, #tpu.memory_space<hbm>> -> memref<1x80x128xi32, #tpu.memory_space<hbm>>
      %dma_start3A_607 = tpu.memref_squeeze %dma_start3A_606 : memref<1x80x128xi32, #tpu.memory_space<hbm>> -> memref<80x128xi32, #tpu.memory_space<hbm>>
      %dma_start3A_608 = arith.constant 0 : i32
      %dma_start3A_609 = arith.constant 0 : i32
      %dma_start3A_610 = tpu.memref_slice %arg3[%add3A, %dma_start3A_608, %dma_start3A_609] : memref<32x80x128xi32, #tpu.memory_space<hbm>> -> memref<1x80x128xi32, #tpu.memory_space<hbm>>
      %dma_start3A_611 = tpu.memref_squeeze %dma_start3A_610 : memref<1x80x128xi32, #tpu.memory_space<hbm>> -> memref<80x128xi32, #tpu.memory_space<hbm>>
      tpu.enqueue_dma source(%dma_start3A_611 : memref<80x128xi32, #tpu.memory_space<hbm>>) target(%arg5 : memref<80x128xi32, #tpu.memory_space<vmem>>) target_semaphore(%run_scoped3A : memref<!tpu.dma_semaphore, #tpu.memory_space<semaphore_mem>>)
      %dma_wait3A = arith.constant 0 : i32
      %dma_wait3A_612 = arith.constant 0 : i32
      %dma_wait3A_613 = tpu.memref_slice %arg3[%add3A, %dma_wait3A, %dma_wait3A_612] : memref<32x80x128xi32, #tpu.memory_space<hbm>> -> memref<1x80x128xi32, #tpu.memory_space<hbm>>
      %dma_wait3A_614 = tpu.memref_squeeze %dma_wait3A_613 : memref<1x80x128xi32, #tpu.memory_space<hbm>> -> memref<80x128xi32, #tpu.memory_space<hbm>>
      %dma_wait3A_615 = arith.constant 0 : i32
      %dma_wait3A_616 = arith.constant 0 : i32
      %dma_wait3A_617 = tpu.memref_slice %arg3[%add3A, %dma_wait3A_615, %dma_wait3A_616] : memref<32x80x128xi32, #tpu.memory_space<hbm>> -> memref<1x80x128xi32, #tpu.memory_space<hbm>>
      %dma_wait3A_618 = tpu.memref_squeeze %dma_wait3A_617 : memref<1x80x128xi32, #tpu.memory_space<hbm>> -> memref<80x128xi32, #tpu.memory_space<hbm>>
      tpu.wait_dma2 semaphore(%run_scoped3A : memref<!tpu.dma_semaphore, #tpu.memory_space<semaphore_mem>>) src(%dma_wait3A_618 : memref<80x128xi32, #tpu.memory_space<hbm>>) dst(%arg5 : memref<80x128xi32, #tpu.memory_space<vmem>>)
      tpu.yield
    }) : () -> ()
    %scan3A = arith.constant 0 : i32
    %scan3A_4 = arith.constant 0 : i32
    %scan3A_5 = arith.constant 256 : i32
    %scan3A_6 = arith.addi %scan3A_4, %scan3A_5 : i32
    %scan3A_7 = arith.constant 1 : i32
    scf.for %scan3A_604 = %scan3A_4 to %scan3A_6 step %scan3A_7  : i32 {
      %div3A = arith.constant 2 : i32
      %div3A_605 = arith.divsi %scan3A_604, %div3A : i32
      %rem3A = arith.constant 2 : i32
      %rem3A_606 = arith.remsi %scan3A_604, %rem3A : i32
      %mul3A_607 = arith.constant 16 : i32
      %mul3A_608 = arith.muli %rem3A_606, %mul3A_607 : i32
      %swap3A_609 = arith.index_cast %div3A_605 : i32 to index
      %swap3A_610 = arith.index_cast %mul3A_608 : i32 to index
      %swap3A_611 = tpu.vector_load %arg8[%swap3A_609, %swap3A_610] {strides = array<i32>} : memref<128x32xf32, #tpu.memory_space<vmem>>, vector<16xf32>,
      tpu.vector_store %arg8[%swap3A_609, %swap3A_610], %broadcast_in_dim3A_3 {strides = array<i32>} : memref<128x32xf32, #tpu.memory_space<vmem>>, vector<16xf32>,
    }
    %scan3A_8 = arith.constant 256 : i32
    %add3A_9 = arith.constant 0 : i32
    %add3A_10 = arith.addi %mul3A_2, %add3A_9 : i32
    "tpu.region"() ({
      %run_scoped3A = tpu.sem_alloc : memref<!tpu.dma_semaphore, #tpu.memory_space<semaphore_mem>>
      %dma_start3A_604 = arith.constant 0 : i32
      %dma_start3A_605 = arith.constant 0 : i32
      %dma_start3A_606 = tpu.memref_slice %arg8[%dma_start3A_604, %dma_start3A_605] : memref<128x32xf32, #tpu.memory_space<vmem>> -> memref<128x32xf32, #tpu.memory_space<vmem>>
      %dma_start3A_607 = arith.constant 0 : i32
      %dma_start3A_608 = tpu.memref_slice %arg10[%add3A_10, %dma_start3A_607] : memref<10008x32xf32, #tpu.memory_space<vmem_shared>> -> memref<128x32xf32, #tpu.memory_space<vmem_shared>>
      %dma_start3A_609 = arith.constant 0 : i32
      %dma_start3A_610 = tpu.memref_slice %arg10[%add3A_10, %dma_start3A_609] : memref<10008x32xf32, #tpu.memory_space<vmem_shared>> -> memref<128x32xf32, #tpu.memory_space<vmem_shared>>
      %dma_start3A_611 = arith.constant 0 : i32
      %dma_start3A_612 = arith.constant 0 : i32
      %dma_start3A_613 = tpu.memref_slice %arg8[%dma_start3A_611, %dma_start3A_612] : memref<128x32xf32, #tpu.memory_space<vmem>> -> memref<128x32xf32, #tpu.memory_space<vmem>>
      tpu.enqueue_dma source(%dma_start3A_613 : memref<128x32xf32, #tpu.memory_space<vmem>>) target(%dma_start3A_610 : memref<128x32xf32, #tpu.memory_space<vmem_shared>>) target_semaphore(%run_scoped3A : memref<!tpu.dma_semaphore, #tpu.memory_space<semaphore_mem>>)
      %dma_wait3A = arith.constant 0 : i32
      %dma_wait3A_614 = arith.constant 0 : i32
      %dma_wait3A_615 = tpu.memref_slice %arg8[%dma_wait3A, %dma_wait3A_614] : memref<128x32xf32, #tpu.memory_space<vmem>> -> memref<128x32xf32, #tpu.memory_space<vmem>>
      %dma_wait3A_616 = arith.constant 0 : i32
      %dma_wait3A_617 = tpu.memref_slice %arg10[%add3A_10, %dma_wait3A_616] : memref<10008x32xf32, #tpu.memory_space<vmem_shared>> -> memref<128x32xf32, #tpu.memory_space<vmem_shared>>
      %dma_wait3A_618 = arith.constant 0 : i32
      %dma_wait3A_619 = tpu.memref_slice %arg10[%add3A_10, %dma_wait3A_618] : memref<10008x32xf32, #tpu.memory_space<vmem_shared>> -> memref<128x32xf32, #tpu.memory_space<vmem_shared>>
      %dma_wait3A_620 = arith.constant 0 : i32
      %dma_wait3A_621 = arith.constant 0 : i32
      %dma_wait3A_622 = tpu.memref_slice %arg8[%dma_wait3A_620, %dma_wait3A_621] : memref<128x32xf32, #tpu.memory_space<vmem>> -> memref<128x32xf32, #tpu.memory_space<vmem>>
      tpu.wait_dma2 semaphore(%run_scoped3A : memref<!tpu.dma_semaphore, #tpu.memory_space<semaphore_mem>>) src(%dma_wait3A_622 : memref<128x32xf32, #tpu.memory_space<vmem>>) dst(%dma_wait3A_619 : memref<128x32xf32, #tpu.memory_space<vmem_shared>>)
      tpu.yield
    }) : () -> ()
    %add3A_11 = arith.constant 128 : i32
    %add3A_12 = arith.addi %mul3A_2, %add3A_11 : i32
    "tpu.region"() ({
      %run_scoped3A = tpu.sem_alloc : memref<!tpu.dma_semaphore, #tpu.memory_space<semaphore_mem>>
      %dma_start3A_604 = arith.constant 0 : i32
      %dma_start3A_605 = arith.constant 0 : i32
      %dma_start3A_606 = tpu.memref_slice %arg8[%dma_start3A_604, %dma_start3A_605] : memref<128x32xf32, #tpu.memory_space<vmem>> -> memref<128x32xf32, #tpu.memory_space<vmem>>
      %dma_start3A_607 = arith.constant 0 : i32
      %dma_start3A_608 = tpu.memref_slice %arg10[%add3A_12, %dma_start3A_607] : memref<10008x32xf32, #tpu.memory_space<vmem_shared>> -> memref<128x32xf32, #tpu.memory_space<vmem_shared>>
      %dma_start3A_609 = arith.constant 0 : i32
      %dma_start3A_610 = tpu.memref_slice %arg10[%add3A_12, %dma_start3A_609] : memref<10008x32xf32, #tpu.memory_space<vmem_shared>> -> memref<128x32xf32, #tpu.memory_space<vmem_shared>>
      %dma_start3A_611 = arith.constant 0 : i32
      %dma_start3A_612 = arith.constant 0 : i32
      %dma_start3A_613 = tpu.memref_slice %arg8[%dma_start3A_611, %dma_start3A_612] : memref<128x32xf32, #tpu.memory_space<vmem>> -> memref<128x32xf32, #tpu.memory_space<vmem>>
      tpu.enqueue_dma source(%dma_start3A_613 : memref<128x32xf32, #tpu.memory_space<vmem>>) target(%dma_start3A_610 : memref<128x32xf32, #tpu.memory_space<vmem_shared>>) target_semaphore(%run_scoped3A : memref<!tpu.dma_semaphore, #tpu.memory_space<semaphore_mem>>)
      %dma_wait3A = arith.constant 0 : i32
      %dma_wait3A_614 = arith.constant 0 : i32
      %dma_wait3A_615 = tpu.memref_slice %arg8[%dma_wait3A, %dma_wait3A_614] : memref<128x32xf32, #tpu.memory_space<vmem>> -> memref<128x32xf32, #tpu.memory_space<vmem>>
      %dma_wait3A_616 = arith.constant 0 : i32
      %dma_wait3A_617 = tpu.memref_slice %arg10[%add3A_12, %dma_wait3A_616] : memref<10008x32xf32, #tpu.memory_space<vmem_shared>> -> memref<128x32xf32, #tpu.memory_space<vmem_shared>>
      %dma_wait3A_618 = arith.constant 0 : i32
      %dma_wait3A_619 = tpu.memref_slice %arg10[%add3A_12, %dma_wait3A_618] : memref<10008x32xf32, #tpu.memory_space<vmem_shared>> -> memref<128x32xf32, #tpu.memory_space<vmem_shared>>
      %dma_wait3A_620 = arith.constant 0 : i32
      %dma_wait3A_621 = arith.constant 0 : i32
      %dma_wait3A_622 = tpu.memref_slice %arg8[%dma_wait3A_620, %dma_wait3A_621] : memref<128x32xf32, #tpu.memory_space<vmem>> -> memref<128x32xf32, #tpu.memory_space<vmem>>
      tpu.wait_dma2 semaphore(%run_scoped3A : memref<!tpu.dma_semaphore, #tpu.memory_space<semaphore_mem>>) src(%dma_wait3A_622 : memref<128x32xf32, #tpu.memory_space<vmem>>) dst(%dma_wait3A_619 : memref<128x32xf32, #tpu.memory_space<vmem_shared>>)
      tpu.yield
    }) : () -> ()
    %add3A_13 = arith.constant 256 : i32
    %add3A_14 = arith.addi %mul3A_2, %add3A_13 : i32
    "tpu.region"() ({
      %run_scoped3A = tpu.sem_alloc : memref<!tpu.dma_semaphore, #tpu.memory_space<semaphore_mem>>
      %dma_start3A_604 = arith.constant 0 : i32
      %dma_start3A_605 = arith.constant 0 : i32
      %dma_start3A_606 = tpu.memref_slice %arg8[%dma_start3A_604, %dma_start3A_605] : memref<128x32xf32, #tpu.memory_space<vmem>> -> memref<128x32xf32, #tpu.memory_space<vmem>>
      %dma_start3A_607 = arith.constant 0 : i32
      %dma_start3A_608 = tpu.memref_slice %arg10[%add3A_14, %dma_start3A_607] : memref<10008x32xf32, #tpu.memory_space<vmem_shared>> -> memref<128x32xf32, #tpu.memory_space<vmem_shared>>
      %dma_start3A_609 = arith.constant 0 : i32
      %dma_start3A_610 = tpu.memref_slice %arg10[%add3A_14, %dma_start3A_609] : memref<10008x32xf32, #tpu.memory_space<vmem_shared>> -> memref<128x32xf32, #tpu.memory_space<vmem_shared>>
      %dma_start3A_611 = arith.constant 0 : i32
      %dma_start3A_612 = arith.constant 0 : i32
      %dma_start3A_613 = tpu.memref_slice %arg8[%dma_start3A_611, %dma_start3A_612] : memref<128x32xf32, #tpu.memory_space<vmem>> -> memref<128x32xf32, #tpu.memory_space<vmem>>
      tpu.enqueue_dma source(%dma_start3A_613 : memref<128x32xf32, #tpu.memory_space<vmem>>) target(%dma_start3A_610 : memref<128x32xf32, #tpu.memory_space<vmem_shared>>) target_semaphore(%run_scoped3A : memref<!tpu.dma_semaphore, #tpu.memory_space<semaphore_mem>>)
      %dma_wait3A = arith.constant 0 : i32
      %dma_wait3A_614 = arith.constant 0 : i32
      %dma_wait3A_615 = tpu.memref_slice %arg8[%dma_wait3A, %dma_wait3A_614] : memref<128x32xf32, #tpu.memory_space<vmem>> -> memref<128x32xf32, #tpu.memory_space<vmem>>
      %dma_wait3A_616 = arith.constant 0 : i32
      %dma_wait3A_617 = tpu.memref_slice %arg10[%add3A_14, %dma_wait3A_616] : memref<10008x32xf32, #tpu.memory_space<vmem_shared>> -> memref<128x32xf32, #tpu.memory_space<vmem_shared>>
      %dma_wait3A_618 = arith.constant 0 : i32
      %dma_wait3A_619 = tpu.memref_slice %arg10[%add3A_14, %dma_wait3A_618] : memref<10008x32xf32, #tpu.memory_space<vmem_shared>> -> memref<128x32xf32, #tpu.memory_space<vmem_shared>>
      %dma_wait3A_620 = arith.constant 0 : i32
      %dma_wait3A_621 = arith.constant 0 : i32
      %dma_wait3A_622 = tpu.memref_slice %arg8[%dma_wait3A_620, %dma_wait3A_621] : memref<128x32xf32, #tpu.memory_space<vmem>> -> memref<128x32xf32, #tpu.memory_space<vmem>>
      tpu.wait_dma2 semaphore(%run_scoped3A : memref<!tpu.dma_semaphore, #tpu.memory_space<semaphore_mem>>) src(%dma_wait3A_622 : memref<128x32xf32, #tpu.memory_space<vmem>>) dst(%dma_wait3A_619 : memref<128x32xf32, #tpu.memory_space<vmem_shared>>)
      tpu.yield
    }) : () -> ()
    %add3A_15 = arith.constant 384 : i32
    %add3A_16 = arith.addi %mul3A_2, %add3A_15 : i32
    "tpu.region"() ({
      %run_scoped3A = tpu.sem_alloc : memref<!tpu.dma_semaphore, #tpu.memory_space<semaphore_mem>>
      %dma_start3A_604 = arith.constant 0 : i32
      %dma_start3A_605 = arith.constant 0 : i32
      %dma_start3A_606 = tpu.memref_slice %arg8[%dma_start3A_604, %dma_start3A_605] : memref<128x32xf32, #tpu.memory_space<vmem>> -> memref<128x32xf32, #tpu.memory_space<vmem>>
      %dma_start3A_607 = arith.constant 0 : i32
      %dma_start3A_608 = tpu.memref_slice %arg10[%add3A_16, %dma_start3A_607] : memref<10008x32xf32, #tpu.memory_space<vmem_shared>> -> memref<128x32xf32, #tpu.memory_space<vmem_shared>>
      %dma_start3A_609 = arith.constant 0 : i32
      %dma_start3A_610 = tpu.memref_slice %arg10[%add3A_16, %dma_start3A_609] : memref<10008x32xf32, #tpu.memory_space<vmem_shared>> -> memref<128x32xf32, #tpu.memory_space<vmem_shared>>
      %dma_start3A_611 = arith.constant 0 : i32
      %dma_start3A_612 = arith.constant 0 : i32
      %dma_start3A_613 = tpu.memref_slice %arg8[%dma_start3A_611, %dma_start3A_612] : memref<128x32xf32, #tpu.memory_space<vmem>> -> memref<128x32xf32, #tpu.memory_space<vmem>>
      tpu.enqueue_dma source(%dma_start3A_613 : memref<128x32xf32, #tpu.memory_space<vmem>>) target(%dma_start3A_610 : memref<128x32xf32, #tpu.memory_space<vmem_shared>>) target_semaphore(%run_scoped3A : memref<!tpu.dma_semaphore, #tpu.memory_space<semaphore_mem>>)
      %dma_wait3A = arith.constant 0 : i32
      %dma_wait3A_614 = arith.constant 0 : i32
      %dma_wait3A_615 = tpu.memref_slice %arg8[%dma_wait3A, %dma_wait3A_614] : memref<128x32xf32, #tpu.memory_space<vmem>> -> memref<128x32xf32, #tpu.memory_space<vmem>>
      %dma_wait3A_616 = arith.constant 0 : i32
      %dma_wait3A_617 = tpu.memref_slice %arg10[%add3A_16, %dma_wait3A_616] : memref<10008x32xf32, #tpu.memory_space<vmem_shared>> -> memref<128x32xf32, #tpu.memory_space<vmem_shared>>
      %dma_wait3A_618 = arith.constant 0 : i32
      %dma_wait3A_619 = tpu.memref_slice %arg10[%add3A_16, %dma_wait3A_618] : memref<10008x32xf32, #tpu.memory_space<vmem_shared>> -> memref<128x32xf32, #tpu.memory_space<vmem_shared>>
      %dma_wait3A_620 = arith.constant 0 : i32
      %dma_wait3A_621 = arith.constant 0 : i32
      %dma_wait3A_622 = tpu.memref_slice %arg8[%dma_wait3A_620, %dma_wait3A_621] : memref<128x32xf32, #tpu.memory_space<vmem>> -> memref<128x32xf32, #tpu.memory_space<vmem>>
      tpu.wait_dma2 semaphore(%run_scoped3A : memref<!tpu.dma_semaphore, #tpu.memory_space<semaphore_mem>>) src(%dma_wait3A_622 : memref<128x32xf32, #tpu.memory_space<vmem>>) dst(%dma_wait3A_619 : memref<128x32xf32, #tpu.memory_space<vmem_shared>>)
      tpu.yield
    }) : () -> ()
    %add3A_17 = arith.constant 512 : i32
    %add3A_18 = arith.addi %mul3A_2, %add3A_17 : i32
    "tpu.region"() ({
      %run_scoped3A = tpu.sem_alloc : memref<!tpu.dma_semaphore, #tpu.memory_space<semaphore_mem>>
      %dma_start3A_604 = arith.constant 0 : i32
      %dma_start3A_605 = arith.constant 0 : i32
      %dma_start3A_606 = tpu.memref_slice %arg8[%dma_start3A_604, %dma_start3A_605] : memref<128x32xf32, #tpu.memory_space<vmem>> -> memref<113x32xf32, #tpu.memory_space<vmem>>
      %dma_start3A_607 = arith.constant 0 : i32
      %dma_start3A_608 = tpu.memref_slice %arg10[%add3A_18, %dma_start3A_607] : memref<10008x32xf32, #tpu.memory_space<vmem_shared>> -> memref<113x32xf32, #tpu.memory_space<vmem_shared>>
      %dma_start3A_609 = arith.constant 0 : i32
      %dma_start3A_610 = tpu.memref_slice %arg10[%add3A_18, %dma_start3A_609] : memref<10008x32xf32, #tpu.memory_space<vmem_shared>> -> memref<113x32xf32, #tpu.memory_space<vmem_shared>>
      %dma_start3A_611 = arith.constant 0 : i32
      %dma_start3A_612 = arith.constant 0 : i32
      %dma_start3A_613 = tpu.memref_slice %arg8[%dma_start3A_611, %dma_start3A_612] : memref<128x32xf32, #tpu.memory_space<vmem>> -> memref<113x32xf32, #tpu.memory_space<vmem>>
      tpu.enqueue_dma source(%dma_start3A_613 : memref<113x32xf32, #tpu.memory_space<vmem>>) target(%dma_start3A_610 : memref<113x32xf32, #tpu.memory_space<vmem_shared>>) target_semaphore(%run_scoped3A : memref<!tpu.dma_semaphore, #tpu.memory_space<semaphore_mem>>)
      %dma_wait3A = arith.constant 0 : i32
      %dma_wait3A_614 = arith.constant 0 : i32
      %dma_wait3A_615 = tpu.memref_slice %arg8[%dma_wait3A, %dma_wait3A_614] : memref<128x32xf32, #tpu.memory_space<vmem>> -> memref<113x32xf32, #tpu.memory_space<vmem>>
      %dma_wait3A_616 = arith.constant 0 : i32
      %dma_wait3A_617 = tpu.memref_slice %arg10[%add3A_18, %dma_wait3A_616] : memref<10008x32xf32, #tpu.memory_space<vmem_shared>> -> memref<113x32xf32, #tpu.memory_space<vmem_shared>>
      %dma_wait3A_618 = arith.constant 0 : i32
      %dma_wait3A_619 = tpu.memref_slice %arg10[%add3A_18, %dma_wait3A_618] : memref<10008x32xf32, #tpu.memory_space<vmem_shared>> -> memref<113x32xf32, #tpu.memory_space<vmem_shared>>
      %dma_wait3A_620 = arith.constant 0 : i32
      %dma_wait3A_621 = arith.constant 0 : i32
      %dma_wait3A_622 = tpu.memref_slice %arg8[%dma_wait3A_620, %dma_wait3A_621] : memref<128x32xf32, #tpu.memory_space<vmem>> -> memref<113x32xf32, #tpu.memory_space<vmem>>
      tpu.wait_dma2 semaphore(%run_scoped3A : memref<!tpu.dma_semaphore, #tpu.memory_space<semaphore_mem>>) src(%dma_wait3A_622 : memref<113x32xf32, #tpu.memory_space<vmem>>) dst(%dma_wait3A_619 : memref<113x32xf32, #tpu.memory_space<vmem_shared>>)
      tpu.yield
    }) : () -> ()
    %get3A = arith.constant 0 : i32
    %get3A_19 = arith.index_cast %get3A : i32 to index
    %get3A_20 = arith.constant 0 : index
    %get3A_21 = tpu.vector_load %arg5[%get3A_19, %get3A_20] {strides = array<i32>} : memref<80x128xi32, #tpu.memory_space<vmem>>, vector<16xi32>,
    %and3A = arith.constant 65535 : i32
    %and3A_22 = vector.broadcast %and3A : i32 to vector<16xi32>
    %and3A_23 = arith.andi %get3A_21, %and3A_22 : vector<16xi32>
    %swap3A = arith.constant 0 : i32
    %swap3A_24 = arith.index_cast %swap3A : i32 to index
    %swap3A_25 = arith.constant 0 : index
    %swap3A_26 = tpu.vector_load %arg6[%swap3A_24, %swap3A_25] {strides = array<i32>} : memref<80x128xi32, #tpu.memory_space<vmem>>, vector<16xi32>,
    tpu.vector_store %arg6[%swap3A_24, %swap3A_25], %and3A_23 {strides = array<i32>} : memref<80x128xi32, #tpu.memory_space<vmem>>, vector<16xi32>,
    %shift_right_logical3A = arith.constant 16 : i32
    %shift_right_logical3A_27 = vector.broadcast %shift_right_logical3A : i32 to vector<16xi32>
    %shift_right_logical3A_28 = arith.shrui %get3A_21, %shift_right_logical3A_27 : vector<16xi32>
    %swap3A_29 = arith.constant 0 : i32
    %swap3A_30 = arith.index_cast %swap3A_29 : i32 to index
    %swap3A_31 = arith.constant 0 : index
    %swap3A_32 = tpu.vector_load %arg7[%swap3A_30, %swap3A_31] {strides = array<i32>} : memref<80x128xi32, #tpu.memory_space<vmem>>, vector<16xi32>,
    tpu.vector_store %arg7[%swap3A_30, %swap3A_31], %shift_right_logical3A_28 {strides = array<i32>} : memref<80x128xi32, #tpu.memory_space<vmem>>, vector<16xi32>,
    %get3A_33 = arith.constant 0 : i32
    %get3A_34 = arith.index_cast %get3A_33 : i32 to index
    %get3A_35 = arith.constant 16 : index
    %get3A_36 = tpu.vector_load %arg5[%get3A_34, %get3A_35] {strides = array<i32>} : memref<80x128xi32, #tpu.memory_space<vmem>>, vector<16xi32>,
    %and3A_37 = arith.constant 65535 : i32
    %and3A_38 = vector.broadcast %and3A_37 : i32 to vector<16xi32>
    %and3A_39 = arith.andi %get3A_36, %and3A_38 : vector<16xi32>
    %swap3A_40 = arith.constant 0 : i32
    %swap3A_41 = arith.index_cast %swap3A_40 : i32 to index
    %swap3A_42 = arith.constant 16 : index
    %swap3A_43 = tpu.vector_load %arg6[%swap3A_41, %swap3A_42] {strides = array<i32>} : memref<80x128xi32, #tpu.memory_space<vmem>>, vector<16xi32>,
    tpu.vector_store %arg6[%swap3A_41, %swap3A_42], %and3A_39 {strides = array<i32>} : memref<80x128xi32, #tpu.memory_space<vmem>>, vector<16xi32>,
    %shift_right_logical3A_44 = arith.constant 16 : i32
    %shift_right_logical3A_45 = vector.broadcast %shift_right_logical3A_44 : i32 to vector<16xi32>
    %shift_right_logical3A_46 = arith.shrui %get3A_36, %shift_right_logical3A_45 : vector<16xi32>
    %swap3A_47 = arith.constant 0 : i32
    %swap3A_48 = arith.index_cast %swap3A_47 : i32 to index
    %swap3A_49 = arith.constant 16 : index
    %swap3A_50 = tpu.vector_load %arg7[%swap3A_48, %swap3A_49] {strides = array<i32>} : memref<80x128xi32, #tpu.memory_space<vmem>>, vector<16xi32>,
    tpu.vector_store %arg7[%swap3A_48, %swap3A_49], %shift_right_logical3A_46 {strides = array<i32>} : memref<80x128xi32, #tpu.memory_space<vmem>>, vector<16xi32>,
    %get3A_51 = arith.constant 0 : i32
    %get3A_52 = arith.index_cast %get3A_51 : i32 to index
    %get3A_53 = arith.constant 32 : index
    %get3A_54 = tpu.vector_load %arg5[%get3A_52, %get3A_53] {strides = array<i32>} : memref<80x128xi32, #tpu.memory_space<vmem>>, vector<16xi32>,
    %and3A_55 = arith.constant 65535 : i32
    %and3A_56 = vector.broadcast %and3A_55 : i32 to vector<16xi32>
    %and3A_57 = arith.andi %get3A_54, %and3A_56 : vector<16xi32>
    %swap3A_58 = arith.constant 0 : i32
    %swap3A_59 = arith.index_cast %swap3A_58 : i32 to index
    %swap3A_60 = arith.constant 32 : index
    %swap3A_61 = tpu.vector_load %arg6[%swap3A_59, %swap3A_60] {strides = array<i32>} : memref<80x128xi32, #tpu.memory_space<vmem>>, vector<16xi32>,
    tpu.vector_store %arg6[%swap3A_59, %swap3A_60], %and3A_57 {strides = array<i32>} : memref<80x128xi32, #tpu.memory_space<vmem>>, vector<16xi32>,
    %shift_right_logical3A_62 = arith.constant 16 : i32
    %shift_right_logical3A_63 = vector.broadcast %shift_right_logical3A_62 : i32 to vector<16xi32>
    %shift_right_logical3A_64 = arith.shrui %get3A_54, %shift_right_logical3A_63 : vector<16xi32>
    %swap3A_65 = arith.constant 0 : i32
    %swap3A_66 = arith.index_cast %swap3A_65 : i32 to index
    %swap3A_67 = arith.constant 32 : index
    %swap3A_68 = tpu.vector_load %arg7[%swap3A_66, %swap3A_67] {strides = array<i32>} : memref<80x128xi32, #tpu.memory_space<vmem>>, vector<16xi32>,
    tpu.vector_store %arg7[%swap3A_66, %swap3A_67], %shift_right_logical3A_64 {strides = array<i32>} : memref<80x128xi32, #tpu.memory_space<vmem>>, vector<16xi32>,
    %get3A_69 = arith.constant 0 : i32
    %get3A_70 = arith.index_cast %get3A_69 : i32 to index
    %get3A_71 = arith.constant 48 : index
    %get3A_72 = tpu.vector_load %arg5[%get3A_70, %get3A_71] {strides = array<i32>} : memref<80x128xi32, #tpu.memory_space<vmem>>, vector<16xi32>,
    %and3A_73 = arith.constant 65535 : i32
    %and3A_74 = vector.broadcast %and3A_73 : i32 to vector<16xi32>
    %and3A_75 = arith.andi %get3A_72, %and3A_74 : vector<16xi32>
    %swap3A_76 = arith.constant 0 : i32
    %swap3A_77 = arith.index_cast %swap3A_76 : i32 to index
    %swap3A_78 = arith.constant 48 : index
    %swap3A_79 = tpu.vector_load %arg6[%swap3A_77, %swap3A_78] {strides = array<i32>} : memref<80x128xi32, #tpu.memory_space<vmem>>, vector<16xi32>,
    tpu.vector_store %arg6[%swap3A_77, %swap3A_78], %and3A_75 {strides = array<i32>} : memref<80x128xi32, #tpu.memory_space<vmem>>, vector<16xi32>,
    %shift_right_logical3A_80 = arith.constant 16 : i32
    %shift_right_logical3A_81 = vector.broadcast %shift_right_logical3A_80 : i32 to vector<16xi32>
    %shift_right_logical3A_82 = arith.shrui %get3A_72, %shift_right_logical3A_81 : vector<16xi32>
    %swap3A_83 = arith.constant 0 : i32
    %swap3A_84 = arith.index_cast %swap3A_83 : i32 to index
    %swap3A_85 = arith.constant 48 : index
    %swap3A_86 = tpu.vector_load %arg7[%swap3A_84, %swap3A_85] {strides = array<i32>} : memref<80x128xi32, #tpu.memory_space<vmem>>, vector<16xi32>,
    tpu.vector_store %arg7[%swap3A_84, %swap3A_85], %shift_right_logical3A_82 {strides = array<i32>} : memref<80x128xi32, #tpu.memory_space<vmem>>, vector<16xi32>,
    %get3A_87 = arith.constant 0 : i32
    %get3A_88 = arith.index_cast %get3A_87 : i32 to index
    %get3A_89 = arith.constant 64 : index
    %get3A_90 = tpu.vector_load %arg5[%get3A_88, %get3A_89] {strides = array<i32>} : memref<80x128xi32, #tpu.memory_space<vmem>>, vector<16xi32>,
    %and3A_91 = arith.constant 65535 : i32
    %and3A_92 = vector.broadcast %and3A_91 : i32 to vector<16xi32>
    %and3A_93 = arith.andi %get3A_90, %and3A_92 : vector<16xi32>
    %swap3A_94 = arith.constant 0 : i32
    %swap3A_95 = arith.index_cast %swap3A_94 : i32 to index
    %swap3A_96 = arith.constant 64 : index
    %swap3A_97 = tpu.vector_load %arg6[%swap3A_95, %swap3A_96] {strides = array<i32>} : memref<80x128xi32, #tpu.memory_space<vmem>>, vector<16xi32>,
    tpu.vector_store %arg6[%swap3A_95, %swap3A_96], %and3A_93 {strides = array<i32>} : memref<80x128xi32, #tpu.memory_space<vmem>>, vector<16xi32>,
    %shift_right_logical3A_98 = arith.constant 16 : i32
    %shift_right_logical3A_99 = vector.broadcast %shift_right_logical3A_98 : i32 to vector<16xi32>
    %shift_right_logical3A_100 = arith.shrui %get3A_90, %shift_right_logical3A_99 : vector<16xi32>
    %swap3A_101 = arith.constant 0 : i32
    %swap3A_102 = arith.index_cast %swap3A_101 : i32 to index
    %swap3A_103 = arith.constant 64 : index
    %swap3A_104 = tpu.vector_load %arg7[%swap3A_102, %swap3A_103] {strides = array<i32>} : memref<80x128xi32, #tpu.memory_space<vmem>>, vector<16xi32>,
    tpu.vector_store %arg7[%swap3A_102, %swap3A_103], %shift_right_logical3A_100 {strides = array<i32>} : memref<80x128xi32, #tpu.memory_space<vmem>>, vector<16xi32>,
    %get3A_105 = arith.constant 0 : i32
    %get3A_106 = arith.index_cast %get3A_105 : i32 to index
    %get3A_107 = arith.constant 80 : index
    %get3A_108 = tpu.vector_load %arg5[%get3A_106, %get3A_107] {strides = array<i32>} : memref<80x128xi32, #tpu.memory_space<vmem>>, vector<16xi32>,
    %and3A_109 = arith.constant 65535 : i32
    %and3A_110 = vector.broadcast %and3A_109 : i32 to vector<16xi32>
    %and3A_111 = arith.andi %get3A_108, %and3A_110 : vector<16xi32>
    %swap3A_112 = arith.constant 0 : i32
    %swap3A_113 = arith.index_cast %swap3A_112 : i32 to index
    %swap3A_114 = arith.constant 80 : index
    %swap3A_115 = tpu.vector_load %arg6[%swap3A_113, %swap3A_114] {strides = array<i32>} : memref<80x128xi32, #tpu.memory_space<vmem>>, vector<16xi32>,
    tpu.vector_store %arg6[%swap3A_113, %swap3A_114], %and3A_111 {strides = array<i32>} : memref<80x128xi32, #tpu.memory_space<vmem>>, vector<16xi32>,
    %shift_right_logical3A_116 = arith.constant 16 : i32
    %shift_right_logical3A_117 = vector.broadcast %shift_right_logical3A_116 : i32 to vector<16xi32>
    %shift_right_logical3A_118 = arith.shrui %get3A_108, %shift_right_logical3A_117 : vector<16xi32>
    %swap3A_119 = arith.constant 0 : i32
    %swap3A_120 = arith.index_cast %swap3A_119 : i32 to index
    %swap3A_121 = arith.constant 80 : index
    %swap3A_122 = tpu.vector_load %arg7[%swap3A_120, %swap3A_121] {strides = array<i32>} : memref<80x128xi32, #tpu.memory_space<vmem>>, vector<16xi32>,
    tpu.vector_store %arg7[%swap3A_120, %swap3A_121], %shift_right_logical3A_118 {strides = array<i32>} : memref<80x128xi32, #tpu.memory_space<vmem>>, vector<16xi32>,
    %get3A_123 = arith.constant 0 : i32
    %get3A_124 = arith.index_cast %get3A_123 : i32 to index
    %get3A_125 = arith.constant 96 : index
    %get3A_126 = tpu.vector_load %arg5[%get3A_124, %get3A_125] {strides = array<i32>} : memref<80x128xi32, #tpu.memory_space<vmem>>, vector<16xi32>,
    %and3A_127 = arith.constant 65535 : i32
    %and3A_128 = vector.broadcast %and3A_127 : i32 to vector<16xi32>
    %and3A_129 = arith.andi %get3A_126, %and3A_128 : vector<16xi32>
    %swap3A_130 = arith.constant 0 : i32
    %swap3A_131 = arith.index_cast %swap3A_130 : i32 to index
    %swap3A_132 = arith.constant 96 : index
    %swap3A_133 = tpu.vector_load %arg6[%swap3A_131, %swap3A_132] {strides = array<i32>} : memref<80x128xi32, #tpu.memory_space<vmem>>, vector<16xi32>,
    tpu.vector_store %arg6[%swap3A_131, %swap3A_132], %and3A_129 {strides = array<i32>} : memref<80x128xi32, #tpu.memory_space<vmem>>, vector<16xi32>,
    %shift_right_logical3A_134 = arith.constant 16 : i32
    %shift_right_logical3A_135 = vector.broadcast %shift_right_logical3A_134 : i32 to vector<16xi32>
    %shift_right_logical3A_136 = arith.shrui %get3A_126, %shift_right_logical3A_135 : vector<16xi32>
    %swap3A_137 = arith.constant 0 : i32
    %swap3A_138 = arith.index_cast %swap3A_137 : i32 to index
    %swap3A_139 = arith.constant 96 : index
    %swap3A_140 = tpu.vector_load %arg7[%swap3A_138, %swap3A_139] {strides = array<i32>} : memref<80x128xi32, #tpu.memory_space<vmem>>, vector<16xi32>,
    tpu.vector_store %arg7[%swap3A_138, %swap3A_139], %shift_right_logical3A_136 {strides = array<i32>} : memref<80x128xi32, #tpu.memory_space<vmem>>, vector<16xi32>,
    %get3A_141 = arith.constant 0 : i32
    %get3A_142 = arith.index_cast %get3A_141 : i32 to index
    %get3A_143 = arith.constant 112 : index
    %get3A_144 = tpu.vector_load %arg5[%get3A_142, %get3A_143] {strides = array<i32>} : memref<80x128xi32, #tpu.memory_space<vmem>>, vector<16xi32>,
    %and3A_145 = arith.constant 65535 : i32
    %and3A_146 = vector.broadcast %and3A_145 : i32 to vector<16xi32>
    %and3A_147 = arith.andi %get3A_144, %and3A_146 : vector<16xi32>
    %swap3A_148 = arith.constant 0 : i32
    %swap3A_149 = arith.index_cast %swap3A_148 : i32 to index
    %swap3A_150 = arith.constant 112 : index
    %swap3A_151 = tpu.vector_load %arg6[%swap3A_149, %swap3A_150] {strides = array<i32>} : memref<80x128xi32, #tpu.memory_space<vmem>>, vector<16xi32>,
    tpu.vector_store %arg6[%swap3A_149, %swap3A_150], %and3A_147 {strides = array<i32>} : memref<80x128xi32, #tpu.memory_space<vmem>>, vector<16xi32>,
    %shift_right_logical3A_152 = arith.constant 16 : i32
    %shift_right_logical3A_153 = vector.broadcast %shift_right_logical3A_152 : i32 to vector<16xi32>
    %shift_right_logical3A_154 = arith.shrui %get3A_144, %shift_right_logical3A_153 : vector<16xi32>
    %swap3A_155 = arith.constant 0 : i32
    %swap3A_156 = arith.index_cast %swap3A_155 : i32 to index
    %swap3A_157 = arith.constant 112 : index
    %swap3A_158 = tpu.vector_load %arg7[%swap3A_156, %swap3A_157] {strides = array<i32>} : memref<80x128xi32, #tpu.memory_space<vmem>>, vector<16xi32>,
    tpu.vector_store %arg7[%swap3A_156, %swap3A_157], %shift_right_logical3A_154 {strides = array<i32>} : memref<80x128xi32, #tpu.memory_space<vmem>>, vector<16xi32>,
    %get3A_159 = arith.constant 1 : i32
    %get3A_160 = arith.index_cast %get3A_159 : i32 to index
    %get3A_161 = arith.constant 0 : index
    %get3A_162 = tpu.vector_load %arg5[%get3A_160, %get3A_161] {strides = array<i32>} : memref<80x128xi32, #tpu.memory_space<vmem>>, vector<16xi32>,
    %and3A_163 = arith.constant 65535 : i32
    %and3A_164 = vector.broadcast %and3A_163 : i32 to vector<16xi32>
    %and3A_165 = arith.andi %get3A_162, %and3A_164 : vector<16xi32>
    %swap3A_166 = arith.constant 1 : i32
    %swap3A_167 = arith.index_cast %swap3A_166 : i32 to index
    %swap3A_168 = arith.constant 0 : index
    %swap3A_169 = tpu.vector_load %arg6[%swap3A_167, %swap3A_168] {strides = array<i32>} : memref<80x128xi32, #tpu.memory_space<vmem>>, vector<16xi32>,
    tpu.vector_store %arg6[%swap3A_167, %swap3A_168], %and3A_165 {strides = array<i32>} : memref<80x128xi32, #tpu.memory_space<vmem>>, vector<16xi32>,
    %shift_right_logical3A_170 = arith.constant 16 : i32
    %shift_right_logical3A_171 = vector.broadcast %shift_right_logical3A_170 : i32 to vector<16xi32>
    %shift_right_logical3A_172 = arith.shrui %get3A_162, %shift_right_logical3A_171 : vector<16xi32>
    %swap3A_173 = arith.constant 1 : i32
    %swap3A_174 = arith.index_cast %swap3A_173 : i32 to index
    %swap3A_175 = arith.constant 0 : index
    %swap3A_176 = tpu.vector_load %arg7[%swap3A_174, %swap3A_175] {strides = array<i32>} : memref<80x128xi32, #tpu.memory_space<vmem>>, vector<16xi32>,
    tpu.vector_store %arg7[%swap3A_174, %swap3A_175], %shift_right_logical3A_172 {strides = array<i32>} : memref<80x128xi32, #tpu.memory_space<vmem>>, vector<16xi32>,
    %get3A_177 = arith.constant 1 : i32
    %get3A_178 = arith.index_cast %get3A_177 : i32 to index
    %get3A_179 = arith.constant 16 : index
    %get3A_180 = tpu.vector_load %arg5[%get3A_178, %get3A_179] {strides = array<i32>} : memref<80x128xi32, #tpu.memory_space<vmem>>, vector<16xi32>,
    %and3A_181 = arith.constant 65535 : i32
    %and3A_182 = vector.broadcast %and3A_181 : i32 to vector<16xi32>
    %and3A_183 = arith.andi %get3A_180, %and3A_182 : vector<16xi32>
    %swap3A_184 = arith.constant 1 : i32
    %swap3A_185 = arith.index_cast %swap3A_184 : i32 to index
    %swap3A_186 = arith.constant 16 : index
    %swap3A_187 = tpu.vector_load %arg6[%swap3A_185, %swap3A_186] {strides = array<i32>} : memref<80x128xi32, #tpu.memory_space<vmem>>, vector<16xi32>,
    tpu.vector_store %arg6[%swap3A_185, %swap3A_186], %and3A_183 {strides = array<i32>} : memref<80x128xi32, #tpu.memory_space<vmem>>, vector<16xi32>,
    %shift_right_logical3A_188 = arith.constant 16 : i32
    %shift_right_logical3A_189 = vector.broadcast %shift_right_logical3A_188 : i32 to vector<16xi32>
    %shift_right_logical3A_190 = arith.shrui %get3A_180, %shift_right_logical3A_189 : vector<16xi32>
    %swap3A_191 = arith.constant 1 : i32
    %swap3A_192 = arith.index_cast %swap3A_191 : i32 to index
    %swap3A_193 = arith.constant 16 : index
    %swap3A_194 = tpu.vector_load %arg7[%swap3A_192, %swap3A_193] {strides = array<i32>} : memref<80x128xi32, #tpu.memory_space<vmem>>, vector<16xi32>,
    tpu.vector_store %arg7[%swap3A_192, %swap3A_193], %shift_right_logical3A_190 {strides = array<i32>} : memref<80x128xi32, #tpu.memory_space<vmem>>, vector<16xi32>,
    %get3A_195 = arith.constant 1 : i32
    %get3A_196 = arith.index_cast %get3A_195 : i32 to index
    %get3A_197 = arith.constant 32 : index
    %get3A_198 = tpu.vector_load %arg5[%get3A_196, %get3A_197] {strides = array<i32>} : memref<80x128xi32, #tpu.memory_space<vmem>>, vector<16xi32>,
    %and3A_199 = arith.constant 65535 : i32
    %and3A_200 = vector.broadcast %and3A_199 : i32 to vector<16xi32>
    %and3A_201 = arith.andi %get3A_198, %and3A_200 : vector<16xi32>
    %swap3A_202 = arith.constant 1 : i32
    %swap3A_203 = arith.index_cast %swap3A_202 : i32 to index
    %swap3A_204 = arith.constant 32 : index
    %swap3A_205 = tpu.vector_load %arg6[%swap3A_203, %swap3A_204] {strides = array<i32>} : memref<80x128xi32, #tpu.memory_space<vmem>>, vector<16xi32>,
    tpu.vector_store %arg6[%swap3A_203, %swap3A_204], %and3A_201 {strides = array<i32>} : memref<80x128xi32, #tpu.memory_space<vmem>>, vector<16xi32>,
    %shift_right_logical3A_206 = arith.constant 16 : i32
    %shift_right_logical3A_207 = vector.broadcast %shift_right_logical3A_206 : i32 to vector<16xi32>
    %shift_right_logical3A_208 = arith.shrui %get3A_198, %shift_right_logical3A_207 : vector<16xi32>
    %swap3A_209 = arith.constant 1 : i32
    %swap3A_210 = arith.index_cast %swap3A_209 : i32 to index
    %swap3A_211 = arith.constant 32 : index
    %swap3A_212 = tpu.vector_load %arg7[%swap3A_210, %swap3A_211] {strides = array<i32>} : memref<80x128xi32, #tpu.memory_space<vmem>>, vector<16xi32>,
    tpu.vector_store %arg7[%swap3A_210, %swap3A_211], %shift_right_logical3A_208 {strides = array<i32>} : memref<80x128xi32, #tpu.memory_space<vmem>>, vector<16xi32>,
    %get3A_213 = arith.constant 1 : i32
    %get3A_214 = arith.index_cast %get3A_213 : i32 to index
    %get3A_215 = arith.constant 48 : index
    %get3A_216 = tpu.vector_load %arg5[%get3A_214, %get3A_215] {strides = array<i32>} : memref<80x128xi32, #tpu.memory_space<vmem>>, vector<16xi32>,
    %and3A_217 = arith.constant 65535 : i32
    %and3A_218 = vector.broadcast %and3A_217 : i32 to vector<16xi32>
    %and3A_219 = arith.andi %get3A_216, %and3A_218 : vector<16xi32>
    %swap3A_220 = arith.constant 1 : i32
    %swap3A_221 = arith.index_cast %swap3A_220 : i32 to index
    %swap3A_222 = arith.constant 48 : index
    %swap3A_223 = tpu.vector_load %arg6[%swap3A_221, %swap3A_222] {strides = array<i32>} : memref<80x128xi32, #tpu.memory_space<vmem>>, vector<16xi32>,
    tpu.vector_store %arg6[%swap3A_221, %swap3A_222], %and3A_219 {strides = array<i32>} : memref<80x128xi32, #tpu.memory_space<vmem>>, vector<16xi32>,
    %shift_right_logical3A_224 = arith.constant 16 : i32
    %shift_right_logical3A_225 = vector.broadcast %shift_right_logical3A_224 : i32 to vector<16xi32>
    %shift_right_logical3A_226 = arith.shrui %get3A_216, %shift_right_logical3A_225 : vector<16xi32>
    %swap3A_227 = arith.constant 1 : i32
    %swap3A_228 = arith.index_cast %swap3A_227 : i32 to index
    %swap3A_229 = arith.constant 48 : index
    %swap3A_230 = tpu.vector_load %arg7[%swap3A_228, %swap3A_229] {strides = array<i32>} : memref<80x128xi32, #tpu.memory_space<vmem>>, vector<16xi32>,
    tpu.vector_store %arg7[%swap3A_228, %swap3A_229], %shift_right_logical3A_226 {strides = array<i32>} : memref<80x128xi32, #tpu.memory_space<vmem>>, vector<16xi32>,
    %get3A_231 = arith.constant 1 : i32
    %get3A_232 = arith.index_cast %get3A_231 : i32 to index
    %get3A_233 = arith.constant 64 : index
    %get3A_234 = tpu.vector_load %arg5[%get3A_232, %get3A_233] {strides = array<i32>} : memref<80x128xi32, #tpu.memory_space<vmem>>, vector<16xi32>,
    %and3A_235 = arith.constant 65535 : i32
    %and3A_236 = vector.broadcast %and3A_235 : i32 to vector<16xi32>
    %and3A_237 = arith.andi %get3A_234, %and3A_236 : vector<16xi32>
    %swap3A_238 = arith.constant 1 : i32
    %swap3A_239 = arith.index_cast %swap3A_238 : i32 to index
    %swap3A_240 = arith.constant 64 : index
    %swap3A_241 = tpu.vector_load %arg6[%swap3A_239, %swap3A_240] {strides = array<i32>} : memref<80x128xi32, #tpu.memory_space<vmem>>, vector<16xi32>,
    tpu.vector_store %arg6[%swap3A_239, %swap3A_240], %and3A_237 {strides = array<i32>} : memref<80x128xi32, #tpu.memory_space<vmem>>, vector<16xi32>,
    %shift_right_logical3A_242 = arith.constant 16 : i32
    %shift_right_logical3A_243 = vector.broadcast %shift_right_logical3A_242 : i32 to vector<16xi32>
    %shift_right_logical3A_244 = arith.shrui %get3A_234, %shift_right_logical3A_243 : vector<16xi32>
    %swap3A_245 = arith.constant 1 : i32
    %swap3A_246 = arith.index_cast %swap3A_245 : i32 to index
    %swap3A_247 = arith.constant 64 : index
    %swap3A_248 = tpu.vector_load %arg7[%swap3A_246, %swap3A_247] {strides = array<i32>} : memref<80x128xi32, #tpu.memory_space<vmem>>, vector<16xi32>,
    tpu.vector_store %arg7[%swap3A_246, %swap3A_247], %shift_right_logical3A_244 {strides = array<i32>} : memref<80x128xi32, #tpu.memory_space<vmem>>, vector<16xi32>,
    %get3A_249 = arith.constant 1 : i32
    %get3A_250 = arith.index_cast %get3A_249 : i32 to index
    %get3A_251 = arith.constant 80 : index
    %get3A_252 = tpu.vector_load %arg5[%get3A_250, %get3A_251] {strides = array<i32>} : memref<80x128xi32, #tpu.memory_space<vmem>>, vector<16xi32>,
    %and3A_253 = arith.constant 65535 : i32
    %and3A_254 = vector.broadcast %and3A_253 : i32 to vector<16xi32>
    %and3A_255 = arith.andi %get3A_252, %and3A_254 : vector<16xi32>
    %swap3A_256 = arith.constant 1 : i32
    %swap3A_257 = arith.index_cast %swap3A_256 : i32 to index
    %swap3A_258 = arith.constant 80 : index
    %swap3A_259 = tpu.vector_load %arg6[%swap3A_257, %swap3A_258] {strides = array<i32>} : memref<80x128xi32, #tpu.memory_space<vmem>>, vector<16xi32>,
    tpu.vector_store %arg6[%swap3A_257, %swap3A_258], %and3A_255 {strides = array<i32>} : memref<80x128xi32, #tpu.memory_space<vmem>>, vector<16xi32>,
    %shift_right_logical3A_260 = arith.constant 16 : i32
    %shift_right_logical3A_261 = vector.broadcast %shift_right_logical3A_260 : i32 to vector<16xi32>
    %shift_right_logical3A_262 = arith.shrui %get3A_252, %shift_right_logical3A_261 : vector<16xi32>
    %swap3A_263 = arith.constant 1 : i32
    %swap3A_264 = arith.index_cast %swap3A_263 : i32 to index
    %swap3A_265 = arith.constant 80 : index
    %swap3A_266 = tpu.vector_load %arg7[%swap3A_264, %swap3A_265] {strides = array<i32>} : memref<80x128xi32, #tpu.memory_space<vmem>>, vector<16xi32>,
    tpu.vector_store %arg7[%swap3A_264, %swap3A_265], %shift_right_logical3A_262 {strides = array<i32>} : memref<80x128xi32, #tpu.memory_space<vmem>>, vector<16xi32>,
    %get3A_267 = arith.constant 1 : i32
    %get3A_268 = arith.index_cast %get3A_267 : i32 to index
    %get3A_269 = arith.constant 96 : index
    %get3A_270 = tpu.vector_load %arg5[%get3A_268, %get3A_269] {strides = array<i32>} : memref<80x128xi32, #tpu.memory_space<vmem>>, vector<16xi32>,
    %and3A_271 = arith.constant 65535 : i32
    %and3A_272 = vector.broadcast %and3A_271 : i32 to vector<16xi32>
    %and3A_273 = arith.andi %get3A_270, %and3A_272 : vector<16xi32>
    %swap3A_274 = arith.constant 1 : i32
    %swap3A_275 = arith.index_cast %swap3A_274 : i32 to index
    %swap3A_276 = arith.constant 96 : index
    %swap3A_277 = tpu.vector_load %arg6[%swap3A_275, %swap3A_276] {strides = array<i32>} : memref<80x128xi32, #tpu.memory_space<vmem>>, vector<16xi32>,
    tpu.vector_store %arg6[%swap3A_275, %swap3A_276], %and3A_273 {strides = array<i32>} : memref<80x128xi32, #tpu.memory_space<vmem>>, vector<16xi32>,
    %shift_right_logical3A_278 = arith.constant 16 : i32
    %shift_right_logical3A_279 = vector.broadcast %shift_right_logical3A_278 : i32 to vector<16xi32>
    %shift_right_logical3A_280 = arith.shrui %get3A_270, %shift_right_logical3A_279 : vector<16xi32>
    %swap3A_281 = arith.constant 1 : i32
    %swap3A_282 = arith.index_cast %swap3A_281 : i32 to index
    %swap3A_283 = arith.constant 96 : index
    %swap3A_284 = tpu.vector_load %arg7[%swap3A_282, %swap3A_283] {strides = array<i32>} : memref<80x128xi32, #tpu.memory_space<vmem>>, vector<16xi32>,
    tpu.vector_store %arg7[%swap3A_282, %swap3A_283], %shift_right_logical3A_280 {strides = array<i32>} : memref<80x128xi32, #tpu.memory_space<vmem>>, vector<16xi32>,
    %get3A_285 = arith.constant 1 : i32
    %get3A_286 = arith.index_cast %get3A_285 : i32 to index
    %get3A_287 = arith.constant 112 : index
    %get3A_288 = tpu.vector_load %arg5[%get3A_286, %get3A_287] {strides = array<i32>} : memref<80x128xi32, #tpu.memory_space<vmem>>, vector<16xi32>,
    %and3A_289 = arith.constant 65535 : i32
    %and3A_290 = vector.broadcast %and3A_289 : i32 to vector<16xi32>
    %and3A_291 = arith.andi %get3A_288, %and3A_290 : vector<16xi32>
    %swap3A_292 = arith.constant 1 : i32
    %swap3A_293 = arith.index_cast %swap3A_292 : i32 to index
    %swap3A_294 = arith.constant 112 : index
    %swap3A_295 = tpu.vector_load %arg6[%swap3A_293, %swap3A_294] {strides = array<i32>} : memref<80x128xi32, #tpu.memory_space<vmem>>, vector<16xi32>,
    tpu.vector_store %arg6[%swap3A_293, %swap3A_294], %and3A_291 {strides = array<i32>} : memref<80x128xi32, #tpu.memory_space<vmem>>, vector<16xi32>,
    %shift_right_logical3A_296 = arith.constant 16 : i32
    %shift_right_logical3A_297 = vector.broadcast %shift_right_logical3A_296 : i32 to vector<16xi32>
    %shift_right_logical3A_298 = arith.shrui %get3A_288, %shift_right_logical3A_297 : vector<16xi32>
    %swap3A_299 = arith.constant 1 : i32
    %swap3A_300 = arith.index_cast %swap3A_299 : i32 to index
    %swap3A_301 = arith.constant 112 : index
    %swap3A_302 = tpu.vector_load %arg7[%swap3A_300, %swap3A_301] {strides = array<i32>} : memref<80x128xi32, #tpu.memory_space<vmem>>, vector<16xi32>,
    tpu.vector_store %arg7[%swap3A_300, %swap3A_301], %shift_right_logical3A_298 {strides = array<i32>} : memref<80x128xi32, #tpu.memory_space<vmem>>, vector<16xi32>,
    %get3A_303 = arith.constant 2 : i32
    %get3A_304 = arith.index_cast %get3A_303 : i32 to index
    %get3A_305 = arith.constant 0 : index
    %get3A_306 = tpu.vector_load %arg5[%get3A_304, %get3A_305] {strides = array<i32>} : memref<80x128xi32, #tpu.memory_space<vmem>>, vector<16xi32>,
    %and3A_307 = arith.constant 65535 : i32
    %and3A_308 = vector.broadcast %and3A_307 : i32 to vector<16xi32>
    %and3A_309 = arith.andi %get3A_306, %and3A_308 : vector<16xi32>
    %swap3A_310 = arith.constant 2 : i32
    %swap3A_311 = arith.index_cast %swap3A_310 : i32 to index
    %swap3A_312 = arith.constant 0 : index
    %swap3A_313 = tpu.vector_load %arg6[%swap3A_311, %swap3A_312] {strides = array<i32>} : memref<80x128xi32, #tpu.memory_space<vmem>>, vector<16xi32>,
    tpu.vector_store %arg6[%swap3A_311, %swap3A_312], %and3A_309 {strides = array<i32>} : memref<80x128xi32, #tpu.memory_space<vmem>>, vector<16xi32>,
    %shift_right_logical3A_314 = arith.constant 16 : i32
    %shift_right_logical3A_315 = vector.broadcast %shift_right_logical3A_314 : i32 to vector<16xi32>
    %shift_right_logical3A_316 = arith.shrui %get3A_306, %shift_right_logical3A_315 : vector<16xi32>
    %swap3A_317 = arith.constant 2 : i32
    %swap3A_318 = arith.index_cast %swap3A_317 : i32 to index
    %swap3A_319 = arith.constant 0 : index
    %swap3A_320 = tpu.vector_load %arg7[%swap3A_318, %swap3A_319] {strides = array<i32>} : memref<80x128xi32, #tpu.memory_space<vmem>>, vector<16xi32>,
    tpu.vector_store %arg7[%swap3A_318, %swap3A_319], %shift_right_logical3A_316 {strides = array<i32>} : memref<80x128xi32, #tpu.memory_space<vmem>>, vector<16xi32>,
    %get3A_321 = arith.constant 2 : i32
    %get3A_322 = arith.index_cast %get3A_321 : i32 to index
    %get3A_323 = arith.constant 16 : index
    %get3A_324 = tpu.vector_load %arg5[%get3A_322, %get3A_323] {strides = array<i32>} : memref<80x128xi32, #tpu.memory_space<vmem>>, vector<16xi32>,
    %and3A_325 = arith.constant 65535 : i32
    %and3A_326 = vector.broadcast %and3A_325 : i32 to vector<16xi32>
    %and3A_327 = arith.andi %get3A_324, %and3A_326 : vector<16xi32>
    %swap3A_328 = arith.constant 2 : i32
    %swap3A_329 = arith.index_cast %swap3A_328 : i32 to index
    %swap3A_330 = arith.constant 16 : index
    %swap3A_331 = tpu.vector_load %arg6[%swap3A_329, %swap3A_330] {strides = array<i32>} : memref<80x128xi32, #tpu.memory_space<vmem>>, vector<16xi32>,
    tpu.vector_store %arg6[%swap3A_329, %swap3A_330], %and3A_327 {strides = array<i32>} : memref<80x128xi32, #tpu.memory_space<vmem>>, vector<16xi32>,
    %shift_right_logical3A_332 = arith.constant 16 : i32
    %shift_right_logical3A_333 = vector.broadcast %shift_right_logical3A_332 : i32 to vector<16xi32>
    %shift_right_logical3A_334 = arith.shrui %get3A_324, %shift_right_logical3A_333 : vector<16xi32>
    %swap3A_335 = arith.constant 2 : i32
    %swap3A_336 = arith.index_cast %swap3A_335 : i32 to index
    %swap3A_337 = arith.constant 16 : index
    %swap3A_338 = tpu.vector_load %arg7[%swap3A_336, %swap3A_337] {strides = array<i32>} : memref<80x128xi32, #tpu.memory_space<vmem>>, vector<16xi32>,
    tpu.vector_store %arg7[%swap3A_336, %swap3A_337], %shift_right_logical3A_334 {strides = array<i32>} : memref<80x128xi32, #tpu.memory_space<vmem>>, vector<16xi32>,
    %get3A_339 = arith.constant 2 : i32
    %get3A_340 = arith.index_cast %get3A_339 : i32 to index
    %get3A_341 = arith.constant 32 : index
    %get3A_342 = tpu.vector_load %arg5[%get3A_340, %get3A_341] {strides = array<i32>} : memref<80x128xi32, #tpu.memory_space<vmem>>, vector<16xi32>,
    %and3A_343 = arith.constant 65535 : i32
    %and3A_344 = vector.broadcast %and3A_343 : i32 to vector<16xi32>
    %and3A_345 = arith.andi %get3A_342, %and3A_344 : vector<16xi32>
    %swap3A_346 = arith.constant 2 : i32
    %swap3A_347 = arith.index_cast %swap3A_346 : i32 to index
    %swap3A_348 = arith.constant 32 : index
    %swap3A_349 = tpu.vector_load %arg6[%swap3A_347, %swap3A_348] {strides = array<i32>} : memref<80x128xi32, #tpu.memory_space<vmem>>, vector<16xi32>,
    tpu.vector_store %arg6[%swap3A_347, %swap3A_348], %and3A_345 {strides = array<i32>} : memref<80x128xi32, #tpu.memory_space<vmem>>, vector<16xi32>,
    %shift_right_logical3A_350 = arith.constant 16 : i32
    %shift_right_logical3A_351 = vector.broadcast %shift_right_logical3A_350 : i32 to vector<16xi32>
    %shift_right_logical3A_352 = arith.shrui %get3A_342, %shift_right_logical3A_351 : vector<16xi32>
    %swap3A_353 = arith.constant 2 : i32
    %swap3A_354 = arith.index_cast %swap3A_353 : i32 to index
    %swap3A_355 = arith.constant 32 : index
    %swap3A_356 = tpu.vector_load %arg7[%swap3A_354, %swap3A_355] {strides = array<i32>} : memref<80x128xi32, #tpu.memory_space<vmem>>, vector<16xi32>,
    tpu.vector_store %arg7[%swap3A_354, %swap3A_355], %shift_right_logical3A_352 {strides = array<i32>} : memref<80x128xi32, #tpu.memory_space<vmem>>, vector<16xi32>,
    %get3A_357 = arith.constant 2 : i32
    %get3A_358 = arith.index_cast %get3A_357 : i32 to index
    %get3A_359 = arith.constant 48 : index
    %get3A_360 = tpu.vector_load %arg5[%get3A_358, %get3A_359] {strides = array<i32>} : memref<80x128xi32, #tpu.memory_space<vmem>>, vector<16xi32>,
    %and3A_361 = arith.constant 65535 : i32
    %and3A_362 = vector.broadcast %and3A_361 : i32 to vector<16xi32>
    %and3A_363 = arith.andi %get3A_360, %and3A_362 : vector<16xi32>
    %swap3A_364 = arith.constant 2 : i32
    %swap3A_365 = arith.index_cast %swap3A_364 : i32 to index
    %swap3A_366 = arith.constant 48 : index
    %swap3A_367 = tpu.vector_load %arg6[%swap3A_365, %swap3A_366] {strides = array<i32>} : memref<80x128xi32, #tpu.memory_space<vmem>>, vector<16xi32>,
    tpu.vector_store %arg6[%swap3A_365, %swap3A_366], %and3A_363 {strides = array<i32>} : memref<80x128xi32, #tpu.memory_space<vmem>>, vector<16xi32>,
    %shift_right_logical3A_368 = arith.constant 16 : i32
    %shift_right_logical3A_369 = vector.broadcast %shift_right_logical3A_368 : i32 to vector<16xi32>
    %shift_right_logical3A_370 = arith.shrui %get3A_360, %shift_right_logical3A_369 : vector<16xi32>
    %swap3A_371 = arith.constant 2 : i32
    %swap3A_372 = arith.index_cast %swap3A_371 : i32 to index
    %swap3A_373 = arith.constant 48 : index
    %swap3A_374 = tpu.vector_load %arg7[%swap3A_372, %swap3A_373] {strides = array<i32>} : memref<80x128xi32, #tpu.memory_space<vmem>>, vector<16xi32>,
    tpu.vector_store %arg7[%swap3A_372, %swap3A_373], %shift_right_logical3A_370 {strides = array<i32>} : memref<80x128xi32, #tpu.memory_space<vmem>>, vector<16xi32>,
    %get3A_375 = arith.constant 2 : i32
    %get3A_376 = arith.index_cast %get3A_375 : i32 to index
    %get3A_377 = arith.constant 64 : index
    %get3A_378 = tpu.vector_load %arg5[%get3A_376, %get3A_377] {strides = array<i32>} : memref<80x128xi32, #tpu.memory_space<vmem>>, vector<16xi32>,
    %and3A_379 = arith.constant 65535 : i32
    %and3A_380 = vector.broadcast %and3A_379 : i32 to vector<16xi32>
    %and3A_381 = arith.andi %get3A_378, %and3A_380 : vector<16xi32>
    %swap3A_382 = arith.constant 2 : i32
    %swap3A_383 = arith.index_cast %swap3A_382 : i32 to index
    %swap3A_384 = arith.constant 64 : index
    %swap3A_385 = tpu.vector_load %arg6[%swap3A_383, %swap3A_384] {strides = array<i32>} : memref<80x128xi32, #tpu.memory_space<vmem>>, vector<16xi32>,
    tpu.vector_store %arg6[%swap3A_383, %swap3A_384], %and3A_381 {strides = array<i32>} : memref<80x128xi32, #tpu.memory_space<vmem>>, vector<16xi32>,
    %shift_right_logical3A_386 = arith.constant 16 : i32
    %shift_right_logical3A_387 = vector.broadcast %shift_right_logical3A_386 : i32 to vector<16xi32>
    %shift_right_logical3A_388 = arith.shrui %get3A_378, %shift_right_logical3A_387 : vector<16xi32>
    %swap3A_389 = arith.constant 2 : i32
    %swap3A_390 = arith.index_cast %swap3A_389 : i32 to index
    %swap3A_391 = arith.constant 64 : index
    %swap3A_392 = tpu.vector_load %arg7[%swap3A_390, %swap3A_391] {strides = array<i32>} : memref<80x128xi32, #tpu.memory_space<vmem>>, vector<16xi32>,
    tpu.vector_store %arg7[%swap3A_390, %swap3A_391], %shift_right_logical3A_388 {strides = array<i32>} : memref<80x128xi32, #tpu.memory_space<vmem>>, vector<16xi32>,
    %get3A_393 = arith.constant 2 : i32
    %get3A_394 = arith.index_cast %get3A_393 : i32 to index
    %get3A_395 = arith.constant 80 : index
    %get3A_396 = tpu.vector_load %arg5[%get3A_394, %get3A_395] {strides = array<i32>} : memref<80x128xi32, #tpu.memory_space<vmem>>, vector<16xi32>,
    %and3A_397 = arith.constant 65535 : i32
    %and3A_398 = vector.broadcast %and3A_397 : i32 to vector<16xi32>
    %and3A_399 = arith.andi %get3A_396, %and3A_398 : vector<16xi32>
    %swap3A_400 = arith.constant 2 : i32
    %swap3A_401 = arith.index_cast %swap3A_400 : i32 to index
    %swap3A_402 = arith.constant 80 : index
    %swap3A_403 = tpu.vector_load %arg6[%swap3A_401, %swap3A_402] {strides = array<i32>} : memref<80x128xi32, #tpu.memory_space<vmem>>, vector<16xi32>,
    tpu.vector_store %arg6[%swap3A_401, %swap3A_402], %and3A_399 {strides = array<i32>} : memref<80x128xi32, #tpu.memory_space<vmem>>, vector<16xi32>,
    %shift_right_logical3A_404 = arith.constant 16 : i32
    %shift_right_logical3A_405 = vector.broadcast %shift_right_logical3A_404 : i32 to vector<16xi32>
    %shift_right_logical3A_406 = arith.shrui %get3A_396, %shift_right_logical3A_405 : vector<16xi32>
    %swap3A_407 = arith.constant 2 : i32
    %swap3A_408 = arith.index_cast %swap3A_407 : i32 to index
    %swap3A_409 = arith.constant 80 : index
    %swap3A_410 = tpu.vector_load %arg7[%swap3A_408, %swap3A_409] {strides = array<i32>} : memref<80x128xi32, #tpu.memory_space<vmem>>, vector<16xi32>,
    tpu.vector_store %arg7[%swap3A_408, %swap3A_409], %shift_right_logical3A_406 {strides = array<i32>} : memref<80x128xi32, #tpu.memory_space<vmem>>, vector<16xi32>,
    %get3A_411 = arith.constant 2 : i32
    %get3A_412 = arith.index_cast %get3A_411 : i32 to index
    %get3A_413 = arith.constant 96 : index
    %get3A_414 = tpu.vector_load %arg5[%get3A_412, %get3A_413] {strides = array<i32>} : memref<80x128xi32, #tpu.memory_space<vmem>>, vector<16xi32>,
    %and3A_415 = arith.constant 65535 : i32
    %and3A_416 = vector.broadcast %and3A_415 : i32 to vector<16xi32>
    %and3A_417 = arith.andi %get3A_414, %and3A_416 : vector<16xi32>
    %swap3A_418 = arith.constant 2 : i32
    %swap3A_419 = arith.index_cast %swap3A_418 : i32 to index
    %swap3A_420 = arith.constant 96 : index
    %swap3A_421 = tpu.vector_load %arg6[%swap3A_419, %swap3A_420] {strides = array<i32>} : memref<80x128xi32, #tpu.memory_space<vmem>>, vector<16xi32>,
    tpu.vector_store %arg6[%swap3A_419, %swap3A_420], %and3A_417 {strides = array<i32>} : memref<80x128xi32, #tpu.memory_space<vmem>>, vector<16xi32>,
    %shift_right_logical3A_422 = arith.constant 16 : i32
    %shift_right_logical3A_423 = vector.broadcast %shift_right_logical3A_422 : i32 to vector<16xi32>
    %shift_right_logical3A_424 = arith.shrui %get3A_414, %shift_right_logical3A_423 : vector<16xi32>
    %swap3A_425 = arith.constant 2 : i32
    %swap3A_426 = arith.index_cast %swap3A_425 : i32 to index
    %swap3A_427 = arith.constant 96 : index
    %swap3A_428 = tpu.vector_load %arg7[%swap3A_426, %swap3A_427] {strides = array<i32>} : memref<80x128xi32, #tpu.memory_space<vmem>>, vector<16xi32>,
    tpu.vector_store %arg7[%swap3A_426, %swap3A_427], %shift_right_logical3A_424 {strides = array<i32>} : memref<80x128xi32, #tpu.memory_space<vmem>>, vector<16xi32>,
    %get3A_429 = arith.constant 2 : i32
    %get3A_430 = arith.index_cast %get3A_429 : i32 to index
    %get3A_431 = arith.constant 112 : index
    %get3A_432 = tpu.vector_load %arg5[%get3A_430, %get3A_431] {strides = array<i32>} : memref<80x128xi32, #tpu.memory_space<vmem>>, vector<16xi32>,
    %and3A_433 = arith.constant 65535 : i32
    %and3A_434 = vector.broadcast %and3A_433 : i32 to vector<16xi32>
    %and3A_435 = arith.andi %get3A_432, %and3A_434 : vector<16xi32>
    %swap3A_436 = arith.constant 2 : i32
    %swap3A_437 = arith.index_cast %swap3A_436 : i32 to index
    %swap3A_438 = arith.constant 112 : index
    %swap3A_439 = tpu.vector_load %arg6[%swap3A_437, %swap3A_438] {strides = array<i32>} : memref<80x128xi32, #tpu.memory_space<vmem>>, vector<16xi32>,
    tpu.vector_store %arg6[%swap3A_437, %swap3A_438], %and3A_435 {strides = array<i32>} : memref<80x128xi32, #tpu.memory_space<vmem>>, vector<16xi32>,
    %shift_right_logical3A_440 = arith.constant 16 : i32
    %shift_right_logical3A_441 = vector.broadcast %shift_right_logical3A_440 : i32 to vector<16xi32>
    %shift_right_logical3A_442 = arith.shrui %get3A_432, %shift_right_logical3A_441 : vector<16xi32>
    %swap3A_443 = arith.constant 2 : i32
    %swap3A_444 = arith.index_cast %swap3A_443 : i32 to index
    %swap3A_445 = arith.constant 112 : index
    %swap3A_446 = tpu.vector_load %arg7[%swap3A_444, %swap3A_445] {strides = array<i32>} : memref<80x128xi32, #tpu.memory_space<vmem>>, vector<16xi32>,
    tpu.vector_store %arg7[%swap3A_444, %swap3A_445], %shift_right_logical3A_442 {strides = array<i32>} : memref<80x128xi32, #tpu.memory_space<vmem>>, vector<16xi32>,
    %get3A_447 = arith.constant 3 : i32
    %get3A_448 = arith.index_cast %get3A_447 : i32 to index
    %get3A_449 = arith.constant 0 : index
    %get3A_450 = tpu.vector_load %arg5[%get3A_448, %get3A_449] {strides = array<i32>} : memref<80x128xi32, #tpu.memory_space<vmem>>, vector<16xi32>,
    %and3A_451 = arith.constant 65535 : i32
    %and3A_452 = vector.broadcast %and3A_451 : i32 to vector<16xi32>
    %and3A_453 = arith.andi %get3A_450, %and3A_452 : vector<16xi32>
    %swap3A_454 = arith.constant 3 : i32
    %swap3A_455 = arith.index_cast %swap3A_454 : i32 to index
    %swap3A_456 = arith.constant 0 : index
    %swap3A_457 = tpu.vector_load %arg6[%swap3A_455, %swap3A_456] {strides = array<i32>} : memref<80x128xi32, #tpu.memory_space<vmem>>, vector<16xi32>,
    tpu.vector_store %arg6[%swap3A_455, %swap3A_456], %and3A_453 {strides = array<i32>} : memref<80x128xi32, #tpu.memory_space<vmem>>, vector<16xi32>,
    %shift_right_logical3A_458 = arith.constant 16 : i32
    %shift_right_logical3A_459 = vector.broadcast %shift_right_logical3A_458 : i32 to vector<16xi32>
    %shift_right_logical3A_460 = arith.shrui %get3A_450, %shift_right_logical3A_459 : vector<16xi32>
    %swap3A_461 = arith.constant 3 : i32
    %swap3A_462 = arith.index_cast %swap3A_461 : i32 to index
    %swap3A_463 = arith.constant 0 : index
    %swap3A_464 = tpu.vector_load %arg7[%swap3A_462, %swap3A_463] {strides = array<i32>} : memref<80x128xi32, #tpu.memory_space<vmem>>, vector<16xi32>,
    tpu.vector_store %arg7[%swap3A_462, %swap3A_463], %shift_right_logical3A_460 {strides = array<i32>} : memref<80x128xi32, #tpu.memory_space<vmem>>, vector<16xi32>,
    %get3A_465 = arith.constant 3 : i32
    %get3A_466 = arith.index_cast %get3A_465 : i32 to index
    %get3A_467 = arith.constant 16 : index
    %get3A_468 = tpu.vector_load %arg5[%get3A_466, %get3A_467] {strides = array<i32>} : memref<80x128xi32, #tpu.memory_space<vmem>>, vector<16xi32>,
    %and3A_469 = arith.constant 65535 : i32
    %and3A_470 = vector.broadcast %and3A_469 : i32 to vector<16xi32>
    %and3A_471 = arith.andi %get3A_468, %and3A_470 : vector<16xi32>
    %swap3A_472 = arith.constant 3 : i32
    %swap3A_473 = arith.index_cast %swap3A_472 : i32 to index
    %swap3A_474 = arith.constant 16 : index
    %swap3A_475 = tpu.vector_load %arg6[%swap3A_473, %swap3A_474] {strides = array<i32>} : memref<80x128xi32, #tpu.memory_space<vmem>>, vector<16xi32>,
    tpu.vector_store %arg6[%swap3A_473, %swap3A_474], %and3A_471 {strides = array<i32>} : memref<80x128xi32, #tpu.memory_space<vmem>>, vector<16xi32>,
    %shift_right_logical3A_476 = arith.constant 16 : i32
    %shift_right_logical3A_477 = vector.broadcast %shift_right_logical3A_476 : i32 to vector<16xi32>
    %shift_right_logical3A_478 = arith.shrui %get3A_468, %shift_right_logical3A_477 : vector<16xi32>
    %swap3A_479 = arith.constant 3 : i32
    %swap3A_480 = arith.index_cast %swap3A_479 : i32 to index
    %swap3A_481 = arith.constant 16 : index
    %swap3A_482 = tpu.vector_load %arg7[%swap3A_480, %swap3A_481] {strides = array<i32>} : memref<80x128xi32, #tpu.memory_space<vmem>>, vector<16xi32>,
    tpu.vector_store %arg7[%swap3A_480, %swap3A_481], %shift_right_logical3A_478 {strides = array<i32>} : memref<80x128xi32, #tpu.memory_space<vmem>>, vector<16xi32>,
    %get3A_483 = arith.constant 3 : i32
    %get3A_484 = arith.index_cast %get3A_483 : i32 to index
    %get3A_485 = arith.constant 32 : index
    %get3A_486 = tpu.vector_load %arg5[%get3A_484, %get3A_485] {strides = array<i32>} : memref<80x128xi32, #tpu.memory_space<vmem>>, vector<16xi32>,
    %and3A_487 = arith.constant 65535 : i32
    %and3A_488 = vector.broadcast %and3A_487 : i32 to vector<16xi32>
    %and3A_489 = arith.andi %get3A_486, %and3A_488 : vector<16xi32>
    %swap3A_490 = arith.constant 3 : i32
    %swap3A_491 = arith.index_cast %swap3A_490 : i32 to index
    %swap3A_492 = arith.constant 32 : index
    %swap3A_493 = tpu.vector_load %arg6[%swap3A_491, %swap3A_492] {strides = array<i32>} : memref<80x128xi32, #tpu.memory_space<vmem>>, vector<16xi32>,
    tpu.vector_store %arg6[%swap3A_491, %swap3A_492], %and3A_489 {strides = array<i32>} : memref<80x128xi32, #tpu.memory_space<vmem>>, vector<16xi32>,
    %shift_right_logical3A_494 = arith.constant 16 : i32
    %shift_right_logical3A_495 = vector.broadcast %shift_right_logical3A_494 : i32 to vector<16xi32>
    %shift_right_logical3A_496 = arith.shrui %get3A_486, %shift_right_logical3A_495 : vector<16xi32>
    %swap3A_497 = arith.constant 3 : i32
    %swap3A_498 = arith.index_cast %swap3A_497 : i32 to index
    %swap3A_499 = arith.constant 32 : index
    %swap3A_500 = tpu.vector_load %arg7[%swap3A_498, %swap3A_499] {strides = array<i32>} : memref<80x128xi32, #tpu.memory_space<vmem>>, vector<16xi32>,
    tpu.vector_store %arg7[%swap3A_498, %swap3A_499], %shift_right_logical3A_496 {strides = array<i32>} : memref<80x128xi32, #tpu.memory_space<vmem>>, vector<16xi32>,
    %get3A_501 = arith.constant 3 : i32
    %get3A_502 = arith.index_cast %get3A_501 : i32 to index
    %get3A_503 = arith.constant 48 : index
    %get3A_504 = tpu.vector_load %arg5[%get3A_502, %get3A_503] {strides = array<i32>} : memref<80x128xi32, #tpu.memory_space<vmem>>, vector<16xi32>,
    %and3A_505 = arith.constant 65535 : i32
    %and3A_506 = vector.broadcast %and3A_505 : i32 to vector<16xi32>
    %and3A_507 = arith.andi %get3A_504, %and3A_506 : vector<16xi32>
    %swap3A_508 = arith.constant 3 : i32
    %swap3A_509 = arith.index_cast %swap3A_508 : i32 to index
    %swap3A_510 = arith.constant 48 : index
    %swap3A_511 = tpu.vector_load %arg6[%swap3A_509, %swap3A_510] {strides = array<i32>} : memref<80x128xi32, #tpu.memory_space<vmem>>, vector<16xi32>,
    tpu.vector_store %arg6[%swap3A_509, %swap3A_510], %and3A_507 {strides = array<i32>} : memref<80x128xi32, #tpu.memory_space<vmem>>, vector<16xi32>,
    %shift_right_logical3A_512 = arith.constant 16 : i32
    %shift_right_logical3A_513 = vector.broadcast %shift_right_logical3A_512 : i32 to vector<16xi32>
    %shift_right_logical3A_514 = arith.shrui %get3A_504, %shift_right_logical3A_513 : vector<16xi32>
    %swap3A_515 = arith.constant 3 : i32
    %swap3A_516 = arith.index_cast %swap3A_515 : i32 to index
    %swap3A_517 = arith.constant 48 : index
    %swap3A_518 = tpu.vector_load %arg7[%swap3A_516, %swap3A_517] {strides = array<i32>} : memref<80x128xi32, #tpu.memory_space<vmem>>, vector<16xi32>,
    tpu.vector_store %arg7[%swap3A_516, %swap3A_517], %shift_right_logical3A_514 {strides = array<i32>} : memref<80x128xi32, #tpu.memory_space<vmem>>, vector<16xi32>,
    %get3A_519 = arith.constant 3 : i32
    %get3A_520 = arith.index_cast %get3A_519 : i32 to index
    %get3A_521 = arith.constant 64 : index
    %get3A_522 = tpu.vector_load %arg5[%get3A_520, %get3A_521] {strides = array<i32>} : memref<80x128xi32, #tpu.memory_space<vmem>>, vector<16xi32>,
    %and3A_523 = arith.constant 65535 : i32
    %and3A_524 = vector.broadcast %and3A_523 : i32 to vector<16xi32>
    %and3A_525 = arith.andi %get3A_522, %and3A_524 : vector<16xi32>
    %swap3A_526 = arith.constant 3 : i32
    %swap3A_527 = arith.index_cast %swap3A_526 : i32 to index
    %swap3A_528 = arith.constant 64 : index
    %swap3A_529 = tpu.vector_load %arg6[%swap3A_527, %swap3A_528] {strides = array<i32>} : memref<80x128xi32, #tpu.memory_space<vmem>>, vector<16xi32>,
    tpu.vector_store %arg6[%swap3A_527, %swap3A_528], %and3A_525 {strides = array<i32>} : memref<80x128xi32, #tpu.memory_space<vmem>>, vector<16xi32>,
    %shift_right_logical3A_530 = arith.constant 16 : i32
    %shift_right_logical3A_531 = vector.broadcast %shift_right_logical3A_530 : i32 to vector<16xi32>
    %shift_right_logical3A_532 = arith.shrui %get3A_522, %shift_right_logical3A_531 : vector<16xi32>
    %swap3A_533 = arith.constant 3 : i32
    %swap3A_534 = arith.index_cast %swap3A_533 : i32 to index
    %swap3A_535 = arith.constant 64 : index
    %swap3A_536 = tpu.vector_load %arg7[%swap3A_534, %swap3A_535] {strides = array<i32>} : memref<80x128xi32, #tpu.memory_space<vmem>>, vector<16xi32>,
    tpu.vector_store %arg7[%swap3A_534, %swap3A_535], %shift_right_logical3A_532 {strides = array<i32>} : memref<80x128xi32, #tpu.memory_space<vmem>>, vector<16xi32>,
    %get3A_537 = arith.constant 3 : i32
    %get3A_538 = arith.index_cast %get3A_537 : i32 to index
    %get3A_539 = arith.constant 80 : index
    %get3A_540 = tpu.vector_load %arg5[%get3A_538, %get3A_539] {strides = array<i32>} : memref<80x128xi32, #tpu.memory_space<vmem>>, vector<16xi32>,
    %and3A_541 = arith.constant 65535 : i32
    %and3A_542 = vector.broadcast %and3A_541 : i32 to vector<16xi32>
    %and3A_543 = arith.andi %get3A_540, %and3A_542 : vector<16xi32>
    %swap3A_544 = arith.constant 3 : i32
    %swap3A_545 = arith.index_cast %swap3A_544 : i32 to index
    %swap3A_546 = arith.constant 80 : index
    %swap3A_547 = tpu.vector_load %arg6[%swap3A_545, %swap3A_546] {strides = array<i32>} : memref<80x128xi32, #tpu.memory_space<vmem>>, vector<16xi32>,
    tpu.vector_store %arg6[%swap3A_545, %swap3A_546], %and3A_543 {strides = array<i32>} : memref<80x128xi32, #tpu.memory_space<vmem>>, vector<16xi32>,
    %shift_right_logical3A_548 = arith.constant 16 : i32
    %shift_right_logical3A_549 = vector.broadcast %shift_right_logical3A_548 : i32 to vector<16xi32>
    %shift_right_logical3A_550 = arith.shrui %get3A_540, %shift_right_logical3A_549 : vector<16xi32>
    %swap3A_551 = arith.constant 3 : i32
    %swap3A_552 = arith.index_cast %swap3A_551 : i32 to index
    %swap3A_553 = arith.constant 80 : index
    %swap3A_554 = tpu.vector_load %arg7[%swap3A_552, %swap3A_553] {strides = array<i32>} : memref<80x128xi32, #tpu.memory_space<vmem>>, vector<16xi32>,
    tpu.vector_store %arg7[%swap3A_552, %swap3A_553], %shift_right_logical3A_550 {strides = array<i32>} : memref<80x128xi32, #tpu.memory_space<vmem>>, vector<16xi32>,
    %get3A_555 = arith.constant 3 : i32
    %get3A_556 = arith.index_cast %get3A_555 : i32 to index
    %get3A_557 = arith.constant 96 : index
    %get3A_558 = tpu.vector_load %arg5[%get3A_556, %get3A_557] {strides = array<i32>} : memref<80x128xi32, #tpu.memory_space<vmem>>, vector<16xi32>,
    %and3A_559 = arith.constant 65535 : i32
    %and3A_560 = vector.broadcast %and3A_559 : i32 to vector<16xi32>
    %and3A_561 = arith.andi %get3A_558, %and3A_560 : vector<16xi32>
    %swap3A_562 = arith.constant 3 : i32
    %swap3A_563 = arith.index_cast %swap3A_562 : i32 to index
    %swap3A_564 = arith.constant 96 : index
    %swap3A_565 = tpu.vector_load %arg6[%swap3A_563, %swap3A_564] {strides = array<i32>} : memref<80x128xi32, #tpu.memory_space<vmem>>, vector<16xi32>,
    tpu.vector_store %arg6[%swap3A_563, %swap3A_564], %and3A_561 {strides = array<i32>} : memref<80x128xi32, #tpu.memory_space<vmem>>, vector<16xi32>,
    %shift_right_logical3A_566 = arith.constant 16 : i32
    %shift_right_logical3A_567 = vector.broadcast %shift_right_logical3A_566 : i32 to vector<16xi32>
    %shift_right_logical3A_568 = arith.shrui %get3A_558, %shift_right_logical3A_567 : vector<16xi32>
    %swap3A_569 = arith.constant 3 : i32
    %swap3A_570 = arith.index_cast %swap3A_569 : i32 to index
    %swap3A_571 = arith.constant 96 : index
    %swap3A_572 = tpu.vector_load %arg7[%swap3A_570, %swap3A_571] {strides = array<i32>} : memref<80x128xi32, #tpu.memory_space<vmem>>, vector<16xi32>,
    tpu.vector_store %arg7[%swap3A_570, %swap3A_571], %shift_right_logical3A_568 {strides = array<i32>} : memref<80x128xi32, #tpu.memory_space<vmem>>, vector<16xi32>,
    %get3A_573 = arith.constant 3 : i32
    %get3A_574 = arith.index_cast %get3A_573 : i32 to index
    %get3A_575 = arith.constant 112 : index
    %get3A_576 = tpu.vector_load %arg5[%get3A_574, %get3A_575] {strides = array<i32>} : memref<80x128xi32, #tpu.memory_space<vmem>>, vector<16xi32>,
    %and3A_577 = arith.constant 65535 : i32
    %and3A_578 = vector.broadcast %and3A_577 : i32 to vector<16xi32>
    %and3A_579 = arith.andi %get3A_576, %and3A_578 : vector<16xi32>
    %swap3A_580 = arith.constant 3 : i32
    %swap3A_581 = arith.index_cast %swap3A_580 : i32 to index
    %swap3A_582 = arith.constant 112 : index
    %swap3A_583 = tpu.vector_load %arg6[%swap3A_581, %swap3A_582] {strides = array<i32>} : memref<80x128xi32, #tpu.memory_space<vmem>>, vector<16xi32>,
    tpu.vector_store %arg6[%swap3A_581, %swap3A_582], %and3A_579 {strides = array<i32>} : memref<80x128xi32, #tpu.memory_space<vmem>>, vector<16xi32>,
    %shift_right_logical3A_584 = arith.constant 16 : i32
    %shift_right_logical3A_585 = vector.broadcast %shift_right_logical3A_584 : i32 to vector<16xi32>
    %shift_right_logical3A_586 = arith.shrui %get3A_576, %shift_right_logical3A_585 : vector<16xi32>
    %swap3A_587 = arith.constant 3 : i32
    %swap3A_588 = arith.index_cast %swap3A_587 : i32 to index
    %swap3A_589 = arith.constant 112 : index
    %swap3A_590 = tpu.vector_load %arg7[%swap3A_588, %swap3A_589] {strides = array<i32>} : memref<80x128xi32, #tpu.memory_space<vmem>>, vector<16xi32>,
    tpu.vector_store %arg7[%swap3A_588, %swap3A_589], %shift_right_logical3A_586 {strides = array<i32>} : memref<80x128xi32, #tpu.memory_space<vmem>>, vector<16xi32>,
    %barrier3A = arith.constant 0 : index
    tpu.barrier barrier_id(%barrier3A)
    %dma_start3A = arith.constant 0 : i32
    %dma_start3A_591 = arith.constant 0 : i32
    %dma_start3A_592 = tpu.memref_slice %arg6[%dma_start3A, %dma_start3A_591] : memref<80x128xi32, #tpu.memory_space<vmem>> -> memref<1x128xi32, #tpu.memory_space<vmem>>
    %dma_start3A_593 = tpu.memref_squeeze %dma_start3A_592 : memref<1x128xi32, #tpu.memory_space<vmem>> -> memref<128xi32, #tpu.memory_space<vmem>>
    %dma_start3A_594 = arith.constant 0 : i32
    %dma_start3A_595 = arith.constant 0 : i32
    %dma_start3A_596 = tpu.memref_slice %arg11[%dma_start3A_594, %dma_start3A_595] : memref<10000x32xf32, #tpu.memory_space<vmem_shared>> -> memref<10000x32xf32, #tpu.memory_space<vmem_shared>>
    tpu.enqueue_indirect_dma source(%dma_start3A_596 : memref<10000x32xf32, #tpu.memory_space<vmem_shared>>) target(%arg8 : memref<128x32xf32, #tpu.memory_space<vmem>>) offsets(%dma_start3A_593 : memref<128xi32, #tpu.memory_space<vmem>>) semaphore(%arg12 : memref<!tpu.dma_semaphore, #tpu.memory_space<semaphore_mem>>)
    %scan3A_597 = arith.constant 0 : i32
    %scan3A_598 = arith.constant 0 : i32
    %scan3A_599 = arith.constant 40 : i32
    %scan3A_600 = arith.addi %scan3A_598, %scan3A_599 : i32
    %scan3A_601 = arith.constant 1 : i32
    scf.for %scan3A_604 = %scan3A_598 to %scan3A_600 step %scan3A_601  : i32 {
      %mul3A_605 = arith.constant 2 : i32
      %mul3A_606 = arith.muli %mul3A_605, %scan3A_604 : i32
      %add3A_607 = arith.constant 1 : i32
      %add3A_608 = arith.addi %mul3A_606, %add3A_607 : i32
      %dma_start3A_609 = arith.constant 0 : i32
      %dma_start3A_610 = tpu.memref_slice %arg6[%add3A_608, %dma_start3A_609] : memref<80x128xi32, #tpu.memory_space<vmem>> -> memref<1x128xi32, #tpu.memory_space<vmem>>
      %dma_start3A_611 = tpu.memref_squeeze %dma_start3A_610 : memref<1x128xi32, #tpu.memory_space<vmem>> -> memref<128xi32, #tpu.memory_space<vmem>>
      %dma_start3A_612 = arith.constant 0 : i32
      %dma_start3A_613 = arith.constant 0 : i32
      %dma_start3A_614 = tpu.memref_slice %arg11[%dma_start3A_612, %dma_start3A_613] : memref<10000x32xf32, #tpu.memory_space<vmem_shared>> -> memref<10000x32xf32, #tpu.memory_space<vmem_shared>>
      tpu.enqueue_indirect_dma source(%dma_start3A_614 : memref<10000x32xf32, #tpu.memory_space<vmem_shared>>) target(%arg9 : memref<128x32xf32, #tpu.memory_space<vmem>>) offsets(%dma_start3A_611 : memref<128xi32, #tpu.memory_space<vmem>>) semaphore(%arg13 : memref<!tpu.dma_semaphore, #tpu.memory_space<semaphore_mem>>)
      %add3A_615 = arith.constant 3 : i32
      %add3A_616 = arith.addi %mul3A_606, %add3A_615 : i32
      %min3A = arith.constant 79 : i32
      %min3A_617 = arith.minsi %add3A_616, %min3A : i32
      %get3A_618 = arith.index_cast %min3A_617 : i32 to index
      %get3A_619 = arith.constant 0 : index
      %get3A_620 = tpu.vector_load %arg5[%get3A_618, %get3A_619] {strides = array<i32>} : memref<80x128xi32, #tpu.memory_space<vmem>>, vector<16xi32>,
      %and3A_621 = arith.constant 65535 : i32
      %and3A_622 = vector.broadcast %and3A_621 : i32 to vector<16xi32>
      %and3A_623 = arith.andi %get3A_620, %and3A_622 : vector<16xi32>
      %swap3A_624 = arith.index_cast %min3A_617 : i32 to index
      %swap3A_625 = arith.constant 0 : index
      %swap3A_626 = tpu.vector_load %arg6[%swap3A_624, %swap3A_625] {strides = array<i32>} : memref<80x128xi32, #tpu.memory_space<vmem>>, vector<16xi32>,
      tpu.vector_store %arg6[%swap3A_624, %swap3A_625], %and3A_623 {strides = array<i32>} : memref<80x128xi32, #tpu.memory_space<vmem>>, vector<16xi32>,
      %shift_right_logical3A_627 = arith.constant 16 : i32
      %shift_right_logical3A_628 = vector.broadcast %shift_right_logical3A_627 : i32 to vector<16xi32>
      %shift_right_logical3A_629 = arith.shrui %get3A_620, %shift_right_logical3A_628 : vector<16xi32>
      %swap3A_630 = arith.index_cast %min3A_617 : i32 to index
      %swap3A_631 = arith.constant 0 : index
      %swap3A_632 = tpu.vector_load %arg7[%swap3A_630, %swap3A_631] {strides = array<i32>} : memref<80x128xi32, #tpu.memory_space<vmem>>, vector<16xi32>,
      tpu.vector_store %arg7[%swap3A_630, %swap3A_631], %shift_right_logical3A_629 {strides = array<i32>} : memref<80x128xi32, #tpu.memory_space<vmem>>, vector<16xi32>,
      %get3A_633 = arith.index_cast %min3A_617 : i32 to index
      %get3A_634 = arith.constant 16 : index
      %get3A_635 = tpu.vector_load %arg5[%get3A_633, %get3A_634] {strides = array<i32>} : memref<80x128xi32, #tpu.memory_space<vmem>>, vector<16xi32>,
      %and3A_636 = arith.constant 65535 : i32
      %and3A_637 = vector.broadcast %and3A_636 : i32 to vector<16xi32>
      %and3A_638 = arith.andi %get3A_635, %and3A_637 : vector<16xi32>
      %swap3A_639 = arith.index_cast %min3A_617 : i32 to index
      %swap3A_640 = arith.constant 16 : index
      %swap3A_641 = tpu.vector_load %arg6[%swap3A_639, %swap3A_640] {strides = array<i32>} : memref<80x128xi32, #tpu.memory_space<vmem>>, vector<16xi32>,
      tpu.vector_store %arg6[%swap3A_639, %swap3A_640], %and3A_638 {strides = array<i32>} : memref<80x128xi32, #tpu.memory_space<vmem>>, vector<16xi32>,
      %shift_right_logical3A_642 = arith.constant 16 : i32
      %shift_right_logical3A_643 = vector.broadcast %shift_right_logical3A_642 : i32 to vector<16xi32>
      %shift_right_logical3A_644 = arith.shrui %get3A_635, %shift_right_logical3A_643 : vector<16xi32>
      %swap3A_645 = arith.index_cast %min3A_617 : i32 to index
      %swap3A_646 = arith.constant 16 : index
      %swap3A_647 = tpu.vector_load %arg7[%swap3A_645, %swap3A_646] {strides = array<i32>} : memref<80x128xi32, #tpu.memory_space<vmem>>, vector<16xi32>,
      tpu.vector_store %arg7[%swap3A_645, %swap3A_646], %shift_right_logical3A_644 {strides = array<i32>} : memref<80x128xi32, #tpu.memory_space<vmem>>, vector<16xi32>,
      %get3A_648 = arith.index_cast %min3A_617 : i32 to index
      %get3A_649 = arith.constant 32 : index
      %get3A_650 = tpu.vector_load %arg5[%get3A_648, %get3A_649] {strides = array<i32>} : memref<80x128xi32, #tpu.memory_space<vmem>>, vector<16xi32>,
      %and3A_651 = arith.constant 65535 : i32
      %and3A_652 = vector.broadcast %and3A_651 : i32 to vector<16xi32>
      %and3A_653 = arith.andi %get3A_650, %and3A_652 : vector<16xi32>
      %swap3A_654 = arith.index_cast %min3A_617 : i32 to index
      %swap3A_655 = arith.constant 32 : index
      %swap3A_656 = tpu.vector_load %arg6[%swap3A_654, %swap3A_655] {strides = array<i32>} : memref<80x128xi32, #tpu.memory_space<vmem>>, vector<16xi32>,
      tpu.vector_store %arg6[%swap3A_654, %swap3A_655], %and3A_653 {strides = array<i32>} : memref<80x128xi32, #tpu.memory_space<vmem>>, vector<16xi32>,
      %shift_right_logical3A_657 = arith.constant 16 : i32
      %shift_right_logical3A_658 = vector.broadcast %shift_right_logical3A_657 : i32 to vector<16xi32>
      %shift_right_logical3A_659 = arith.shrui %get3A_650, %shift_right_logical3A_658 : vector<16xi32>
      %swap3A_660 = arith.index_cast %min3A_617 : i32 to index
      %swap3A_661 = arith.constant 32 : index
      %swap3A_662 = tpu.vector_load %arg7[%swap3A_660, %swap3A_661] {strides = array<i32>} : memref<80x128xi32, #tpu.memory_space<vmem>>, vector<16xi32>,
      tpu.vector_store %arg7[%swap3A_660, %swap3A_661], %shift_right_logical3A_659 {strides = array<i32>} : memref<80x128xi32, #tpu.memory_space<vmem>>, vector<16xi32>,
      %get3A_663 = arith.index_cast %min3A_617 : i32 to index
      %get3A_664 = arith.constant 48 : index
      %get3A_665 = tpu.vector_load %arg5[%get3A_663, %get3A_664] {strides = array<i32>} : memref<80x128xi32, #tpu.memory_space<vmem>>, vector<16xi32>,
      %and3A_666 = arith.constant 65535 : i32
      %and3A_667 = vector.broadcast %and3A_666 : i32 to vector<16xi32>
      %and3A_668 = arith.andi %get3A_665, %and3A_667 : vector<16xi32>
      %swap3A_669 = arith.index_cast %min3A_617 : i32 to index
      %swap3A_670 = arith.constant 48 : index
      %swap3A_671 = tpu.vector_load %arg6[%swap3A_669, %swap3A_670] {strides = array<i32>} : memref<80x128xi32, #tpu.memory_space<vmem>>, vector<16xi32>,
      tpu.vector_store %arg6[%swap3A_669, %swap3A_670], %and3A_668 {strides = array<i32>} : memref<80x128xi32, #tpu.memory_space<vmem>>, vector<16xi32>,
      %shift_right_logical3A_672 = arith.constant 16 : i32
      %shift_right_logical3A_673 = vector.broadcast %shift_right_logical3A_672 : i32 to vector<16xi32>
      %shift_right_logical3A_674 = arith.shrui %get3A_665, %shift_right_logical3A_673 : vector<16xi32>
      %swap3A_675 = arith.index_cast %min3A_617 : i32 to index
      %swap3A_676 = arith.constant 48 : index
      %swap3A_677 = tpu.vector_load %arg7[%swap3A_675, %swap3A_676] {strides = array<i32>} : memref<80x128xi32, #tpu.memory_space<vmem>>, vector<16xi32>,
      tpu.vector_store %arg7[%swap3A_675, %swap3A_676], %shift_right_logical3A_674 {strides = array<i32>} : memref<80x128xi32, #tpu.memory_space<vmem>>, vector<16xi32>,
      %get3A_678 = arith.index_cast %min3A_617 : i32 to index
      %get3A_679 = arith.constant 64 : index
      %get3A_680 = tpu.vector_load %arg5[%get3A_678, %get3A_679] {strides = array<i32>} : memref<80x128xi32, #tpu.memory_space<vmem>>, vector<16xi32>,
      %and3A_681 = arith.constant 65535 : i32
      %and3A_682 = vector.broadcast %and3A_681 : i32 to vector<16xi32>
      %and3A_683 = arith.andi %get3A_680, %and3A_682 : vector<16xi32>
      %swap3A_684 = arith.index_cast %min3A_617 : i32 to index
      %swap3A_685 = arith.constant 64 : index
      %swap3A_686 = tpu.vector_load %arg6[%swap3A_684, %swap3A_685] {strides = array<i32>} : memref<80x128xi32, #tpu.memory_space<vmem>>, vector<16xi32>,
      tpu.vector_store %arg6[%swap3A_684, %swap3A_685], %and3A_683 {strides = array<i32>} : memref<80x128xi32, #tpu.memory_space<vmem>>, vector<16xi32>,
      %shift_right_logical3A_687 = arith.constant 16 : i32
      %shift_right_logical3A_688 = vector.broadcast %shift_right_logical3A_687 : i32 to vector<16xi32>
      %shift_right_logical3A_689 = arith.shrui %get3A_680, %shift_right_logical3A_688 : vector<16xi32>
      %swap3A_690 = arith.index_cast %min3A_617 : i32 to index
      %swap3A_691 = arith.constant 64 : index
      %swap3A_692 = tpu.vector_load %arg7[%swap3A_690, %swap3A_691] {strides = array<i32>} : memref<80x128xi32, #tpu.memory_space<vmem>>, vector<16xi32>,
      tpu.vector_store %arg7[%swap3A_690, %swap3A_691], %shift_right_logical3A_689 {strides = array<i32>} : memref<80x128xi32, #tpu.memory_space<vmem>>, vector<16xi32>,
      %get3A_693 = arith.index_cast %min3A_617 : i32 to index
      %get3A_694 = arith.constant 80 : index
      %get3A_695 = tpu.vector_load %arg5[%get3A_693, %get3A_694] {strides = array<i32>} : memref<80x128xi32, #tpu.memory_space<vmem>>, vector<16xi32>,
      %and3A_696 = arith.constant 65535 : i32
      %and3A_697 = vector.broadcast %and3A_696 : i32 to vector<16xi32>
      %and3A_698 = arith.andi %get3A_695, %and3A_697 : vector<16xi32>
      %swap3A_699 = arith.index_cast %min3A_617 : i32 to index
      %swap3A_700 = arith.constant 80 : index
      %swap3A_701 = tpu.vector_load %arg6[%swap3A_699, %swap3A_700] {strides = array<i32>} : memref<80x128xi32, #tpu.memory_space<vmem>>, vector<16xi32>,
      tpu.vector_store %arg6[%swap3A_699, %swap3A_700], %and3A_698 {strides = array<i32>} : memref<80x128xi32, #tpu.memory_space<vmem>>, vector<16xi32>,
      %shift_right_logical3A_702 = arith.constant 16 : i32
      %shift_right_logical3A_703 = vector.broadcast %shift_right_logical3A_702 : i32 to vector<16xi32>
      %shift_right_logical3A_704 = arith.shrui %get3A_695, %shift_right_logical3A_703 : vector<16xi32>
      %swap3A_705 = arith.index_cast %min3A_617 : i32 to index
      %swap3A_706 = arith.constant 80 : index
      %swap3A_707 = tpu.vector_load %arg7[%swap3A_705, %swap3A_706] {strides = array<i32>} : memref<80x128xi32, #tpu.memory_space<vmem>>, vector<16xi32>,
      tpu.vector_store %arg7[%swap3A_705, %swap3A_706], %shift_right_logical3A_704 {strides = array<i32>} : memref<80x128xi32, #tpu.memory_space<vmem>>, vector<16xi32>,
      %get3A_708 = arith.index_cast %min3A_617 : i32 to index
      %get3A_709 = arith.constant 96 : index
      %get3A_710 = tpu.vector_load %arg5[%get3A_708, %get3A_709] {strides = array<i32>} : memref<80x128xi32, #tpu.memory_space<vmem>>, vector<16xi32>,
      %and3A_711 = arith.constant 65535 : i32
      %and3A_712 = vector.broadcast %and3A_711 : i32 to vector<16xi32>
      %and3A_713 = arith.andi %get3A_710, %and3A_712 : vector<16xi32>
      %swap3A_714 = arith.index_cast %min3A_617 : i32 to index
      %swap3A_715 = arith.constant 96 : index
      %swap3A_716 = tpu.vector_load %arg6[%swap3A_714, %swap3A_715] {strides = array<i32>} : memref<80x128xi32, #tpu.memory_space<vmem>>, vector<16xi32>,
      tpu.vector_store %arg6[%swap3A_714, %swap3A_715], %and3A_713 {strides = array<i32>} : memref<80x128xi32, #tpu.memory_space<vmem>>, vector<16xi32>,
      %shift_right_logical3A_717 = arith.constant 16 : i32
      %shift_right_logical3A_718 = vector.broadcast %shift_right_logical3A_717 : i32 to vector<16xi32>
      %shift_right_logical3A_719 = arith.shrui %get3A_710, %shift_right_logical3A_718 : vector<16xi32>
      %swap3A_720 = arith.index_cast %min3A_617 : i32 to index
      %swap3A_721 = arith.constant 96 : index
      %swap3A_722 = tpu.vector_load %arg7[%swap3A_720, %swap3A_721] {strides = array<i32>} : memref<80x128xi32, #tpu.memory_space<vmem>>, vector<16xi32>,
      tpu.vector_store %arg7[%swap3A_720, %swap3A_721], %shift_right_logical3A_719 {strides = array<i32>} : memref<80x128xi32, #tpu.memory_space<vmem>>, vector<16xi32>,
      %get3A_723 = arith.index_cast %min3A_617 : i32 to index
      %get3A_724 = arith.constant 112 : index
      %get3A_725 = tpu.vector_load %arg5[%get3A_723, %get3A_724] {strides = array<i32>} : memref<80x128xi32, #tpu.memory_space<vmem>>, vector<16xi32>,
      %and3A_726 = arith.constant 65535 : i32
      %and3A_727 = vector.broadcast %and3A_726 : i32 to vector<16xi32>
      %and3A_728 = arith.andi %get3A_725, %and3A_727 : vector<16xi32>
      %swap3A_729 = arith.index_cast %min3A_617 : i32 to index
      %swap3A_730 = arith.constant 112 : index
      %swap3A_731 = tpu.vector_load %arg6[%swap3A_729, %swap3A_730] {strides = array<i32>} : memref<80x128xi32, #tpu.memory_space<vmem>>, vector<16xi32>,
      tpu.vector_store %arg6[%swap3A_729, %swap3A_730], %and3A_728 {strides = array<i32>} : memref<80x128xi32, #tpu.memory_space<vmem>>, vector<16xi32>,
      %shift_right_logical3A_732 = arith.constant 16 : i32
      %shift_right_logical3A_733 = vector.broadcast %shift_right_logical3A_732 : i32 to vector<16xi32>
      %shift_right_logical3A_734 = arith.shrui %get3A_725, %shift_right_logical3A_733 : vector<16xi32>
      %swap3A_735 = arith.index_cast %min3A_617 : i32 to index
      %swap3A_736 = arith.constant 112 : index
      %swap3A_737 = tpu.vector_load %arg7[%swap3A_735, %swap3A_736] {strides = array<i32>} : memref<80x128xi32, #tpu.memory_space<vmem>>, vector<16xi32>,
      tpu.vector_store %arg7[%swap3A_735, %swap3A_736], %shift_right_logical3A_734 {strides = array<i32>} : memref<80x128xi32, #tpu.memory_space<vmem>>, vector<16xi32>,
      %dma_wait3A = arith.constant 0 : i32
      %dma_wait3A_738 = arith.constant 0 : i32
      %dma_wait3A_739 = tpu.memref_slice %arg2[%dma_wait3A, %dma_wait3A_738] : memref<10000x32xf32, #tpu.memory_space<hbm>> -> memref<128x32xf32, #tpu.memory_space<hbm>>
      %dma_wait3A_740 = arith.constant 0 : i32
      %dma_wait3A_741 = arith.constant 0 : i32
      %dma_wait3A_742 = tpu.memref_slice %arg2[%dma_wait3A_740, %dma_wait3A_741] : memref<10000x32xf32, #tpu.memory_space<hbm>> -> memref<128x32xf32, #tpu.memory_space<hbm>>
      tpu.wait_dma2 semaphore(%arg12 : memref<!tpu.dma_semaphore, #tpu.memory_space<semaphore_mem>>) src(%dma_wait3A_742 : memref<128x32xf32, #tpu.memory_space<hbm>>) dst(%arg8 : memref<128x32xf32, #tpu.memory_space<vmem>>)
      "tpu.region"() ({
        %run_scoped3A = tpu.sem_alloc : memref<!tpu.dma_semaphore, #tpu.memory_space<semaphore_mem>>
        %dma_start3A_877 = arith.constant 0 : i32
        %dma_start3A_878 = tpu.memref_slice %arg7[%mul3A_606, %dma_start3A_877] : memref<80x128xi32, #tpu.memory_space<vmem>> -> memref<1x128xi32, #tpu.memory_space<vmem>>
        %dma_start3A_879 = tpu.memref_squeeze %dma_start3A_878 : memref<1x128xi32, #tpu.memory_space<vmem>> -> memref<128xi32, #tpu.memory_space<vmem>>
        %dma_start3A_880 = arith.constant 0 : i32
        %dma_start3A_881 = arith.constant 0 : i32
        %dma_start3A_882 = tpu.memref_slice %arg10[%dma_start3A_880, %dma_start3A_881] : memref<10008x32xf32, #tpu.memory_space<vmem_shared>> -> memref<10008x32xf32, #tpu.memory_space<vmem_shared>>
        tpu.enqueue_indirect_dma source(%arg8 : memref<128x32xf32, #tpu.memory_space<vmem>>) target(%dma_start3A_882 : memref<10008x32xf32, #tpu.memory_space<vmem_shared>>) offsets(%dma_start3A_879 : memref<128xi32, #tpu.memory_space<vmem>>) semaphore(%run_scoped3A : memref<!tpu.dma_semaphore, #tpu.memory_space<semaphore_mem>>) {add = true}
        %dma_wait3A_883 = arith.constant 0 : i32
        %dma_wait3A_884 = tpu.memref_slice %arg7[%mul3A_606, %dma_wait3A_883] : memref<80x128xi32, #tpu.memory_space<vmem>> -> memref<1x128xi32, #tpu.memory_space<vmem>>
        %dma_wait3A_885 = tpu.memref_squeeze %dma_wait3A_884 : memref<1x128xi32, #tpu.memory_space<vmem>> -> memref<128xi32, #tpu.memory_space<vmem>>
        %dma_wait3A_886 = arith.constant 0 : i32
        %dma_wait3A_887 = arith.constant 0 : i32
        %dma_wait3A_888 = tpu.memref_slice %arg10[%dma_wait3A_886, %dma_wait3A_887] : memref<10008x32xf32, #tpu.memory_space<vmem_shared>> -> memref<10008x32xf32, #tpu.memory_space<vmem_shared>>
        tpu.wait_indirect_dma semaphore(%run_scoped3A : memref<!tpu.dma_semaphore, #tpu.memory_space<semaphore_mem>>) src(%arg8 : memref<128x32xf32, #tpu.memory_space<vmem>>) dst(%dma_wait3A_888 : memref<10008x32xf32, #tpu.memory_space<vmem_shared>>)
        tpu.yield
      }) : () -> ()
      %lt3A = arith.constant 39 : i32
      %lt3A_743 = arith.cmpi slt, %scan3A_604, %lt3A : i32
      %convert_element_type3A = arith.extui %lt3A_743 : i1 to i32
      %cond3A = arith.constant 0 : i32
      %cond3A_744 = arith.cmpi ne, %convert_element_type3A, %cond3A : i32
      scf.if %cond3A_744 {
        %add3A_877 = arith.constant 2 : i32
        %add3A_878 = arith.addi %mul3A_606, %add3A_877 : i32
        %dma_start3A_879 = arith.constant 0 : i32
        %dma_start3A_880 = tpu.memref_slice %arg6[%add3A_878, %dma_start3A_879] : memref<80x128xi32, #tpu.memory_space<vmem>> -> memref<1x128xi32, #tpu.memory_space<vmem>>
        %dma_start3A_881 = tpu.memref_squeeze %dma_start3A_880 : memref<1x128xi32, #tpu.memory_space<vmem>> -> memref<128xi32, #tpu.memory_space<vmem>>
        %dma_start3A_882 = arith.constant 0 : i32
        %dma_start3A_883 = arith.constant 0 : i32
        %dma_start3A_884 = tpu.memref_slice %arg11[%dma_start3A_882, %dma_start3A_883] : memref<10000x32xf32, #tpu.memory_space<vmem_shared>> -> memref<10000x32xf32, #tpu.memory_space<vmem_shared>>
        tpu.enqueue_indirect_dma source(%dma_start3A_884 : memref<10000x32xf32, #tpu.memory_space<vmem_shared>>) target(%arg8 : memref<128x32xf32, #tpu.memory_space<vmem>>) offsets(%dma_start3A_881 : memref<128xi32, #tpu.memory_space<vmem>>) semaphore(%arg12 : memref<!tpu.dma_semaphore, #tpu.memory_space<semaphore_mem>>)
      } else {
      }
      %add3A_745 = arith.constant 4 : i32
      %add3A_746 = arith.addi %mul3A_606, %add3A_745 : i32
      %min3A_747 = arith.constant 79 : i32
      %min3A_748 = arith.minsi %add3A_746, %min3A_747 : i32
      %get3A_749 = arith.index_cast %min3A_748 : i32 to index
      %get3A_750 = arith.constant 0 : index
      %get3A_751 = tpu.vector_load %arg5[%get3A_749, %get3A_750] {strides = array<i32>} : memref<80x128xi32, #tpu.memory_space<vmem>>, vector<16xi32>,
      %and3A_752 = arith.constant 65535 : i32
      %and3A_753 = vector.broadcast %and3A_752 : i32 to vector<16xi32>
      %and3A_754 = arith.andi %get3A_751, %and3A_753 : vector<16xi32>
      %swap3A_755 = arith.index_cast %min3A_748 : i32 to index
      %swap3A_756 = arith.constant 0 : index
      %swap3A_757 = tpu.vector_load %arg6[%swap3A_755, %swap3A_756] {strides = array<i32>} : memref<80x128xi32, #tpu.memory_space<vmem>>, vector<16xi32>,
      tpu.vector_store %arg6[%swap3A_755, %swap3A_756], %and3A_754 {strides = array<i32>} : memref<80x128xi32, #tpu.memory_space<vmem>>, vector<16xi32>,
      %shift_right_logical3A_758 = arith.constant 16 : i32
      %shift_right_logical3A_759 = vector.broadcast %shift_right_logical3A_758 : i32 to vector<16xi32>
      %shift_right_logical3A_760 = arith.shrui %get3A_751, %shift_right_logical3A_759 : vector<16xi32>
      %swap3A_761 = arith.index_cast %min3A_748 : i32 to index
      %swap3A_762 = arith.constant 0 : index
      %swap3A_763 = tpu.vector_load %arg7[%swap3A_761, %swap3A_762] {strides = array<i32>} : memref<80x128xi32, #tpu.memory_space<vmem>>, vector<16xi32>,
      tpu.vector_store %arg7[%swap3A_761, %swap3A_762], %shift_right_logical3A_760 {strides = array<i32>} : memref<80x128xi32, #tpu.memory_space<vmem>>, vector<16xi32>,
      %get3A_764 = arith.index_cast %min3A_748 : i32 to index
      %get3A_765 = arith.constant 16 : index
      %get3A_766 = tpu.vector_load %arg5[%get3A_764, %get3A_765] {strides = array<i32>} : memref<80x128xi32, #tpu.memory_space<vmem>>, vector<16xi32>,
      %and3A_767 = arith.constant 65535 : i32
      %and3A_768 = vector.broadcast %and3A_767 : i32 to vector<16xi32>
      %and3A_769 = arith.andi %get3A_766, %and3A_768 : vector<16xi32>
      %swap3A_770 = arith.index_cast %min3A_748 : i32 to index
      %swap3A_771 = arith.constant 16 : index
      %swap3A_772 = tpu.vector_load %arg6[%swap3A_770, %swap3A_771] {strides = array<i32>} : memref<80x128xi32, #tpu.memory_space<vmem>>, vector<16xi32>,
      tpu.vector_store %arg6[%swap3A_770, %swap3A_771], %and3A_769 {strides = array<i32>} : memref<80x128xi32, #tpu.memory_space<vmem>>, vector<16xi32>,
      %shift_right_logical3A_773 = arith.constant 16 : i32
      %shift_right_logical3A_774 = vector.broadcast %shift_right_logical3A_773 : i32 to vector<16xi32>
      %shift_right_logical3A_775 = arith.shrui %get3A_766, %shift_right_logical3A_774 : vector<16xi32>
      %swap3A_776 = arith.index_cast %min3A_748 : i32 to index
      %swap3A_777 = arith.constant 16 : index
      %swap3A_778 = tpu.vector_load %arg7[%swap3A_776, %swap3A_777] {strides = array<i32>} : memref<80x128xi32, #tpu.memory_space<vmem>>, vector<16xi32>,
      tpu.vector_store %arg7[%swap3A_776, %swap3A_777], %shift_right_logical3A_775 {strides = array<i32>} : memref<80x128xi32, #tpu.memory_space<vmem>>, vector<16xi32>,
      %get3A_779 = arith.index_cast %min3A_748 : i32 to index
      %get3A_780 = arith.constant 32 : index
      %get3A_781 = tpu.vector_load %arg5[%get3A_779, %get3A_780] {strides = array<i32>} : memref<80x128xi32, #tpu.memory_space<vmem>>, vector<16xi32>,
      %and3A_782 = arith.constant 65535 : i32
      %and3A_783 = vector.broadcast %and3A_782 : i32 to vector<16xi32>
      %and3A_784 = arith.andi %get3A_781, %and3A_783 : vector<16xi32>
      %swap3A_785 = arith.index_cast %min3A_748 : i32 to index
      %swap3A_786 = arith.constant 32 : index
      %swap3A_787 = tpu.vector_load %arg6[%swap3A_785, %swap3A_786] {strides = array<i32>} : memref<80x128xi32, #tpu.memory_space<vmem>>, vector<16xi32>,
      tpu.vector_store %arg6[%swap3A_785, %swap3A_786], %and3A_784 {strides = array<i32>} : memref<80x128xi32, #tpu.memory_space<vmem>>, vector<16xi32>,
      %shift_right_logical3A_788 = arith.constant 16 : i32
      %shift_right_logical3A_789 = vector.broadcast %shift_right_logical3A_788 : i32 to vector<16xi32>
      %shift_right_logical3A_790 = arith.shrui %get3A_781, %shift_right_logical3A_789 : vector<16xi32>
      %swap3A_791 = arith.index_cast %min3A_748 : i32 to index
      %swap3A_792 = arith.constant 32 : index
      %swap3A_793 = tpu.vector_load %arg7[%swap3A_791, %swap3A_792] {strides = array<i32>} : memref<80x128xi32, #tpu.memory_space<vmem>>, vector<16xi32>,
      tpu.vector_store %arg7[%swap3A_791, %swap3A_792], %shift_right_logical3A_790 {strides = array<i32>} : memref<80x128xi32, #tpu.memory_space<vmem>>, vector<16xi32>,
      %get3A_794 = arith.index_cast %min3A_748 : i32 to index
      %get3A_795 = arith.constant 48 : index
      %get3A_796 = tpu.vector_load %arg5[%get3A_794, %get3A_795] {strides = array<i32>} : memref<80x128xi32, #tpu.memory_space<vmem>>, vector<16xi32>,
      %and3A_797 = arith.constant 65535 : i32
      %and3A_798 = vector.broadcast %and3A_797 : i32 to vector<16xi32>
      %and3A_799 = arith.andi %get3A_796, %and3A_798 : vector<16xi32>
      %swap3A_800 = arith.index_cast %min3A_748 : i32 to index
      %swap3A_801 = arith.constant 48 : index
      %swap3A_802 = tpu.vector_load %arg6[%swap3A_800, %swap3A_801] {strides = array<i32>} : memref<80x128xi32, #tpu.memory_space<vmem>>, vector<16xi32>,
      tpu.vector_store %arg6[%swap3A_800, %swap3A_801], %and3A_799 {strides = array<i32>} : memref<80x128xi32, #tpu.memory_space<vmem>>, vector<16xi32>,
      %shift_right_logical3A_803 = arith.constant 16 : i32
      %shift_right_logical3A_804 = vector.broadcast %shift_right_logical3A_803 : i32 to vector<16xi32>
      %shift_right_logical3A_805 = arith.shrui %get3A_796, %shift_right_logical3A_804 : vector<16xi32>
      %swap3A_806 = arith.index_cast %min3A_748 : i32 to index
      %swap3A_807 = arith.constant 48 : index
      %swap3A_808 = tpu.vector_load %arg7[%swap3A_806, %swap3A_807] {strides = array<i32>} : memref<80x128xi32, #tpu.memory_space<vmem>>, vector<16xi32>,
      tpu.vector_store %arg7[%swap3A_806, %swap3A_807], %shift_right_logical3A_805 {strides = array<i32>} : memref<80x128xi32, #tpu.memory_space<vmem>>, vector<16xi32>,
      %get3A_809 = arith.index_cast %min3A_748 : i32 to index
      %get3A_810 = arith.constant 64 : index
      %get3A_811 = tpu.vector_load %arg5[%get3A_809, %get3A_810] {strides = array<i32>} : memref<80x128xi32, #tpu.memory_space<vmem>>, vector<16xi32>,
      %and3A_812 = arith.constant 65535 : i32
      %and3A_813 = vector.broadcast %and3A_812 : i32 to vector<16xi32>
      %and3A_814 = arith.andi %get3A_811, %and3A_813 : vector<16xi32>
      %swap3A_815 = arith.index_cast %min3A_748 : i32 to index
      %swap3A_816 = arith.constant 64 : index
      %swap3A_817 = tpu.vector_load %arg6[%swap3A_815, %swap3A_816] {strides = array<i32>} : memref<80x128xi32, #tpu.memory_space<vmem>>, vector<16xi32>,
      tpu.vector_store %arg6[%swap3A_815, %swap3A_816], %and3A_814 {strides = array<i32>} : memref<80x128xi32, #tpu.memory_space<vmem>>, vector<16xi32>,
      %shift_right_logical3A_818 = arith.constant 16 : i32
      %shift_right_logical3A_819 = vector.broadcast %shift_right_logical3A_818 : i32 to vector<16xi32>
      %shift_right_logical3A_820 = arith.shrui %get3A_811, %shift_right_logical3A_819 : vector<16xi32>
      %swap3A_821 = arith.index_cast %min3A_748 : i32 to index
      %swap3A_822 = arith.constant 64 : index
      %swap3A_823 = tpu.vector_load %arg7[%swap3A_821, %swap3A_822] {strides = array<i32>} : memref<80x128xi32, #tpu.memory_space<vmem>>, vector<16xi32>,
      tpu.vector_store %arg7[%swap3A_821, %swap3A_822], %shift_right_logical3A_820 {strides = array<i32>} : memref<80x128xi32, #tpu.memory_space<vmem>>, vector<16xi32>,
      %get3A_824 = arith.index_cast %min3A_748 : i32 to index
      %get3A_825 = arith.constant 80 : index
      %get3A_826 = tpu.vector_load %arg5[%get3A_824, %get3A_825] {strides = array<i32>} : memref<80x128xi32, #tpu.memory_space<vmem>>, vector<16xi32>,
      %and3A_827 = arith.constant 65535 : i32
      %and3A_828 = vector.broadcast %and3A_827 : i32 to vector<16xi32>
      %and3A_829 = arith.andi %get3A_826, %and3A_828 : vector<16xi32>
      %swap3A_830 = arith.index_cast %min3A_748 : i32 to index
      %swap3A_831 = arith.constant 80 : index
      %swap3A_832 = tpu.vector_load %arg6[%swap3A_830, %swap3A_831] {strides = array<i32>} : memref<80x128xi32, #tpu.memory_space<vmem>>, vector<16xi32>,
      tpu.vector_store %arg6[%swap3A_830, %swap3A_831], %and3A_829 {strides = array<i32>} : memref<80x128xi32, #tpu.memory_space<vmem>>, vector<16xi32>,
      %shift_right_logical3A_833 = arith.constant 16 : i32
      %shift_right_logical3A_834 = vector.broadcast %shift_right_logical3A_833 : i32 to vector<16xi32>
      %shift_right_logical3A_835 = arith.shrui %get3A_826, %shift_right_logical3A_834 : vector<16xi32>
      %swap3A_836 = arith.index_cast %min3A_748 : i32 to index
      %swap3A_837 = arith.constant 80 : index
      %swap3A_838 = tpu.vector_load %arg7[%swap3A_836, %swap3A_837] {strides = array<i32>} : memref<80x128xi32, #tpu.memory_space<vmem>>, vector<16xi32>,
      tpu.vector_store %arg7[%swap3A_836, %swap3A_837], %shift_right_logical3A_835 {strides = array<i32>} : memref<80x128xi32, #tpu.memory_space<vmem>>, vector<16xi32>,
      %get3A_839 = arith.index_cast %min3A_748 : i32 to index
      %get3A_840 = arith.constant 96 : index
      %get3A_841 = tpu.vector_load %arg5[%get3A_839, %get3A_840] {strides = array<i32>} : memref<80x128xi32, #tpu.memory_space<vmem>>, vector<16xi32>,
      %and3A_842 = arith.constant 65535 : i32
      %and3A_843 = vector.broadcast %and3A_842 : i32 to vector<16xi32>
      %and3A_844 = arith.andi %get3A_841, %and3A_843 : vector<16xi32>
      %swap3A_845 = arith.index_cast %min3A_748 : i32 to index
      %swap3A_846 = arith.constant 96 : index
      %swap3A_847 = tpu.vector_load %arg6[%swap3A_845, %swap3A_846] {strides = array<i32>} : memref<80x128xi32, #tpu.memory_space<vmem>>, vector<16xi32>,
      tpu.vector_store %arg6[%swap3A_845, %swap3A_846], %and3A_844 {strides = array<i32>} : memref<80x128xi32, #tpu.memory_space<vmem>>, vector<16xi32>,
      %shift_right_logical3A_848 = arith.constant 16 : i32
      %shift_right_logical3A_849 = vector.broadcast %shift_right_logical3A_848 : i32 to vector<16xi32>
      %shift_right_logical3A_850 = arith.shrui %get3A_841, %shift_right_logical3A_849 : vector<16xi32>
      %swap3A_851 = arith.index_cast %min3A_748 : i32 to index
      %swap3A_852 = arith.constant 96 : index
      %swap3A_853 = tpu.vector_load %arg7[%swap3A_851, %swap3A_852] {strides = array<i32>} : memref<80x128xi32, #tpu.memory_space<vmem>>, vector<16xi32>,
      tpu.vector_store %arg7[%swap3A_851, %swap3A_852], %shift_right_logical3A_850 {strides = array<i32>} : memref<80x128xi32, #tpu.memory_space<vmem>>, vector<16xi32>,
      %get3A_854 = arith.index_cast %min3A_748 : i32 to index
      %get3A_855 = arith.constant 112 : index
      %get3A_856 = tpu.vector_load %arg5[%get3A_854, %get3A_855] {strides = array<i32>} : memref<80x128xi32, #tpu.memory_space<vmem>>, vector<16xi32>,
      %and3A_857 = arith.constant 65535 : i32
      %and3A_858 = vector.broadcast %and3A_857 : i32 to vector<16xi32>
      %and3A_859 = arith.andi %get3A_856, %and3A_858 : vector<16xi32>
      %swap3A_860 = arith.index_cast %min3A_748 : i32 to index
      %swap3A_861 = arith.constant 112 : index
      %swap3A_862 = tpu.vector_load %arg6[%swap3A_860, %swap3A_861] {strides = array<i32>} : memref<80x128xi32, #tpu.memory_space<vmem>>, vector<16xi32>,
      tpu.vector_store %arg6[%swap3A_860, %swap3A_861], %and3A_859 {strides = array<i32>} : memref<80x128xi32, #tpu.memory_space<vmem>>, vector<16xi32>,
      %shift_right_logical3A_863 = arith.constant 16 : i32
      %shift_right_logical3A_864 = vector.broadcast %shift_right_logical3A_863 : i32 to vector<16xi32>
      %shift_right_logical3A_865 = arith.shrui %get3A_856, %shift_right_logical3A_864 : vector<16xi32>
      %swap3A_866 = arith.index_cast %min3A_748 : i32 to index
      %swap3A_867 = arith.constant 112 : index
      %swap3A_868 = tpu.vector_load %arg7[%swap3A_866, %swap3A_867] {strides = array<i32>} : memref<80x128xi32, #tpu.memory_space<vmem>>, vector<16xi32>,
      tpu.vector_store %arg7[%swap3A_866, %swap3A_867], %shift_right_logical3A_865 {strides = array<i32>} : memref<80x128xi32, #tpu.memory_space<vmem>>, vector<16xi32>,
      %dma_wait3A_869 = arith.constant 0 : i32
      %dma_wait3A_870 = arith.constant 0 : i32
      %dma_wait3A_871 = tpu.memref_slice %arg2[%dma_wait3A_869, %dma_wait3A_870] : memref<10000x32xf32, #tpu.memory_space<hbm>> -> memref<128x32xf32, #tpu.memory_space<hbm>>
      %dma_wait3A_872 = arith.constant 0 : i32
      %dma_wait3A_873 = arith.constant 0 : i32
      %dma_wait3A_874 = tpu.memref_slice %arg2[%dma_wait3A_872, %dma_wait3A_873] : memref<10000x32xf32, #tpu.memory_space<hbm>> -> memref<128x32xf32, #tpu.memory_space<hbm>>
      tpu.wait_dma2 semaphore(%arg13 : memref<!tpu.dma_semaphore, #tpu.memory_space<semaphore_mem>>) src(%dma_wait3A_874 : memref<128x32xf32, #tpu.memory_space<hbm>>) dst(%arg9 : memref<128x32xf32, #tpu.memory_space<vmem>>)
      %add3A_875 = arith.constant 1 : i32
      %add3A_876 = arith.addi %mul3A_606, %add3A_875 : i32
      "tpu.region"() ({
        %run_scoped3A = tpu.sem_alloc : memref<!tpu.dma_semaphore, #tpu.memory_space<semaphore_mem>>
        %dma_start3A_877 = arith.constant 0 : i32
        %dma_start3A_878 = tpu.memref_slice %arg7[%add3A_876, %dma_start3A_877] : memref<80x128xi32, #tpu.memory_space<vmem>> -> memref<1x128xi32, #tpu.memory_space<vmem>>
        %dma_start3A_879 = tpu.memref_squeeze %dma_start3A_878 : memref<1x128xi32, #tpu.memory_space<vmem>> -> memref<128xi32, #tpu.memory_space<vmem>>
        %dma_start3A_880 = arith.constant 0 : i32
        %dma_start3A_881 = arith.constant 0 : i32
        %dma_start3A_882 = tpu.memref_slice %arg10[%dma_start3A_880, %dma_start3A_881] : memref<10008x32xf32, #tpu.memory_space<vmem_shared>> -> memref<10008x32xf32, #tpu.memory_space<vmem_shared>>
        tpu.enqueue_indirect_dma source(%arg9 : memref<128x32xf32, #tpu.memory_space<vmem>>) target(%dma_start3A_882 : memref<10008x32xf32, #tpu.memory_space<vmem_shared>>) offsets(%dma_start3A_879 : memref<128xi32, #tpu.memory_space<vmem>>) semaphore(%run_scoped3A : memref<!tpu.dma_semaphore, #tpu.memory_space<semaphore_mem>>) {add = true}
        %dma_wait3A_883 = arith.constant 0 : i32
        %dma_wait3A_884 = tpu.memref_slice %arg7[%add3A_876, %dma_wait3A_883] : memref<80x128xi32, #tpu.memory_space<vmem>> -> memref<1x128xi32, #tpu.memory_space<vmem>>
        %dma_wait3A_885 = tpu.memref_squeeze %dma_wait3A_884 : memref<1x128xi32, #tpu.memory_space<vmem>> -> memref<128xi32, #tpu.memory_space<vmem>>
        %dma_wait3A_886 = arith.constant 0 : i32
        %dma_wait3A_887 = arith.constant 0 : i32
        %dma_wait3A_888 = tpu.memref_slice %arg10[%dma_wait3A_886, %dma_wait3A_887] : memref<10008x32xf32, #tpu.memory_space<vmem_shared>> -> memref<10008x32xf32, #tpu.memory_space<vmem_shared>>
        tpu.wait_indirect_dma semaphore(%run_scoped3A : memref<!tpu.dma_semaphore, #tpu.memory_space<semaphore_mem>>) src(%arg9 : memref<128x32xf32, #tpu.memory_space<vmem>>) dst(%dma_wait3A_888 : memref<10008x32xf32, #tpu.memory_space<vmem_shared>>)
        tpu.yield
      }) : () -> ()
    }
    %scan3A_602 = arith.constant 40 : i32
    %barrier3A_603 = arith.constant 0 : index
    tpu.barrier barrier_id(%barrier3A_603)
    "tpu.region"() ({
      %run_scoped3A = tpu.sem_alloc : memref<!tpu.dma_semaphore, #tpu.memory_space<semaphore_mem>>
      %dma_start3A_604 = arith.constant 0 : i32
      %dma_start3A_605 = arith.constant 0 : i32
      %dma_start3A_606 = tpu.memref_slice %arg4[%arg0, %arg1, %dma_start3A_604, %dma_start3A_605] : memref<2x16x625x32xf32, #tpu.memory_space<hbm>> -> memref<1x1x625x32xf32, #tpu.memory_space<hbm>>
      %dma_start3A_607 = tpu.memref_squeeze %dma_start3A_606 : memref<1x1x625x32xf32, #tpu.memory_space<hbm>> -> memref<625x32xf32, #tpu.memory_space<hbm>>
      %dma_start3A_608 = arith.constant 0 : i32
      %dma_start3A_609 = tpu.memref_slice %arg10[%mul3A_2, %dma_start3A_608] : memref<10008x32xf32, #tpu.memory_space<vmem_shared>> -> memref<625x32xf32, #tpu.memory_space<vmem_shared>>
      tpu.enqueue_dma source(%dma_start3A_609 : memref<625x32xf32, #tpu.memory_space<vmem_shared>>) target(%dma_start3A_607 : memref<625x32xf32, #tpu.memory_space<hbm>>) target_semaphore(%run_scoped3A : memref<!tpu.dma_semaphore, #tpu.memory_space<semaphore_mem>>)
      %dma_wait3A = arith.constant 0 : i32
      %dma_wait3A_610 = arith.constant 0 : i32
      %dma_wait3A_611 = tpu.memref_slice %arg4[%arg0, %arg1, %dma_wait3A, %dma_wait3A_610] : memref<2x16x625x32xf32, #tpu.memory_space<hbm>> -> memref<1x1x625x32xf32, #tpu.memory_space<hbm>>
      %dma_wait3A_612 = tpu.memref_squeeze %dma_wait3A_611 : memref<1x1x625x32xf32, #tpu.memory_space<hbm>> -> memref<625x32xf32, #tpu.memory_space<hbm>>
      %dma_wait3A_613 = arith.constant 0 : i32
      %dma_wait3A_614 = tpu.memref_slice %arg10[%mul3A_2, %dma_wait3A_613] : memref<10008x32xf32, #tpu.memory_space<vmem_shared>> -> memref<625x32xf32, #tpu.memory_space<vmem_shared>>
      tpu.wait_dma2 semaphore(%run_scoped3A : memref<!tpu.dma_semaphore, #tpu.memory_space<semaphore_mem>>) src(%dma_wait3A_614 : memref<625x32xf32, #tpu.memory_space<vmem_shared>>) dst(%dma_wait3A_612 : memref<625x32xf32, #tpu.memory_space<hbm>>)
      tpu.yield
    }) : () -> ()
    return
  }
}

module attributes {stable_mosaic.version = 14 : i64} {
  func.func @_tc1_body(%arg0: i32, %arg1: memref<1000x128xf32, #tpu.memory_space<vmem>>, %arg2: memref<128x32xf32, #tpu.memory_space<vmem>>, %arg3: memref<128x32xf32, #tpu.memory_space<vmem>>, %arg4: memref<128x64xf32, #tpu.memory_space<vmem>>, %arg5: memref<2x1000x32xf32, #tpu.memory_space<vmem>>, %arg6: memref<1000x64xf32, #tpu.memory_space<vmem>>) attributes {dimension_semantics = [#tpu.dimension_semantics<arbitrary>], iteration_bounds = array<i64: 10>, scalar_prefetch = 0 : i64, scratch_operands = 0 : i64, tpu.core_type = #tpu.core_type<tc>, window_params = [{transform_indices = @transform_0, window_bounds = array<i64: 1000, 128>}, {pipeline_mode = #tpu.pipeline_mode<synchronous>, transform_indices = @transform_1, window_bounds = array<i64: 128, 32>}, {pipeline_mode = #tpu.pipeline_mode<synchronous>, transform_indices = @transform_2, window_bounds = array<i64: 128, 32>}, {pipeline_mode = #tpu.pipeline_mode<synchronous>, transform_indices = @transform_3, window_bounds = array<i64: 128, 64>}, {transform_indices = @transform_4, window_bounds = array<i64: 2, 1000, 32>}, {transform_indices = @transform_5, window_bounds = array<i64: 1000, 64>}]} {
    %get3A = arith.constant 0 : index
    %get3A_0 = arith.constant 0 : index
    %get3A_1 = vector.load %arg1[%get3A, %get3A_0] : memref<1000x128xf32, #tpu.memory_space<vmem>>, vector<1000x128xf32>
    %get3A_2 = arith.constant 0 : index
    %get3A_3 = arith.constant 0 : index
    %get3A_4 = vector.load %arg2[%get3A_2, %get3A_3] : memref<128x32xf32, #tpu.memory_space<vmem>>, vector<128x32xf32>
    %dot_general3A = arith.constant dense<0.000000e+00> : vector<1000x32xf32>
    %dot_general3A_5 = tpu.matmul %get3A_1, %get3A_4, %dot_general3A {dimension_numbers = #tpu.dot_dimension_numbers<[1], [0], [0], [1], [0, 0, 1, 1], [], []>, transpose_lhs_hint = false} : vector<1000x128xf32>, vector<128x32xf32>, vector<1000x32xf32> -> vector<1000x32xf32>
    %swap3A = arith.constant 0 : index
    %swap3A_6 = arith.constant 0 : index
    %swap3A_7 = arith.constant 0 : index
    %swap3A_8 = vector.load %arg5[%swap3A, %swap3A_6, %swap3A_7] : memref<2x1000x32xf32, #tpu.memory_space<vmem>>, vector<1x1000x32xf32>
    %swap3A_9 = vector.shape_cast %swap3A_8 : vector<1x1000x32xf32> to vector<1000x32xf32>
    %swap3A_10 = vector.shape_cast %dot_general3A_5 : vector<1000x32xf32> to vector<1x1000x32xf32>
    tpu.vector_store %arg5[%swap3A, %swap3A_6, %swap3A_7], %swap3A_10 {strides = array<i32>} : memref<2x1000x32xf32, #tpu.memory_space<vmem>>, vector<1x1000x32xf32>,
    %get3A_11 = arith.constant 0 : index
    %get3A_12 = arith.constant 0 : index
    %get3A_13 = vector.load %arg3[%get3A_11, %get3A_12] : memref<128x32xf32, #tpu.memory_space<vmem>>, vector<128x32xf32>
    %dot_general3A_14 = arith.constant dense<0.000000e+00> : vector<1000x32xf32>
    %dot_general3A_15 = tpu.matmul %get3A_1, %get3A_13, %dot_general3A_14 {dimension_numbers = #tpu.dot_dimension_numbers<[1], [0], [0], [1], [0, 0, 1, 1], [], []>, transpose_lhs_hint = false} : vector<1000x128xf32>, vector<128x32xf32>, vector<1000x32xf32> -> vector<1000x32xf32>
    %swap3A_16 = arith.constant 1 : index
    %swap3A_17 = arith.constant 0 : index
    %swap3A_18 = arith.constant 0 : index
    %swap3A_19 = vector.load %arg5[%swap3A_16, %swap3A_17, %swap3A_18] : memref<2x1000x32xf32, #tpu.memory_space<vmem>>, vector<1x1000x32xf32>
    %swap3A_20 = vector.shape_cast %swap3A_19 : vector<1x1000x32xf32> to vector<1000x32xf32>
    %swap3A_21 = vector.shape_cast %dot_general3A_15 : vector<1000x32xf32> to vector<1x1000x32xf32>
    tpu.vector_store %arg5[%swap3A_16, %swap3A_17, %swap3A_18], %swap3A_21 {strides = array<i32>} : memref<2x1000x32xf32, #tpu.memory_space<vmem>>, vector<1x1000x32xf32>,
    %get3A_22 = arith.constant 0 : index
    %get3A_23 = arith.constant 0 : index
    %get3A_24 = vector.load %arg4[%get3A_22, %get3A_23] : memref<128x64xf32, #tpu.memory_space<vmem>>, vector<128x64xf32>
    %dot_general3A_25 = arith.constant dense<0.000000e+00> : vector<1000x64xf32>
    %dot_general3A_26 = tpu.matmul %get3A_1, %get3A_24, %dot_general3A_25 {dimension_numbers = #tpu.dot_dimension_numbers<[1], [0], [0], [1], [0, 0, 1, 1], [], []>, transpose_lhs_hint = false} : vector<1000x128xf32>, vector<128x64xf32>, vector<1000x64xf32> -> vector<1000x64xf32>
    %swap3A_27 = arith.constant 0 : index
    %swap3A_28 = arith.constant 0 : index
    %swap3A_29 = vector.load %arg6[%swap3A_27, %swap3A_28] : memref<1000x64xf32, #tpu.memory_space<vmem>>, vector<1000x64xf32>
    tpu.vector_store %arg6[%swap3A_27, %swap3A_28], %dot_general3A_26 {strides = array<i32>} : memref<1000x64xf32, #tpu.memory_space<vmem>>, vector<1000x64xf32>,
    return
  }
  func.func @transform_0(%arg0: i32) -> (i32, i32) {
    %c0_i32 = arith.constant 0 : i32
    %c0_i32_0 = arith.constant 0 : i32
    return %arg0, %c0_i32 : i32, i32
  }
  func.func @transform_1(%arg0: i32) -> (i32, i32) {
    %c0_i32 = arith.constant 0 : i32
    %c0_i32_0 = arith.constant 0 : i32
    %c0_i32_1 = arith.constant 0 : i32
    return %c0_i32, %c0_i32_0 : i32, i32
  }
  func.func @transform_2(%arg0: i32) -> (i32, i32) {
    %c0_i32 = arith.constant 0 : i32
    %c0_i32_0 = arith.constant 0 : i32
    %c0_i32_1 = arith.constant 0 : i32
    return %c0_i32, %c0_i32_0 : i32, i32
  }
  func.func @transform_3(%arg0: i32) -> (i32, i32) {
    %c0_i32 = arith.constant 0 : i32
    %c0_i32_0 = arith.constant 0 : i32
    %c0_i32_1 = arith.constant 0 : i32
    return %c0_i32, %c0_i32_0 : i32, i32
  }
  func.func @transform_4(%arg0: i32) -> (i32, i32, i32) {
    %c0_i32 = arith.constant 0 : i32
    %c0_i32_0 = arith.constant 0 : i32
    %c0_i32_1 = arith.constant 0 : i32
    return %c0_i32, %arg0, %c0_i32_0 : i32, i32, i32
  }
  func.func @transform_5(%arg0: i32) -> (i32, i32) {
    %c0_i32 = arith.constant 0 : i32
    %c0_i32_0 = arith.constant 0 : i32
    return %arg0, %c0_i32 : i32, i32
  }
}

module attributes {stable_mosaic.version = 14 : i64} {
  func.func @_tc2_body(%arg0: i32, %arg1: memref<2x1000x32xf32, #tpu.memory_space<vmem>>, %arg2: memref<1000x1xf32, #tpu.memory_space<vmem>>, %arg3: memref<1000x64xf32, #tpu.memory_space<vmem>>, %arg4: memref<1x64xf32, #tpu.memory_space<vmem>>, %arg5: memref<32x32xf32, #tpu.memory_space<vmem>>, %arg6: memref<32x32xf32, #tpu.memory_space<vmem>>, %arg7: memref<32x32xf32, #tpu.memory_space<vmem>>, %arg8: memref<32x32xf32, #tpu.memory_space<vmem>>, %arg9: memref<1000x32xf32, #tpu.memory_space<vmem>>, %arg10: memref<1000x32xf32, #tpu.memory_space<vmem>>, %arg11: memref<1000x8xf32, #tpu.memory_space<vmem>>) attributes {dimension_semantics = [#tpu.dimension_semantics<arbitrary>], iteration_bounds = array<i64: 10>, scalar_prefetch = 0 : i64, scratch_operands = 0 : i64, tpu.core_type = #tpu.core_type<tc>, window_params = [{transform_indices = @transform_0, window_bounds = array<i64: 2, 1000, 32>}, {transform_indices = @transform_1, window_bounds = array<i64: 1000, 1>}, {transform_indices = @transform_2, window_bounds = array<i64: 1000, 64>}, {pipeline_mode = #tpu.pipeline_mode<synchronous>, transform_indices = @transform_3, window_bounds = array<i64: 1, 64>}, {pipeline_mode = #tpu.pipeline_mode<synchronous>, transform_indices = @transform_4, window_bounds = array<i64: 32, 32>}, {pipeline_mode = #tpu.pipeline_mode<synchronous>, transform_indices = @transform_5, window_bounds = array<i64: 32, 32>}, {pipeline_mode = #tpu.pipeline_mode<synchronous>, transform_indices = @transform_6, window_bounds = array<i64: 32, 32>}, {pipeline_mode = #tpu.pipeline_mode<synchronous>, transform_indices = @transform_7, window_bounds = array<i64: 32, 32>}, {transform_indices = @transform_8, window_bounds = array<i64: 1000, 32>}, {transform_indices = @transform_9, window_bounds = array<i64: 1000, 32>}, {transform_indices = @transform_10, window_bounds = array<i64: 1000, 8>}]} {
    %get3A = arith.constant 0 : index
    %get3A_0 = arith.constant 0 : index
    %get3A_1 = vector.load %arg2[%get3A, %get3A_0] : memref<1000x1xf32, #tpu.memory_space<vmem>>, vector<1000x1xf32>
    %max3A = arith.constant 1.000000e+00 : f32
    %max3A_2 = vector.broadcast %max3A : f32 to vector<1000x1xf32>
    %max3A_3 = arith.maximumf %get3A_1, %max3A_2 : vector<1000x1xf32>
    %div3A = arith.constant 1.000000e+00 : f32
    %div3A_4 = vector.broadcast %div3A : f32 to vector<1000x1xf32>
    %div3A_5 = arith.divf %div3A_4, %max3A_3 : vector<1000x1xf32>
    %get3A_6 = arith.constant 0 : index
    %get3A_7 = arith.constant 0 : index
    %get3A_8 = vector.load %arg3[%get3A_6, %get3A_7] : memref<1000x64xf32, #tpu.memory_space<vmem>>, vector<1000x64xf32>
    %get3A_9 = arith.constant 0 : index
    %get3A_10 = arith.constant 0 : index
    %get3A_11 = vector.load %arg4[%get3A_9, %get3A_10] : memref<1x64xf32, #tpu.memory_space<vmem>>, vector<1x64xf32>
    %get3A_12 = arith.constant 0 : index
    %get3A_13 = arith.constant 0 : index
    %get3A_14 = arith.constant 0 : index
    %get3A_15 = vector.load %arg1[%get3A_12, %get3A_13, %get3A_14] : memref<2x1000x32xf32, #tpu.memory_space<vmem>>, vector<1x1000x32xf32>
    %get3A_16 = vector.shape_cast %get3A_15 : vector<1x1000x32xf32> to vector<1000x32xf32>
    %mul3A = vector.broadcast %div3A_5 : vector<1000x1xf32> to vector<1000x32xf32>
    %mul3A_17 = arith.mulf %get3A_16, %mul3A : vector<1000x32xf32>
    %slice3A = vector.extract_strided_slice %get3A_8 {offsets = [0, 0], sizes = [1000, 32], strides = [1, 1]} : vector<1000x64xf32> to vector<1000x32xf32>
    %add3A = arith.addf %mul3A_17, %slice3A : vector<1000x32xf32>
    %slice3A_18 = vector.extract_strided_slice %get3A_11 {offsets = [0, 0], sizes = [1, 32], strides = [1, 1]} : vector<1x64xf32> to vector<1x32xf32>
    %add3A_19 = vector.broadcast %slice3A_18 : vector<1x32xf32> to vector<1000x32xf32>
    %add3A_20 = arith.addf %add3A, %add3A_19 : vector<1000x32xf32>
    %max3A_21 = arith.constant 0.000000e+00 : f32
    %max3A_22 = vector.broadcast %max3A_21 : f32 to vector<1000x32xf32>
    %max3A_23 = arith.maximumf %add3A_20, %max3A_22 : vector<1000x32xf32>
    %get3A_24 = arith.constant 1 : index
    %get3A_25 = arith.constant 0 : index
    %get3A_26 = arith.constant 0 : index
    %get3A_27 = vector.load %arg1[%get3A_24, %get3A_25, %get3A_26] : memref<2x1000x32xf32, #tpu.memory_space<vmem>>, vector<1x1000x32xf32>
    %get3A_28 = vector.shape_cast %get3A_27 : vector<1x1000x32xf32> to vector<1000x32xf32>
    %mul3A_29 = vector.broadcast %div3A_5 : vector<1000x1xf32> to vector<1000x32xf32>
    %mul3A_30 = arith.mulf %get3A_28, %mul3A_29 : vector<1000x32xf32>
    %slice3A_31 = vector.extract_strided_slice %get3A_8 {offsets = [0, 32], sizes = [1000, 32], strides = [1, 1]} : vector<1000x64xf32> to vector<1000x32xf32>
    %add3A_32 = arith.addf %mul3A_30, %slice3A_31 : vector<1000x32xf32>
    %slice3A_33 = vector.extract_strided_slice %get3A_11 {offsets = [0, 32], sizes = [1, 32], strides = [1, 1]} : vector<1x64xf32> to vector<1x32xf32>
    %add3A_34 = vector.broadcast %slice3A_33 : vector<1x32xf32> to vector<1000x32xf32>
    %add3A_35 = arith.addf %add3A_32, %add3A_34 : vector<1000x32xf32>
    %max3A_36 = arith.constant 0.000000e+00 : f32
    %max3A_37 = vector.broadcast %max3A_36 : f32 to vector<1000x32xf32>
    %max3A_38 = arith.maximumf %add3A_35, %max3A_37 : vector<1000x32xf32>
    %get3A_39 = arith.constant 0 : index
    %get3A_40 = arith.constant 0 : index
    %get3A_41 = vector.load %arg5[%get3A_39, %get3A_40] : memref<32x32xf32, #tpu.memory_space<vmem>>, vector<32x32xf32>
    %dot_general3A = arith.constant dense<0.000000e+00> : vector<1000x32xf32>
    %dot_general3A_42 = tpu.matmul %max3A_23, %get3A_41, %dot_general3A {dimension_numbers = #tpu.dot_dimension_numbers<[1], [0], [0], [1], [0, 0, 1, 1], [], []>, transpose_lhs_hint = false} : vector<1000x32xf32>, vector<32x32xf32>, vector<1000x32xf32> -> vector<1000x32xf32>
    %get3A_43 = arith.constant 0 : index
    %get3A_44 = arith.constant 0 : index
    %get3A_45 = vector.load %arg6[%get3A_43, %get3A_44] : memref<32x32xf32, #tpu.memory_space<vmem>>, vector<32x32xf32>
    %dot_general3A_46 = arith.constant dense<0.000000e+00> : vector<1000x32xf32>
    %dot_general3A_47 = tpu.matmul %max3A_38, %get3A_45, %dot_general3A_46 {dimension_numbers = #tpu.dot_dimension_numbers<[1], [0], [0], [1], [0, 0, 1, 1], [], []>, transpose_lhs_hint = false} : vector<1000x32xf32>, vector<32x32xf32>, vector<1000x32xf32> -> vector<1000x32xf32>
    %add3A_48 = arith.addf %dot_general3A_42, %dot_general3A_47 : vector<1000x32xf32>
    %swap3A = arith.constant 0 : index
    %swap3A_49 = arith.constant 0 : index
    %swap3A_50 = vector.load %arg9[%swap3A, %swap3A_49] : memref<1000x32xf32, #tpu.memory_space<vmem>>, vector<1000x32xf32>
    tpu.vector_store %arg9[%swap3A, %swap3A_49], %add3A_48 {strides = array<i32>} : memref<1000x32xf32, #tpu.memory_space<vmem>>, vector<1000x32xf32>,
    %get3A_51 = arith.constant 0 : index
    %get3A_52 = arith.constant 0 : index
    %get3A_53 = vector.load %arg7[%get3A_51, %get3A_52] : memref<32x32xf32, #tpu.memory_space<vmem>>, vector<32x32xf32>
    %dot_general3A_54 = arith.constant dense<0.000000e+00> : vector<1000x32xf32>
    %dot_general3A_55 = tpu.matmul %max3A_23, %get3A_53, %dot_general3A_54 {dimension_numbers = #tpu.dot_dimension_numbers<[1], [0], [0], [1], [0, 0, 1, 1], [], []>, transpose_lhs_hint = false} : vector<1000x32xf32>, vector<32x32xf32>, vector<1000x32xf32> -> vector<1000x32xf32>
    %get3A_56 = arith.constant 0 : index
    %get3A_57 = arith.constant 0 : index
    %get3A_58 = vector.load %arg8[%get3A_56, %get3A_57] : memref<32x32xf32, #tpu.memory_space<vmem>>, vector<32x32xf32>
    %dot_general3A_59 = arith.constant dense<0.000000e+00> : vector<1000x32xf32>
    %dot_general3A_60 = tpu.matmul %max3A_38, %get3A_58, %dot_general3A_59 {dimension_numbers = #tpu.dot_dimension_numbers<[1], [0], [0], [1], [0, 0, 1, 1], [], []>, transpose_lhs_hint = false} : vector<1000x32xf32>, vector<32x32xf32>, vector<1000x32xf32> -> vector<1000x32xf32>
    %add3A_61 = arith.addf %dot_general3A_55, %dot_general3A_60 : vector<1000x32xf32>
    %swap3A_62 = arith.constant 0 : index
    %swap3A_63 = arith.constant 0 : index
    %swap3A_64 = vector.load %arg10[%swap3A_62, %swap3A_63] : memref<1000x32xf32, #tpu.memory_space<vmem>>, vector<1000x32xf32>
    tpu.vector_store %arg10[%swap3A_62, %swap3A_63], %add3A_61 {strides = array<i32>} : memref<1000x32xf32, #tpu.memory_space<vmem>>, vector<1000x32xf32>,
    %broadcast_in_dim3A = vector.shape_cast %div3A_5 : vector<1000x1xf32> to vector<1000x1xf32>
    %broadcast_in_dim3A_65 = vector.broadcast %broadcast_in_dim3A : vector<1000x1xf32> to vector<1000x8xf32>
    %swap3A_66 = arith.constant 0 : index
    %swap3A_67 = arith.constant 0 : index
    %swap3A_68 = vector.load %arg11[%swap3A_66, %swap3A_67] : memref<1000x8xf32, #tpu.memory_space<vmem>>, vector<1000x8xf32>
    tpu.vector_store %arg11[%swap3A_66, %swap3A_67], %broadcast_in_dim3A_65 {strides = array<i32>} : memref<1000x8xf32, #tpu.memory_space<vmem>>, vector<1000x8xf32>,
    return
  }
  func.func @transform_0(%arg0: i32) -> (i32, i32, i32) {
    %c0_i32 = arith.constant 0 : i32
    %c0_i32_0 = arith.constant 0 : i32
    %c0_i32_1 = arith.constant 0 : i32
    return %c0_i32, %arg0, %c0_i32_0 : i32, i32, i32
  }
  func.func @transform_1(%arg0: i32) -> (i32, i32) {
    %c0_i32 = arith.constant 0 : i32
    %c0_i32_0 = arith.constant 0 : i32
    return %arg0, %c0_i32 : i32, i32
  }
  func.func @transform_2(%arg0: i32) -> (i32, i32) {
    %c0_i32 = arith.constant 0 : i32
    %c0_i32_0 = arith.constant 0 : i32
    return %arg0, %c0_i32 : i32, i32
  }
  func.func @transform_3(%arg0: i32) -> (i32, i32) {
    %c0_i32 = arith.constant 0 : i32
    %c0_i32_0 = arith.constant 0 : i32
    %c0_i32_1 = arith.constant 0 : i32
    return %c0_i32, %c0_i32_0 : i32, i32
  }
  func.func @transform_4(%arg0: i32) -> (i32, i32) {
    %c0_i32 = arith.constant 0 : i32
    %c0_i32_0 = arith.constant 0 : i32
    %c0_i32_1 = arith.constant 0 : i32
    return %c0_i32, %c0_i32_0 : i32, i32
  }
  func.func @transform_5(%arg0: i32) -> (i32, i32) {
    %c0_i32 = arith.constant 0 : i32
    %c0_i32_0 = arith.constant 0 : i32
    %c0_i32_1 = arith.constant 0 : i32
    return %c0_i32, %c0_i32_0 : i32, i32
  }
  func.func @transform_6(%arg0: i32) -> (i32, i32) {
    %c0_i32 = arith.constant 0 : i32
    %c0_i32_0 = arith.constant 0 : i32
    %c0_i32_1 = arith.constant 0 : i32
    return %c0_i32, %c0_i32_0 : i32, i32
  }
  func.func @transform_7(%arg0: i32) -> (i32, i32) {
    %c0_i32 = arith.constant 0 : i32
    %c0_i32_0 = arith.constant 0 : i32
    %c0_i32_1 = arith.constant 0 : i32
    return %c0_i32, %c0_i32_0 : i32, i32
  }
  func.func @transform_8(%arg0: i32) -> (i32, i32) {
    %c0_i32 = arith.constant 0 : i32
    %c0_i32_0 = arith.constant 0 : i32
    return %arg0, %c0_i32 : i32, i32
  }
  func.func @transform_9(%arg0: i32) -> (i32, i32) {
    %c0_i32 = arith.constant 0 : i32
    %c0_i32_0 = arith.constant 0 : i32
    return %arg0, %c0_i32 : i32, i32
  }
  func.func @transform_10(%arg0: i32) -> (i32, i32) {
    %c0_i32 = arith.constant 0 : i32
    %c0_i32_0 = arith.constant 0 : i32
    return %arg0, %c0_i32 : i32, i32
  }
}

module attributes {stable_mosaic.version = 14 : i64} {
  func.func @_tc3_body(%arg0: i32, %arg1: memref<2x1000x32xf32, #tpu.memory_space<vmem>>, %arg2: memref<1000x32xf32, #tpu.memory_space<vmem>>, %arg3: memref<1000x8xf32, #tpu.memory_space<vmem>>, %arg4: memref<1x32xf32, #tpu.memory_space<vmem>>, %arg5: memref<32x8xf32, #tpu.memory_space<vmem>>, %arg6: memref<1x8xf32, #tpu.memory_space<vmem>>, %arg7: memref<1000x8xf32, #tpu.memory_space<vmem>>) attributes {dimension_semantics = [#tpu.dimension_semantics<arbitrary>], iteration_bounds = array<i64: 10>, scalar_prefetch = 0 : i64, scratch_operands = 0 : i64, tpu.core_type = #tpu.core_type<tc>, window_params = [{transform_indices = @transform_0, window_bounds = array<i64: 2, 1000, 32>}, {transform_indices = @transform_1, window_bounds = array<i64: 1000, 32>}, {transform_indices = @transform_2, window_bounds = array<i64: 1000, 8>}, {pipeline_mode = #tpu.pipeline_mode<synchronous>, transform_indices = @transform_3, window_bounds = array<i64: 1, 32>}, {pipeline_mode = #tpu.pipeline_mode<synchronous>, transform_indices = @transform_4, window_bounds = array<i64: 32, 8>}, {pipeline_mode = #tpu.pipeline_mode<synchronous>, transform_indices = @transform_5, window_bounds = array<i64: 1, 8>}, {transform_indices = @transform_6, window_bounds = array<i64: 1000, 8>}]} {
    %get3A = arith.constant 0 : index
    %get3A_0 = arith.constant 0 : index
    %get3A_1 = vector.load %arg3[%get3A, %get3A_0] : memref<1000x8xf32, #tpu.memory_space<vmem>>, vector<1000x8xf32>
    %slice3A = vector.extract_strided_slice %get3A_1 {offsets = [0, 0], sizes = [1000, 1], strides = [1, 1]} : vector<1000x8xf32> to vector<1000x1xf32>
    %get3A_2 = arith.constant 0 : index
    %get3A_3 = arith.constant 0 : index
    %get3A_4 = arith.constant 0 : index
    %get3A_5 = vector.load %arg1[%get3A_2, %get3A_3, %get3A_4] : memref<2x1000x32xf32, #tpu.memory_space<vmem>>, vector<1x1000x32xf32>
    %get3A_6 = vector.shape_cast %get3A_5 : vector<1x1000x32xf32> to vector<1000x32xf32>
    %get3A_7 = arith.constant 1 : index
    %get3A_8 = arith.constant 0 : index
    %get3A_9 = arith.constant 0 : index
    %get3A_10 = vector.load %arg1[%get3A_7, %get3A_8, %get3A_9] : memref<2x1000x32xf32, #tpu.memory_space<vmem>>, vector<1x1000x32xf32>
    %get3A_11 = vector.shape_cast %get3A_10 : vector<1x1000x32xf32> to vector<1000x32xf32>
    %add3A = arith.addf %get3A_6, %get3A_11 : vector<1000x32xf32>
    %mul3A = vector.broadcast %slice3A : vector<1000x1xf32> to vector<1000x32xf32>
    %mul3A_12 = arith.mulf %add3A, %mul3A : vector<1000x32xf32>
    %get3A_13 = arith.constant 0 : index
    %get3A_14 = arith.constant 0 : index
    %get3A_15 = vector.load %arg2[%get3A_13, %get3A_14] : memref<1000x32xf32, #tpu.memory_space<vmem>>, vector<1000x32xf32>
    %add3A_16 = arith.addf %mul3A_12, %get3A_15 : vector<1000x32xf32>
    %get3A_17 = arith.constant 0 : index
    %get3A_18 = arith.constant 0 : index
    %get3A_19 = vector.load %arg4[%get3A_17, %get3A_18] : memref<1x32xf32, #tpu.memory_space<vmem>>, vector<1x32xf32>
    %add3A_20 = vector.broadcast %get3A_19 : vector<1x32xf32> to vector<1000x32xf32>
    %add3A_21 = arith.addf %add3A_16, %add3A_20 : vector<1000x32xf32>
    %max3A = arith.constant 0.000000e+00 : f32
    %max3A_22 = vector.broadcast %max3A : f32 to vector<1000x32xf32>
    %max3A_23 = arith.maximumf %add3A_21, %max3A_22 : vector<1000x32xf32>
    %get3A_24 = arith.constant 0 : index
    %get3A_25 = arith.constant 0 : index
    %get3A_26 = vector.load %arg5[%get3A_24, %get3A_25] : memref<32x8xf32, #tpu.memory_space<vmem>>, vector<32x8xf32>
    %dot_general3A = arith.constant dense<0.000000e+00> : vector<1000x8xf32>
    %dot_general3A_27 = tpu.matmul %max3A_23, %get3A_26, %dot_general3A {dimension_numbers = #tpu.dot_dimension_numbers<[1], [0], [0], [1], [0, 0, 1, 1], [], []>, transpose_lhs_hint = false} : vector<1000x32xf32>, vector<32x8xf32>, vector<1000x8xf32> -> vector<1000x8xf32>
    %get3A_28 = arith.constant 0 : index
    %get3A_29 = arith.constant 0 : index
    %get3A_30 = vector.load %arg6[%get3A_28, %get3A_29] : memref<1x8xf32, #tpu.memory_space<vmem>>, vector<1x8xf32>
    %add3A_31 = vector.broadcast %get3A_30 : vector<1x8xf32> to vector<1000x8xf32>
    %add3A_32 = arith.addf %dot_general3A_27, %add3A_31 : vector<1000x8xf32>
    %swap3A = arith.constant 0 : index
    %swap3A_33 = arith.constant 0 : index
    %swap3A_34 = vector.load %arg7[%swap3A, %swap3A_33] : memref<1000x8xf32, #tpu.memory_space<vmem>>, vector<1000x8xf32>
    tpu.vector_store %arg7[%swap3A, %swap3A_33], %add3A_32 {strides = array<i32>} : memref<1000x8xf32, #tpu.memory_space<vmem>>, vector<1000x8xf32>,
    return
  }
  func.func @transform_0(%arg0: i32) -> (i32, i32, i32) {
    %c0_i32 = arith.constant 0 : i32
    %c0_i32_0 = arith.constant 0 : i32
    %c0_i32_1 = arith.constant 0 : i32
    return %c0_i32, %arg0, %c0_i32_0 : i32, i32, i32
  }
  func.func @transform_1(%arg0: i32) -> (i32, i32) {
    %c0_i32 = arith.constant 0 : i32
    %c0_i32_0 = arith.constant 0 : i32
    return %arg0, %c0_i32 : i32, i32
  }
  func.func @transform_2(%arg0: i32) -> (i32, i32) {
    %c0_i32 = arith.constant 0 : i32
    %c0_i32_0 = arith.constant 0 : i32
    return %arg0, %c0_i32 : i32, i32
  }
  func.func @transform_3(%arg0: i32) -> (i32, i32) {
    %c0_i32 = arith.constant 0 : i32
    %c0_i32_0 = arith.constant 0 : i32
    %c0_i32_1 = arith.constant 0 : i32
    return %c0_i32, %c0_i32_0 : i32, i32
  }
  func.func @transform_4(%arg0: i32) -> (i32, i32) {
    %c0_i32 = arith.constant 0 : i32
    %c0_i32_0 = arith.constant 0 : i32
    %c0_i32_1 = arith.constant 0 : i32
    return %c0_i32, %c0_i32_0 : i32, i32
  }
  func.func @transform_5(%arg0: i32) -> (i32, i32) {
    %c0_i32 = arith.constant 0 : i32
    %c0_i32_0 = arith.constant 0 : i32
    %c0_i32_1 = arith.constant 0 : i32
    return %c0_i32, %c0_i32_0 : i32, i32
  }
  func.func @transform_6(%arg0: i32) -> (i32, i32) {
    %c0_i32 = arith.constant 0 : i32
    %c0_i32_0 = arith.constant 0 : i32
    return %arg0, %c0_i32 : i32, i32
  }
}

</mosaic_0001>

<sc_bundles>
// kernel: kernel.10.cloned.1.call-start
scs
__scs_entry_jumppad:
0x0: {  	(pc) =	sbr.rel $0x88, $3  }
0x1: {  	(tag) =	ssettag $0x0;
	lr =	simm.s32 $0x1  }
0x2: {  	[smem:$0x3F97] =	sst lr;
	_ =	strace $0xD0000000  }
0x3: {  	_ = 	snop  }
0x4: {  	_ = 	snop  }
0x5: {  	_ = 	snop  }
0x6: {  	_ = 	snop  }
0x7: {  	_ = 	snop  }
__scs_overlays_trampoline_lowered:
0x8: {  	[smem:$0x3FA6] =	sst s0  }
0x9: {  	[smem:$0x3FA7] =	sst s1  }
0xa: {  	[smem:$0x3FA8] =	sst s2  }
0xb: {  	[smem:$0x3FA9] =	sst s3  }
0xc: {  	[smem:$0x3FAA] =	sst s4  }
0xd: {  	[smem:$0x3FAB] =	sst s5  }
0xe: {  	[smem:$0x3FAC] =	sst s6  }
0xf: {  	[smem:$0x3FAD] =	sst s7  }
0x10: {  	[smem:$0x3FAE] =	sst s8  }
0x11: {  	[smem:$0x3FAF] =	sst s9;
	s0 =	simm.s32 @!p0 $0x0  }
0x12: {  	s1 =	sld [smem:$0x3F95];
	s0 =	simm.s32 @p0 $0x1  }
0x13: {  	[smem:$0x3FB0] =	sst s0;
	s0 =	simm.s32 @!p1 $0x0  }
0x14: {  	s2 =	sld [smem:$0x3F94];
	s0 =	simm.s32 @p1 $0x1  }
0x15: {  	[smem:$0x3FB1] =	sst s0;
	s0 =	simm.s32 @!p2 $0x0  }
0x16: {  	s3 =	sld [smem:$0x3FDB];
	s0 =	simm.s32 @p2 $0x1  }
0x17: {  	s4 =	simm.s32 $0x1BF5;
	[smem:$0x3FB3] =	sst s0  }
0x18: {  	s0 =	sld [smem:$0x3F96];
	_ =	swait.ge [sflag:s4], $0x0  }
0x19: {  	s7 =	sld [smem:$0x3F97]  }
0x1a: {  	s8 =	sadd.s32 $0xFFFFE003, lr  }
0x1b: {  	s9 =	sadd.s32 $0xFFFFFEF7, lr;
	s5 =	simm.s32 $0xFFFFFFFF;
	p2 =	slt.u32 s8, $0xFFFFF086  }
0x1c: {  	p1 =	slt.u32 s9, $0xF7A;
	s5 =	simm.s32 @!p2 $0x0  }
0x1d: {  	s5 =	simm.s32 @p1 $0x1;
	p0 =	seq.s32 s7, s2  }
0x1e: {  	s7 =	smul.u32 @!p0 $0xF7A, s2;
	p2 =	seq.s32 @!p0 s5, $0x0  }
0x1f: {  	s9 =	smul.u32 $0xF7A, s1;
	s8 =	simm.s32 @!p0 $0x1BF5;
	p2 =	por !p2, p0  }
0x20: {  	[sflag:s8] =	ssyncset.s32 @!p0 $0xFFFFF086;
	s6 =	sadd.s32 @!p0 s3, s7;
	s7 =	simm.s32 @!p0 $0x108  }
0x21: {  	s3 =	sadd.s32 s3, s9;
	s6 =	sadd.s32 @!p0 $0x88, s6;
	s7 =	simm.s32 @p2 $0x1082  }
0x22: {  	[simem:s7], [sflag:s8] =	dma.local @!p0 [hbm:s6], $0xF7A  }
0x23: {  	s9 =	sor.u32 $0xD0000000, s2;
	s6 =	simm.s32 $0x108;
	_ =	swait.ge @!p0 [sflag:s8], $0x0  }
0x24: {  	s3 =	sadd.s32 $0x88, s3;
	s6 =	simm.s32 @!p1 $0x1082;
	[sflag:s4] =	ssyncset.s32 $0xFFFFF086  }
0x25: {  	[simem:s6], [sflag:s4] =	dma.local [hbm:s3], $0xF7A  }
0x26: {  	[smem:$0x3F97] =	sst s1;
	(tag) =	ssettag s2;
	_ =	strace s9  }
0x27: {  	s1 =	sld [smem:$0x3FA7]  }
0x28: {  	s2 =	sld [smem:$0x3FA8]  }
0x29: {  	s4 =	sld [smem:$0x3FAA]  }
0x2a: {  	p0 =	seq.s32 s5, $0x0;
	s5 =	sld [smem:$0x3FAB]  }
0x2b: {  	s6 =	sld [smem:$0x3FAC]  }
0x2c: {  	s7 =	sld [smem:$0x3FAD]  }
0x2d: {  	s3 =	simm.s32 $0x108;
	s8 =	sld [smem:$0x3FAE]  }
0x2e: {  	s3 =	simm.s32 @!p0 $0x1082;
	s9 =	sld [smem:$0x3FAF]  }
0x2f: {  	lr =	sadd.s32 s0, s3;
	s0 =	sld [smem:$0x3FA6]  }
0x30: {  	s3 =	sld [smem:$0x3FA9]  }
0x31: {  	[smem:$0x3FB2] =	sst s10  }
0x32: {  	s10 =	sld [smem:$0x3FB0];
	_ =	sdelay $0x3  }
0x33: {  	p0 =	seq.s32 s10, $0x1;
	s10 =	sld [smem:$0x3FB2];
	_ =	sdelay $0x3  }
0x34: {  	[smem:$0x3FB2] =	sst s10  }
0x35: {  	s10 =	sld [smem:$0x3FB1];
	_ =	sdelay $0x3  }
0x36: {  	p1 =	seq.s32 s10, $0x1;
	s10 =	sld [smem:$0x3FB2];
	_ =	sdelay $0x3  }
0x37: {  	[smem:$0x3FB2] =	sst s10  }
0x38: {  	s10 =	sld [smem:$0x3FB3]  }
0x39: {  	_ = 	snop;
	(pc) =	sbr.ind lr, $3  }
0x3a: {  	_ = 	snop  }
0x3b: {  	_ = 	snop  }
0x3c: {  	p2 =	seq.s32 s10, $0x1;
	s10 =	sld [smem:$0x3FB2]  }
0x3d: {  	_ =	shalt  }
0x3e: {  	_ =	shalt  }
0x3f: {  	_ =	shalt  }
0x40: {  	_ =	shalt  }
0x41: {  	_ =	shalt  }
0x42: {  	_ =	shalt  }
0x43: {  	_ =	shalt  }
0x44: {  	_ =	shalt  }
0x45: {  	_ =	shalt  }
0x46: {  	_ =	shalt  }
0x47: {  	_ =	shalt  }
0x48: {  	_ =	shalt  }
0x49: {  	_ =	shalt  }
0x4a: {  	_ =	shalt  }
0x4b: {  	_ =	shalt  }
0x4c: {  	_ =	shalt  }
0x4d: {  	_ =	shalt  }
0x4e: {  	_ =	shalt  }
0x4f: {  	_ =	shalt  }
0x50: {  	_ =	shalt  }
0x51: {  	_ =	shalt  }
0x52: {  	_ =	shalt  }
0x53: {  	_ =	shalt  }
0x54: {  	_ =	shalt  }
0x55: {  	_ =	shalt  }
0x56: {  	_ =	shalt  }
0x57: {  	_ =	shalt  }
0x58: {  	_ =	shalt  }
0x59: {  	_ =	shalt  }
0x5a: {  	_ =	shalt  }
0x5b: {  	_ =	shalt  }
0x5c: {  	_ =	shalt  }
0x5d: {  	_ =	shalt  }
0x5e: {  	_ =	shalt  }
0x5f: {  	_ =	shalt  }
0x60: {  	_ =	shalt  }
0x61: {  	_ =	shalt  }
0x62: {  	_ =	shalt  }
0x63: {  	_ =	shalt  }
0x64: {  	_ =	shalt  }
0x65: {  	_ =	shalt  }
0x66: {  	_ =	shalt  }
0x67: {  	_ =	shalt  }
0x68: {  	_ =	shalt  }
0x69: {  	_ =	shalt  }
0x6a: {  	_ =	shalt  }
0x6b: {  	_ =	shalt  }
0x6c: {  	_ =	shalt  }
0x6d: {  	_ =	shalt  }
0x6e: {  	_ =	shalt  }
0x6f: {  	_ =	shalt  }
0x70: {  	_ =	shalt  }
0x71: {  	_ =	shalt  }
0x72: {  	_ =	shalt  }
0x73: {  	_ =	shalt  }
0x74: {  	_ =	shalt  }
0x75: {  	_ =	shalt  }
0x76: {  	_ =	shalt  }
0x77: {  	_ =	shalt  }
0x78: {  	_ =	shalt  }
0x79: {  	_ =	shalt  }
0x7a: {  	_ =	shalt  }
0x7b: {  	_ =	shalt  }
0x7c: {  	_ =	shalt  }
0x7d: {  	_ =	shalt  }
0x7e: {  	_ =	shalt  }
0x7f: {  	_ =	shalt  }
0x80: {  	_ =	shalt  }
0x81: {  	_ =	shalt  }
0x82: {  	_ =	shalt  }
0x83: {  	_ =	shalt  }
0x84: {  	_ =	shalt  }
0x85: {  	_ =	shalt  }
0x86: {  	_ =	shalt  }
0x87: {  	_ =	shalt  }
.Lfunc_end0:
.L_simem_size_0:
called_computation.1_lowered:
.L_overlay_start_0:
0x88: {  	s2 =	sld [smem:$0x3FD9]  }
0x89: {  	s3 =	sld [smem:$0x3FFE];
	_ =	sdelay $0x1  }
0x8a: {  	s1 =	srdreg.scid  }
0x8b: {  	s0 =	sand.u32 $0x1, s1  }
0x8c: {  	s16 =	sshll.u32 s0, $0xA;
	s2 =	sadd.s32 s3, s2  }
0x8d: {  	s2 =	sadd.s32 s2, s16  }
0x8e: {  	[smem:$0x3FBE] =	sst s2  }
0x8f: {  	_ = 	snop  }
0x90: {  	(tm) =	ssettm $0x1  }
0x91: {  	s17 =	sld [smem:$0x3FFB];
	_ =	sdelay $0x3  }
0x92: {  	_ =	strace s17  }
0x93: {  	s2 =	sld [smem:$0x3FFC];
	_ =	sdelay $0x3  }
0x94: {  	_ =	strace s2  }
0x95: {  	s2 =	sld [smem:$0x3FFD];
	_ =	sdelay $0x3  }
0x96: {  	_ =	strace s2  }
0x97: {  	_ =	strace $0x8FFFFFFF  }
0x98: {  	s18 =	sld [smem:$0x3FDB];
	_ =	sdelay $0x1  }
0x99: {  	s19 =	simm.s32 $_scs_section_size  }
0x9a: {  	s4 =	simm.s32 $_size__tile_overlayer_lowered;
	s5 =	simm.s32 $_tile_overlayer_lowered  }
0x9b: {  	s22 =	simm.s32 $0x1BFF;
	s21 =	sshll.u32 s5, $0x1;
	s2 =	sadd.s32 s19, s18  }
0x9c: {  	s6 =	simm.s32 $0x0;
	s20 =	sshll.u32 s4, $0x1;
	s4 =	sadd.s32 s21, s2  }
0x9d: {  	[timem:s6], [sflag:s22] =	dma.local [hbm:s4], s20  }
0x9e: {  	_ =	swait.ge [sflag:s22], s20  }
0x9f: {  	s3 =	ssub.s32 $0x0, s20;
	[sflag:s22] =	ssyncset.done $0x0  }
0xa0: {  	[sflag:s22] =	ssyncadd.s32 s3;
	_ =	sdelay $0x1  }
0xa1: {  	s23 =	simm.s32 $0x1B8B  }
0xa2: {  	_ =	swait.ge [sflag:s23], $0x1  }
0xa3: {  	[sflag:s23] =	ssyncset.done $0x0  }
0xa4: {  	s25 =	simm.s32 $0x1B8E;
	s24 =	sld [smem:$0x3FFE];
	[sflag:s23] =	ssyncadd.s32 $0xFFFFFFFF  }
0xa5: {  	s26 =	simm.s32 $execute0_lowered;
	[smem:$0x3FD2] =	sst s25  }
0xa6: {  	s4 =	sshll.u32 s26, $0x1;
	_ =	strace $0x80000049;
	[dreg:$0x1] =	wrdreg $0xFFFFFFFF  }
0xa7: {  	s28 =	simm.s32 $_size_execute0_lowered;
	s2 =	sadd.s32 s2, s4;
	[dreg:$0x0] =	wrdreg $0x0  }
0xa8: {  	s4 =	sshll.u32 s28, $0x1;
	[dreg:$0x2] =	wrdreg s2  }
0xa9: {  	[dreg:$0x3] =	wrdreg s4  }
0xaa: {  	[dreg:$0x4] =	wrdreg $0xC0  }
0xab: {  	_ =	task [dreg:s6], $0x5FFFF  }
0xac: {  	[dreg:$0x1] =	wrdreg $0xFFFFFFFF  }
0xad: {  	[dreg:$0x0] =	wrdreg $0x60  }
0xae: {  	[dreg:$0x2] =	wrdreg s24  }
0xaf: {  	[dreg:$0x3] =	wrdreg $0xE6300  }
0xb0: {  	[dreg:$0x4] =	wrdreg $0x98000  }
0xb1: {  	[dreg:$0x5] =	wrdreg $0x9  }
0xb2: {  	_ =	task.clear_ibuf [dreg:s6], $0x6FFFF;
	_ =	strace $0x90000049  }
0xb3: {  	s29 =	simm.s32 $0x9;
	_ =	strace $0x8000004B  }
0xb4: {  	_ =	swait.ge [sflag:s29], $0x1  }
0xb5: {  	[sflag:s29] =	ssyncadd.s32 $0xFFFFFFFF  }
0xb6: {  	_ =	strace $0x9000004B  }
0xb7: {  	_ =	sfence  }
0xb8: {  	s30 =	sld [smem:$0x0];
	_ =	sdelay $0x2  }
0xb9: {  	s31 =	sshll.u32 s1, $0xD;
	s1 =	sshrl.u32 s1, $0x2  }
0xba: {  	s3 =	sand.u32 $0x4000, s31;
	s1 =	sadd.s32 s1, s30  }
0xbb: {  	s0 =	sor.u32 s3, s0;
	s1 =	sshll.u32 s1, $0x11  }
0xbc: {  	s0 =	sor.u32 s1, s0  }
0xbd: {  	s0 =	sadd.s32 $0x8F2B, s0  }
0xbe: {  	[sflag:s0] =	ssyncadd.remote.s32 $0x1  }
0xbf: {  	_ =	sfence.sel $0xFFFF  }
0xc0: {  	[dreg:$0x0] =	wrdreg $0xFFFFFFFF;
	(pc) =	sbr.abs _section_cstart, $3  }
0xc1: {  	[dreg:$0x1] =	wrdreg $0xFFFFFFFF  }
0xc2: {  	_ =	task.clear_ibuf [dreg:s6], $0x2FFFF;
	_ =	strace $0x9FFFFFFF  }
0xc3: {  	(tm) =	ssettm $0x7FFFFFFF  }
tec
execute0_lowered:
.L_overlay_start_1:
0x0: {  	(tag) =	ssettag $0x1  }
0x1: {  	s0 =	rddreg [dreg:$0x0]  }
0x2: {  	s2 =	rddreg [dreg:$0x1]  }
0x3: {  	s3 =	rddreg [dreg:$0x2]  }
0x4: {  	s4 =	stileid.u32;
	s6 =	simm.s32 $0x0;
	s5 =	srdreg.scid  }
0x5: {  	s16 =	simm.s32 $0x3;
	s17 =	simm.s32 $0x7800;
	s18 =	simm.s32 $0x80  }
0x6: {  	s20 =	simm.s32 $0x8800;
	s21 =	simm.s32 $0x1;
	s22 =	simm.s32 $0x2  }
0x7: {  	s24 =	simm.s32 $0x0;
	s1 =	smul.u32 $0x4E20, s4;
	[smem:$0x7FF] =	sst s6  }
0x8: {  	s5 =	sand.u32 $0x1, s5;
	s7 =	sshll.u32 s4, $0x1;
	s10 =	smul.u32 $0x13880, s4  }
0x9: {  	s29 =	sshll.u32 s4, $0x6;
	s8 =	smul.u32 $0x4E200, s5;
	_ =	strace $0x8000004A  }
0xa: {  	s7 =	sor.u32 s5, s7;
	s5 =	ssub.s32 $0x2, s5;
	s28 =	sshrl.u32 s1, $0x3  }
0xb: {  	s7 =	smul.u32 $0x500, s7;
	s9 =	sshrl.u32 s5, $0x1;
	s15 =	sadd.s32 s1, s2  }
0xc: {  	s30 =	sshrl.u32 s10, $0x2;
	s6 =	sadd.s32 s28, s0;
	s8 =	sadd.s32 s1, s8  }
0xd: {  	s14 =	ssub.s32 s5, s9;
	s12 =	sadd.s32 s30, s3;
	s15 =	sshrl.u32 s15, $0x3  }
0xe: {  	s8 =	sshrl.u32 s8, $0x3;
	s7 =	sadd.s32 s7, s0;
	s31 =	sadd.s32 $0x2400, s6  }
0xf: {  	s6 =	sor.u32 $0x1C03, s29;
	s9 =	sadd.s32 $0x1000, s12;
	s10 =	sadd.s32 $0x2000, s12  }
0x10: {  	s11 =	sadd.s32 $0x3000, s12;
	s12 =	sadd.s32 $0x4000, s12;
	s14 =	smax.u32 s14, $0x1  }
0x11: {  	s0 =	sadd.s32 s8, s0;
	[dreg:$0x4] =	wrdreg s31;
	s8 =	sadd.s32 s1, s3  }
0x12: {  	v0 =	vimm.f32 $0.0e+00;
	s7 =	sadd.s32 $0x5B200, s7;
	s13 =	sadd.s32 $0xC200, s0;
	s23 =	sshrl.u32 s8, $0x3  }
.LBB2_1:
0x13: {  	s0 =	rddreg [dreg:$0x4]  }
0x14: {  	[spmem:s15], [sflag:s6] =	dma.local [hbm:s0], $0x9C4  }
0x15: {  	_ =	swait.ge [sflag:s16], $0x9C4  }
0x16: {  	[sflag:s16] =	ssyncset.done $0x0  }
0x17: {  	s31 =	simm.s32 $0x0;
	[sflag:s16] =	ssyncadd.s32 $0xFFFFF63C  }
0x18: {  	[tilespmem:s31], [sflag:$0x3] =	stream.linear.gather [hbm4b:s7+s31], $0x2800, $0x38;
	[tilespmem:$0x13450] =	vst v63  }
0x19: {  	_ =	swait.ge [sflag:s16], $0x2800  }
0x1a: {  	s1 =	sand.u32 $0x3FC0, s31;
	[sflag:s16] =	ssyncset.done $0x0  }
0x1b: {  	s0 =	simm.s32 $0x40;
	s1 =	sshrl.u32 s1, $0x2;
	[sflag:s16] =	ssyncadd.s32 $0xFFFFD800  }
.LBB2_2:
0x1c: {  	p0 =	sne.s32 s0, $0x3FC0;
	[tilespmem:s1+$0x7800] =	vst v0;
	s1 =	smov.u32 s0;
	s0 =	sadd.s32 $0x40, s0  }
.Ltmp0:
0x1d: {  	(pc) =	sbr.rel @p0 .LBB2_2-.Ltmp0, $3  }
0x1e: {  	_ =	sdelay $0x1  }
0x1f: {  	s1 =	sand.u32 $0x3FC0, s1  }
0x20: {  	s1 =	sshrl.u32 s1, $0x2  }
0x21: {  	[tilespmem:s1+$0x7800] =	vst v0  }
0x22: {  	[spmem:s8] =	stream.linear.scatter [tilespmem:s17], [sflag:$0x3], $0x1000, $0x38;
	[tilespmem:$0x13450] =	vst v63  }
0x23: {  	_ =	swait.ge [sflag:s16], $0x1000  }
0x24: {  	[sflag:s16] =	ssyncset.done $0x0  }
0x25: {  	[sflag:s16] =	ssyncadd.s32 $0xFFFFF000  }
0x26: {  	[spmem:s9] =	stream.linear.scatter [tilespmem:s17], [sflag:$0x3], $0x1000, $0x38;
	[tilespmem:$0x13450] =	vst v63  }
0x27: {  	_ =	swait.ge [sflag:s16], $0x1000  }
0x28: {  	[sflag:s16] =	ssyncset.done $0x0  }
0x29: {  	[sflag:s16] =	ssyncadd.s32 $0xFFFFF000  }
0x2a: {  	[spmem:s10] =	stream.linear.scatter [tilespmem:s17], [sflag:$0x3], $0x1000, $0x38;
	[tilespmem:$0x13450] =	vst v63  }
0x2b: {  	_ =	swait.ge [sflag:s16], $0x1000  }
0x2c: {  	[sflag:s16] =	ssyncset.done $0x0  }
0x2d: {  	[sflag:s16] =	ssyncadd.s32 $0xFFFFF000  }
0x2e: {  	[spmem:s11] =	stream.linear.scatter [tilespmem:s17], [sflag:$0x3], $0x1000, $0x38;
	[tilespmem:$0x13450] =	vst v63  }
0x2f: {  	_ =	swait.ge [sflag:s16], $0x1000  }
0x30: {  	[sflag:s16] =	ssyncset.done $0x0  }
0x31: {  	[sflag:s16] =	ssyncadd.s32 $0xFFFFF000  }
0x32: {  	[spmem:s12] =	stream.linear.scatter [tilespmem:s17], [sflag:$0x3], $0xE20, $0x38;
	[tilespmem:$0x13450] =	vst v63  }
0x33: {  	_ =	swait.ge [sflag:s16], $0xE20  }
0x34: {  	[sflag:s16] =	ssyncset.done $0x0  }
0x35: {  	[sflag:s16] =	ssyncadd.s32 $0xFFFFF1E0  }
0x36: {  	v1 =	vld [tilespmem:$0x0];
	_ =	sdelay $0x1  }
0x37: {  	v2 =	vld [tilespmem:$0x10];
	_ =	sdelay $0x1  }
0x38: {  	v3 =	vld [tilespmem:$0x20]  }
0x39: {  	v4 =	vand.u32 $0xFFFF, v1  }
0x3a: {  	v1 =	vshrl.u32 v1, $0x10;
	[tilespmem:$0x2800] =	vst v4;
	v4 =	vld [tilespmem:$0x30]  }
0x3b: {  	[tilespmem:$0x5000] =	vst v1;
	v1 =	vand.u32 $0xFFFF, v2  }
0x3c: {  	[tilespmem:$0x2810] =	vst v1;
	v1 =	vshrl.u32 v2, $0x10;
	v2 =	vld [tilespmem:$0x40]  }
0x3d: {  	[tilespmem:$0x5010] =	vst v1;
	v1 =	vand.u32 $0xFFFF, v3  }
0x3e: {  	[tilespmem:$0x2820] =	vst v1;
	v1 =	vshrl.u32 v3, $0x10;
	v3 =	vld [tilespmem:$0x50]  }
0x3f: {  	[tilespmem:$0x5020] =	vst v1;
	v1 =	vand.u32 $0xFFFF, v4  }
0x40: {  	[tilespmem:$0x2830] =	vst v1;
	v1 =	vshrl.u32 v4, $0x10;
	v4 =	vld [tilespmem:$0x60]  }
0x41: {  	[tilespmem:$0x5030] =	vst v1;
	v1 =	vand.u32 $0xFFFF, v2  }
0x42: {  	[tilespmem:$0x2840] =	vst v1;
	v1 =	vshrl.u32 v2, $0x10;
	v2 =	vld [tilespmem:$0x70]  }
0x43: {  	[tilespmem:$0x5040] =	vst v1;
	v1 =	vand.u32 $0xFFFF, v3  }
0x44: {  	[tilespmem:$0x2850] =	vst v1;
	v1 =	vshrl.u32 v3, $0x10;
	v3 =	vld [tilespmem:$0x80]  }
0x45: {  	[tilespmem:$0x5050] =	vst v1;
	v1 =	vand.u32 $0xFFFF, v4  }
0x46: {  	[tilespmem:$0x2860] =	vst v1;
	v1 =	vshrl.u32 v4, $0x10;
	v4 =	vld [tilespmem:$0x90]  }
0x47: {  	[tilespmem:$0x5060] =	vst v1;
	v1 =	vand.u32 $0xFFFF, v2  }
0x48: {  	[tilespmem:$0x2870] =	vst v1;
	v1 =	vshrl.u32 v2, $0x10;
	v2 =	vld [tilespmem:$0xA0]  }
0x49: {  	[tilespmem:$0x5070] =	vst v1;
	v1 =	vand.u32 $0xFFFF, v3  }
0x4a: {  	[tilespmem:$0x2880] =	vst v1;
	v1 =	vshrl.u32 v3, $0x10;
	v3 =	vld [tilespmem:$0xB0]  }
0x4b: {  	[tilespmem:$0x5080] =	vst v1;
	v1 =	vand.u32 $0xFFFF, v4  }
0x4c: {  	[tilespmem:$0x2890] =	vst v1;
	v1 =	vshrl.u32 v4, $0x10;
	v4 =	vld [tilespmem:$0xC0]  }
0x4d: {  	[tilespmem:$0x5090] =	vst v1;
	v1 =	vand.u32 $0xFFFF, v2  }
0x4e: {  	[tilespmem:$0x28A0] =	vst v1;
	v1 =	vshrl.u32 v2, $0x10;
	v2 =	vld [tilespmem:$0xD0]  }
0x4f: {  	[tilespmem:$0x50A0] =	vst v1;
	v1 =	vand.u32 $0xFFFF, v3  }
0x50: {  	[tilespmem:$0x28B0] =	vst v1;
	v1 =	vshrl.u32 v3, $0x10;
	v3 =	vld [tilespmem:$0xE0]  }
0x51: {  	[tilespmem:$0x50B0] =	vst v1;
	v1 =	vand.u32 $0xFFFF, v4  }
0x52: {  	[tilespmem:$0x28C0] =	vst v1;
	v1 =	vshrl.u32 v4, $0x10;
	v4 =	vld [tilespmem:$0xF0]  }
0x53: {  	[tilespmem:$0x50C0] =	vst v1;
	v1 =	vand.u32 $0xFFFF, v2  }
0x54: {  	[tilespmem:$0x28D0] =	vst v1;
	v1 =	vshrl.u32 v2, $0x10;
	v2 =	vld [tilespmem:$0x100]  }
0x55: {  	[tilespmem:$0x50D0] =	vst v1;
	v1 =	vand.u32 $0xFFFF, v3  }
0x56: {  	[tilespmem:$0x28E0] =	vst v1;
	v1 =	vshrl.u32 v3, $0x10;
	v3 =	vld [tilespmem:$0x110]  }
0x57: {  	[tilespmem:$0x50E0] =	vst v1;
	v1 =	vand.u32 $0xFFFF, v4  }
0x58: {  	[tilespmem:$0x28F0] =	vst v1;
	v1 =	vshrl.u32 v4, $0x10;
	v4 =	vld [tilespmem:$0x120]  }
0x59: {  	[tilespmem:$0x50F0] =	vst v1;
	v1 =	vand.u32 $0xFFFF, v2  }
0x5a: {  	[tilespmem:$0x2900] =	vst v1;
	v1 =	vshrl.u32 v2, $0x10;
	v2 =	vld [tilespmem:$0x130]  }
0x5b: {  	[tilespmem:$0x5100] =	vst v1;
	v1 =	vand.u32 $0xFFFF, v3  }
0x5c: {  	[tilespmem:$0x2910] =	vst v1;
	v1 =	vshrl.u32 v3, $0x10;
	v3 =	vld [tilespmem:$0x140]  }
0x5d: {  	[tilespmem:$0x5110] =	vst v1;
	v1 =	vand.u32 $0xFFFF, v4  }
0x5e: {  	[tilespmem:$0x2920] =	vst v1;
	v1 =	vshrl.u32 v4, $0x10;
	v4 =	vld [tilespmem:$0x150]  }
0x5f: {  	[tilespmem:$0x5120] =	vst v1;
	v1 =	vand.u32 $0xFFFF, v2  }
0x60: {  	[tilespmem:$0x2930] =	vst v1;
	v1 =	vshrl.u32 v2, $0x10;
	v2 =	vld [tilespmem:$0x160]  }
0x61: {  	[tilespmem:$0x5130] =	vst v1;
	v1 =	vand.u32 $0xFFFF, v3  }
0x62: {  	[tilespmem:$0x2940] =	vst v1;
	v1 =	vshrl.u32 v3, $0x10;
	v3 =	vld [tilespmem:$0x170]  }
0x63: {  	[tilespmem:$0x5140] =	vst v1;
	v1 =	vand.u32 $0xFFFF, v4  }
0x64: {  	[tilespmem:$0x2950] =	vst v1;
	v1 =	vshrl.u32 v4, $0x10;
	v4 =	vld [tilespmem:$0x180]  }
0x65: {  	[tilespmem:$0x5150] =	vst v1;
	v1 =	vand.u32 $0xFFFF, v2  }
0x66: {  	[tilespmem:$0x2960] =	vst v1;
	v1 =	vshrl.u32 v2, $0x10;
	v2 =	vld [tilespmem:$0x190]  }
0x67: {  	[tilespmem:$0x5160] =	vst v1;
	v1 =	vand.u32 $0xFFFF, v3  }
0x68: {  	[tilespmem:$0x2970] =	vst v1;
	v1 =	vshrl.u32 v3, $0x10;
	v3 =	vld [tilespmem:$0x1A0]  }
0x69: {  	[tilespmem:$0x5170] =	vst v1;
	v1 =	vand.u32 $0xFFFF, v4  }
0x6a: {  	[tilespmem:$0x2980] =	vst v1;
	v1 =	vshrl.u32 v4, $0x10;
	v4 =	vld [tilespmem:$0x1B0]  }
0x6b: {  	[tilespmem:$0x5180] =	vst v1;
	v1 =	vand.u32 $0xFFFF, v2  }
0x6c: {  	[tilespmem:$0x2990] =	vst v1;
	v1 =	vshrl.u32 v2, $0x10;
	v2 =	vld [tilespmem:$0x1C0]  }
0x6d: {  	[tilespmem:$0x5190] =	vst v1;
	v1 =	vand.u32 $0xFFFF, v3  }
0x6e: {  	[tilespmem:$0x29A0] =	vst v1;
	v1 =	vshrl.u32 v3, $0x10;
	v3 =	vld [tilespmem:$0x1D0]  }
0x6f: {  	[tilespmem:$0x51A0] =	vst v1;
	v1 =	vand.u32 $0xFFFF, v4  }
0x70: {  	[tilespmem:$0x29B0] =	vst v1;
	v1 =	vshrl.u32 v4, $0x10;
	v4 =	vld [tilespmem:$0x1E0]  }
0x71: {  	[tilespmem:$0x51B0] =	vst v1;
	v1 =	vand.u32 $0xFFFF, v2  }
0x72: {  	[tilespmem:$0x29C0] =	vst v1;
	v1 =	vshrl.u32 v2, $0x10;
	v2 =	vld [tilespmem:$0x1F0]  }
0x73: {  	[tilespmem:$0x51C0] =	vst v1;
	v1 =	vand.u32 $0xFFFF, v3  }
0x74: {  	[tilespmem:$0x29D0] =	vst v1;
	v1 =	vshrl.u32 v3, $0x10  }
0x75: {  	[tilespmem:$0x51D0] =	vst v1;
	v1 =	vand.u32 $0xFFFF, v4  }
0x76: {  	[tilespmem:$0x29E0] =	vst v1;
	v1 =	vshrl.u32 v4, $0x10  }
0x77: {  	[tilespmem:$0x51E0] =	vst v1;
	v1 =	vand.u32 $0xFFFF, v2  }
0x78: {  	[tilespmem:$0x29F0] =	vst v1;
	v1 =	vshrl.u32 v2, $0x10  }
0x79: {  	s5 =	simm.s32 $0x0;
	[tilespmem:$0x51F0] =	vst v1  }
0x7a: {  	s0 =	simm.s32 $0x2800;
	s25 =	smin.u32 s5, $0x4C;
	[bflag:$0x0] =	sbarrier.arrive $0xFFFF  }
0x7b: {  	[tilespmem:s17], [sflag:$0x1] =	stream.indirect.gather [spmem:s2], $0x20, s0, s18, $0xb8;
	[tilespmem:$0x13450] =	vst v63  }
0x7c: {  	s19 =	simm.s32 $0x2880;
	s1 =	sshll.u32 s25, $0x7  }
0x7d: {  	[tilespmem:s20], [sflag:$0x2] =	stream.indirect.gather [spmem:s2], $0x20, s19, s18, $0xb8;
	[tilespmem:$0x13450] =	vst v63  }
0x7e: {  	v1 =	vld [tilespmem:s1+$0x1F0];
	_ =	sdelay $0x1  }
0x7f: {  	v3 =	vld [tilespmem:s1+$0x1D0];
	_ =	sdelay $0x1  }
0x80: {  	v2 =	vld [tilespmem:s1+$0x1C0]  }
0x81: {  	v4 =	vshrl.u32 v1, $0x10  }
0x82: {  	v5 =	vld [tilespmem:s1+$0x1B0];
	v1 =	vand.u32 $0xFFFF, v1;
	[tilespmem:s1+$0x51F0] =	vst v4  }
0x83: {  	v6 =	vand.u32 $0xFFFF, v3;
	[tilespmem:s1+$0x29F0] =	vst v1  }
0x84: {  	v3 =	vshrl.u32 v3, $0x10;
	v1 =	vld [tilespmem:s1+$0x1E0];
	[tilespmem:s1+$0x29D0] =	vst v6  }
0x85: {  	v4 =	vand.u32 $0xFFFF, v2;
	[tilespmem:s1+$0x51D0] =	vst v3  }
0x86: {  	v2 =	vshrl.u32 v2, $0x10;
	[tilespmem:s1+$0x29C0] =	vst v4;
	v4 =	vld [tilespmem:s1+$0x180]  }
0x87: {  	v6 =	vand.u32 $0xFFFF, v5;
	[tilespmem:s1+$0x51C0] =	vst v2;
	v2 =	vld [tilespmem:s1+$0x190]  }
0x88: {  	v3 =	vshrl.u32 v5, $0x10;
	[tilespmem:s1+$0x29B0] =	vst v6  }
0x89: {  	v6 =	vld [tilespmem:s1+$0x1A0];
	[tilespmem:s1+$0x51B0] =	vst v3;
	v5 =	vshrl.u32 v1, $0x10  }
0x8a: {  	v1 =	vand.u32 $0xFFFF, v1;
	[tilespmem:s1+$0x51E0] =	vst v5  }
0x8b: {  	v3 =	vand.u32 $0xFFFF, v4;
	[tilespmem:s1+$0x29E0] =	vst v1  }
0x8c: {  	v5 =	vshrl.u32 v2, $0x10;
	[tilespmem:s1+$0x2980] =	vst v3  }
0x8d: {  	v2 =	vand.u32 $0xFFFF, v2;
	[tilespmem:s1+$0x5190] =	vst v5  }
0x8e: {  	v1 =	vshrl.u32 v6, $0x10;
	[tilespmem:s1+$0x2990] =	vst v2  }
0x8f: {  	v2 =	vshrl.u32 v4, $0x10;
	[tilespmem:s1+$0x51A0] =	vst v1  }
0x90: {  	v1 =	vand.u32 $0xFFFF, v6;
	[tilespmem:s1+$0x5180] =	vst v2  }
0x91: {  	[tilespmem:s1+$0x29A0] =	vst v1  }
0x92: {  	_ =	swait.ge [sflag:s21], $0x1000  }
0x93: {  	[sflag:s21] =	ssyncset.done $0x0  }
0x94: {  	s26 =	simm.s32 $0x5000;
	[sflag:s21] =	ssyncadd.s32 $0xFFFFF000  }
0x95: {  	[spmem:s3] =	stream.indirect.scatter.add.f32 [tilespmem:s17], [sflag:$0x3], $0x20, s26, s18, $0xb8;
	[tilespmem:$0x13450] =	vst v63  }
0x96: {  	p0 =	por $0x0, $0x0;
	s0 =	smin.u32 s5, $0x4B;
	_ =	swait.ge [sflag:s16], $0x1000  }
0x97: {  	s25 =	simm.s32 @!p0 $0x80;
	s19 =	sshll.u32 s0, $0x7;
	[sflag:s16] =	ssyncset.done $0x0  }
0x98: {  	s0 =	simm.s32 @!p0 $0x7800;
	s1 =	simm.s32 @!p0 $0x2900;
	[sflag:s16] =	ssyncadd.s32 $0xFFFFF000  }
0x99: {  	[tilespmem:s0], [sflag:$0x1] =	stream.indirect.gather @!p0 [spmem:s2], $0x20, s1, s25, $0xb8;
	[tilespmem:$0x13450] =	vst v63  }
0x9a: {  	v2 =	vld [tilespmem:s19+$0x210]  }
0x9b: {  	v6 =	vld [tilespmem:s19+$0x220]  }
0x9c: {  	v8 =	vld [tilespmem:s19+$0x200]  }
0x9d: {  	v4 =	vld [tilespmem:s19+$0x250]  }
0x9e: {  	v7 =	vld [tilespmem:s19+$0x230]  }
0x9f: {  	v1 =	vld [tilespmem:s19+$0x270];
	v3 =	vand.u32 $0xFFFF, v2  }
0xa0: {  	v9 =	vand.u32 $0xFFFF, v6;
	[tilespmem:s19+$0x2A10] =	vst v3  }
0xa1: {  	v5 =	vld [tilespmem:s19+$0x260];
	v10 =	vshrl.u32 v8, $0x10;
	[tilespmem:s19+$0x2A20] =	vst v9  }
0xa2: {  	s31 =	simm.s32 $0x2;
	v6 =	vshrl.u32 v6, $0x10;
	v3 =	vshrl.u32 v2, $0x10;
	[tilespmem:s19+$0x5200] =	vst v10  }
0xa3: {  	s30 =	simm.s32 $0x800;
	s28 =	smin.u32 s31, $0x4C;
	v8 =	vand.u32 $0xFFFF, v8;
	v9 =	vand.u32 $0xFFFF, v7;
	[tilespmem:s19+$0x5210] =	vst v3;
	v3 =	vand.u32 $0xFFFF, v4  }
0xa4: {  	s29 =	simm.s32 $0x0;
	s26 =	smin.u32 s31, $0x4B;
	s25 =	simm.s32 $0x400;
	v2 =	vld [tilespmem:s19+$0x240];
	v4 =	vshrl.u32 v4, $0x10;
	[tilespmem:s19+$0x2A30] =	vst v9;
	v9 =	vshrl.u32 v7, $0x10;
	v7 =	vand.u32 $0xFFFF, v1  }
.LBB2_4:
0xa5: {  	s31 =	sadd.s32 $0x2, s31;
	[tilespmem:s19+$0x5230] =	vst v9;
	s0 =	smov.u32 s30;
	s30 =	sadd.s32 $0x400, s30  }
0xa6: {  	s4 =	smin.u32 s31, $0x4C;
	s1 =	smin.u32 s31, $0x4B;
	p0 =	sne.s32 s30, $0xA000;
	[tilespmem:s19+$0x2A00] =	vst v8;
	v8 =	vand.u32 $0xFFFF, v5;
	v5 =	vshrl.u32 v5, $0x10  }
0xa7: {  	[tilespmem:s19+$0x5220] =	vst v6  }
0xa8: {  	[tilespmem:s19+$0x2A50] =	vst v3  }
0xa9: {  	[tilespmem:s19+$0x5250] =	vst v4  }
0xaa: {  	[tilespmem:s19+$0x2A60] =	vst v8  }
0xab: {  	[tilespmem:s19+$0x5260] =	vst v5  }
0xac: {  	v1 =	vshrl.u32 v1, $0x10;
	v3 =	vand.u32 $0xFFFF, v2;
	v2 =	vshrl.u32 v2, $0x10;
	[tilespmem:s19+$0x2A70] =	vst v7  }
0xad: {  	[tilespmem:s19+$0x5240] =	vst v2  }
0xae: {  	[tilespmem:s19+$0x5270] =	vst v1  }
0xaf: {  	[tilespmem:s19+$0x2A40] =	vst v3  }
0xb0: {  	_ =	swait.ge [sflag:s22], $0x1000  }
0xb1: {  	s19 =	sadd.s32 $0x5080, s29;
	[sflag:s22] =	ssyncset.done $0x0  }
0xb2: {  	[sflag:s22] =	ssyncadd.s32 $0xFFFFF000  }
0xb3: {  	[spmem:s3] =	stream.indirect.scatter.add.f32 [tilespmem:s20], [sflag:$0x3], $0x20, s19, s18, $0xb8;
	[tilespmem:$0x13450] =	vst v63  }
0xb4: {  	_ =	swait.ge [sflag:s16], $0x1000  }
0xb5: {  	[sflag:s16] =	ssyncset.done $0x0  }
0xb6: {  	s29 =	sshra.s32 s25, $0x2;
	[sflag:s16] =	ssyncadd.s32 $0xFFFFF000  }
0xb7: {  	s5 =	sadd.s32 $0x2880, s29;
	s19 =	sshll.u32 s28, $0x7;
	s28 =	smov.u32 s4  }
0xb8: {  	[tilespmem:s20], [sflag:$0x2] =	stream.indirect.gather [spmem:s2], $0x20, s5, s18, $0xb8;
	[tilespmem:$0x13450] =	vst v63  }
0xb9: {  	v1 =	vld [tilespmem:s19+$0x1F0]  }
0xba: {  	v2 =	vld [tilespmem:s19+$0x1C0]  }
0xbb: {  	v3 =	vld [tilespmem:s19+$0x1D0]  }
0xbc: {  	v4 =	vld [tilespmem:s19+$0x1B0]  }
0xbd: {  	v5 =	vld [tilespmem:s19+$0x1E0]  }
0xbe: {  	v6 =	vld [tilespmem:s19+$0x180];
	v7 =	vand.u32 $0xFFFF, v1;
	v1 =	vshrl.u32 v1, $0x10  }
0xbf: {  	v8 =	vld [tilespmem:s19+$0x190];
	v9 =	vand.u32 $0xFFFF, v2;
	v2 =	vshrl.u32 v2, $0x10;
	[tilespmem:s19+$0x51F0] =	vst v1  }
0xc0: {  	v1 =	vand.u32 $0xFFFF, v3;
	v3 =	vshrl.u32 v3, $0x10;
	[tilespmem:s19+$0x29F0] =	vst v7  }
0xc1: {  	v7 =	vand.u32 $0xFFFF, v4;
	v4 =	vshrl.u32 v4, $0x10;
	[tilespmem:s19+$0x29C0] =	vst v9  }
0xc2: {  	[tilespmem:s19+$0x51C0] =	vst v2;
	v2 =	vand.u32 $0xFFFF, v5;
	v5 =	vshrl.u32 v5, $0x10  }
0xc3: {  	v9 =	vand.u32 $0xFFFF, v6;
	v6 =	vshrl.u32 v6, $0x10;
	[tilespmem:s19+$0x29D0] =	vst v1  }
0xc4: {  	v1 =	vand.u32 $0xFFFF, v8;
	v8 =	vshrl.u32 v8, $0x10;
	[tilespmem:s19+$0x51D0] =	vst v3  }
0xc5: {  	v3 =	vld [tilespmem:s19+$0x1A0];
	[tilespmem:s19+$0x29B0] =	vst v7  }
0xc6: {  	[tilespmem:s19+$0x51B0] =	vst v4  }
0xc7: {  	[tilespmem:s19+$0x51E0] =	vst v5  }
0xc8: {  	[tilespmem:s19+$0x2980] =	vst v9  }
0xc9: {  	[tilespmem:s19+$0x5190] =	vst v8  }
0xca: {  	v4 =	vand.u32 $0xFFFF, v3;
	v3 =	vshrl.u32 v3, $0x10;
	[tilespmem:s19+$0x29E0] =	vst v2  }
0xcb: {  	[tilespmem:s19+$0x2990] =	vst v1  }
0xcc: {  	[tilespmem:s19+$0x51A0] =	vst v3  }
0xcd: {  	[tilespmem:s19+$0x5180] =	vst v6  }
0xce: {  	[tilespmem:s19+$0x29A0] =	vst v4  }
0xcf: {  	_ =	swait.ge [sflag:s21], $0x1000  }
0xd0: {  	[sflag:s21] =	ssyncset.done $0x0  }
0xd1: {  	s4 =	sadd.s32 $0x5000, s29;
	[sflag:s21] =	ssyncadd.s32 $0xFFFFF000  }
0xd2: {  	[spmem:s3] =	stream.indirect.scatter.add.f32 [tilespmem:s17], [sflag:$0x3], $0x20, s4, s18, $0xb8;
	[tilespmem:$0x13450] =	vst v63  }
0xd3: {  	p1 =	seq.s32 s25, $0x9C00;
	s19 =	sshll.u32 s26, $0x7;
	_ =	swait.ge [sflag:s16], $0x1000  }
0xd4: {  	s5 =	simm.s32 @!p1 $0x7800;
	s4 =	sshra.s32 @!p1 s25, $0x2;
	[sflag:s16] =	ssyncset.done $0x0  }
0xd5: {  	s25 =	simm.s32 @!p1 $0x80;
	s4 =	sadd.s32 @!p1 $0x2900, s4;
	[sflag:s16] =	ssyncadd.s32 $0xFFFFF000  }
0xd6: {  	[tilespmem:s5], [sflag:$0x1] =	stream.indirect.gather @!p1 [spmem:s2], $0x20, s4, s25, $0xb8;
	[tilespmem:$0x13450] =	vst v63  }
0xd7: {  	s26 =	smov.u32 s1;
	s25 =	smov.u32 s0;
	v2 =	vld [tilespmem:s19+$0x210]  }
0xd8: {  	v4 =	vld [tilespmem:s19+$0x250]  }
0xd9: {  	v5 =	vld [tilespmem:s19+$0x220]  }
0xda: {  	v7 =	vld [tilespmem:s19+$0x230]  }
0xdb: {  	v10 =	vld [tilespmem:s19+$0x200]  }
0xdc: {  	v3 =	vand.u32 $0xFFFF, v2;
	v1 =	vld [tilespmem:s19+$0x270]  }
.Ltmp1:
0xdd: {  	v6 =	vshrl.u32 v2, $0x10;
	[tilespmem:s19+$0x2A10] =	vst v3;
	v2 =	vld [tilespmem:s19+$0x240];
	v3 =	vand.u32 $0xFFFF, v4;
	v4 =	vshrl.u32 v4, $0x10;
	(pc) =	sbr.rel @p0 .LBB2_4-.Ltmp1, $4  }
0xde: {  	[tilespmem:s19+$0x5210] =	vst v6;
	v8 =	vand.u32 $0xFFFF, v5;
	v6 =	vshrl.u32 v5, $0x10;
	v5 =	vld [tilespmem:s19+$0x260]  }
0xdf: {  	[tilespmem:s19+$0x2A20] =	vst v8;
	v11 =	vand.u32 $0xFFFF, v7;
	v9 =	vshrl.u32 v7, $0x10  }
0xe0: {  	v8 =	vand.u32 $0xFFFF, v10;
	v7 =	vshrl.u32 v10, $0x10;
	[tilespmem:s19+$0x2A30] =	vst v11  }
0xe1: {  	[tilespmem:s19+$0x5200] =	vst v7;
	v7 =	vand.u32 $0xFFFF, v1  }
0xe2: {  	[tilespmem:s19+$0x5230] =	vst v9  }
0xe3: {  	[tilespmem:s19+$0x2A00] =	vst v8  }
0xe4: {  	[tilespmem:s19+$0x5220] =	vst v6  }
0xe5: {  	[tilespmem:s19+$0x2A50] =	vst v3  }
0xe6: {  	[tilespmem:s19+$0x5250] =	vst v4  }
0xe7: {  	[tilespmem:s19+$0x2A70] =	vst v7;
	v1 =	vshrl.u32 v1, $0x10  }
0xe8: {  	v3 =	vand.u32 $0xFFFF, v5;
	[tilespmem:s19+$0x5270] =	vst v1  }
0xe9: {  	v47 =	vshrl.u32 v5, $0x10;
	[tilespmem:s19+$0x2A60] =	vst v3  }
0xea: {  	[tilespmem:s19+$0x5260] =	vst v47;
	v3 =	vshrl.u32 v2, $0x10  }
0xeb: {  	v2 =	vand.u32 $0xFFFF, v2;
	[tilespmem:s19+$0x5240] =	vst v3  }
0xec: {  	[tilespmem:s19+$0x2A40] =	vst v2  }
0xed: {  	_ =	swait.ge [sflag:s22], $0x1000  }
0xee: {  	[sflag:s22] =	ssyncset.done $0x0  }
0xef: {  	s0 =	sadd.s32 $0x5080, s29;
	[sflag:s22] =	ssyncadd.s32 $0xFFFFF000  }
0xf0: {  	[spmem:s3] =	stream.indirect.scatter.add.f32 [tilespmem:s20], [sflag:$0x3], $0x20, s0, s18, $0xb8;
	[tilespmem:$0x13450] =	vst v63  }
0xf1: {  	_ =	swait.ge [sflag:s16], $0x1000  }
0xf2: {  	s29 =	sshra.s32 s25, $0x2;
	[sflag:s16] =	ssyncset.done $0x0  }
0xf3: {  	s4 =	sshll.u32 s28, $0x7;
	s1 =	sadd.s32 $0x2880, s29;
	[sflag:s16] =	ssyncadd.s32 $0xFFFFF000  }
0xf4: {  	[tilespmem:s20], [sflag:$0x2] =	stream.indirect.gather [spmem:s2], $0x20, s1, s18, $0xb8;
	[tilespmem:$0x13450] =	vst v63  }
0xf5: {  	v1 =	vld [tilespmem:s4+$0x1F0];
	_ =	sdelay $0x1  }
0xf6: {  	v2 =	vld [tilespmem:s4+$0x1C0];
	_ =	sdelay $0x1  }
0xf7: {  	v3 =	vld [tilespmem:s4+$0x1D0]  }
0xf8: {  	v48 =	vshrl.u32 v1, $0x10  }
0xf9: {  	v49 =	vld [tilespmem:s4+$0x1B0];
	v1 =	vand.u32 $0xFFFF, v1;
	[tilespmem:s4+$0x51F0] =	vst v48  }
0xfa: {  	v50 =	vand.u32 $0xFFFF, v2;
	[tilespmem:s4+$0x29F0] =	vst v1  }
0xfb: {  	v51 =	vld [tilespmem:s4+$0x180];
	v2 =	vshrl.u32 v2, $0x10;
	[tilespmem:s4+$0x29C0] =	vst v50  }
0xfc: {  	v52 =	vand.u32 $0xFFFF, v3;
	v1 =	vld [tilespmem:s4+$0x1E0];
	[tilespmem:s4+$0x51C0] =	vst v2  }
0xfd: {  	v3 =	vshrl.u32 v3, $0x10;
	v2 =	vld [tilespmem:s4+$0x190];
	[tilespmem:s4+$0x29D0] =	vst v52  }
0xfe: {  	v53 =	vand.u32 $0xFFFF, v49;
	[tilespmem:s4+$0x51D0] =	vst v3  }
0xff: {  	v3 =	vshrl.u32 v49, $0x10;
	[tilespmem:s4+$0x29B0] =	vst v53  }
0x100: {  	v55 =	vld [tilespmem:s4+$0x1A0];
	[tilespmem:s4+$0x51B0] =	vst v3;
	v3 =	vand.u32 $0xFFFF, v51  }
0x101: {  	[tilespmem:s4+$0x2980] =	vst v3;
	v54 =	vshrl.u32 v1, $0x10  }
0x102: {  	v56 =	vshrl.u32 v2, $0x10;
	[tilespmem:s4+$0x51E0] =	vst v54  }
0x103: {  	v1 =	vand.u32 $0xFFFF, v1;
	[tilespmem:s4+$0x5190] =	vst v56  }
0x104: {  	v2 =	vand.u32 $0xFFFF, v2;
	[tilespmem:s4+$0x29E0] =	vst v1  }
0x105: {  	v1 =	vshrl.u32 v55, $0x10;
	[tilespmem:s4+$0x2990] =	vst v2  }
0x106: {  	v2 =	vshrl.u32 v51, $0x10;
	[tilespmem:s4+$0x51A0] =	vst v1  }
0x107: {  	v1 =	vand.u32 $0xFFFF, v55;
	[tilespmem:s4+$0x5180] =	vst v2  }
0x108: {  	[tilespmem:s4+$0x29A0] =	vst v1  }
0x109: {  	_ =	swait.ge [sflag:s21], $0x1000  }
0x10a: {  	[sflag:s21] =	ssyncset.done $0x0  }
0x10b: {  	s30 =	sadd.s32 $0x5000, s29;
	[sflag:s21] =	ssyncadd.s32 $0xFFFFF000  }
0x10c: {  	[spmem:s3] =	stream.indirect.scatter.add.f32 [tilespmem:s17], [sflag:$0x3], $0x20, s30, s18, $0xb8;
	[tilespmem:$0x13450] =	vst v63  }
0x10d: {  	p0 =	seq.s32 s25, $0x9C00;
	s31 =	sshll.u32 s26, $0x7;
	_ =	swait.ge [sflag:s16], $0x1000  }
0x10e: {  	s5 =	simm.s32 @!p0 $0x7800;
	s4 =	sshra.s32 @!p0 s25, $0x2;
	[sflag:s16] =	ssyncset.done $0x0  }
0x10f: {  	s19 =	simm.s32 @!p0 $0x80;
	s4 =	sadd.s32 @!p0 $0x2900, s4;
	[sflag:s16] =	ssyncadd.s32 $0xFFFFF000  }
0x110: {  	[tilespmem:s5], [sflag:$0x1] =	stream.indirect.gather @!p0 [spmem:s2], $0x20, s4, s19, $0xb8;
	[tilespmem:$0x13450] =	vst v63  }
0x111: {  	v1 =	vld [tilespmem:s31+$0x210];
	_ =	sdelay $0x1  }
0x112: {  	v57 =	vld [tilespmem:s31+$0x200]  }
0x113: {  	v2 =	vld [tilespmem:s31+$0x220]  }
0x114: {  	v3 =	vld [tilespmem:s31+$0x230]  }
0x115: {  	v58 =	vand.u32 $0xFFFF, v1  }
0x116: {  	v1 =	vshrl.u32 v1, $0x10;
	[tilespmem:s31+$0x2A10] =	vst v58  }
0x117: {  	v59 =	vld [tilespmem:s31+$0x250];
	v60 =	vshrl.u32 v57, $0x10;
	[tilespmem:s31+$0x5210] =	vst v1  }
0x118: {  	v1 =	vand.u32 $0xFFFF, v2;
	[tilespmem:s31+$0x5200] =	vst v60  }
0x119: {  	[tilespmem:s31+$0x2A20] =	vst v1;
	v1 =	vand.u32 $0xFFFF, v3  }
0x11a: {  	v4 =	vand.u32 $0xFFFF, v57;
	[tilespmem:s31+$0x2A30] =	vst v1;
	v1 =	vld [tilespmem:s31+$0x260]  }
0x11b: {  	[tilespmem:s31+$0x2A00] =	vst v4;
	v3 =	vshrl.u32 v3, $0x10  }
0x11c: {  	v62 =	vand.u32 $0xFFFF, v59;
	[tilespmem:s31+$0x5230] =	vst v3;
	v3 =	vld [tilespmem:s31+$0x270]  }
0x11d: {  	v61 =	vld [tilespmem:s31+$0x240];
	v2 =	vshrl.u32 v2, $0x10;
	[tilespmem:s31+$0x2A50] =	vst v62  }
0x11e: {  	[tilespmem:s31+$0x5220] =	vst v2;
	v2 =	vshrl.u32 v59, $0x10  }
0x11f: {  	[tilespmem:s31+$0x5250] =	vst v2;
	v63 =	vand.u32 $0xFFFF, v1  }
0x120: {  	v1 =	vshrl.u32 v1, $0x10;
	[tilespmem:s31+$0x2A60] =	vst v63  }
0x121: {  	v2 =	vand.u32 $0xFFFF, v3;
	[tilespmem:s31+$0x5260] =	vst v1  }
0x122: {  	v1 =	vshrl.u32 v61, $0x10;
	[tilespmem:s31+$0x2A70] =	vst v2  }
0x123: {  	v2 =	vshrl.u32 v3, $0x10;
	[tilespmem:s31+$0x5240] =	vst v1  }
0x124: {  	v1 =	vand.u32 $0xFFFF, v61;
	[tilespmem:s31+$0x5270] =	vst v2  }
0x125: {  	[tilespmem:s31+$0x2A40] =	vst v1  }
0x126: {  	_ =	swait.ge [sflag:s22], $0x1000  }
0x127: {  	[sflag:s22] =	ssyncset.done $0x0  }
0x128: {  	s0 =	sadd.s32 $0x5080, s29;
	[sflag:s22] =	ssyncadd.s32 $0xFFFFF000  }
0x129: {  	[spmem:s3] =	stream.indirect.scatter.add.f32 [tilespmem:s20], [sflag:$0x3], $0x20, s0, s18, $0xb8;
	[tilespmem:$0x13450] =	vst v63  }
0x12a: {  	_ =	swait.ge [sflag:s16], $0x1000  }
0x12b: {  	s24 =	sadd.s32 $0x1, s24;
	[sflag:s16] =	ssyncset.done $0x0  }
0x12c: {  	p0 =	sne.s32 s24, s14;
	[sflag:s16] =	ssyncadd.s32 $0xFFFFF000  }
.Ltmp2:
0x12d: {  	[bflag:$0x0] =	sbarrier.arrive $0xFFFF;
	(pc) =	sbr.rel @p0 .LBB2_1-.Ltmp2, $4  }
0x12e: {  	[hbm:s13], [sflag:s6] =	dma.local [spmem:s23], $0x9C4  }
0x12f: {  	_ =	swait.ge [sflag:s16], $0x9C4  }
0x130: {  	[sflag:s16] =	ssyncset.done $0x0  }
0x131: {  	[sflag:s16] =	ssyncadd.s32 $0xFFFFF63C  }
0x132: {  	_ =	sfence.sel $0x180000  }
0x133: {  	[bflag:$0x0] =	sbarrier.arrive $0xFFFF  }
0x134: {  	_ =	strace $0x9000004A  }
0x135: {  	s0 =	stileid.u32;
	[bflag:$0x2] =	sbarrier.arrive $0xFFFF  }
0x136: {  	p0 =	sne.s32 s0, $0x0;
	s0 =	rddreg [dreg:$0x3]  }
0x137: {  	s0 =	sadd.s32 @!p0 $0x100000, s0  }
0x138: {  	[sflag:s0] =	ssyncadd.tile.s32 @!p0 $0x1;
	_ =	shalt  }
.Lfunc_end2:
_tile_overlayer_lowered:
.L_overlay_start_2:
0x139: {  	(tag) =	ssettag $0x2  }
0x13a: {  	s0 =	rddreg [dreg:$0x0];
	s2 =	stileid.u32  }
0x13b: {  	s1 =	rddreg [dreg:$0x1];
	p0 =	sne.s32 s2, $0x0  }
0x13c: {  	s3 =	rddreg [dreg:$0x2];
	[bflag:$0x3] =	sbarrier.arrive $0xFFFF;
	s2 =	simm.s32 @!p0 $0x1C03  }
0x13d: {  	[timem:s3], [sflag:s2] =	dma.local @!p0 [hbm:s0], s1  }
0x13e: {  	s0 =	simm.s32 @!p0 $0x3  }
0x13f: {  	_ =	swait.ge @!p0 [sflag:s0], s1  }
0x140: {  	s1 =	ssub.s32 @!p0 $0x0, s1;
	[sflag:s0] =	ssyncset.done @!p0 $0x0  }
0x141: {  	[sflag:s0] =	ssyncadd.s32 @!p0 s1  }
0x142: {  	[bflag:$0x3] =	sbarrier.arrive $0xFFFF  }
0x143: {  	_ =	shalt  }

// kernel: kernel.7.cloned.1.call-start
scs
__scs_entry_jumppad:
0x0: {  	(pc) =	sbr.rel $0x88, $3  }
0x1: {  	(tag) =	ssettag $0x0;
	lr =	simm.s32 $0x1  }
0x2: {  	[smem:$0x3F97] =	sst lr;
	_ =	strace $0xD0000000  }
0x3: {  	_ = 	snop  }
0x4: {  	_ = 	snop  }
0x5: {  	_ = 	snop  }
0x6: {  	_ = 	snop  }
0x7: {  	_ = 	snop  }
__scs_overlays_trampoline_lowered:
0x8: {  	[smem:$0x3FA6] =	sst s0  }
0x9: {  	[smem:$0x3FA7] =	sst s1  }
0xa: {  	[smem:$0x3FA8] =	sst s2  }
0xb: {  	[smem:$0x3FA9] =	sst s3  }
0xc: {  	[smem:$0x3FAA] =	sst s4  }
0xd: {  	[smem:$0x3FAB] =	sst s5  }
0xe: {  	[smem:$0x3FAC] =	sst s6  }
0xf: {  	[smem:$0x3FAD] =	sst s7  }
0x10: {  	[smem:$0x3FAE] =	sst s8  }
0x11: {  	[smem:$0x3FAF] =	sst s9;
	s0 =	simm.s32 @!p0 $0x0  }
0x12: {  	s1 =	sld [smem:$0x3F95];
	s0 =	simm.s32 @p0 $0x1  }
0x13: {  	[smem:$0x3FB0] =	sst s0;
	s0 =	simm.s32 @!p1 $0x0  }
0x14: {  	s2 =	sld [smem:$0x3F94];
	s0 =	simm.s32 @p1 $0x1  }
0x15: {  	[smem:$0x3FB1] =	sst s0;
	s0 =	simm.s32 @!p2 $0x0  }
0x16: {  	s3 =	sld [smem:$0x3FDB];
	s0 =	simm.s32 @p2 $0x1  }
0x17: {  	s4 =	simm.s32 $0x1BF5;
	[smem:$0x3FB3] =	sst s0  }
0x18: {  	s0 =	sld [smem:$0x3F96];
	_ =	swait.ge [sflag:s4], $0x0  }
0x19: {  	s7 =	sld [smem:$0x3F97]  }
0x1a: {  	s8 =	sadd.s32 $0xFFFFE003, lr  }
0x1b: {  	s9 =	sadd.s32 $0xFFFFFEF7, lr;
	s5 =	simm.s32 $0xFFFFFFFF;
	p2 =	slt.u32 s8, $0xFFFFF086  }
0x1c: {  	p1 =	slt.u32 s9, $0xF7A;
	s5 =	simm.s32 @!p2 $0x0  }
0x1d: {  	s5 =	simm.s32 @p1 $0x1;
	p0 =	seq.s32 s7, s2  }
0x1e: {  	s7 =	smul.u32 @!p0 $0xF7A, s2;
	p2 =	seq.s32 @!p0 s5, $0x0  }
0x1f: {  	s9 =	smul.u32 $0xF7A, s1;
	s8 =	simm.s32 @!p0 $0x1BF5;
	p2 =	por !p2, p0  }
0x20: {  	[sflag:s8] =	ssyncset.s32 @!p0 $0xFFFFF086;
	s6 =	sadd.s32 @!p0 s3, s7;
	s7 =	simm.s32 @!p0 $0x108  }
0x21: {  	s3 =	sadd.s32 s3, s9;
	s6 =	sadd.s32 @!p0 $0x88, s6;
	s7 =	simm.s32 @p2 $0x1082  }
0x22: {  	[simem:s7], [sflag:s8] =	dma.local @!p0 [hbm:s6], $0xF7A  }
0x23: {  	s9 =	sor.u32 $0xD0000000, s2;
	s6 =	simm.s32 $0x108;
	_ =	swait.ge @!p0 [sflag:s8], $0x0  }
0x24: {  	s3 =	sadd.s32 $0x88, s3;
	s6 =	simm.s32 @!p1 $0x1082;
	[sflag:s4] =	ssyncset.s32 $0xFFFFF086  }
0x25: {  	[simem:s6], [sflag:s4] =	dma.local [hbm:s3], $0xF7A  }
0x26: {  	[smem:$0x3F97] =	sst s1;
	(tag) =	ssettag s2;
	_ =	strace s9  }
0x27: {  	s1 =	sld [smem:$0x3FA7]  }
0x28: {  	s2 =	sld [smem:$0x3FA8]  }
0x29: {  	s4 =	sld [smem:$0x3FAA]  }
0x2a: {  	p0 =	seq.s32 s5, $0x0;
	s5 =	sld [smem:$0x3FAB]  }
0x2b: {  	s6 =	sld [smem:$0x3FAC]  }
0x2c: {  	s7 =	sld [smem:$0x3FAD]  }
0x2d: {  	s3 =	simm.s32 $0x108;
	s8 =	sld [smem:$0x3FAE]  }
0x2e: {  	s3 =	simm.s32 @!p0 $0x1082;
	s9 =	sld [smem:$0x3FAF]  }
0x2f: {  	lr =	sadd.s32 s0, s3;
	s0 =	sld [smem:$0x3FA6]  }
0x30: {  	s3 =	sld [smem:$0x3FA9]  }
0x31: {  	[smem:$0x3FB2] =	sst s10  }
0x32: {  	s10 =	sld [smem:$0x3FB0];
	_ =	sdelay $0x3  }
0x33: {  	p0 =	seq.s32 s10, $0x1;
	s10 =	sld [smem:$0x3FB2];
	_ =	sdelay $0x3  }
0x34: {  	[smem:$0x3FB2] =	sst s10  }
0x35: {  	s10 =	sld [smem:$0x3FB1];
	_ =	sdelay $0x3  }
0x36: {  	p1 =	seq.s32 s10, $0x1;
	s10 =	sld [smem:$0x3FB2];
	_ =	sdelay $0x3  }
0x37: {  	[smem:$0x3FB2] =	sst s10  }
0x38: {  	s10 =	sld [smem:$0x3FB3]  }
0x39: {  	_ = 	snop;
	(pc) =	sbr.ind lr, $3  }
0x3a: {  	_ = 	snop  }
0x3b: {  	_ = 	snop  }
0x3c: {  	p2 =	seq.s32 s10, $0x1;
	s10 =	sld [smem:$0x3FB2]  }
0x3d: {  	_ =	shalt  }
0x3e: {  	_ =	shalt  }
0x3f: {  	_ =	shalt  }
0x40: {  	_ =	shalt  }
0x41: {  	_ =	shalt  }
0x42: {  	_ =	shalt  }
0x43: {  	_ =	shalt  }
0x44: {  	_ =	shalt  }
0x45: {  	_ =	shalt  }
0x46: {  	_ =	shalt  }
0x47: {  	_ =	shalt  }
0x48: {  	_ =	shalt  }
0x49: {  	_ =	shalt  }
0x4a: {  	_ =	shalt  }
0x4b: {  	_ =	shalt  }
0x4c: {  	_ =	shalt  }
0x4d: {  	_ =	shalt  }
0x4e: {  	_ =	shalt  }
0x4f: {  	_ =	shalt  }
0x50: {  	_ =	shalt  }
0x51: {  	_ =	shalt  }
0x52: {  	_ =	shalt  }
0x53: {  	_ =	shalt  }
0x54: {  	_ =	shalt  }
0x55: {  	_ =	shalt  }
0x56: {  	_ =	shalt  }
0x57: {  	_ =	shalt  }
0x58: {  	_ =	shalt  }
0x59: {  	_ =	shalt  }
0x5a: {  	_ =	shalt  }
0x5b: {  	_ =	shalt  }
0x5c: {  	_ =	shalt  }
0x5d: {  	_ =	shalt  }
0x5e: {  	_ =	shalt  }
0x5f: {  	_ =	shalt  }
0x60: {  	_ =	shalt  }
0x61: {  	_ =	shalt  }
0x62: {  	_ =	shalt  }
0x63: {  	_ =	shalt  }
0x64: {  	_ =	shalt  }
0x65: {  	_ =	shalt  }
0x66: {  	_ =	shalt  }
0x67: {  	_ =	shalt  }
0x68: {  	_ =	shalt  }
0x69: {  	_ =	shalt  }
0x6a: {  	_ =	shalt  }
0x6b: {  	_ =	shalt  }
0x6c: {  	_ =	shalt  }
0x6d: {  	_ =	shalt  }
0x6e: {  	_ =	shalt  }
0x6f: {  	_ =	shalt  }
0x70: {  	_ =	shalt  }
0x71: {  	_ =	shalt  }
0x72: {  	_ =	shalt  }
0x73: {  	_ =	shalt  }
0x74: {  	_ =	shalt  }
0x75: {  	_ =	shalt  }
0x76: {  	_ =	shalt  }
0x77: {  	_ =	shalt  }
0x78: {  	_ =	shalt  }
0x79: {  	_ =	shalt  }
0x7a: {  	_ =	shalt  }
0x7b: {  	_ =	shalt  }
0x7c: {  	_ =	shalt  }
0x7d: {  	_ =	shalt  }
0x7e: {  	_ =	shalt  }
0x7f: {  	_ =	shalt  }
0x80: {  	_ =	shalt  }
0x81: {  	_ =	shalt  }
0x82: {  	_ =	shalt  }
0x83: {  	_ =	shalt  }
0x84: {  	_ =	shalt  }
0x85: {  	_ =	shalt  }
0x86: {  	_ =	shalt  }
0x87: {  	_ =	shalt  }
.Lfunc_end0:
.L_simem_size_0:
called_computation_lowered:
.L_overlay_start_0:
0x88: {  	s2 =	sld [smem:$0x3FD9]  }
0x89: {  	s3 =	sld [smem:$0x3FFE];
	_ =	sdelay $0x1  }
0x8a: {  	s1 =	srdreg.scid  }
0x8b: {  	s0 =	sand.u32 $0x1, s1  }
0x8c: {  	s16 =	sshll.u32 s0, $0xA;
	s2 =	sadd.s32 s3, s2  }
0x8d: {  	s2 =	sadd.s32 s2, s16  }
0x8e: {  	[smem:$0x3FBE] =	sst s2  }
0x8f: {  	_ = 	snop  }
0x90: {  	(tm) =	ssettm $0x1  }
0x91: {  	s17 =	sld [smem:$0x3FFB];
	_ =	sdelay $0x3  }
0x92: {  	_ =	strace s17  }
0x93: {  	s2 =	sld [smem:$0x3FFC];
	_ =	sdelay $0x3  }
0x94: {  	_ =	strace s2  }
0x95: {  	s2 =	sld [smem:$0x3FFD];
	_ =	sdelay $0x3  }
0x96: {  	_ =	strace s2  }
0x97: {  	_ =	strace $0x8FFFFFFF  }
0x98: {  	s18 =	sld [smem:$0x3FDB];
	_ =	sdelay $0x1  }
0x99: {  	s19 =	simm.s32 $_scs_section_size  }
0x9a: {  	s4 =	simm.s32 $_size__tile_overlayer_lowered;
	s5 =	simm.s32 $_tile_overlayer_lowered  }
0x9b: {  	s22 =	simm.s32 $0x1BFF;
	s21 =	sshll.u32 s5, $0x1;
	s2 =	sadd.s32 s19, s18  }
0x9c: {  	s6 =	simm.s32 $0x0;
	s20 =	sshll.u32 s4, $0x1;
	s4 =	sadd.s32 s21, s2  }
0x9d: {  	[timem:s6], [sflag:s22] =	dma.local [hbm:s4], s20  }
0x9e: {  	_ =	swait.ge [sflag:s22], s20  }
0x9f: {  	s3 =	ssub.s32 $0x0, s20;
	[sflag:s22] =	ssyncset.done $0x0  }
0xa0: {  	[sflag:s22] =	ssyncadd.s32 s3;
	_ =	sdelay $0x1  }
0xa1: {  	s23 =	simm.s32 $0x1B8B  }
0xa2: {  	_ =	swait.ge [sflag:s23], $0x1  }
0xa3: {  	[sflag:s23] =	ssyncset.done $0x0  }
0xa4: {  	s25 =	simm.s32 $0x1B8E;
	s24 =	sld [smem:$0x3FFE];
	[sflag:s23] =	ssyncadd.s32 $0xFFFFFFFF  }
0xa5: {  	s26 =	simm.s32 $execute0_lowered;
	[smem:$0x3FD2] =	sst s25  }
0xa6: {  	s4 =	sshll.u32 s26, $0x1;
	_ =	strace $0x80000046;
	[dreg:$0x1] =	wrdreg $0xFFFFFFFF  }
0xa7: {  	s28 =	simm.s32 $_size_execute0_lowered;
	s2 =	sadd.s32 s2, s4;
	[dreg:$0x0] =	wrdreg $0x0  }
0xa8: {  	s4 =	sshll.u32 s28, $0x1;
	[dreg:$0x2] =	wrdreg s2  }
0xa9: {  	[dreg:$0x3] =	wrdreg s4  }
0xaa: {  	[dreg:$0x4] =	wrdreg $0xC0  }
0xab: {  	_ =	task [dreg:s6], $0x5FFFF  }
0xac: {  	[dreg:$0x1] =	wrdreg $0xFFFFFFFF  }
0xad: {  	[dreg:$0x0] =	wrdreg $0x60  }
0xae: {  	[dreg:$0x2] =	wrdreg s24  }
0xaf: {  	[dreg:$0x3] =	wrdreg $0x15B300  }
0xb0: {  	[dreg:$0x4] =	wrdreg $0x10D000  }
0xb1: {  	[dreg:$0x5] =	wrdreg $0x1D3D00  }
0xb2: {  	[dreg:$0x6] =	wrdreg $0x9  }
0xb3: {  	_ =	task.clear_ibuf [dreg:s6], $0x7FFFF;
	_ =	strace $0x90000046  }
0xb4: {  	s29 =	simm.s32 $0x9;
	_ =	strace $0x80000048  }
0xb5: {  	_ =	swait.ge [sflag:s29], $0x1  }
0xb6: {  	[sflag:s29] =	ssyncadd.s32 $0xFFFFFFFF  }
0xb7: {  	_ =	strace $0x90000048  }
0xb8: {  	_ =	sfence  }
0xb9: {  	s30 =	sld [smem:$0x0];
	_ =	sdelay $0x2  }
0xba: {  	s31 =	sshll.u32 s1, $0xD;
	s1 =	sshrl.u32 s1, $0x2  }
0xbb: {  	s3 =	sand.u32 $0x4000, s31;
	s1 =	sadd.s32 s1, s30  }
0xbc: {  	s0 =	sor.u32 s3, s0;
	s1 =	sshll.u32 s1, $0x11  }
0xbd: {  	s0 =	sor.u32 s1, s0  }
0xbe: {  	s0 =	sadd.s32 $0x8F2B, s0  }
0xbf: {  	[sflag:s0] =	ssyncadd.remote.s32 $0x1  }
0xc0: {  	_ =	sfence.sel $0xFFFF  }
0xc1: {  	[dreg:$0x0] =	wrdreg $0xFFFFFFFF;
	(pc) =	sbr.abs _section_cstart, $3  }
0xc2: {  	[dreg:$0x1] =	wrdreg $0xFFFFFFFF  }
0xc3: {  	_ =	task.clear_ibuf [dreg:s6], $0x2FFFF;
	_ =	strace $0x9FFFFFFF  }
0xc4: {  	(tm) =	ssettm $0x7FFFFFFF  }
0xc5: {  	_ =	shalt  }
tec
execute0_lowered:
.L_overlay_start_1:
0x0: {  	(tag) =	ssettag $0x1  }
0x1: {  	s6 =	rddreg [dreg:$0x0]  }
0x2: {  	s1 =	rddreg [dreg:$0x1];
	s0 =	stileid.u32  }
0x3: {  	s2 =	srdreg.scid;
	s3 =	rddreg [dreg:$0x2]  }
0x4: {  	s4 =	rddreg [dreg:$0x3];
	s5 =	simm.s32 $0x0;
	s18 =	simm.s32 $0x3  }
0x5: {  	s19 =	simm.s32 $0xED00;
	s23 =	simm.s32 $0x1;
	s10 =	smul.u32 $0x4E20, s0  }
0x6: {  	s24 =	simm.s32 $0x2;
	s25 =	simm.s32 $0x0;
	s8 =	smul.u32 $0x9E0, s0  }
0x7: {  	s22 =	sand.u32 $0x1, s2;
	[smem:$0x7FF] =	sst s5;
	s11 =	smul.u32 $0x13880, s0  }
0x8: {  	s31 =	sshll.u32 s0, $0x6;
	s7 =	smul.u32 $0x4E200, s22;
	_ =	strace $0x80000047  }
0x9: {  	s29 =	ssub.s32 $0x2, s22;
	s20 =	sor.u32 s22, s0;
	p1 =	sne.s32 s22, $0x0  }
0xa: {  	s22 =	simm.s32 $0xFD00;
	s9 =	sadd.s32 s8, s6;
	s30 =	sshrl.u32 s29, $0x1  }
0xb: {  	s17 =	sadd.s32 s10, s1;
	s8 =	sor.u32 $0x1C03, s31;
	s11 =	sshrl.u32 s11, $0x2  }
0xc: {  	p0 =	sne.s32 s20, $0x0;
	s20 =	simm.s32 $0x80;
	s7 =	sadd.s32 s10, s7  }
0xd: {  	s16 =	ssub.s32 s29, s30;
	s9 =	sadd.s32 $0x3D000, s9;
	s10 =	sadd.s32 s10, s3  }
0xe: {  	s14 =	sadd.s32 s11, s3;
	s17 =	sshrl.u32 s17, $0x3;
	s7 =	sshrl.u32 s7, $0x3  }
0xf: {  	s11 =	sadd.s32 $0x1000, s14;
	s12 =	sadd.s32 $0x2000, s14;
	s13 =	sadd.s32 $0x3000, s14  }
0x10: {  	s14 =	sadd.s32 $0x4000, s14;
	s16 =	smax.u32 s16, $0x1;
	s15 =	sadd.s32 s7, s6  }
0x11: {  	v0 =	vimm.f32 $0.0e+00;
	v1 =	vlaneseq.u32;
	s6 =	sadd.s32 $0x5A800, s6;
	s7 =	sadd.s32 $0x29600, s15;
	s15 =	sadd.s32 $0x46E00, s15  }
.LBB2_1:
0x12: {  	[spmem:s17], [sflag:s8] =	dma.local [hbm:s7], $0x9C4  }
0x13: {  	_ =	swait.ge [sflag:s18], $0x9C4  }
0x14: {  	[sflag:s18] =	ssyncset.done $0x0  }
0x15: {  	[sflag:s18] =	ssyncadd.s32 $0xFFFFF63C  }
0x16: {  	[tilespmem:s5], [sflag:$0x3] =	stream.linear.gather [hbm4b:s9+s5], $0x4F00, $0x38;
	[tilespmem:$0x1D650] =	vst v63  }
0x17: {  	_ =	swait.ge [sflag:s18], $0x4F00  }
0x18: {  	s28 =	sand.u32 $0x3FC0, s5;
	[sflag:s18] =	ssyncset.done $0x0  }
0x19: {  	s26 =	simm.s32 $0x40;
	s28 =	sshrl.u32 s28, $0x2;
	[sflag:s18] =	ssyncadd.s32 $0xFFFFB100  }
.LBB2_2:
0x1a: {  	p2 =	sne.s32 s26, $0x3FC0;
	[tilespmem:s28+$0xED00] =	vst v0;
	s28 =	smov.u32 s26;
	s26 =	sadd.s32 $0x40, s26  }
.Ltmp0:
0x1b: {  	(pc) =	sbr.rel @p2 .LBB2_2-.Ltmp0, $3  }
0x1c: {  	_ =	sdelay $0x1  }
0x1d: {  	s28 =	sand.u32 $0x3FC0, s28  }
0x1e: {  	s28 =	sshrl.u32 s28, $0x2  }
0x1f: {  	[tilespmem:s28+$0xED00] =	vst v0  }
0x20: {  	[spmem:s10] =	stream.linear.scatter [tilespmem:s19], [sflag:$0x3], $0x1000, $0x38;
	[tilespmem:$0x1D650] =	vst v63  }
0x21: {  	_ =	swait.ge [sflag:s18], $0x1000  }
0x22: {  	[sflag:s18] =	ssyncset.done $0x0  }
0x23: {  	[sflag:s18] =	ssyncadd.s32 $0xFFFFF000  }
0x24: {  	[spmem:s11] =	stream.linear.scatter [tilespmem:s19], [sflag:$0x3], $0x1000, $0x38;
	[tilespmem:$0x1D650] =	vst v63  }
0x25: {  	_ =	swait.ge [sflag:s18], $0x1000  }
0x26: {  	[sflag:s18] =	ssyncset.done $0x0  }
0x27: {  	[sflag:s18] =	ssyncadd.s32 $0xFFFFF000  }
0x28: {  	[spmem:s12] =	stream.linear.scatter [tilespmem:s19], [sflag:$0x3], $0x1000, $0x38;
	[tilespmem:$0x1D650] =	vst v63  }
0x29: {  	_ =	swait.ge [sflag:s18], $0x1000  }
0x2a: {  	[sflag:s18] =	ssyncset.done $0x0  }
0x2b: {  	[sflag:s18] =	ssyncadd.s32 $0xFFFFF000  }
0x2c: {  	[spmem:s13] =	stream.linear.scatter [tilespmem:s19], [sflag:$0x3], $0x1000, $0x38;
	[tilespmem:$0x1D650] =	vst v63  }
0x2d: {  	_ =	swait.ge [sflag:s18], $0x1000  }
0x2e: {  	[sflag:s18] =	ssyncset.done $0x0  }
0x2f: {  	[sflag:s18] =	ssyncadd.s32 $0xFFFFF000  }
0x30: {  	[spmem:s14] =	stream.linear.scatter [tilespmem:s19], [sflag:$0x3], $0xE20, $0x38;
	[tilespmem:$0x1D650] =	vst v63  }
0x31: {  	_ =	swait.ge [sflag:s18], $0xE20  }
0x32: {  	[sflag:s18] =	ssyncset.done $0x0  }
0x33: {  	s26 =	simm.s32 $0x40;
	s28 =	simm.s32 $0x0;
	[sflag:s18] =	ssyncadd.s32 $0xFFFFF1E0  }
.LBB2_4:
0x34: {  	p2 =	sne.s32 s26, $0x9FC0;
	[tilespmem:s28+$0x1A950] =	vst v0;
	s28 =	smov.u32 s26;
	s26 =	sadd.s32 $0x40, s26  }
.Ltmp1:
0x35: {  	(pc) =	sbr.rel @p2 .LBB2_4-.Ltmp1, $2  }
0x36: {  	_ =	sdelay $0x2  }
0x37: {  	s28 =	sshra.s32 s28, $0x2  }
0x38: {  	[tilespmem:s28+$0x1A950] =	vst v0;
	s26 =	simm.s32 @!p0 $0x1A950;
	s28 =	simm.s32 @!p0 $0x3  }
0x39: {  	[spmem:s4] =	stream.linear.scatter @!p0 [tilespmem:s26], [sflag:$0x3], $0x2800, $0x38;
	[tilespmem:$0x1D650] =	vst v63  }
0x3a: {  	s26 =	simm.s32 $0x0;
	_ =	swait.ge @!p0 [sflag:s28], $0x2800  }
0x3b: {  	s29 =	sand.u32 $0xFC0, s26;
	[sflag:s28] =	ssyncset.done @!p0 $0x0  }
0x3c: {  	v2 =	vor.u32 s26, v1;
	s29 =	sshrl.u32 s29, $0x2;
	[sflag:s28] =	ssyncadd.s32 @!p0 $0xFFFFD800;
	s28 =	simm.s32 $0x40  }
.LBB2_6:
0x3d: {  	p2 =	sne.s32 s28, $0x9C0  }
0x3e: {  	[tilespmem:s29+$0x1D150] =	vst v2;
	s26 =	sadd.s32 $0x10, s26;
	s29 =	smov.u32 s28;
	s28 =	sadd.s32 $0x40, s28  }
.Ltmp2:
0x3f: {  	(pc) =	sbr.rel @p2 .LBB2_6-.Ltmp2, $3  }
0x40: {  	_ =	sdelay $0x1  }
0x41: {  	s29 =	sand.u32 $0xFC0, s29  }
0x42: {  	v2 =	vor.u32 s26, v1;
	s29 =	sshrl.u32 s29, $0x2  }
0x43: {  	[tilespmem:s29+$0x1D150] =	vst v2  }
0x44: {  	v2 =	vld [tilespmem:$0x0];
	_ =	sdelay $0x1  }
0x45: {  	v3 =	vld [tilespmem:$0x10];
	_ =	sdelay $0x1  }
0x46: {  	v4 =	vld [tilespmem:$0x20]  }
0x47: {  	v5 =	vand.u32 $0xFFFF, v2  }
0x48: {  	v45 =	vld [tilespmem:$0x30];
	v2 =	vshrl.u32 v2, $0x10;
	[tilespmem:$0x4F00] =	vst v5  }
0x49: {  	[tilespmem:$0x9E00] =	vst v2;
	v2 =	vand.u32 $0xFFFF, v3  }
0x4a: {  	[tilespmem:$0x4F10] =	vst v2;
	v2 =	vshrl.u32 v3, $0x10;
	v3 =	vld [tilespmem:$0x40]  }
0x4b: {  	[tilespmem:$0x9E10] =	vst v2;
	v2 =	vand.u32 $0xFFFF, v4  }
0x4c: {  	v46 =	vld [tilespmem:$0x50];
	[tilespmem:$0x4F20] =	vst v2;
	v2 =	vshrl.u32 v4, $0x10  }
0x4d: {  	[tilespmem:$0x9E20] =	vst v2;
	v2 =	vand.u32 $0xFFFF, v45  }
0x4e: {  	v47 =	vld [tilespmem:$0x60];
	[tilespmem:$0x4F30] =	vst v2;
	v2 =	vshrl.u32 v45, $0x10  }
0x4f: {  	[tilespmem:$0x9E30] =	vst v2;
	v2 =	vand.u32 $0xFFFF, v3  }
0x50: {  	[tilespmem:$0x4F40] =	vst v2;
	v2 =	vshrl.u32 v3, $0x10;
	v3 =	vld [tilespmem:$0x70]  }
0x51: {  	[tilespmem:$0x9E40] =	vst v2;
	v2 =	vand.u32 $0xFFFF, v46  }
0x52: {  	v48 =	vld [tilespmem:$0x80];
	[tilespmem:$0x4F50] =	vst v2;
	v2 =	vshrl.u32 v46, $0x10  }
0x53: {  	[tilespmem:$0x9E50] =	vst v2;
	v2 =	vand.u32 $0xFFFF, v47  }
0x54: {  	v49 =	vld [tilespmem:$0x90];
	[tilespmem:$0x4F60] =	vst v2;
	v2 =	vshrl.u32 v47, $0x10  }
0x55: {  	[tilespmem:$0x9E60] =	vst v2;
	v2 =	vand.u32 $0xFFFF, v3  }
0x56: {  	[tilespmem:$0x4F70] =	vst v2;
	v2 =	vshrl.u32 v3, $0x10;
	v3 =	vld [tilespmem:$0xA0]  }
0x57: {  	[tilespmem:$0x9E70] =	vst v2;
	v2 =	vand.u32 $0xFFFF, v48  }
0x58: {  	v50 =	vld [tilespmem:$0xB0];
	[tilespmem:$0x4F80] =	vst v2;
	v2 =	vshrl.u32 v48, $0x10  }
0x59: {  	[tilespmem:$0x9E80] =	vst v2;
	v2 =	vand.u32 $0xFFFF, v49  }
0x5a: {  	v51 =	vld [tilespmem:$0xC0];
	[tilespmem:$0x4F90] =	vst v2;
	v2 =	vshrl.u32 v49, $0x10  }
0x5b: {  	[tilespmem:$0x9E90] =	vst v2;
	v2 =	vand.u32 $0xFFFF, v3  }
0x5c: {  	[tilespmem:$0x4FA0] =	vst v2;
	v2 =	vshrl.u32 v3, $0x10;
	v3 =	vld [tilespmem:$0xD0]  }
0x5d: {  	[tilespmem:$0x9EA0] =	vst v2;
	v2 =	vand.u32 $0xFFFF, v50  }
0x5e: {  	v52 =	vld [tilespmem:$0xE0];
	[tilespmem:$0x4FB0] =	vst v2;
	v2 =	vshrl.u32 v50, $0x10  }
0x5f: {  	[tilespmem:$0x9EB0] =	vst v2;
	v2 =	vand.u32 $0xFFFF, v51  }
0x60: {  	v53 =	vld [tilespmem:$0xF0];
	[tilespmem:$0x4FC0] =	vst v2;
	v2 =	vshrl.u32 v51, $0x10  }
0x61: {  	[tilespmem:$0x9EC0] =	vst v2;
	v2 =	vand.u32 $0xFFFF, v3  }
0x62: {  	[tilespmem:$0x4FD0] =	vst v2;
	v2 =	vshrl.u32 v3, $0x10;
	v3 =	vld [tilespmem:$0x100]  }
0x63: {  	[tilespmem:$0x9ED0] =	vst v2;
	v2 =	vand.u32 $0xFFFF, v52  }
0x64: {  	v54 =	vld [tilespmem:$0x110];
	[tilespmem:$0x4FE0] =	vst v2;
	v2 =	vshrl.u32 v52, $0x10  }
0x65: {  	[tilespmem:$0x9EE0] =	vst v2;
	v2 =	vand.u32 $0xFFFF, v53  }
0x66: {  	v55 =	vld [tilespmem:$0x120];
	[tilespmem:$0x4FF0] =	vst v2;
	v2 =	vshrl.u32 v53, $0x10  }
0x67: {  	[tilespmem:$0x9EF0] =	vst v2;
	v2 =	vand.u32 $0xFFFF, v3  }
0x68: {  	[tilespmem:$0x5000] =	vst v2;
	v2 =	vshrl.u32 v3, $0x10;
	v3 =	vld [tilespmem:$0x130]  }
0x69: {  	[tilespmem:$0x9F00] =	vst v2;
	v2 =	vand.u32 $0xFFFF, v54  }
0x6a: {  	v56 =	vld [tilespmem:$0x140];
	[tilespmem:$0x5010] =	vst v2;
	v2 =	vshrl.u32 v54, $0x10  }
0x6b: {  	[tilespmem:$0x9F10] =	vst v2;
	v2 =	vand.u32 $0xFFFF, v55  }
0x6c: {  	v57 =	vld [tilespmem:$0x150];
	[tilespmem:$0x5020] =	vst v2;
	v2 =	vshrl.u32 v55, $0x10  }
0x6d: {  	[tilespmem:$0x9F20] =	vst v2;
	v2 =	vand.u32 $0xFFFF, v3  }
0x6e: {  	[tilespmem:$0x5030] =	vst v2;
	v2 =	vshrl.u32 v3, $0x10;
	v3 =	vld [tilespmem:$0x160]  }
0x6f: {  	[tilespmem:$0x9F30] =	vst v2;
	v2 =	vand.u32 $0xFFFF, v56  }
0x70: {  	v58 =	vld [tilespmem:$0x170];
	[tilespmem:$0x5040] =	vst v2;
	v2 =	vshrl.u32 v56, $0x10  }
0x71: {  	[tilespmem:$0x9F40] =	vst v2;
	v2 =	vand.u32 $0xFFFF, v57  }
0x72: {  	v59 =	vld [tilespmem:$0x180];
	[tilespmem:$0x5050] =	vst v2;
	v2 =	vshrl.u32 v57, $0x10  }
0x73: {  	[tilespmem:$0x9F50] =	vst v2;
	v2 =	vand.u32 $0xFFFF, v3  }
0x74: {  	[tilespmem:$0x5060] =	vst v2;
	v2 =	vshrl.u32 v3, $0x10;
	v3 =	vld [tilespmem:$0x190]  }
0x75: {  	[tilespmem:$0x9F60] =	vst v2;
	v2 =	vand.u32 $0xFFFF, v58  }
0x76: {  	v60 =	vld [tilespmem:$0x1A0];
	[tilespmem:$0x5070] =	vst v2;
	v2 =	vshrl.u32 v58, $0x10  }
0x77: {  	[tilespmem:$0x9F70] =	vst v2;
	v2 =	vand.u32 $0xFFFF, v59  }
0x78: {  	v61 =	vld [tilespmem:$0x1B0];
	[tilespmem:$0x5080] =	vst v2;
	v2 =	vshrl.u32 v59, $0x10  }
0x79: {  	[tilespmem:$0x9F80] =	vst v2;
	v2 =	vand.u32 $0xFFFF, v3  }
0x7a: {  	[tilespmem:$0x5090] =	vst v2;
	v2 =	vshrl.u32 v3, $0x10;
	v3 =	vld [tilespmem:$0x1C0]  }
0x7b: {  	[tilespmem:$0x9F90] =	vst v2;
	v2 =	vand.u32 $0xFFFF, v60  }
0x7c: {  	v62 =	vld [tilespmem:$0x1D0];
	[tilespmem:$0x50A0] =	vst v2;
	v2 =	vshrl.u32 v60, $0x10  }
0x7d: {  	[tilespmem:$0x9FA0] =	vst v2;
	v2 =	vand.u32 $0xFFFF, v61  }
0x7e: {  	v63 =	vld [tilespmem:$0x1E0];
	[tilespmem:$0x50B0] =	vst v2;
	v2 =	vshrl.u32 v61, $0x10  }
0x7f: {  	[tilespmem:$0x9FB0] =	vst v2;
	v2 =	vand.u32 $0xFFFF, v3  }
0x80: {  	[tilespmem:$0x50C0] =	vst v2;
	v2 =	vshrl.u32 v3, $0x10;
	v3 =	vld [tilespmem:$0x1F0]  }
0x81: {  	[tilespmem:$0x9FC0] =	vst v2;
	v2 =	vand.u32 $0xFFFF, v62  }
0x82: {  	[tilespmem:$0x50D0] =	vst v2;
	v2 =	vshrl.u32 v62, $0x10  }
0x83: {  	[tilespmem:$0x9FD0] =	vst v2;
	v2 =	vand.u32 $0xFFFF, v63  }
0x84: {  	[tilespmem:$0x50E0] =	vst v2;
	v2 =	vshrl.u32 v63, $0x10  }
0x85: {  	[tilespmem:$0x9FE0] =	vst v2;
	v2 =	vand.u32 $0xFFFF, v3  }
0x86: {  	[tilespmem:$0x50F0] =	vst v2;
	v2 =	vshrl.u32 v3, $0x10  }
0x87: {  	s0 =	simm.s32 $0x4F00;
	[tilespmem:$0x9FF0] =	vst v2  }
0x88: {  	s26 =	simm.s32 $0x0;
	s28 =	simm.s32 $0x0;
	[bflag:$0x0] =	sbarrier.arrive $0xFFFF  }
0x89: {  	[tilespmem:s19], [sflag:$0x1] =	stream.indirect.gather [spmem:s1], $0x20, s0, s20, $0xb8;
	[tilespmem:$0x1D650] =	vst v63  }
.LBB2_8:
0x8a: {  	s29 =	sshra.s32 s28, $0x2  }
0x8b: {  	s30 =	sadd.s32 $0x4F80, s29  }
0x8c: {  	[tilespmem:s22], [sflag:$0x2] =	stream.indirect.gather [spmem:s1], $0x20, s30, s20, $0xb8;
	[tilespmem:$0x1D650] =	vst v63  }
0x8d: {  	s30 =	smin.u32 s26, $0x9A  }
0x8e: {  	s30 =	sshll.u32 s30, $0x7  }
0x8f: {  	v2 =	vld [tilespmem:s30+$0x180]  }
0x90: {  	v3 =	vld [tilespmem:s30+$0x190]  }
0x91: {  	v4 =	vld [tilespmem:s30+$0x1A0]  }
0x92: {  	v5 =	vld [tilespmem:s30+$0x1B0]  }
0x93: {  	v6 =	vld [tilespmem:s30+$0x1C0]  }
0x94: {  	v8 =	vld [tilespmem:s30+$0x1D0];
	v7 =	vand.u32 $0xFFFF, v2  }
0x95: {  	v46 =	vand.u32 $0xFFFF, v3;
	[tilespmem:s30+$0x5080] =	vst v7  }
0x96: {  	v9 =	vld [tilespmem:s30+$0x1E0];
	v47 =	vand.u32 $0xFFFF, v4;
	[tilespmem:s30+$0x5090] =	vst v46  }
0x97: {  	v48 =	vand.u32 $0xFFFF, v5;
	[tilespmem:s30+$0x50A0] =	vst v47  }
0x98: {  	v10 =	vld [tilespmem:s30+$0x1F0];
	v49 =	vand.u32 $0xFFFF, v6;
	[tilespmem:s30+$0x50B0] =	vst v48  }
0x99: {  	v50 =	vand.u32 $0xFFFF, v8;
	[tilespmem:s30+$0x50C0] =	vst v49  }
0x9a: {  	v51 =	vshrl.u32 v8, $0x10;
	[tilespmem:s30+$0x50D0] =	vst v50  }
0x9b: {  	v52 =	vand.u32 $0xFFFF, v9;
	[tilespmem:s30+$0x9FD0] =	vst v51  }
0x9c: {  	v53 =	vshrl.u32 v9, $0x10;
	[tilespmem:s30+$0x50E0] =	vst v52  }
0x9d: {  	v54 =	vand.u32 $0xFFFF, v10;
	[tilespmem:s30+$0x9FE0] =	vst v53  }
0x9e: {  	v55 =	vshrl.u32 v10, $0x10;
	[tilespmem:s30+$0x50F0] =	vst v54  }
0x9f: {  	s31 =	sshra.s32 @!p1 s28, $0x2;
	[tilespmem:s30+$0x9FF0] =	vst v55  }
0xa0: {  	v7 =	vld @!p1 [tilespmem:s31+$0x9E00];
	_ =	sdelay $0x1  }
0xa1: {  	v2 =	vshrl.u32 v2, $0x10  }
0xa2: {  	[tilespmem:s30+$0x9F80] =	vst v2;
	v2 =	vshrl.u32 v3, $0x10  }
0xa3: {  	[tilespmem:s30+$0x9F90] =	vst v2;
	v2 =	vshrl.u32 v4, $0x10  }
0xa4: {  	[tilespmem:s30+$0x9FA0] =	vst v2;
	v2 =	vshrl.u32 v5, $0x10  }
0xa5: {  	[tilespmem:s30+$0x9FB0] =	vst v2;
	v2 =	vshrl.u32 v6, $0x10  }
0xa6: {  	[tilespmem:s30+$0x9FC0] =	vst v2;
	v2 =	vimm.f32 @!p1 $1.000000000e+00;
	s30 =	simm.s32 @!p1 $0x1A950  }
0xa7: {  	[tilespmem:v7+s30+$0x0] =	vst.idx.add.f32.msk @!p1 $0xffff, v2  }
0xa8: {  	v3 =	vld @!p1 [tilespmem:s31+$0x9E10];
	_ =	sdelay $0x7  }
0xa9: {  	[tilespmem:v3+s30+$0x0] =	vst.idx.add.f32.msk @!p1 $0xffff, v2  }
0xaa: {  	v3 =	vld @!p1 [tilespmem:s31+$0x9E20];
	_ =	sdelay $0x7  }
0xab: {  	[tilespmem:v3+s30+$0x0] =	vst.idx.add.f32.msk @!p1 $0xffff, v2  }
0xac: {  	v3 =	vld @!p1 [tilespmem:s31+$0x9E30];
	_ =	sdelay $0x7  }
0xad: {  	[tilespmem:v3+s30+$0x0] =	vst.idx.add.f32.msk @!p1 $0xffff, v2  }
0xae: {  	v3 =	vld @!p1 [tilespmem:s31+$0x9E40];
	_ =	sdelay $0x7  }
0xaf: {  	[tilespmem:v3+s30+$0x0] =	vst.idx.add.f32.msk @!p1 $0xffff, v2  }
0xb0: {  	v3 =	vld @!p1 [tilespmem:s31+$0x9E50];
	_ =	sdelay $0x7  }
0xb1: {  	[tilespmem:v3+s30+$0x0] =	vst.idx.add.f32.msk @!p1 $0xffff, v2  }
0xb2: {  	v3 =	vld @!p1 [tilespmem:s31+$0x9E60];
	_ =	sdelay $0x7  }
0xb3: {  	[tilespmem:v3+s30+$0x0] =	vst.idx.add.f32.msk @!p1 $0xffff, v2  }
0xb4: {  	v3 =	vld @!p1 [tilespmem:s31+$0x9E70];
	_ =	sdelay $0x7  }
0xb5: {  	[tilespmem:v3+s30+$0x0] =	vst.idx.add.f32.msk @!p1 $0xffff, v2  }
0xb6: {  	_ =	swait.ge [sflag:s23], $0x1000  }
0xb7: {  	[sflag:s23] =	ssyncset.done $0x0  }
0xb8: {  	s2 =	sadd.s32 $0x9E00, s29;
	[sflag:s23] =	ssyncadd.s32 $0xFFFFF000  }
0xb9: {  	[spmem:s3] =	stream.indirect.scatter.add.f32 [tilespmem:s19], [sflag:$0x3], $0x20, s2, s20, $0xb8;
	[tilespmem:$0x1D650] =	vst v63  }
0xba: {  	p2 =	seq.s32 s28, $0x13800;
	_ =	swait.ge [sflag:s18], $0x1000  }
0xbb: {  	s0 =	simm.s32 @!p2 $0x80;
	s2 =	sshra.s32 @!p2 s28, $0x2;
	[sflag:s18] =	ssyncset.done $0x0  }
0xbc: {  	s21 =	simm.s32 @!p2 $0xED00;
	s2 =	sadd.s32 @!p2 $0x5000, s2;
	[sflag:s18] =	ssyncadd.s32 $0xFFFFF000  }
0xbd: {  	[tilespmem:s21], [sflag:$0x1] =	stream.indirect.gather @!p2 [spmem:s1], $0x20, s2, s0, $0xb8;
	[tilespmem:$0x1D650] =	vst v63  }
0xbe: {  	s21 =	smin.u32 s26, $0x99  }
0xbf: {  	s0 =	sshll.u32 s21, $0x7  }
0xc0: {  	v3 =	vld [tilespmem:s0+$0x200];
	_ =	sdelay $0x1  }
0xc1: {  	v56 =	vld [tilespmem:s0+$0x210];
	_ =	sdelay $0x1  }
0xc2: {  	v57 =	vld [tilespmem:s0+$0x220]  }
0xc3: {  	v58 =	vand.u32 $0xFFFF, v3  }
0xc4: {  	v59 =	vld [tilespmem:s0+$0x230];
	v3 =	vshrl.u32 v3, $0x10;
	[tilespmem:s0+$0x5100] =	vst v58  }
0xc5: {  	[tilespmem:s0+$0xA000] =	vst v3;
	v3 =	vand.u32 $0xFFFF, v56  }
0xc6: {  	v60 =	vld [tilespmem:s0+$0x240];
	[tilespmem:s0+$0x5110] =	vst v3;
	v3 =	vshrl.u32 v56, $0x10  }
0xc7: {  	[tilespmem:s0+$0xA010] =	vst v3;
	v3 =	vand.u32 $0xFFFF, v57  }
0xc8: {  	v61 =	vld [tilespmem:s0+$0x250];
	[tilespmem:s0+$0x5120] =	vst v3;
	v3 =	vshrl.u32 v57, $0x10  }
0xc9: {  	[tilespmem:s0+$0xA020] =	vst v3;
	v3 =	vand.u32 $0xFFFF, v59  }
0xca: {  	v62 =	vld [tilespmem:s0+$0x260];
	[tilespmem:s0+$0x5130] =	vst v3;
	v3 =	vshrl.u32 v59, $0x10  }
0xcb: {  	[tilespmem:s0+$0xA030] =	vst v3;
	v3 =	vand.u32 $0xFFFF, v60  }
0xcc: {  	v63 =	vld [tilespmem:s0+$0x270];
	[tilespmem:s0+$0x5140] =	vst v3;
	v3 =	vshrl.u32 v60, $0x10  }
0xcd: {  	[tilespmem:s0+$0xA040] =	vst v3;
	v3 =	vand.u32 $0xFFFF, v61  }
0xce: {  	[tilespmem:s0+$0x5150] =	vst v3;
	v3 =	vshrl.u32 v61, $0x10  }
0xcf: {  	[tilespmem:s0+$0xA050] =	vst v3;
	v3 =	vand.u32 $0xFFFF, v62  }
0xd0: {  	[tilespmem:s0+$0x5160] =	vst v3;
	v3 =	vshrl.u32 v62, $0x10  }
0xd1: {  	[tilespmem:s0+$0xA060] =	vst v3;
	v3 =	vand.u32 $0xFFFF, v63  }
0xd2: {  	[tilespmem:s0+$0x5170] =	vst v3;
	v3 =	vshrl.u32 v63, $0x10  }
0xd3: {  	[tilespmem:s0+$0xA070] =	vst v3  }
0xd4: {  	v3 =	vld @!p1 [tilespmem:s31+$0x9E80];
	_ =	sdelay $0x7  }
0xd5: {  	[tilespmem:v3+s30+$0x0] =	vst.idx.add.f32.msk @!p1 $0xffff, v2  }
0xd6: {  	v3 =	vld @!p1 [tilespmem:s31+$0x9E90];
	_ =	sdelay $0x7  }
0xd7: {  	[tilespmem:v3+s30+$0x0] =	vst.idx.add.f32.msk @!p1 $0xffff, v2  }
0xd8: {  	v3 =	vld @!p1 [tilespmem:s31+$0x9EA0];
	_ =	sdelay $0x7  }
0xd9: {  	[tilespmem:v3+s30+$0x0] =	vst.idx.add.f32.msk @!p1 $0xffff, v2  }
0xda: {  	v3 =	vld @!p1 [tilespmem:s31+$0x9EB0];
	_ =	sdelay $0x7  }
0xdb: {  	[tilespmem:v3+s30+$0x0] =	vst.idx.add.f32.msk @!p1 $0xffff, v2  }
0xdc: {  	v3 =	vld @!p1 [tilespmem:s31+$0x9EC0];
	_ =	sdelay $0x7  }
0xdd: {  	[tilespmem:v3+s30+$0x0] =	vst.idx.add.f32.msk @!p1 $0xffff, v2  }
0xde: {  	v3 =	vld @!p1 [tilespmem:s31+$0x9ED0];
	_ =	sdelay $0x7  }
0xdf: {  	[tilespmem:v3+s30+$0x0] =	vst.idx.add.f32.msk @!p1 $0xffff, v2  }
0xe0: {  	v3 =	vld @!p1 [tilespmem:s31+$0x9EE0];
	_ =	sdelay $0x7  }
0xe1: {  	[tilespmem:v3+s30+$0x0] =	vst.idx.add.f32.msk @!p1 $0xffff, v2  }
0xe2: {  	v3 =	vld @!p1 [tilespmem:s31+$0x9EF0];
	_ =	sdelay $0x7  }
0xe3: {  	[tilespmem:v3+s30+$0x0] =	vst.idx.add.f32.msk @!p1 $0xffff, v2  }
0xe4: {  	s28 =	sadd.s32 $0x400, s28;
	_ =	swait.ge [sflag:s24], $0x1000  }
0xe5: {  	p2 =	sne.s32 s28, $0x13C00;
	[sflag:s24] =	ssyncset.done $0x0  }
.Ltmp3:
0xe6: {  	s31 =	sadd.s32 $0x9E80, s29;
	[sflag:s24] =	ssyncadd.s32 $0xFFFFF000;
	(pc) =	sbr.rel @p2 .LBB2_8-.Ltmp3, $4  }
0xe7: {  	[spmem:s3] =	stream.indirect.scatter.add.f32 [tilespmem:s22], [sflag:$0x3], $0x20, s31, s20, $0xb8;
	[tilespmem:$0x1D650] =	vst v63  }
0xe8: {  	_ =	swait.ge [sflag:s18], $0x1000  }
0xe9: {  	[sflag:s18] =	ssyncset.done $0x0  }
0xea: {  	s26 =	sadd.s32 $0x2, s26;
	[sflag:s18] =	ssyncadd.s32 $0xFFFFF000  }
0xeb: {  	s0 =	simm.s32 @!p1 $0x80;
	s2 =	simm.s32 @!p1 $0x1D150  }
0xec: {  	[spmem:s4] =	stream.indirect.scatter.add.f32 @!p1 [tilespmem:s30], [sflag:$0x3], $0x10, s2, s0, $0xb8;
	[tilespmem:$0x1D650] =	vst v63  }
0xed: {  	s2 =	simm.s32 @!p1 $0x3  }
0xee: {  	_ =	swait.ge @!p1 [sflag:s2], $0x800  }
0xef: {  	[sflag:s2] =	ssyncset.done @!p1 $0x0  }
0xf0: {  	s21 =	simm.s32 @!p1 $0x1D1D0;
	s26 =	simm.s32 @!p1 $0x1B150;
	[sflag:s2] =	ssyncadd.s32 @!p1 $0xFFFFF800  }
0xf1: {  	[spmem:s4] =	stream.indirect.scatter.add.f32 @!p1 [tilespmem:s26], [sflag:$0x3], $0x10, s21, s0, $0xb8;
	[tilespmem:$0x1D650] =	vst v63  }
0xf2: {  	_ =	swait.ge @!p1 [sflag:s2], $0x800  }
0xf3: {  	[sflag:s2] =	ssyncset.done @!p1 $0x0  }
0xf4: {  	s21 =	simm.s32 @!p1 $0x1D250;
	s26 =	simm.s32 @!p1 $0x1B950;
	[sflag:s2] =	ssyncadd.s32 @!p1 $0xFFFFF800  }
0xf5: {  	[spmem:s4] =	stream.indirect.scatter.add.f32 @!p1 [tilespmem:s26], [sflag:$0x3], $0x10, s21, s0, $0xb8;
	[tilespmem:$0x1D650] =	vst v63  }
0xf6: {  	_ =	swait.ge @!p1 [sflag:s2], $0x800  }
0xf7: {  	[sflag:s2] =	ssyncset.done @!p1 $0x0  }
0xf8: {  	s21 =	simm.s32 @!p1 $0x1D2D0;
	s26 =	simm.s32 @!p1 $0x1C150;
	[sflag:s2] =	ssyncadd.s32 @!p1 $0xFFFFF800  }
0xf9: {  	[spmem:s4] =	stream.indirect.scatter.add.f32 @!p1 [tilespmem:s26], [sflag:$0x3], $0x10, s21, s0, $0xb8;
	[tilespmem:$0x1D650] =	vst v63  }
0xfa: {  	_ =	swait.ge @!p1 [sflag:s2], $0x800  }
0xfb: {  	[sflag:s2] =	ssyncset.done @!p1 $0x0  }
0xfc: {  	s21 =	simm.s32 @!p1 $0x1D350;
	s26 =	simm.s32 @!p1 $0x1C950;
	[sflag:s2] =	ssyncadd.s32 @!p1 $0xFFFFF800  }
0xfd: {  	[spmem:s4] =	stream.indirect.scatter.add.f32 @!p1 [tilespmem:s26], [sflag:$0x3], $0x10, s21, s0, $0xb8;
	[tilespmem:$0x1D650] =	vst v63  }
0xfe: {  	_ =	swait.ge @!p1 [sflag:s2], $0x800  }
0xff: {  	[sflag:s2] =	ssyncset.done @!p1 $0x0  }
0x100: {  	[sflag:s2] =	ssyncadd.s32 @!p1 $0xFFFFF800  }
0x101: {  	s31 =	sshrl.u32 s10, $0x3;
	[bflag:$0x0] =	sbarrier.arrive $0xFFFF  }
0x102: {  	[hbm:s15], [sflag:s8] =	dma.local [spmem:s31], $0x9C4  }
0x103: {  	_ =	swait.ge [sflag:s18], $0x9C4  }
0x104: {  	s25 =	sadd.s32 $0x1, s25;
	[sflag:s18] =	ssyncset.done $0x0  }
0x105: {  	p2 =	sne.s32 s25, s16;
	s0 =	sshrl.u32 @!p0 s4, $0x3;
	[sflag:s18] =	ssyncadd.s32 $0xFFFFF63C  }
0x106: {  	[hbm:s6], [sflag:s8] =	dma.local @!p0 [spmem:s0], $0x500  }
.Ltmp4:
0x107: {  	_ = 	snop;
	(pc) =	sbr.rel @p2 .LBB2_1-.Ltmp4, $4  }
0x108: {  	s0 =	simm.s32 @!p0 $0x3  }
0x109: {  	_ =	swait.ge @!p0 [sflag:s0], $0x500  }
0x10a: {  	[sflag:s0] =	ssyncset.done @!p0 $0x0  }
0x10b: {  	[sflag:s0] =	ssyncadd.s32 @!p0 $0xFFFFFB00  }
0x10c: {  	_ =	sfence.sel $0x180000  }
0x10d: {  	[bflag:$0x0] =	sbarrier.arrive $0xFFFF  }
0x10e: {  	_ =	strace $0x90000047  }
0x10f: {  	s0 =	stileid.u32;
	[bflag:$0x2] =	sbarrier.arrive $0xFFFF  }
0x110: {  	p0 =	sne.s32 s0, $0x0;
	s0 =	rddreg [dreg:$0x4]  }
0x111: {  	s0 =	sadd.s32 @!p0 $0x100000, s0  }
0x112: {  	[sflag:s0] =	ssyncadd.tile.s32 @!p0 $0x1;
	_ =	shalt  }
.Lfunc_end2:
_tile_overlayer_lowered:
.L_overlay_start_2:
0x113: {  	(tag) =	ssettag $0x2  }
0x114: {  	s0 =	rddreg [dreg:$0x0];
	s2 =	stileid.u32  }
0x115: {  	s1 =	rddreg [dreg:$0x1];
	p0 =	sne.s32 s2, $0x0  }
0x116: {  	s3 =	rddreg [dreg:$0x2];
	[bflag:$0x3] =	sbarrier.arrive $0xFFFF;
	s2 =	simm.s32 @!p0 $0x1C03  }
0x117: {  	[timem:s3], [sflag:s2] =	dma.local @!p0 [hbm:s0], s1  }
0x118: {  	s0 =	simm.s32 @!p0 $0x3  }
0x119: {  	_ =	swait.ge @!p0 [sflag:s0], s1  }
0x11a: {  	s1 =	ssub.s32 @!p0 $0x0, s1;
	[sflag:s0] =	ssyncset.done @!p0 $0x0  }
0x11b: {  	[sflag:s0] =	ssyncadd.s32 @!p0 s1  }
0x11c: {  	[bflag:$0x3] =	sbarrier.arrive $0xFFFF  }
0x11d: {  	_ =	shalt  }

</sc_bundles>
